<compile_context>
chip_gen: v7x
topology: tpu7x:2x2x1
jax: 0.10.2.dev20260603
libtpu: 0.0.44.dev20260713+nightly
codegen_flags: <defaults>
</compile_context>

<pallas_src>
import functools
import jax
import jax.numpy as jnp
from jax import lax
from jax.experimental import pallas as pl
from jax.experimental.pallas import tpu as pltpu
from jax.experimental.pallas import tpu_sc as plsc

_NC = 2
_NS = 16
_L = 16
_NW = _NC * _NS

_M = 16384
_N = 4096
_G = 8
_SEG = _N // _L
_ROWS_PER_W = _M // _NW
_UNROLL = 16


def _sc_body(x_hbm, out_hbm, xin_v, yout_v):
    wid = lax.axis_index("s") * _NC + lax.axis_index("c")
    base = wid * _ROWS_PER_W * _N
    seg = lax.iota(jnp.int32, _L) * _SEG

    def group_body(g, carry_unused):
        el0 = base + g * (_G * _N)
        pltpu.sync_copy(x_hbm.at[pl.ds(el0, _G * _N)], xin_v)
        for r in range(_G):
            rbase = seg + r * _N

            def pass_a(ii, acc):
                s = rbase + ii * _UNROLL
                vs = [plsc.load_gather(xin_v, [s + k]) for k in range(_UNROLL)]
                while len(vs) > 1:
                    vs = [vs[i] + vs[i + 1] for i in range(0, len(vs) - 1, 2)] \
                        + ([vs[-1]] if len(vs) % 2 else [])
                return acc + vs[0]

            acc = lax.fori_loop(0, _SEG // _UNROLL, pass_a,
                                jnp.zeros((_L,), jnp.float32))
            offs = plsc.cumsum(acc) - acc

            def pass_b(ii, carry):
                s = rbase + ii * _UNROLL
                vs = [plsc.load_gather(xin_v, [s + k]) for k in range(_UNROLL)]
                for k in range(_UNROLL):
                    carry = carry + vs[k]
                    plsc.store_scatter(yout_v, [s + k], carry)
                return carry

            lax.fori_loop(0, _SEG // _UNROLL, pass_b, offs)
        pltpu.sync_copy(yout_v, out_hbm.at[pl.ds(el0, _G * _N)])
        return carry_unused

    lax.fori_loop(0, _ROWS_PER_W // _G, group_body, 0)


def kernel(x):
    orig_dtype = x.dtype
    xf = x.astype(jnp.float32)
    B, S, N = xf.shape
    x2 = xf.reshape(B * S * N)
    mesh = plsc.VectorSubcoreMesh(core_axis_name="c", subcore_axis_name="s")
    sck = functools.partial(
        pl.kernel,
        mesh=mesh,
        out_type=jax.ShapeDtypeStruct((_M * _N,), jnp.float32),
        scratch_types=[
            pltpu.VMEM((_G * _N,), jnp.float32),
            pltpu.VMEM((_G * _N,), jnp.float32),
        ],
        compiler_params=pltpu.CompilerParams(needs_layout_passes=False),
    )(_sc_body)
    out = sck(x2)
    return out.reshape(B, S, N).astype(orig_dtype)

# --- scband reference (transcript-rebuilt; emitter-appended) ---
"""Pipeline reference for scband-model-new-23656679867248 (READ-ONLY COPY).

The authoritative reference and input builder live on the scoring server;
editing this copy changes nothing except your own understanding.
"""

import jax, jax.numpy as jnp
import numpy as np

DIM = -1

def setup_inputs(seed: int = 0) -> dict:
    key = jax.random.key(seed)
    x = jax.random.normal(key, (2, 8192, 4096), dtype=jnp.float32)
    return {"x": x}

def reference(x):
    # Faithful translation of functional_model: cast to float32, cumsum along dim, cast back.
    original_dtype = x.dtype
    xf = x.astype(jnp.float32)
    out = jnp.cumsum(xf, axis=DIM)
    return out.astype(original_dtype)

if __name__ == "__main__":
    import jax
    _d = setup_inputs()
    print(jax.jit(kernel)(*tuple(_d.values())))

</pallas_src>

<mosaic_0001>
#map = affine_map<(d0, d1) -> (0)>
module attributes {stable_mosaic.version = 14 : i64} {
  func.func @_sc_body(%arg0: i32, %arg1: i32, %arg2: memref<67108864xf32, #tpu.memory_space<hbm>>, %arg3: memref<67108864xf32, #tpu.memory_space<hbm>>, %arg4: memref<32768xf32, #tpu.memory_space<vmem>>, %arg5: memref<32768xf32, #tpu.memory_space<vmem>>) attributes {dimension_semantics = [#tpu.dimension_semantics<core_parallel>, #tpu.dimension_semantics<subcore_parallel>], iteration_bounds = array<i64: 2, 16>, scalar_prefetch = 0 : i64, scratch_operands = 2 : i64, tpu.core_type = #tpu.core_type<sc_vector_subcore>, window_params = [{transform_indices = #map}, {transform_indices = #map}]} {
    %mul3A = arith.constant 2 : i32
    %mul3A_0 = arith.muli %arg1, %mul3A : i32
    %add3A = arith.addi %mul3A_0, %arg0 : i32
    %mul3A_1 = arith.constant 512 : i32
    %mul3A_2 = arith.muli %add3A, %mul3A_1 : i32
    %mul3A_3 = arith.constant 4096 : i32
    %mul3A_4 = arith.muli %mul3A_2, %mul3A_3 : i32
    %iota3A = tpu.iota {dimensions = array<i32: 0>} : vector<16xi32>
    %mul3A_5 = arith.constant 256 : i32
    %mul3A_6 = vector.broadcast %mul3A_5 : i32 to vector<16xi32>
    %mul3A_7 = arith.muli %iota3A, %mul3A_6 : vector<16xi32>
    %scan3A = arith.constant 0 : i32
    %scan3A_8 = arith.constant 0 : i32
    %scan3A_9 = arith.constant 64 : i32
    %scan3A_10 = arith.addi %scan3A_8, %scan3A_9 : i32
    %scan3A_11 = arith.constant 1 : i32
    scf.for %scan3A_13 = %scan3A_8 to %scan3A_10 step %scan3A_11  : i32 {
      %mul3A_14 = arith.constant 32768 : i32
      %mul3A_15 = arith.muli %scan3A_13, %mul3A_14 : i32
      %add3A_16 = arith.addi %mul3A_4, %mul3A_15 : i32
      "tpu.region"() ({
        %run_scoped3A = tpu.sem_alloc : memref<!tpu.dma_semaphore, #tpu.memory_space<semaphore_mem>>
        %dma_start3A = tpu.memref_slice %arg2[%add3A_16] : memref<67108864xf32, #tpu.memory_space<hbm>> -> memref<32768xf32, #tpu.memory_space<hbm>>
        %dma_start3A_182 = tpu.memref_slice %arg2[%add3A_16] : memref<67108864xf32, #tpu.memory_space<hbm>> -> memref<32768xf32, #tpu.memory_space<hbm>>
        tpu.enqueue_dma source(%dma_start3A_182 : memref<32768xf32, #tpu.memory_space<hbm>>) target(%arg4 : memref<32768xf32, #tpu.memory_space<vmem>>) target_semaphore(%run_scoped3A : memref<!tpu.dma_semaphore, #tpu.memory_space<semaphore_mem>>)
        %dma_wait3A = tpu.memref_slice %arg2[%add3A_16] : memref<67108864xf32, #tpu.memory_space<hbm>> -> memref<32768xf32, #tpu.memory_space<hbm>>
        %dma_wait3A_183 = tpu.memref_slice %arg2[%add3A_16] : memref<67108864xf32, #tpu.memory_space<hbm>> -> memref<32768xf32, #tpu.memory_space<hbm>>
        tpu.wait_dma2 semaphore(%run_scoped3A : memref<!tpu.dma_semaphore, #tpu.memory_space<semaphore_mem>>) src(%dma_wait3A_183 : memref<32768xf32, #tpu.memory_space<hbm>>) dst(%arg4 : memref<32768xf32, #tpu.memory_space<vmem>>)
        tpu.yield
      }) : () -> ()
      %add3A_17 = arith.constant 0 : i32
      %add3A_18 = vector.broadcast %add3A_17 : i32 to vector<16xi32>
      %add3A_19 = arith.addi %mul3A_7, %add3A_18 : vector<16xi32>
      %broadcast_in_dim3A = arith.constant 0.000000e+00 : f32
      %broadcast_in_dim3A_20 = vector.broadcast %broadcast_in_dim3A : f32 to vector<16xf32>
      %scan3A_21 = arith.constant 0 : i32
      %scan3A_22 = arith.constant 16 : i32
      %scan3A_23 = arith.addi %scan3A_21, %scan3A_22 : i32
      %scan3A_24 = arith.constant 1 : i32
      %scan3A_25 = scf.for %scan3A_182 = %scan3A_21 to %scan3A_23 step %scan3A_24 iter_args(%scan3A_183 = %broadcast_in_dim3A_20) -> (vector<16xf32>)  : i32 {
        %mul3A_184 = arith.constant 16 : i32
        %mul3A_185 = arith.muli %scan3A_182, %mul3A_184 : i32
        %add3A_186 = vector.broadcast %mul3A_185 : i32 to vector<16xi32>
        %add3A_187 = arith.addi %add3A_19, %add3A_186 : vector<16xi32>
        %add3A_188 = arith.constant 0 : i32
        %add3A_189 = vector.broadcast %add3A_188 : i32 to vector<16xi32>
        %add3A_190 = arith.addi %add3A_187, %add3A_189 : vector<16xi32>
        %gather3A = tpu.vector_load_idx %arg4[%add3A_190] : memref<32768xf32, #tpu.memory_space<vmem>>[vector<16xi32>], vector<16xf32>,
        %add3A_191 = arith.constant 1 : i32
        %add3A_192 = vector.broadcast %add3A_191 : i32 to vector<16xi32>
        %add3A_193 = arith.addi %add3A_187, %add3A_192 : vector<16xi32>
        %gather3A_194 = tpu.vector_load_idx %arg4[%add3A_193] : memref<32768xf32, #tpu.memory_space<vmem>>[vector<16xi32>], vector<16xf32>,
        %add3A_195 = arith.constant 2 : i32
        %add3A_196 = vector.broadcast %add3A_195 : i32 to vector<16xi32>
        %add3A_197 = arith.addi %add3A_187, %add3A_196 : vector<16xi32>
        %gather3A_198 = tpu.vector_load_idx %arg4[%add3A_197] : memref<32768xf32, #tpu.memory_space<vmem>>[vector<16xi32>], vector<16xf32>,
        %add3A_199 = arith.constant 3 : i32
        %add3A_200 = vector.broadcast %add3A_199 : i32 to vector<16xi32>
        %add3A_201 = arith.addi %add3A_187, %add3A_200 : vector<16xi32>
        %gather3A_202 = tpu.vector_load_idx %arg4[%add3A_201] : memref<32768xf32, #tpu.memory_space<vmem>>[vector<16xi32>], vector<16xf32>,
        %add3A_203 = arith.constant 4 : i32
        %add3A_204 = vector.broadcast %add3A_203 : i32 to vector<16xi32>
        %add3A_205 = arith.addi %add3A_187, %add3A_204 : vector<16xi32>
        %gather3A_206 = tpu.vector_load_idx %arg4[%add3A_205] : memref<32768xf32, #tpu.memory_space<vmem>>[vector<16xi32>], vector<16xf32>,
        %add3A_207 = arith.constant 5 : i32
        %add3A_208 = vector.broadcast %add3A_207 : i32 to vector<16xi32>
        %add3A_209 = arith.addi %add3A_187, %add3A_208 : vector<16xi32>
        %gather3A_210 = tpu.vector_load_idx %arg4[%add3A_209] : memref<32768xf32, #tpu.memory_space<vmem>>[vector<16xi32>], vector<16xf32>,
        %add3A_211 = arith.constant 6 : i32
        %add3A_212 = vector.broadcast %add3A_211 : i32 to vector<16xi32>
        %add3A_213 = arith.addi %add3A_187, %add3A_212 : vector<16xi32>
        %gather3A_214 = tpu.vector_load_idx %arg4[%add3A_213] : memref<32768xf32, #tpu.memory_space<vmem>>[vector<16xi32>], vector<16xf32>,
        %add3A_215 = arith.constant 7 : i32
        %add3A_216 = vector.broadcast %add3A_215 : i32 to vector<16xi32>
        %add3A_217 = arith.addi %add3A_187, %add3A_216 : vector<16xi32>
        %gather3A_218 = tpu.vector_load_idx %arg4[%add3A_217] : memref<32768xf32, #tpu.memory_space<vmem>>[vector<16xi32>], vector<16xf32>,
        %add3A_219 = arith.constant 8 : i32
        %add3A_220 = vector.broadcast %add3A_219 : i32 to vector<16xi32>
        %add3A_221 = arith.addi %add3A_187, %add3A_220 : vector<16xi32>
        %gather3A_222 = tpu.vector_load_idx %arg4[%add3A_221] : memref<32768xf32, #tpu.memory_space<vmem>>[vector<16xi32>], vector<16xf32>,
        %add3A_223 = arith.constant 9 : i32
        %add3A_224 = vector.broadcast %add3A_223 : i32 to vector<16xi32>
        %add3A_225 = arith.addi %add3A_187, %add3A_224 : vector<16xi32>
        %gather3A_226 = tpu.vector_load_idx %arg4[%add3A_225] : memref<32768xf32, #tpu.memory_space<vmem>>[vector<16xi32>], vector<16xf32>,
        %add3A_227 = arith.constant 10 : i32
        %add3A_228 = vector.broadcast %add3A_227 : i32 to vector<16xi32>
        %add3A_229 = arith.addi %add3A_187, %add3A_228 : vector<16xi32>
        %gather3A_230 = tpu.vector_load_idx %arg4[%add3A_229] : memref<32768xf32, #tpu.memory_space<vmem>>[vector<16xi32>], vector<16xf32>,
        %add3A_231 = arith.constant 11 : i32
        %add3A_232 = vector.broadcast %add3A_231 : i32 to vector<16xi32>
        %add3A_233 = arith.addi %add3A_187, %add3A_232 : vector<16xi32>
        %gather3A_234 = tpu.vector_load_idx %arg4[%add3A_233] : memref<32768xf32, #tpu.memory_space<vmem>>[vector<16xi32>], vector<16xf32>,
        %add3A_235 = arith.constant 12 : i32
        %add3A_236 = vector.broadcast %add3A_235 : i32 to vector<16xi32>
        %add3A_237 = arith.addi %add3A_187, %add3A_236 : vector<16xi32>
        %gather3A_238 = tpu.vector_load_idx %arg4[%add3A_237] : memref<32768xf32, #tpu.memory_space<vmem>>[vector<16xi32>], vector<16xf32>,
        %add3A_239 = arith.constant 13 : i32
        %add3A_240 = vector.broadcast %add3A_239 : i32 to vector<16xi32>
        %add3A_241 = arith.addi %add3A_187, %add3A_240 : vector<16xi32>
        %gather3A_242 = tpu.vector_load_idx %arg4[%add3A_241] : memref<32768xf32, #tpu.memory_space<vmem>>[vector<16xi32>], vector<16xf32>,
        %add3A_243 = arith.constant 14 : i32
        %add3A_244 = vector.broadcast %add3A_243 : i32 to vector<16xi32>
        %add3A_245 = arith.addi %add3A_187, %add3A_244 : vector<16xi32>
        %gather3A_246 = tpu.vector_load_idx %arg4[%add3A_245] : memref<32768xf32, #tpu.memory_space<vmem>>[vector<16xi32>], vector<16xf32>,
        %add3A_247 = arith.constant 15 : i32
        %add3A_248 = vector.broadcast %add3A_247 : i32 to vector<16xi32>
        %add3A_249 = arith.addi %add3A_187, %add3A_248 : vector<16xi32>
        %gather3A_250 = tpu.vector_load_idx %arg4[%add3A_249] : memref<32768xf32, #tpu.memory_space<vmem>>[vector<16xi32>], vector<16xf32>,
        %add3A_251 = arith.addf %gather3A, %gather3A_194 : vector<16xf32>
        %add3A_252 = arith.addf %gather3A_198, %gather3A_202 : vector<16xf32>
        %add3A_253 = arith.addf %gather3A_206, %gather3A_210 : vector<16xf32>
        %add3A_254 = arith.addf %gather3A_214, %gather3A_218 : vector<16xf32>
        %add3A_255 = arith.addf %gather3A_222, %gather3A_226 : vector<16xf32>
        %add3A_256 = arith.addf %gather3A_230, %gather3A_234 : vector<16xf32>
        %add3A_257 = arith.addf %gather3A_238, %gather3A_242 : vector<16xf32>
        %add3A_258 = arith.addf %gather3A_246, %gather3A_250 : vector<16xf32>
        %add3A_259 = arith.addf %add3A_251, %add3A_252 : vector<16xf32>
        %add3A_260 = arith.addf %add3A_253, %add3A_254 : vector<16xf32>
        %add3A_261 = arith.addf %add3A_255, %add3A_256 : vector<16xf32>
        %add3A_262 = arith.addf %add3A_257, %add3A_258 : vector<16xf32>
        %add3A_263 = arith.addf %add3A_259, %add3A_260 : vector<16xf32>
        %add3A_264 = arith.addf %add3A_261, %add3A_262 : vector<16xf32>
        %add3A_265 = arith.addf %add3A_263, %add3A_264 : vector<16xf32>
        %add3A_266 = arith.addf %scan3A_183, %add3A_265 : vector<16xf32>
        scf.yield %add3A_266 : vector<16xf32>
      }
      %scan3A_26 = arith.constant 16 : i32
      %broadcast_in_dim3A_27 = arith.constant true
      %broadcast_in_dim3A_28 = vector.broadcast %broadcast_in_dim3A_27 : i1 to vector<16xi1>
      %masked_cumsum3A = tpu.scan <sum>, %scan3A_25 masked %broadcast_in_dim3A_28 : vector<16xf32>, vector<16xi1> -> vector<16xf32>
      %sub3A = arith.subf %masked_cumsum3A, %scan3A_25 : vector<16xf32>
      %scan3A_29 = arith.constant 0 : i32
      %scan3A_30 = arith.constant 16 : i32
      %scan3A_31 = arith.addi %scan3A_29, %scan3A_30 : i32
      %scan3A_32 = arith.constant 1 : i32
      %scan3A_33 = scf.for %scan3A_182 = %scan3A_29 to %scan3A_31 step %scan3A_32 iter_args(%scan3A_183 = %sub3A) -> (vector<16xf32>)  : i32 {
        %mul3A_184 = arith.constant 16 : i32
        %mul3A_185 = arith.muli %scan3A_182, %mul3A_184 : i32
        %add3A_186 = vector.broadcast %mul3A_185 : i32 to vector<16xi32>
        %add3A_187 = arith.addi %add3A_19, %add3A_186 : vector<16xi32>
        %add3A_188 = arith.constant 0 : i32
        %add3A_189 = vector.broadcast %add3A_188 : i32 to vector<16xi32>
        %add3A_190 = arith.addi %add3A_187, %add3A_189 : vector<16xi32>
        %gather3A = tpu.vector_load_idx %arg4[%add3A_190] : memref<32768xf32, #tpu.memory_space<vmem>>[vector<16xi32>], vector<16xf32>,
        %add3A_191 = arith.constant 1 : i32
        %add3A_192 = vector.broadcast %add3A_191 : i32 to vector<16xi32>
        %add3A_193 = arith.addi %add3A_187, %add3A_192 : vector<16xi32>
        %gather3A_194 = tpu.vector_load_idx %arg4[%add3A_193] : memref<32768xf32, #tpu.memory_space<vmem>>[vector<16xi32>], vector<16xf32>,
        %add3A_195 = arith.constant 2 : i32
        %add3A_196 = vector.broadcast %add3A_195 : i32 to vector<16xi32>
        %add3A_197 = arith.addi %add3A_187, %add3A_196 : vector<16xi32>
        %gather3A_198 = tpu.vector_load_idx %arg4[%add3A_197] : memref<32768xf32, #tpu.memory_space<vmem>>[vector<16xi32>], vector<16xf32>,
        %add3A_199 = arith.constant 3 : i32
        %add3A_200 = vector.broadcast %add3A_199 : i32 to vector<16xi32>
        %add3A_201 = arith.addi %add3A_187, %add3A_200 : vector<16xi32>
        %gather3A_202 = tpu.vector_load_idx %arg4[%add3A_201] : memref<32768xf32, #tpu.memory_space<vmem>>[vector<16xi32>], vector<16xf32>,
        %add3A_203 = arith.constant 4 : i32
        %add3A_204 = vector.broadcast %add3A_203 : i32 to vector<16xi32>
        %add3A_205 = arith.addi %add3A_187, %add3A_204 : vector<16xi32>
        %gather3A_206 = tpu.vector_load_idx %arg4[%add3A_205] : memref<32768xf32, #tpu.memory_space<vmem>>[vector<16xi32>], vector<16xf32>,
        %add3A_207 = arith.constant 5 : i32
        %add3A_208 = vector.broadcast %add3A_207 : i32 to vector<16xi32>
        %add3A_209 = arith.addi %add3A_187, %add3A_208 : vector<16xi32>
        %gather3A_210 = tpu.vector_load_idx %arg4[%add3A_209] : memref<32768xf32, #tpu.memory_space<vmem>>[vector<16xi32>], vector<16xf32>,
        %add3A_211 = arith.constant 6 : i32
        %add3A_212 = vector.broadcast %add3A_211 : i32 to vector<16xi32>
        %add3A_213 = arith.addi %add3A_187, %add3A_212 : vector<16xi32>
        %gather3A_214 = tpu.vector_load_idx %arg4[%add3A_213] : memref<32768xf32, #tpu.memory_space<vmem>>[vector<16xi32>], vector<16xf32>,
        %add3A_215 = arith.constant 7 : i32
        %add3A_216 = vector.broadcast %add3A_215 : i32 to vector<16xi32>
        %add3A_217 = arith.addi %add3A_187, %add3A_216 : vector<16xi32>
        %gather3A_218 = tpu.vector_load_idx %arg4[%add3A_217] : memref<32768xf32, #tpu.memory_space<vmem>>[vector<16xi32>], vector<16xf32>,
        %add3A_219 = arith.constant 8 : i32
        %add3A_220 = vector.broadcast %add3A_219 : i32 to vector<16xi32>
        %add3A_221 = arith.addi %add3A_187, %add3A_220 : vector<16xi32>
        %gather3A_222 = tpu.vector_load_idx %arg4[%add3A_221] : memref<32768xf32, #tpu.memory_space<vmem>>[vector<16xi32>], vector<16xf32>,
        %add3A_223 = arith.constant 9 : i32
        %add3A_224 = vector.broadcast %add3A_223 : i32 to vector<16xi32>
        %add3A_225 = arith.addi %add3A_187, %add3A_224 : vector<16xi32>
        %gather3A_226 = tpu.vector_load_idx %arg4[%add3A_225] : memref<32768xf32, #tpu.memory_space<vmem>>[vector<16xi32>], vector<16xf32>,
        %add3A_227 = arith.constant 10 : i32
        %add3A_228 = vector.broadcast %add3A_227 : i32 to vector<16xi32>
        %add3A_229 = arith.addi %add3A_187, %add3A_228 : vector<16xi32>
        %gather3A_230 = tpu.vector_load_idx %arg4[%add3A_229] : memref<32768xf32, #tpu.memory_space<vmem>>[vector<16xi32>], vector<16xf32>,
        %add3A_231 = arith.constant 11 : i32
        %add3A_232 = vector.broadcast %add3A_231 : i32 to vector<16xi32>
        %add3A_233 = arith.addi %add3A_187, %add3A_232 : vector<16xi32>
        %gather3A_234 = tpu.vector_load_idx %arg4[%add3A_233] : memref<32768xf32, #tpu.memory_space<vmem>>[vector<16xi32>], vector<16xf32>,
        %add3A_235 = arith.constant 12 : i32
        %add3A_236 = vector.broadcast %add3A_235 : i32 to vector<16xi32>
        %add3A_237 = arith.addi %add3A_187, %add3A_236 : vector<16xi32>
        %gather3A_238 = tpu.vector_load_idx %arg4[%add3A_237] : memref<32768xf32, #tpu.memory_space<vmem>>[vector<16xi32>], vector<16xf32>,
        %add3A_239 = arith.constant 13 : i32
        %add3A_240 = vector.broadcast %add3A_239 : i32 to vector<16xi32>
        %add3A_241 = arith.addi %add3A_187, %add3A_240 : vector<16xi32>
        %gather3A_242 = tpu.vector_load_idx %arg4[%add3A_241] : memref<32768xf32, #tpu.memory_space<vmem>>[vector<16xi32>], vector<16xf32>,
        %add3A_243 = arith.constant 14 : i32
        %add3A_244 = vector.broadcast %add3A_243 : i32 to vector<16xi32>
        %add3A_245 = arith.addi %add3A_187, %add3A_244 : vector<16xi32>
        %gather3A_246 = tpu.vector_load_idx %arg4[%add3A_245] : memref<32768xf32, #tpu.memory_space<vmem>>[vector<16xi32>], vector<16xf32>,
        %add3A_247 = arith.constant 15 : i32
        %add3A_248 = vector.broadcast %add3A_247 : i32 to vector<16xi32>
        %add3A_249 = arith.addi %add3A_187, %add3A_248 : vector<16xi32>
        %gather3A_250 = tpu.vector_load_idx %arg4[%add3A_249] : memref<32768xf32, #tpu.memory_space<vmem>>[vector<16xi32>], vector<16xf32>,
        %add3A_251 = arith.addf %scan3A_183, %gather3A : vector<16xf32>
        %add3A_252 = arith.constant 0 : i32
        %add3A_253 = vector.broadcast %add3A_252 : i32 to vector<16xi32>
        %add3A_254 = arith.addi %add3A_187, %add3A_253 : vector<16xi32>
        tpu.vector_store_idx %arg5[%add3A_254], %add3A_251 : memref<32768xf32, #tpu.memory_space<vmem>>[vector<16xi32>], vector<16xf32>,
        %add3A_255 = arith.addf %add3A_251, %gather3A_194 : vector<16xf32>
        %add3A_256 = arith.constant 1 : i32
        %add3A_257 = vector.broadcast %add3A_256 : i32 to vector<16xi32>
        %add3A_258 = arith.addi %add3A_187, %add3A_257 : vector<16xi32>
        tpu.vector_store_idx %arg5[%add3A_258], %add3A_255 : memref<32768xf32, #tpu.memory_space<vmem>>[vector<16xi32>], vector<16xf32>,
        %add3A_259 = arith.addf %add3A_255, %gather3A_198 : vector<16xf32>
        %add3A_260 = arith.constant 2 : i32
        %add3A_261 = vector.broadcast %add3A_260 : i32 to vector<16xi32>
        %add3A_262 = arith.addi %add3A_187, %add3A_261 : vector<16xi32>
        tpu.vector_store_idx %arg5[%add3A_262], %add3A_259 : memref<32768xf32, #tpu.memory_space<vmem>>[vector<16xi32>], vector<16xf32>,
        %add3A_263 = arith.addf %add3A_259, %gather3A_202 : vector<16xf32>
        %add3A_264 = arith.constant 3 : i32
        %add3A_265 = vector.broadcast %add3A_264 : i32 to vector<16xi32>
        %add3A_266 = arith.addi %add3A_187, %add3A_265 : vector<16xi32>
        tpu.vector_store_idx %arg5[%add3A_266], %add3A_263 : memref<32768xf32, #tpu.memory_space<vmem>>[vector<16xi32>], vector<16xf32>,
        %add3A_267 = arith.addf %add3A_263, %gather3A_206 : vector<16xf32>
        %add3A_268 = arith.constant 4 : i32
        %add3A_269 = vector.broadcast %add3A_268 : i32 to vector<16xi32>
        %add3A_270 = arith.addi %add3A_187, %add3A_269 : vector<16xi32>
        tpu.vector_store_idx %arg5[%add3A_270], %add3A_267 : memref<32768xf32, #tpu.memory_space<vmem>>[vector<16xi32>], vector<16xf32>,
        %add3A_271 = arith.addf %add3A_267, %gather3A_210 : vector<16xf32>
        %add3A_272 = arith.constant 5 : i32
        %add3A_273 = vector.broadcast %add3A_272 : i32 to vector<16xi32>
        %add3A_274 = arith.addi %add3A_187, %add3A_273 : vector<16xi32>
        tpu.vector_store_idx %arg5[%add3A_274], %add3A_271 : memref<32768xf32, #tpu.memory_space<vmem>>[vector<16xi32>], vector<16xf32>,
        %add3A_275 = arith.addf %add3A_271, %gather3A_214 : vector<16xf32>
        %add3A_276 = arith.constant 6 : i32
        %add3A_277 = vector.broadcast %add3A_276 : i32 to vector<16xi32>
        %add3A_278 = arith.addi %add3A_187, %add3A_277 : vector<16xi32>
        tpu.vector_store_idx %arg5[%add3A_278], %add3A_275 : memref<32768xf32, #tpu.memory_space<vmem>>[vector<16xi32>], vector<16xf32>,
        %add3A_279 = arith.addf %add3A_275, %gather3A_218 : vector<16xf32>
        %add3A_280 = arith.constant 7 : i32
        %add3A_281 = vector.broadcast %add3A_280 : i32 to vector<16xi32>
        %add3A_282 = arith.addi %add3A_187, %add3A_281 : vector<16xi32>
        tpu.vector_store_idx %arg5[%add3A_282], %add3A_279 : memref<32768xf32, #tpu.memory_space<vmem>>[vector<16xi32>], vector<16xf32>,
        %add3A_283 = arith.addf %add3A_279, %gather3A_222 : vector<16xf32>
        %add3A_284 = arith.constant 8 : i32
        %add3A_285 = vector.broadcast %add3A_284 : i32 to vector<16xi32>
        %add3A_286 = arith.addi %add3A_187, %add3A_285 : vector<16xi32>
        tpu.vector_store_idx %arg5[%add3A_286], %add3A_283 : memref<32768xf32, #tpu.memory_space<vmem>>[vector<16xi32>], vector<16xf32>,
        %add3A_287 = arith.addf %add3A_283, %gather3A_226 : vector<16xf32>
        %add3A_288 = arith.constant 9 : i32
        %add3A_289 = vector.broadcast %add3A_288 : i32 to vector<16xi32>
        %add3A_290 = arith.addi %add3A_187, %add3A_289 : vector<16xi32>
        tpu.vector_store_idx %arg5[%add3A_290], %add3A_287 : memref<32768xf32, #tpu.memory_space<vmem>>[vector<16xi32>], vector<16xf32>,
        %add3A_291 = arith.addf %add3A_287, %gather3A_230 : vector<16xf32>
        %add3A_292 = arith.constant 10 : i32
        %add3A_293 = vector.broadcast %add3A_292 : i32 to vector<16xi32>
        %add3A_294 = arith.addi %add3A_187, %add3A_293 : vector<16xi32>
        tpu.vector_store_idx %arg5[%add3A_294], %add3A_291 : memref<32768xf32, #tpu.memory_space<vmem>>[vector<16xi32>], vector<16xf32>,
        %add3A_295 = arith.addf %add3A_291, %gather3A_234 : vector<16xf32>
        %add3A_296 = arith.constant 11 : i32
        %add3A_297 = vector.broadcast %add3A_296 : i32 to vector<16xi32>
        %add3A_298 = arith.addi %add3A_187, %add3A_297 : vector<16xi32>
        tpu.vector_store_idx %arg5[%add3A_298], %add3A_295 : memref<32768xf32, #tpu.memory_space<vmem>>[vector<16xi32>], vector<16xf32>,
        %add3A_299 = arith.addf %add3A_295, %gather3A_238 : vector<16xf32>
        %add3A_300 = arith.constant 12 : i32
        %add3A_301 = vector.broadcast %add3A_300 : i32 to vector<16xi32>
        %add3A_302 = arith.addi %add3A_187, %add3A_301 : vector<16xi32>
        tpu.vector_store_idx %arg5[%add3A_302], %add3A_299 : memref<32768xf32, #tpu.memory_space<vmem>>[vector<16xi32>], vector<16xf32>,
        %add3A_303 = arith.addf %add3A_299, %gather3A_242 : vector<16xf32>
        %add3A_304 = arith.constant 13 : i32
        %add3A_305 = vector.broadcast %add3A_304 : i32 to vector<16xi32>
        %add3A_306 = arith.addi %add3A_187, %add3A_305 : vector<16xi32>
        tpu.vector_store_idx %arg5[%add3A_306], %add3A_303 : memref<32768xf32, #tpu.memory_space<vmem>>[vector<16xi32>], vector<16xf32>,
        %add3A_307 = arith.addf %add3A_303, %gather3A_246 : vector<16xf32>
        %add3A_308 = arith.constant 14 : i32
        %add3A_309 = vector.broadcast %add3A_308 : i32 to vector<16xi32>
        %add3A_310 = arith.addi %add3A_187, %add3A_309 : vector<16xi32>
        tpu.vector_store_idx %arg5[%add3A_310], %add3A_307 : memref<32768xf32, #tpu.memory_space<vmem>>[vector<16xi32>], vector<16xf32>,
        %add3A_311 = arith.addf %add3A_307, %gather3A_250 : vector<16xf32>
        %add3A_312 = arith.constant 15 : i32
        %add3A_313 = vector.broadcast %add3A_312 : i32 to vector<16xi32>
        %add3A_314 = arith.addi %add3A_187, %add3A_313 : vector<16xi32>
        tpu.vector_store_idx %arg5[%add3A_314], %add3A_311 : memref<32768xf32, #tpu.memory_space<vmem>>[vector<16xi32>], vector<16xf32>,
        scf.yield %add3A_311 : vector<16xf32>
      }
      %scan3A_34 = arith.constant 16 : i32
      %add3A_35 = arith.constant 4096 : i32
      %add3A_36 = vector.broadcast %add3A_35 : i32 to vector<16xi32>
      %add3A_37 = arith.addi %mul3A_7, %add3A_36 : vector<16xi32>
      %broadcast_in_dim3A_38 = arith.constant 0.000000e+00 : f32
      %broadcast_in_dim3A_39 = vector.broadcast %broadcast_in_dim3A_38 : f32 to vector<16xf32>
      %scan3A_40 = arith.constant 0 : i32
      %scan3A_41 = arith.constant 16 : i32
      %scan3A_42 = arith.addi %scan3A_40, %scan3A_41 : i32
      %scan3A_43 = arith.constant 1 : i32
      %scan3A_44 = scf.for %scan3A_182 = %scan3A_40 to %scan3A_42 step %scan3A_43 iter_args(%scan3A_183 = %broadcast_in_dim3A_39) -> (vector<16xf32>)  : i32 {
        %mul3A_184 = arith.constant 16 : i32
        %mul3A_185 = arith.muli %scan3A_182, %mul3A_184 : i32
        %add3A_186 = vector.broadcast %mul3A_185 : i32 to vector<16xi32>
        %add3A_187 = arith.addi %add3A_37, %add3A_186 : vector<16xi32>
        %add3A_188 = arith.constant 0 : i32
        %add3A_189 = vector.broadcast %add3A_188 : i32 to vector<16xi32>
        %add3A_190 = arith.addi %add3A_187, %add3A_189 : vector<16xi32>
        %gather3A = tpu.vector_load_idx %arg4[%add3A_190] : memref<32768xf32, #tpu.memory_space<vmem>>[vector<16xi32>], vector<16xf32>,
        %add3A_191 = arith.constant 1 : i32
        %add3A_192 = vector.broadcast %add3A_191 : i32 to vector<16xi32>
        %add3A_193 = arith.addi %add3A_187, %add3A_192 : vector<16xi32>
        %gather3A_194 = tpu.vector_load_idx %arg4[%add3A_193] : memref<32768xf32, #tpu.memory_space<vmem>>[vector<16xi32>], vector<16xf32>,
        %add3A_195 = arith.constant 2 : i32
        %add3A_196 = vector.broadcast %add3A_195 : i32 to vector<16xi32>
        %add3A_197 = arith.addi %add3A_187, %add3A_196 : vector<16xi32>
        %gather3A_198 = tpu.vector_load_idx %arg4[%add3A_197] : memref<32768xf32, #tpu.memory_space<vmem>>[vector<16xi32>], vector<16xf32>,
        %add3A_199 = arith.constant 3 : i32
        %add3A_200 = vector.broadcast %add3A_199 : i32 to vector<16xi32>
        %add3A_201 = arith.addi %add3A_187, %add3A_200 : vector<16xi32>
        %gather3A_202 = tpu.vector_load_idx %arg4[%add3A_201] : memref<32768xf32, #tpu.memory_space<vmem>>[vector<16xi32>], vector<16xf32>,
        %add3A_203 = arith.constant 4 : i32
        %add3A_204 = vector.broadcast %add3A_203 : i32 to vector<16xi32>
        %add3A_205 = arith.addi %add3A_187, %add3A_204 : vector<16xi32>
        %gather3A_206 = tpu.vector_load_idx %arg4[%add3A_205] : memref<32768xf32, #tpu.memory_space<vmem>>[vector<16xi32>], vector<16xf32>,
        %add3A_207 = arith.constant 5 : i32
        %add3A_208 = vector.broadcast %add3A_207 : i32 to vector<16xi32>
        %add3A_209 = arith.addi %add3A_187, %add3A_208 : vector<16xi32>
        %gather3A_210 = tpu.vector_load_idx %arg4[%add3A_209] : memref<32768xf32, #tpu.memory_space<vmem>>[vector<16xi32>], vector<16xf32>,
        %add3A_211 = arith.constant 6 : i32
        %add3A_212 = vector.broadcast %add3A_211 : i32 to vector<16xi32>
        %add3A_213 = arith.addi %add3A_187, %add3A_212 : vector<16xi32>
        %gather3A_214 = tpu.vector_load_idx %arg4[%add3A_213] : memref<32768xf32, #tpu.memory_space<vmem>>[vector<16xi32>], vector<16xf32>,
        %add3A_215 = arith.constant 7 : i32
        %add3A_216 = vector.broadcast %add3A_215 : i32 to vector<16xi32>
        %add3A_217 = arith.addi %add3A_187, %add3A_216 : vector<16xi32>
        %gather3A_218 = tpu.vector_load_idx %arg4[%add3A_217] : memref<32768xf32, #tpu.memory_space<vmem>>[vector<16xi32>], vector<16xf32>,
        %add3A_219 = arith.constant 8 : i32
        %add3A_220 = vector.broadcast %add3A_219 : i32 to vector<16xi32>
        %add3A_221 = arith.addi %add3A_187, %add3A_220 : vector<16xi32>
        %gather3A_222 = tpu.vector_load_idx %arg4[%add3A_221] : memref<32768xf32, #tpu.memory_space<vmem>>[vector<16xi32>], vector<16xf32>,
        %add3A_223 = arith.constant 9 : i32
        %add3A_224 = vector.broadcast %add3A_223 : i32 to vector<16xi32>
        %add3A_225 = arith.addi %add3A_187, %add3A_224 : vector<16xi32>
        %gather3A_226 = tpu.vector_load_idx %arg4[%add3A_225] : memref<32768xf32, #tpu.memory_space<vmem>>[vector<16xi32>], vector<16xf32>,
        %add3A_227 = arith.constant 10 : i32
        %add3A_228 = vector.broadcast %add3A_227 : i32 to vector<16xi32>
        %add3A_229 = arith.addi %add3A_187, %add3A_228 : vector<16xi32>
        %gather3A_230 = tpu.vector_load_idx %arg4[%add3A_229] : memref<32768xf32, #tpu.memory_space<vmem>>[vector<16xi32>], vector<16xf32>,
        %add3A_231 = arith.constant 11 : i32
        %add3A_232 = vector.broadcast %add3A_231 : i32 to vector<16xi32>
        %add3A_233 = arith.addi %add3A_187, %add3A_232 : vector<16xi32>
        %gather3A_234 = tpu.vector_load_idx %arg4[%add3A_233] : memref<32768xf32, #tpu.memory_space<vmem>>[vector<16xi32>], vector<16xf32>,
        %add3A_235 = arith.constant 12 : i32
        %add3A_236 = vector.broadcast %add3A_235 : i32 to vector<16xi32>
        %add3A_237 = arith.addi %add3A_187, %add3A_236 : vector<16xi32>
        %gather3A_238 = tpu.vector_load_idx %arg4[%add3A_237] : memref<32768xf32, #tpu.memory_space<vmem>>[vector<16xi32>], vector<16xf32>,
        %add3A_239 = arith.constant 13 : i32
        %add3A_240 = vector.broadcast %add3A_239 : i32 to vector<16xi32>
        %add3A_241 = arith.addi %add3A_187, %add3A_240 : vector<16xi32>
        %gather3A_242 = tpu.vector_load_idx %arg4[%add3A_241] : memref<32768xf32, #tpu.memory_space<vmem>>[vector<16xi32>], vector<16xf32>,
        %add3A_243 = arith.constant 14 : i32
        %add3A_244 = vector.broadcast %add3A_243 : i32 to vector<16xi32>
        %add3A_245 = arith.addi %add3A_187, %add3A_244 : vector<16xi32>
        %gather3A_246 = tpu.vector_load_idx %arg4[%add3A_245] : memref<32768xf32, #tpu.memory_space<vmem>>[vector<16xi32>], vector<16xf32>,
        %add3A_247 = arith.constant 15 : i32
        %add3A_248 = vector.broadcast %add3A_247 : i32 to vector<16xi32>
        %add3A_249 = arith.addi %add3A_187, %add3A_248 : vector<16xi32>
        %gather3A_250 = tpu.vector_load_idx %arg4[%add3A_249] : memref<32768xf32, #tpu.memory_space<vmem>>[vector<16xi32>], vector<16xf32>,
        %add3A_251 = arith.addf %gather3A, %gather3A_194 : vector<16xf32>
        %add3A_252 = arith.addf %gather3A_198, %gather3A_202 : vector<16xf32>
        %add3A_253 = arith.addf %gather3A_206, %gather3A_210 : vector<16xf32>
        %add3A_254 = arith.addf %gather3A_214, %gather3A_218 : vector<16xf32>
        %add3A_255 = arith.addf %gather3A_222, %gather3A_226 : vector<16xf32>
        %add3A_256 = arith.addf %gather3A_230, %gather3A_234 : vector<16xf32>
        %add3A_257 = arith.addf %gather3A_238, %gather3A_242 : vector<16xf32>
        %add3A_258 = arith.addf %gather3A_246, %gather3A_250 : vector<16xf32>
        %add3A_259 = arith.addf %add3A_251, %add3A_252 : vector<16xf32>
        %add3A_260 = arith.addf %add3A_253, %add3A_254 : vector<16xf32>
        %add3A_261 = arith.addf %add3A_255, %add3A_256 : vector<16xf32>
        %add3A_262 = arith.addf %add3A_257, %add3A_258 : vector<16xf32>
        %add3A_263 = arith.addf %add3A_259, %add3A_260 : vector<16xf32>
        %add3A_264 = arith.addf %add3A_261, %add3A_262 : vector<16xf32>
        %add3A_265 = arith.addf %add3A_263, %add3A_264 : vector<16xf32>
        %add3A_266 = arith.addf %scan3A_183, %add3A_265 : vector<16xf32>
        scf.yield %add3A_266 : vector<16xf32>
      }
      %scan3A_45 = arith.constant 16 : i32
      %broadcast_in_dim3A_46 = arith.constant true
      %broadcast_in_dim3A_47 = vector.broadcast %broadcast_in_dim3A_46 : i1 to vector<16xi1>
      %masked_cumsum3A_48 = tpu.scan <sum>, %scan3A_44 masked %broadcast_in_dim3A_47 : vector<16xf32>, vector<16xi1> -> vector<16xf32>
      %sub3A_49 = arith.subf %masked_cumsum3A_48, %scan3A_44 : vector<16xf32>
      %scan3A_50 = arith.constant 0 : i32
      %scan3A_51 = arith.constant 16 : i32
      %scan3A_52 = arith.addi %scan3A_50, %scan3A_51 : i32
      %scan3A_53 = arith.constant 1 : i32
      %scan3A_54 = scf.for %scan3A_182 = %scan3A_50 to %scan3A_52 step %scan3A_53 iter_args(%scan3A_183 = %sub3A_49) -> (vector<16xf32>)  : i32 {
        %mul3A_184 = arith.constant 16 : i32
        %mul3A_185 = arith.muli %scan3A_182, %mul3A_184 : i32
        %add3A_186 = vector.broadcast %mul3A_185 : i32 to vector<16xi32>
        %add3A_187 = arith.addi %add3A_37, %add3A_186 : vector<16xi32>
        %add3A_188 = arith.constant 0 : i32
        %add3A_189 = vector.broadcast %add3A_188 : i32 to vector<16xi32>
        %add3A_190 = arith.addi %add3A_187, %add3A_189 : vector<16xi32>
        %gather3A = tpu.vector_load_idx %arg4[%add3A_190] : memref<32768xf32, #tpu.memory_space<vmem>>[vector<16xi32>], vector<16xf32>,
        %add3A_191 = arith.constant 1 : i32
        %add3A_192 = vector.broadcast %add3A_191 : i32 to vector<16xi32>
        %add3A_193 = arith.addi %add3A_187, %add3A_192 : vector<16xi32>
        %gather3A_194 = tpu.vector_load_idx %arg4[%add3A_193] : memref<32768xf32, #tpu.memory_space<vmem>>[vector<16xi32>], vector<16xf32>,
        %add3A_195 = arith.constant 2 : i32
        %add3A_196 = vector.broadcast %add3A_195 : i32 to vector<16xi32>
        %add3A_197 = arith.addi %add3A_187, %add3A_196 : vector<16xi32>
        %gather3A_198 = tpu.vector_load_idx %arg4[%add3A_197] : memref<32768xf32, #tpu.memory_space<vmem>>[vector<16xi32>], vector<16xf32>,
        %add3A_199 = arith.constant 3 : i32
        %add3A_200 = vector.broadcast %add3A_199 : i32 to vector<16xi32>
        %add3A_201 = arith.addi %add3A_187, %add3A_200 : vector<16xi32>
        %gather3A_202 = tpu.vector_load_idx %arg4[%add3A_201] : memref<32768xf32, #tpu.memory_space<vmem>>[vector<16xi32>], vector<16xf32>,
        %add3A_203 = arith.constant 4 : i32
        %add3A_204 = vector.broadcast %add3A_203 : i32 to vector<16xi32>
        %add3A_205 = arith.addi %add3A_187, %add3A_204 : vector<16xi32>
        %gather3A_206 = tpu.vector_load_idx %arg4[%add3A_205] : memref<32768xf32, #tpu.memory_space<vmem>>[vector<16xi32>], vector<16xf32>,
        %add3A_207 = arith.constant 5 : i32
        %add3A_208 = vector.broadcast %add3A_207 : i32 to vector<16xi32>
        %add3A_209 = arith.addi %add3A_187, %add3A_208 : vector<16xi32>
        %gather3A_210 = tpu.vector_load_idx %arg4[%add3A_209] : memref<32768xf32, #tpu.memory_space<vmem>>[vector<16xi32>], vector<16xf32>,
        %add3A_211 = arith.constant 6 : i32
        %add3A_212 = vector.broadcast %add3A_211 : i32 to vector<16xi32>
        %add3A_213 = arith.addi %add3A_187, %add3A_212 : vector<16xi32>
        %gather3A_214 = tpu.vector_load_idx %arg4[%add3A_213] : memref<32768xf32, #tpu.memory_space<vmem>>[vector<16xi32>], vector<16xf32>,
        %add3A_215 = arith.constant 7 : i32
        %add3A_216 = vector.broadcast %add3A_215 : i32 to vector<16xi32>
        %add3A_217 = arith.addi %add3A_187, %add3A_216 : vector<16xi32>
        %gather3A_218 = tpu.vector_load_idx %arg4[%add3A_217] : memref<32768xf32, #tpu.memory_space<vmem>>[vector<16xi32>], vector<16xf32>,
        %add3A_219 = arith.constant 8 : i32
        %add3A_220 = vector.broadcast %add3A_219 : i32 to vector<16xi32>
        %add3A_221 = arith.addi %add3A_187, %add3A_220 : vector<16xi32>
        %gather3A_222 = tpu.vector_load_idx %arg4[%add3A_221] : memref<32768xf32, #tpu.memory_space<vmem>>[vector<16xi32>], vector<16xf32>,
        %add3A_223 = arith.constant 9 : i32
        %add3A_224 = vector.broadcast %add3A_223 : i32 to vector<16xi32>
        %add3A_225 = arith.addi %add3A_187, %add3A_224 : vector<16xi32>
        %gather3A_226 = tpu.vector_load_idx %arg4[%add3A_225] : memref<32768xf32, #tpu.memory_space<vmem>>[vector<16xi32>], vector<16xf32>,
        %add3A_227 = arith.constant 10 : i32
        %add3A_228 = vector.broadcast %add3A_227 : i32 to vector<16xi32>
        %add3A_229 = arith.addi %add3A_187, %add3A_228 : vector<16xi32>
        %gather3A_230 = tpu.vector_load_idx %arg4[%add3A_229] : memref<32768xf32, #tpu.memory_space<vmem>>[vector<16xi32>], vector<16xf32>,
        %add3A_231 = arith.constant 11 : i32
        %add3A_232 = vector.broadcast %add3A_231 : i32 to vector<16xi32>
        %add3A_233 = arith.addi %add3A_187, %add3A_232 : vector<16xi32>
        %gather3A_234 = tpu.vector_load_idx %arg4[%add3A_233] : memref<32768xf32, #tpu.memory_space<vmem>>[vector<16xi32>], vector<16xf32>,
        %add3A_235 = arith.constant 12 : i32
        %add3A_236 = vector.broadcast %add3A_235 : i32 to vector<16xi32>
        %add3A_237 = arith.addi %add3A_187, %add3A_236 : vector<16xi32>
        %gather3A_238 = tpu.vector_load_idx %arg4[%add3A_237] : memref<32768xf32, #tpu.memory_space<vmem>>[vector<16xi32>], vector<16xf32>,
        %add3A_239 = arith.constant 13 : i32
        %add3A_240 = vector.broadcast %add3A_239 : i32 to vector<16xi32>
        %add3A_241 = arith.addi %add3A_187, %add3A_240 : vector<16xi32>
        %gather3A_242 = tpu.vector_load_idx %arg4[%add3A_241] : memref<32768xf32, #tpu.memory_space<vmem>>[vector<16xi32>], vector<16xf32>,
        %add3A_243 = arith.constant 14 : i32
        %add3A_244 = vector.broadcast %add3A_243 : i32 to vector<16xi32>
        %add3A_245 = arith.addi %add3A_187, %add3A_244 : vector<16xi32>
        %gather3A_246 = tpu.vector_load_idx %arg4[%add3A_245] : memref<32768xf32, #tpu.memory_space<vmem>>[vector<16xi32>], vector<16xf32>,
        %add3A_247 = arith.constant 15 : i32
        %add3A_248 = vector.broadcast %add3A_247 : i32 to vector<16xi32>
        %add3A_249 = arith.addi %add3A_187, %add3A_248 : vector<16xi32>
        %gather3A_250 = tpu.vector_load_idx %arg4[%add3A_249] : memref<32768xf32, #tpu.memory_space<vmem>>[vector<16xi32>], vector<16xf32>,
        %add3A_251 = arith.addf %scan3A_183, %gather3A : vector<16xf32>
        %add3A_252 = arith.constant 0 : i32
        %add3A_253 = vector.broadcast %add3A_252 : i32 to vector<16xi32>
        %add3A_254 = arith.addi %add3A_187, %add3A_253 : vector<16xi32>
        tpu.vector_store_idx %arg5[%add3A_254], %add3A_251 : memref<32768xf32, #tpu.memory_space<vmem>>[vector<16xi32>], vector<16xf32>,
        %add3A_255 = arith.addf %add3A_251, %gather3A_194 : vector<16xf32>
        %add3A_256 = arith.constant 1 : i32
        %add3A_257 = vector.broadcast %add3A_256 : i32 to vector<16xi32>
        %add3A_258 = arith.addi %add3A_187, %add3A_257 : vector<16xi32>
        tpu.vector_store_idx %arg5[%add3A_258], %add3A_255 : memref<32768xf32, #tpu.memory_space<vmem>>[vector<16xi32>], vector<16xf32>,
        %add3A_259 = arith.addf %add3A_255, %gather3A_198 : vector<16xf32>
        %add3A_260 = arith.constant 2 : i32
        %add3A_261 = vector.broadcast %add3A_260 : i32 to vector<16xi32>
        %add3A_262 = arith.addi %add3A_187, %add3A_261 : vector<16xi32>
        tpu.vector_store_idx %arg5[%add3A_262], %add3A_259 : memref<32768xf32, #tpu.memory_space<vmem>>[vector<16xi32>], vector<16xf32>,
        %add3A_263 = arith.addf %add3A_259, %gather3A_202 : vector<16xf32>
        %add3A_264 = arith.constant 3 : i32
        %add3A_265 = vector.broadcast %add3A_264 : i32 to vector<16xi32>
        %add3A_266 = arith.addi %add3A_187, %add3A_265 : vector<16xi32>
        tpu.vector_store_idx %arg5[%add3A_266], %add3A_263 : memref<32768xf32, #tpu.memory_space<vmem>>[vector<16xi32>], vector<16xf32>,
        %add3A_267 = arith.addf %add3A_263, %gather3A_206 : vector<16xf32>
        %add3A_268 = arith.constant 4 : i32
        %add3A_269 = vector.broadcast %add3A_268 : i32 to vector<16xi32>
        %add3A_270 = arith.addi %add3A_187, %add3A_269 : vector<16xi32>
        tpu.vector_store_idx %arg5[%add3A_270], %add3A_267 : memref<32768xf32, #tpu.memory_space<vmem>>[vector<16xi32>], vector<16xf32>,
        %add3A_271 = arith.addf %add3A_267, %gather3A_210 : vector<16xf32>
        %add3A_272 = arith.constant 5 : i32
        %add3A_273 = vector.broadcast %add3A_272 : i32 to vector<16xi32>
        %add3A_274 = arith.addi %add3A_187, %add3A_273 : vector<16xi32>
        tpu.vector_store_idx %arg5[%add3A_274], %add3A_271 : memref<32768xf32, #tpu.memory_space<vmem>>[vector<16xi32>], vector<16xf32>,
        %add3A_275 = arith.addf %add3A_271, %gather3A_214 : vector<16xf32>
        %add3A_276 = arith.constant 6 : i32
        %add3A_277 = vector.broadcast %add3A_276 : i32 to vector<16xi32>
        %add3A_278 = arith.addi %add3A_187, %add3A_277 : vector<16xi32>
        tpu.vector_store_idx %arg5[%add3A_278], %add3A_275 : memref<32768xf32, #tpu.memory_space<vmem>>[vector<16xi32>], vector<16xf32>,
        %add3A_279 = arith.addf %add3A_275, %gather3A_218 : vector<16xf32>
        %add3A_280 = arith.constant 7 : i32
        %add3A_281 = vector.broadcast %add3A_280 : i32 to vector<16xi32>
        %add3A_282 = arith.addi %add3A_187, %add3A_281 : vector<16xi32>
        tpu.vector_store_idx %arg5[%add3A_282], %add3A_279 : memref<32768xf32, #tpu.memory_space<vmem>>[vector<16xi32>], vector<16xf32>,
        %add3A_283 = arith.addf %add3A_279, %gather3A_222 : vector<16xf32>
        %add3A_284 = arith.constant 8 : i32
        %add3A_285 = vector.broadcast %add3A_284 : i32 to vector<16xi32>
        %add3A_286 = arith.addi %add3A_187, %add3A_285 : vector<16xi32>
        tpu.vector_store_idx %arg5[%add3A_286], %add3A_283 : memref<32768xf32, #tpu.memory_space<vmem>>[vector<16xi32>], vector<16xf32>,
        %add3A_287 = arith.addf %add3A_283, %gather3A_226 : vector<16xf32>
        %add3A_288 = arith.constant 9 : i32
        %add3A_289 = vector.broadcast %add3A_288 : i32 to vector<16xi32>
        %add3A_290 = arith.addi %add3A_187, %add3A_289 : vector<16xi32>
        tpu.vector_store_idx %arg5[%add3A_290], %add3A_287 : memref<32768xf32, #tpu.memory_space<vmem>>[vector<16xi32>], vector<16xf32>,
        %add3A_291 = arith.addf %add3A_287, %gather3A_230 : vector<16xf32>
        %add3A_292 = arith.constant 10 : i32
        %add3A_293 = vector.broadcast %add3A_292 : i32 to vector<16xi32>
        %add3A_294 = arith.addi %add3A_187, %add3A_293 : vector<16xi32>
        tpu.vector_store_idx %arg5[%add3A_294], %add3A_291 : memref<32768xf32, #tpu.memory_space<vmem>>[vector<16xi32>], vector<16xf32>,
        %add3A_295 = arith.addf %add3A_291, %gather3A_234 : vector<16xf32>
        %add3A_296 = arith.constant 11 : i32
        %add3A_297 = vector.broadcast %add3A_296 : i32 to vector<16xi32>
        %add3A_298 = arith.addi %add3A_187, %add3A_297 : vector<16xi32>
        tpu.vector_store_idx %arg5[%add3A_298], %add3A_295 : memref<32768xf32, #tpu.memory_space<vmem>>[vector<16xi32>], vector<16xf32>,
        %add3A_299 = arith.addf %add3A_295, %gather3A_238 : vector<16xf32>
        %add3A_300 = arith.constant 12 : i32
        %add3A_301 = vector.broadcast %add3A_300 : i32 to vector<16xi32>
        %add3A_302 = arith.addi %add3A_187, %add3A_301 : vector<16xi32>
        tpu.vector_store_idx %arg5[%add3A_302], %add3A_299 : memref<32768xf32, #tpu.memory_space<vmem>>[vector<16xi32>], vector<16xf32>,
        %add3A_303 = arith.addf %add3A_299, %gather3A_242 : vector<16xf32>
        %add3A_304 = arith.constant 13 : i32
        %add3A_305 = vector.broadcast %add3A_304 : i32 to vector<16xi32>
        %add3A_306 = arith.addi %add3A_187, %add3A_305 : vector<16xi32>
        tpu.vector_store_idx %arg5[%add3A_306], %add3A_303 : memref<32768xf32, #tpu.memory_space<vmem>>[vector<16xi32>], vector<16xf32>,
        %add3A_307 = arith.addf %add3A_303, %gather3A_246 : vector<16xf32>
        %add3A_308 = arith.constant 14 : i32
        %add3A_309 = vector.broadcast %add3A_308 : i32 to vector<16xi32>
        %add3A_310 = arith.addi %add3A_187, %add3A_309 : vector<16xi32>
        tpu.vector_store_idx %arg5[%add3A_310], %add3A_307 : memref<32768xf32, #tpu.memory_space<vmem>>[vector<16xi32>], vector<16xf32>,
        %add3A_311 = arith.addf %add3A_307, %gather3A_250 : vector<16xf32>
        %add3A_312 = arith.constant 15 : i32
        %add3A_313 = vector.broadcast %add3A_312 : i32 to vector<16xi32>
        %add3A_314 = arith.addi %add3A_187, %add3A_313 : vector<16xi32>
        tpu.vector_store_idx %arg5[%add3A_314], %add3A_311 : memref<32768xf32, #tpu.memory_space<vmem>>[vector<16xi32>], vector<16xf32>,
        scf.yield %add3A_311 : vector<16xf32>
      }
      %scan3A_55 = arith.constant 16 : i32
      %add3A_56 = arith.constant 8192 : i32
      %add3A_57 = vector.broadcast %add3A_56 : i32 to vector<16xi32>
      %add3A_58 = arith.addi %mul3A_7, %add3A_57 : vector<16xi32>
      %broadcast_in_dim3A_59 = arith.constant 0.000000e+00 : f32
      %broadcast_in_dim3A_60 = vector.broadcast %broadcast_in_dim3A_59 : f32 to vector<16xf32>
      %scan3A_61 = arith.constant 0 : i32
      %scan3A_62 = arith.constant 16 : i32
      %scan3A_63 = arith.addi %scan3A_61, %scan3A_62 : i32
      %scan3A_64 = arith.constant 1 : i32
      %scan3A_65 = scf.for %scan3A_182 = %scan3A_61 to %scan3A_63 step %scan3A_64 iter_args(%scan3A_183 = %broadcast_in_dim3A_60) -> (vector<16xf32>)  : i32 {
        %mul3A_184 = arith.constant 16 : i32
        %mul3A_185 = arith.muli %scan3A_182, %mul3A_184 : i32
        %add3A_186 = vector.broadcast %mul3A_185 : i32 to vector<16xi32>
        %add3A_187 = arith.addi %add3A_58, %add3A_186 : vector<16xi32>
        %add3A_188 = arith.constant 0 : i32
        %add3A_189 = vector.broadcast %add3A_188 : i32 to vector<16xi32>
        %add3A_190 = arith.addi %add3A_187, %add3A_189 : vector<16xi32>
        %gather3A = tpu.vector_load_idx %arg4[%add3A_190] : memref<32768xf32, #tpu.memory_space<vmem>>[vector<16xi32>], vector<16xf32>,
        %add3A_191 = arith.constant 1 : i32
        %add3A_192 = vector.broadcast %add3A_191 : i32 to vector<16xi32>
        %add3A_193 = arith.addi %add3A_187, %add3A_192 : vector<16xi32>
        %gather3A_194 = tpu.vector_load_idx %arg4[%add3A_193] : memref<32768xf32, #tpu.memory_space<vmem>>[vector<16xi32>], vector<16xf32>,
        %add3A_195 = arith.constant 2 : i32
        %add3A_196 = vector.broadcast %add3A_195 : i32 to vector<16xi32>
        %add3A_197 = arith.addi %add3A_187, %add3A_196 : vector<16xi32>
        %gather3A_198 = tpu.vector_load_idx %arg4[%add3A_197] : memref<32768xf32, #tpu.memory_space<vmem>>[vector<16xi32>], vector<16xf32>,
        %add3A_199 = arith.constant 3 : i32
        %add3A_200 = vector.broadcast %add3A_199 : i32 to vector<16xi32>
        %add3A_201 = arith.addi %add3A_187, %add3A_200 : vector<16xi32>
        %gather3A_202 = tpu.vector_load_idx %arg4[%add3A_201] : memref<32768xf32, #tpu.memory_space<vmem>>[vector<16xi32>], vector<16xf32>,
        %add3A_203 = arith.constant 4 : i32
        %add3A_204 = vector.broadcast %add3A_203 : i32 to vector<16xi32>
        %add3A_205 = arith.addi %add3A_187, %add3A_204 : vector<16xi32>
        %gather3A_206 = tpu.vector_load_idx %arg4[%add3A_205] : memref<32768xf32, #tpu.memory_space<vmem>>[vector<16xi32>], vector<16xf32>,
        %add3A_207 = arith.constant 5 : i32
        %add3A_208 = vector.broadcast %add3A_207 : i32 to vector<16xi32>
        %add3A_209 = arith.addi %add3A_187, %add3A_208 : vector<16xi32>
        %gather3A_210 = tpu.vector_load_idx %arg4[%add3A_209] : memref<32768xf32, #tpu.memory_space<vmem>>[vector<16xi32>], vector<16xf32>,
        %add3A_211 = arith.constant 6 : i32
        %add3A_212 = vector.broadcast %add3A_211 : i32 to vector<16xi32>
        %add3A_213 = arith.addi %add3A_187, %add3A_212 : vector<16xi32>
        %gather3A_214 = tpu.vector_load_idx %arg4[%add3A_213] : memref<32768xf32, #tpu.memory_space<vmem>>[vector<16xi32>], vector<16xf32>,
        %add3A_215 = arith.constant 7 : i32
        %add3A_216 = vector.broadcast %add3A_215 : i32 to vector<16xi32>
        %add3A_217 = arith.addi %add3A_187, %add3A_216 : vector<16xi32>
        %gather3A_218 = tpu.vector_load_idx %arg4[%add3A_217] : memref<32768xf32, #tpu.memory_space<vmem>>[vector<16xi32>], vector<16xf32>,
        %add3A_219 = arith.constant 8 : i32
        %add3A_220 = vector.broadcast %add3A_219 : i32 to vector<16xi32>
        %add3A_221 = arith.addi %add3A_187, %add3A_220 : vector<16xi32>
        %gather3A_222 = tpu.vector_load_idx %arg4[%add3A_221] : memref<32768xf32, #tpu.memory_space<vmem>>[vector<16xi32>], vector<16xf32>,
        %add3A_223 = arith.constant 9 : i32
        %add3A_224 = vector.broadcast %add3A_223 : i32 to vector<16xi32>
        %add3A_225 = arith.addi %add3A_187, %add3A_224 : vector<16xi32>
        %gather3A_226 = tpu.vector_load_idx %arg4[%add3A_225] : memref<32768xf32, #tpu.memory_space<vmem>>[vector<16xi32>], vector<16xf32>,
        %add3A_227 = arith.constant 10 : i32
        %add3A_228 = vector.broadcast %add3A_227 : i32 to vector<16xi32>
        %add3A_229 = arith.addi %add3A_187, %add3A_228 : vector<16xi32>
        %gather3A_230 = tpu.vector_load_idx %arg4[%add3A_229] : memref<32768xf32, #tpu.memory_space<vmem>>[vector<16xi32>], vector<16xf32>,
        %add3A_231 = arith.constant 11 : i32
        %add3A_232 = vector.broadcast %add3A_231 : i32 to vector<16xi32>
        %add3A_233 = arith.addi %add3A_187, %add3A_232 : vector<16xi32>
        %gather3A_234 = tpu.vector_load_idx %arg4[%add3A_233] : memref<32768xf32, #tpu.memory_space<vmem>>[vector<16xi32>], vector<16xf32>,
        %add3A_235 = arith.constant 12 : i32
        %add3A_236 = vector.broadcast %add3A_235 : i32 to vector<16xi32>
        %add3A_237 = arith.addi %add3A_187, %add3A_236 : vector<16xi32>
        %gather3A_238 = tpu.vector_load_idx %arg4[%add3A_237] : memref<32768xf32, #tpu.memory_space<vmem>>[vector<16xi32>], vector<16xf32>,
        %add3A_239 = arith.constant 13 : i32
        %add3A_240 = vector.broadcast %add3A_239 : i32 to vector<16xi32>
        %add3A_241 = arith.addi %add3A_187, %add3A_240 : vector<16xi32>
        %gather3A_242 = tpu.vector_load_idx %arg4[%add3A_241] : memref<32768xf32, #tpu.memory_space<vmem>>[vector<16xi32>], vector<16xf32>,
        %add3A_243 = arith.constant 14 : i32
        %add3A_244 = vector.broadcast %add3A_243 : i32 to vector<16xi32>
        %add3A_245 = arith.addi %add3A_187, %add3A_244 : vector<16xi32>
        %gather3A_246 = tpu.vector_load_idx %arg4[%add3A_245] : memref<32768xf32, #tpu.memory_space<vmem>>[vector<16xi32>], vector<16xf32>,
        %add3A_247 = arith.constant 15 : i32
        %add3A_248 = vector.broadcast %add3A_247 : i32 to vector<16xi32>
        %add3A_249 = arith.addi %add3A_187, %add3A_248 : vector<16xi32>
        %gather3A_250 = tpu.vector_load_idx %arg4[%add3A_249] : memref<32768xf32, #tpu.memory_space<vmem>>[vector<16xi32>], vector<16xf32>,
        %add3A_251 = arith.addf %gather3A, %gather3A_194 : vector<16xf32>
        %add3A_252 = arith.addf %gather3A_198, %gather3A_202 : vector<16xf32>
        %add3A_253 = arith.addf %gather3A_206, %gather3A_210 : vector<16xf32>
        %add3A_254 = arith.addf %gather3A_214, %gather3A_218 : vector<16xf32>
        %add3A_255 = arith.addf %gather3A_222, %gather3A_226 : vector<16xf32>
        %add3A_256 = arith.addf %gather3A_230, %gather3A_234 : vector<16xf32>
        %add3A_257 = arith.addf %gather3A_238, %gather3A_242 : vector<16xf32>
        %add3A_258 = arith.addf %gather3A_246, %gather3A_250 : vector<16xf32>
        %add3A_259 = arith.addf %add3A_251, %add3A_252 : vector<16xf32>
        %add3A_260 = arith.addf %add3A_253, %add3A_254 : vector<16xf32>
        %add3A_261 = arith.addf %add3A_255, %add3A_256 : vector<16xf32>
        %add3A_262 = arith.addf %add3A_257, %add3A_258 : vector<16xf32>
        %add3A_263 = arith.addf %add3A_259, %add3A_260 : vector<16xf32>
        %add3A_264 = arith.addf %add3A_261, %add3A_262 : vector<16xf32>
        %add3A_265 = arith.addf %add3A_263, %add3A_264 : vector<16xf32>
        %add3A_266 = arith.addf %scan3A_183, %add3A_265 : vector<16xf32>
        scf.yield %add3A_266 : vector<16xf32>
      }
      %scan3A_66 = arith.constant 16 : i32
      %broadcast_in_dim3A_67 = arith.constant true
      %broadcast_in_dim3A_68 = vector.broadcast %broadcast_in_dim3A_67 : i1 to vector<16xi1>
      %masked_cumsum3A_69 = tpu.scan <sum>, %scan3A_65 masked %broadcast_in_dim3A_68 : vector<16xf32>, vector<16xi1> -> vector<16xf32>
      %sub3A_70 = arith.subf %masked_cumsum3A_69, %scan3A_65 : vector<16xf32>
      %scan3A_71 = arith.constant 0 : i32
      %scan3A_72 = arith.constant 16 : i32
      %scan3A_73 = arith.addi %scan3A_71, %scan3A_72 : i32
      %scan3A_74 = arith.constant 1 : i32
      %scan3A_75 = scf.for %scan3A_182 = %scan3A_71 to %scan3A_73 step %scan3A_74 iter_args(%scan3A_183 = %sub3A_70) -> (vector<16xf32>)  : i32 {
        %mul3A_184 = arith.constant 16 : i32
        %mul3A_185 = arith.muli %scan3A_182, %mul3A_184 : i32
        %add3A_186 = vector.broadcast %mul3A_185 : i32 to vector<16xi32>
        %add3A_187 = arith.addi %add3A_58, %add3A_186 : vector<16xi32>
        %add3A_188 = arith.constant 0 : i32
        %add3A_189 = vector.broadcast %add3A_188 : i32 to vector<16xi32>
        %add3A_190 = arith.addi %add3A_187, %add3A_189 : vector<16xi32>
        %gather3A = tpu.vector_load_idx %arg4[%add3A_190] : memref<32768xf32, #tpu.memory_space<vmem>>[vector<16xi32>], vector<16xf32>,
        %add3A_191 = arith.constant 1 : i32
        %add3A_192 = vector.broadcast %add3A_191 : i32 to vector<16xi32>
        %add3A_193 = arith.addi %add3A_187, %add3A_192 : vector<16xi32>
        %gather3A_194 = tpu.vector_load_idx %arg4[%add3A_193] : memref<32768xf32, #tpu.memory_space<vmem>>[vector<16xi32>], vector<16xf32>,
        %add3A_195 = arith.constant 2 : i32
        %add3A_196 = vector.broadcast %add3A_195 : i32 to vector<16xi32>
        %add3A_197 = arith.addi %add3A_187, %add3A_196 : vector<16xi32>
        %gather3A_198 = tpu.vector_load_idx %arg4[%add3A_197] : memref<32768xf32, #tpu.memory_space<vmem>>[vector<16xi32>], vector<16xf32>,
        %add3A_199 = arith.constant 3 : i32
        %add3A_200 = vector.broadcast %add3A_199 : i32 to vector<16xi32>
        %add3A_201 = arith.addi %add3A_187, %add3A_200 : vector<16xi32>
        %gather3A_202 = tpu.vector_load_idx %arg4[%add3A_201] : memref<32768xf32, #tpu.memory_space<vmem>>[vector<16xi32>], vector<16xf32>,
        %add3A_203 = arith.constant 4 : i32
        %add3A_204 = vector.broadcast %add3A_203 : i32 to vector<16xi32>
        %add3A_205 = arith.addi %add3A_187, %add3A_204 : vector<16xi32>
        %gather3A_206 = tpu.vector_load_idx %arg4[%add3A_205] : memref<32768xf32, #tpu.memory_space<vmem>>[vector<16xi32>], vector<16xf32>,
        %add3A_207 = arith.constant 5 : i32
        %add3A_208 = vector.broadcast %add3A_207 : i32 to vector<16xi32>
        %add3A_209 = arith.addi %add3A_187, %add3A_208 : vector<16xi32>
        %gather3A_210 = tpu.vector_load_idx %arg4[%add3A_209] : memref<32768xf32, #tpu.memory_space<vmem>>[vector<16xi32>], vector<16xf32>,
        %add3A_211 = arith.constant 6 : i32
        %add3A_212 = vector.broadcast %add3A_211 : i32 to vector<16xi32>
        %add3A_213 = arith.addi %add3A_187, %add3A_212 : vector<16xi32>
        %gather3A_214 = tpu.vector_load_idx %arg4[%add3A_213] : memref<32768xf32, #tpu.memory_space<vmem>>[vector<16xi32>], vector<16xf32>,
        %add3A_215 = arith.constant 7 : i32
        %add3A_216 = vector.broadcast %add3A_215 : i32 to vector<16xi32>
        %add3A_217 = arith.addi %add3A_187, %add3A_216 : vector<16xi32>
        %gather3A_218 = tpu.vector_load_idx %arg4[%add3A_217] : memref<32768xf32, #tpu.memory_space<vmem>>[vector<16xi32>], vector<16xf32>,
        %add3A_219 = arith.constant 8 : i32
        %add3A_220 = vector.broadcast %add3A_219 : i32 to vector<16xi32>
        %add3A_221 = arith.addi %add3A_187, %add3A_220 : vector<16xi32>
        %gather3A_222 = tpu.vector_load_idx %arg4[%add3A_221] : memref<32768xf32, #tpu.memory_space<vmem>>[vector<16xi32>], vector<16xf32>,
        %add3A_223 = arith.constant 9 : i32
        %add3A_224 = vector.broadcast %add3A_223 : i32 to vector<16xi32>
        %add3A_225 = arith.addi %add3A_187, %add3A_224 : vector<16xi32>
        %gather3A_226 = tpu.vector_load_idx %arg4[%add3A_225] : memref<32768xf32, #tpu.memory_space<vmem>>[vector<16xi32>], vector<16xf32>,
        %add3A_227 = arith.constant 10 : i32
        %add3A_228 = vector.broadcast %add3A_227 : i32 to vector<16xi32>
        %add3A_229 = arith.addi %add3A_187, %add3A_228 : vector<16xi32>
        %gather3A_230 = tpu.vector_load_idx %arg4[%add3A_229] : memref<32768xf32, #tpu.memory_space<vmem>>[vector<16xi32>], vector<16xf32>,
        %add3A_231 = arith.constant 11 : i32
        %add3A_232 = vector.broadcast %add3A_231 : i32 to vector<16xi32>
        %add3A_233 = arith.addi %add3A_187, %add3A_232 : vector<16xi32>
        %gather3A_234 = tpu.vector_load_idx %arg4[%add3A_233] : memref<32768xf32, #tpu.memory_space<vmem>>[vector<16xi32>], vector<16xf32>,
        %add3A_235 = arith.constant 12 : i32
        %add3A_236 = vector.broadcast %add3A_235 : i32 to vector<16xi32>
        %add3A_237 = arith.addi %add3A_187, %add3A_236 : vector<16xi32>
        %gather3A_238 = tpu.vector_load_idx %arg4[%add3A_237] : memref<32768xf32, #tpu.memory_space<vmem>>[vector<16xi32>], vector<16xf32>,
        %add3A_239 = arith.constant 13 : i32
        %add3A_240 = vector.broadcast %add3A_239 : i32 to vector<16xi32>
        %add3A_241 = arith.addi %add3A_187, %add3A_240 : vector<16xi32>
        %gather3A_242 = tpu.vector_load_idx %arg4[%add3A_241] : memref<32768xf32, #tpu.memory_space<vmem>>[vector<16xi32>], vector<16xf32>,
        %add3A_243 = arith.constant 14 : i32
        %add3A_244 = vector.broadcast %add3A_243 : i32 to vector<16xi32>
        %add3A_245 = arith.addi %add3A_187, %add3A_244 : vector<16xi32>
        %gather3A_246 = tpu.vector_load_idx %arg4[%add3A_245] : memref<32768xf32, #tpu.memory_space<vmem>>[vector<16xi32>], vector<16xf32>,
        %add3A_247 = arith.constant 15 : i32
        %add3A_248 = vector.broadcast %add3A_247 : i32 to vector<16xi32>
        %add3A_249 = arith.addi %add3A_187, %add3A_248 : vector<16xi32>
        %gather3A_250 = tpu.vector_load_idx %arg4[%add3A_249] : memref<32768xf32, #tpu.memory_space<vmem>>[vector<16xi32>], vector<16xf32>,
        %add3A_251 = arith.addf %scan3A_183, %gather3A : vector<16xf32>
        %add3A_252 = arith.constant 0 : i32
        %add3A_253 = vector.broadcast %add3A_252 : i32 to vector<16xi32>
        %add3A_254 = arith.addi %add3A_187, %add3A_253 : vector<16xi32>
        tpu.vector_store_idx %arg5[%add3A_254], %add3A_251 : memref<32768xf32, #tpu.memory_space<vmem>>[vector<16xi32>], vector<16xf32>,
        %add3A_255 = arith.addf %add3A_251, %gather3A_194 : vector<16xf32>
        %add3A_256 = arith.constant 1 : i32
        %add3A_257 = vector.broadcast %add3A_256 : i32 to vector<16xi32>
        %add3A_258 = arith.addi %add3A_187, %add3A_257 : vector<16xi32>
        tpu.vector_store_idx %arg5[%add3A_258], %add3A_255 : memref<32768xf32, #tpu.memory_space<vmem>>[vector<16xi32>], vector<16xf32>,
        %add3A_259 = arith.addf %add3A_255, %gather3A_198 : vector<16xf32>
        %add3A_260 = arith.constant 2 : i32
        %add3A_261 = vector.broadcast %add3A_260 : i32 to vector<16xi32>
        %add3A_262 = arith.addi %add3A_187, %add3A_261 : vector<16xi32>
        tpu.vector_store_idx %arg5[%add3A_262], %add3A_259 : memref<32768xf32, #tpu.memory_space<vmem>>[vector<16xi32>], vector<16xf32>,
        %add3A_263 = arith.addf %add3A_259, %gather3A_202 : vector<16xf32>
        %add3A_264 = arith.constant 3 : i32
        %add3A_265 = vector.broadcast %add3A_264 : i32 to vector<16xi32>
        %add3A_266 = arith.addi %add3A_187, %add3A_265 : vector<16xi32>
        tpu.vector_store_idx %arg5[%add3A_266], %add3A_263 : memref<32768xf32, #tpu.memory_space<vmem>>[vector<16xi32>], vector<16xf32>,
        %add3A_267 = arith.addf %add3A_263, %gather3A_206 : vector<16xf32>
        %add3A_268 = arith.constant 4 : i32
        %add3A_269 = vector.broadcast %add3A_268 : i32 to vector<16xi32>
        %add3A_270 = arith.addi %add3A_187, %add3A_269 : vector<16xi32>
        tpu.vector_store_idx %arg5[%add3A_270], %add3A_267 : memref<32768xf32, #tpu.memory_space<vmem>>[vector<16xi32>], vector<16xf32>,
        %add3A_271 = arith.addf %add3A_267, %gather3A_210 : vector<16xf32>
        %add3A_272 = arith.constant 5 : i32
        %add3A_273 = vector.broadcast %add3A_272 : i32 to vector<16xi32>
        %add3A_274 = arith.addi %add3A_187, %add3A_273 : vector<16xi32>
        tpu.vector_store_idx %arg5[%add3A_274], %add3A_271 : memref<32768xf32, #tpu.memory_space<vmem>>[vector<16xi32>], vector<16xf32>,
        %add3A_275 = arith.addf %add3A_271, %gather3A_214 : vector<16xf32>
        %add3A_276 = arith.constant 6 : i32
        %add3A_277 = vector.broadcast %add3A_276 : i32 to vector<16xi32>
        %add3A_278 = arith.addi %add3A_187, %add3A_277 : vector<16xi32>
        tpu.vector_store_idx %arg5[%add3A_278], %add3A_275 : memref<32768xf32, #tpu.memory_space<vmem>>[vector<16xi32>], vector<16xf32>,
        %add3A_279 = arith.addf %add3A_275, %gather3A_218 : vector<16xf32>
        %add3A_280 = arith.constant 7 : i32
        %add3A_281 = vector.broadcast %add3A_280 : i32 to vector<16xi32>
        %add3A_282 = arith.addi %add3A_187, %add3A_281 : vector<16xi32>
        tpu.vector_store_idx %arg5[%add3A_282], %add3A_279 : memref<32768xf32, #tpu.memory_space<vmem>>[vector<16xi32>], vector<16xf32>,
        %add3A_283 = arith.addf %add3A_279, %gather3A_222 : vector<16xf32>
        %add3A_284 = arith.constant 8 : i32
        %add3A_285 = vector.broadcast %add3A_284 : i32 to vector<16xi32>
        %add3A_286 = arith.addi %add3A_187, %add3A_285 : vector<16xi32>
        tpu.vector_store_idx %arg5[%add3A_286], %add3A_283 : memref<32768xf32, #tpu.memory_space<vmem>>[vector<16xi32>], vector<16xf32>,
        %add3A_287 = arith.addf %add3A_283, %gather3A_226 : vector<16xf32>
        %add3A_288 = arith.constant 9 : i32
        %add3A_289 = vector.broadcast %add3A_288 : i32 to vector<16xi32>
        %add3A_290 = arith.addi %add3A_187, %add3A_289 : vector<16xi32>
        tpu.vector_store_idx %arg5[%add3A_290], %add3A_287 : memref<32768xf32, #tpu.memory_space<vmem>>[vector<16xi32>], vector<16xf32>,
        %add3A_291 = arith.addf %add3A_287, %gather3A_230 : vector<16xf32>
        %add3A_292 = arith.constant 10 : i32
        %add3A_293 = vector.broadcast %add3A_292 : i32 to vector<16xi32>
        %add3A_294 = arith.addi %add3A_187, %add3A_293 : vector<16xi32>
        tpu.vector_store_idx %arg5[%add3A_294], %add3A_291 : memref<32768xf32, #tpu.memory_space<vmem>>[vector<16xi32>], vector<16xf32>,
        %add3A_295 = arith.addf %add3A_291, %gather3A_234 : vector<16xf32>
        %add3A_296 = arith.constant 11 : i32
        %add3A_297 = vector.broadcast %add3A_296 : i32 to vector<16xi32>
        %add3A_298 = arith.addi %add3A_187, %add3A_297 : vector<16xi32>
        tpu.vector_store_idx %arg5[%add3A_298], %add3A_295 : memref<32768xf32, #tpu.memory_space<vmem>>[vector<16xi32>], vector<16xf32>,
        %add3A_299 = arith.addf %add3A_295, %gather3A_238 : vector<16xf32>
        %add3A_300 = arith.constant 12 : i32
        %add3A_301 = vector.broadcast %add3A_300 : i32 to vector<16xi32>
        %add3A_302 = arith.addi %add3A_187, %add3A_301 : vector<16xi32>
        tpu.vector_store_idx %arg5[%add3A_302], %add3A_299 : memref<32768xf32, #tpu.memory_space<vmem>>[vector<16xi32>], vector<16xf32>,
        %add3A_303 = arith.addf %add3A_299, %gather3A_242 : vector<16xf32>
        %add3A_304 = arith.constant 13 : i32
        %add3A_305 = vector.broadcast %add3A_304 : i32 to vector<16xi32>
        %add3A_306 = arith.addi %add3A_187, %add3A_305 : vector<16xi32>
        tpu.vector_store_idx %arg5[%add3A_306], %add3A_303 : memref<32768xf32, #tpu.memory_space<vmem>>[vector<16xi32>], vector<16xf32>,
        %add3A_307 = arith.addf %add3A_303, %gather3A_246 : vector<16xf32>
        %add3A_308 = arith.constant 14 : i32
        %add3A_309 = vector.broadcast %add3A_308 : i32 to vector<16xi32>
        %add3A_310 = arith.addi %add3A_187, %add3A_309 : vector<16xi32>
        tpu.vector_store_idx %arg5[%add3A_310], %add3A_307 : memref<32768xf32, #tpu.memory_space<vmem>>[vector<16xi32>], vector<16xf32>,
        %add3A_311 = arith.addf %add3A_307, %gather3A_250 : vector<16xf32>
        %add3A_312 = arith.constant 15 : i32
        %add3A_313 = vector.broadcast %add3A_312 : i32 to vector<16xi32>
        %add3A_314 = arith.addi %add3A_187, %add3A_313 : vector<16xi32>
        tpu.vector_store_idx %arg5[%add3A_314], %add3A_311 : memref<32768xf32, #tpu.memory_space<vmem>>[vector<16xi32>], vector<16xf32>,
        scf.yield %add3A_311 : vector<16xf32>
      }
      %scan3A_76 = arith.constant 16 : i32
      %add3A_77 = arith.constant 12288 : i32
      %add3A_78 = vector.broadcast %add3A_77 : i32 to vector<16xi32>
      %add3A_79 = arith.addi %mul3A_7, %add3A_78 : vector<16xi32>
      %broadcast_in_dim3A_80 = arith.constant 0.000000e+00 : f32
      %broadcast_in_dim3A_81 = vector.broadcast %broadcast_in_dim3A_80 : f32 to vector<16xf32>
      %scan3A_82 = arith.constant 0 : i32
      %scan3A_83 = arith.constant 16 : i32
      %scan3A_84 = arith.addi %scan3A_82, %scan3A_83 : i32
      %scan3A_85 = arith.constant 1 : i32
      %scan3A_86 = scf.for %scan3A_182 = %scan3A_82 to %scan3A_84 step %scan3A_85 iter_args(%scan3A_183 = %broadcast_in_dim3A_81) -> (vector<16xf32>)  : i32 {
        %mul3A_184 = arith.constant 16 : i32
        %mul3A_185 = arith.muli %scan3A_182, %mul3A_184 : i32
        %add3A_186 = vector.broadcast %mul3A_185 : i32 to vector<16xi32>
        %add3A_187 = arith.addi %add3A_79, %add3A_186 : vector<16xi32>
        %add3A_188 = arith.constant 0 : i32
        %add3A_189 = vector.broadcast %add3A_188 : i32 to vector<16xi32>
        %add3A_190 = arith.addi %add3A_187, %add3A_189 : vector<16xi32>
        %gather3A = tpu.vector_load_idx %arg4[%add3A_190] : memref<32768xf32, #tpu.memory_space<vmem>>[vector<16xi32>], vector<16xf32>,
        %add3A_191 = arith.constant 1 : i32
        %add3A_192 = vector.broadcast %add3A_191 : i32 to vector<16xi32>
        %add3A_193 = arith.addi %add3A_187, %add3A_192 : vector<16xi32>
        %gather3A_194 = tpu.vector_load_idx %arg4[%add3A_193] : memref<32768xf32, #tpu.memory_space<vmem>>[vector<16xi32>], vector<16xf32>,
        %add3A_195 = arith.constant 2 : i32
        %add3A_196 = vector.broadcast %add3A_195 : i32 to vector<16xi32>
        %add3A_197 = arith.addi %add3A_187, %add3A_196 : vector<16xi32>
        %gather3A_198 = tpu.vector_load_idx %arg4[%add3A_197] : memref<32768xf32, #tpu.memory_space<vmem>>[vector<16xi32>], vector<16xf32>,
        %add3A_199 = arith.constant 3 : i32
        %add3A_200 = vector.broadcast %add3A_199 : i32 to vector<16xi32>
        %add3A_201 = arith.addi %add3A_187, %add3A_200 : vector<16xi32>
        %gather3A_202 = tpu.vector_load_idx %arg4[%add3A_201] : memref<32768xf32, #tpu.memory_space<vmem>>[vector<16xi32>], vector<16xf32>,
        %add3A_203 = arith.constant 4 : i32
        %add3A_204 = vector.broadcast %add3A_203 : i32 to vector<16xi32>
        %add3A_205 = arith.addi %add3A_187, %add3A_204 : vector<16xi32>
        %gather3A_206 = tpu.vector_load_idx %arg4[%add3A_205] : memref<32768xf32, #tpu.memory_space<vmem>>[vector<16xi32>], vector<16xf32>,
        %add3A_207 = arith.constant 5 : i32
        %add3A_208 = vector.broadcast %add3A_207 : i32 to vector<16xi32>
        %add3A_209 = arith.addi %add3A_187, %add3A_208 : vector<16xi32>
        %gather3A_210 = tpu.vector_load_idx %arg4[%add3A_209] : memref<32768xf32, #tpu.memory_space<vmem>>[vector<16xi32>], vector<16xf32>,
        %add3A_211 = arith.constant 6 : i32
        %add3A_212 = vector.broadcast %add3A_211 : i32 to vector<16xi32>
        %add3A_213 = arith.addi %add3A_187, %add3A_212 : vector<16xi32>
        %gather3A_214 = tpu.vector_load_idx %arg4[%add3A_213] : memref<32768xf32, #tpu.memory_space<vmem>>[vector<16xi32>], vector<16xf32>,
        %add3A_215 = arith.constant 7 : i32
        %add3A_216 = vector.broadcast %add3A_215 : i32 to vector<16xi32>
        %add3A_217 = arith.addi %add3A_187, %add3A_216 : vector<16xi32>
        %gather3A_218 = tpu.vector_load_idx %arg4[%add3A_217] : memref<32768xf32, #tpu.memory_space<vmem>>[vector<16xi32>], vector<16xf32>,
        %add3A_219 = arith.constant 8 : i32
        %add3A_220 = vector.broadcast %add3A_219 : i32 to vector<16xi32>
        %add3A_221 = arith.addi %add3A_187, %add3A_220 : vector<16xi32>
        %gather3A_222 = tpu.vector_load_idx %arg4[%add3A_221] : memref<32768xf32, #tpu.memory_space<vmem>>[vector<16xi32>], vector<16xf32>,
        %add3A_223 = arith.constant 9 : i32
        %add3A_224 = vector.broadcast %add3A_223 : i32 to vector<16xi32>
        %add3A_225 = arith.addi %add3A_187, %add3A_224 : vector<16xi32>
        %gather3A_226 = tpu.vector_load_idx %arg4[%add3A_225] : memref<32768xf32, #tpu.memory_space<vmem>>[vector<16xi32>], vector<16xf32>,
        %add3A_227 = arith.constant 10 : i32
        %add3A_228 = vector.broadcast %add3A_227 : i32 to vector<16xi32>
        %add3A_229 = arith.addi %add3A_187, %add3A_228 : vector<16xi32>
        %gather3A_230 = tpu.vector_load_idx %arg4[%add3A_229] : memref<32768xf32, #tpu.memory_space<vmem>>[vector<16xi32>], vector<16xf32>,
        %add3A_231 = arith.constant 11 : i32
        %add3A_232 = vector.broadcast %add3A_231 : i32 to vector<16xi32>
        %add3A_233 = arith.addi %add3A_187, %add3A_232 : vector<16xi32>
        %gather3A_234 = tpu.vector_load_idx %arg4[%add3A_233] : memref<32768xf32, #tpu.memory_space<vmem>>[vector<16xi32>], vector<16xf32>,
        %add3A_235 = arith.constant 12 : i32
        %add3A_236 = vector.broadcast %add3A_235 : i32 to vector<16xi32>
        %add3A_237 = arith.addi %add3A_187, %add3A_236 : vector<16xi32>
        %gather3A_238 = tpu.vector_load_idx %arg4[%add3A_237] : memref<32768xf32, #tpu.memory_space<vmem>>[vector<16xi32>], vector<16xf32>,
        %add3A_239 = arith.constant 13 : i32
        %add3A_240 = vector.broadcast %add3A_239 : i32 to vector<16xi32>
        %add3A_241 = arith.addi %add3A_187, %add3A_240 : vector<16xi32>
        %gather3A_242 = tpu.vector_load_idx %arg4[%add3A_241] : memref<32768xf32, #tpu.memory_space<vmem>>[vector<16xi32>], vector<16xf32>,
        %add3A_243 = arith.constant 14 : i32
        %add3A_244 = vector.broadcast %add3A_243 : i32 to vector<16xi32>
        %add3A_245 = arith.addi %add3A_187, %add3A_244 : vector<16xi32>
        %gather3A_246 = tpu.vector_load_idx %arg4[%add3A_245] : memref<32768xf32, #tpu.memory_space<vmem>>[vector<16xi32>], vector<16xf32>,
        %add3A_247 = arith.constant 15 : i32
        %add3A_248 = vector.broadcast %add3A_247 : i32 to vector<16xi32>
        %add3A_249 = arith.addi %add3A_187, %add3A_248 : vector<16xi32>
        %gather3A_250 = tpu.vector_load_idx %arg4[%add3A_249] : memref<32768xf32, #tpu.memory_space<vmem>>[vector<16xi32>], vector<16xf32>,
        %add3A_251 = arith.addf %gather3A, %gather3A_194 : vector<16xf32>
        %add3A_252 = arith.addf %gather3A_198, %gather3A_202 : vector<16xf32>
        %add3A_253 = arith.addf %gather3A_206, %gather3A_210 : vector<16xf32>
        %add3A_254 = arith.addf %gather3A_214, %gather3A_218 : vector<16xf32>
        %add3A_255 = arith.addf %gather3A_222, %gather3A_226 : vector<16xf32>
        %add3A_256 = arith.addf %gather3A_230, %gather3A_234 : vector<16xf32>
        %add3A_257 = arith.addf %gather3A_238, %gather3A_242 : vector<16xf32>
        %add3A_258 = arith.addf %gather3A_246, %gather3A_250 : vector<16xf32>
        %add3A_259 = arith.addf %add3A_251, %add3A_252 : vector<16xf32>
        %add3A_260 = arith.addf %add3A_253, %add3A_254 : vector<16xf32>
        %add3A_261 = arith.addf %add3A_255, %add3A_256 : vector<16xf32>
        %add3A_262 = arith.addf %add3A_257, %add3A_258 : vector<16xf32>
        %add3A_263 = arith.addf %add3A_259, %add3A_260 : vector<16xf32>
        %add3A_264 = arith.addf %add3A_261, %add3A_262 : vector<16xf32>
        %add3A_265 = arith.addf %add3A_263, %add3A_264 : vector<16xf32>
        %add3A_266 = arith.addf %scan3A_183, %add3A_265 : vector<16xf32>
        scf.yield %add3A_266 : vector<16xf32>
      }
      %scan3A_87 = arith.constant 16 : i32
      %broadcast_in_dim3A_88 = arith.constant true
      %broadcast_in_dim3A_89 = vector.broadcast %broadcast_in_dim3A_88 : i1 to vector<16xi1>
      %masked_cumsum3A_90 = tpu.scan <sum>, %scan3A_86 masked %broadcast_in_dim3A_89 : vector<16xf32>, vector<16xi1> -> vector<16xf32>
      %sub3A_91 = arith.subf %masked_cumsum3A_90, %scan3A_86 : vector<16xf32>
      %scan3A_92 = arith.constant 0 : i32
      %scan3A_93 = arith.constant 16 : i32
      %scan3A_94 = arith.addi %scan3A_92, %scan3A_93 : i32
      %scan3A_95 = arith.constant 1 : i32
      %scan3A_96 = scf.for %scan3A_182 = %scan3A_92 to %scan3A_94 step %scan3A_95 iter_args(%scan3A_183 = %sub3A_91) -> (vector<16xf32>)  : i32 {
        %mul3A_184 = arith.constant 16 : i32
        %mul3A_185 = arith.muli %scan3A_182, %mul3A_184 : i32
        %add3A_186 = vector.broadcast %mul3A_185 : i32 to vector<16xi32>
        %add3A_187 = arith.addi %add3A_79, %add3A_186 : vector<16xi32>
        %add3A_188 = arith.constant 0 : i32
        %add3A_189 = vector.broadcast %add3A_188 : i32 to vector<16xi32>
        %add3A_190 = arith.addi %add3A_187, %add3A_189 : vector<16xi32>
        %gather3A = tpu.vector_load_idx %arg4[%add3A_190] : memref<32768xf32, #tpu.memory_space<vmem>>[vector<16xi32>], vector<16xf32>,
        %add3A_191 = arith.constant 1 : i32
        %add3A_192 = vector.broadcast %add3A_191 : i32 to vector<16xi32>
        %add3A_193 = arith.addi %add3A_187, %add3A_192 : vector<16xi32>
        %gather3A_194 = tpu.vector_load_idx %arg4[%add3A_193] : memref<32768xf32, #tpu.memory_space<vmem>>[vector<16xi32>], vector<16xf32>,
        %add3A_195 = arith.constant 2 : i32
        %add3A_196 = vector.broadcast %add3A_195 : i32 to vector<16xi32>
        %add3A_197 = arith.addi %add3A_187, %add3A_196 : vector<16xi32>
        %gather3A_198 = tpu.vector_load_idx %arg4[%add3A_197] : memref<32768xf32, #tpu.memory_space<vmem>>[vector<16xi32>], vector<16xf32>,
        %add3A_199 = arith.constant 3 : i32
        %add3A_200 = vector.broadcast %add3A_199 : i32 to vector<16xi32>
        %add3A_201 = arith.addi %add3A_187, %add3A_200 : vector<16xi32>
        %gather3A_202 = tpu.vector_load_idx %arg4[%add3A_201] : memref<32768xf32, #tpu.memory_space<vmem>>[vector<16xi32>], vector<16xf32>,
        %add3A_203 = arith.constant 4 : i32
        %add3A_204 = vector.broadcast %add3A_203 : i32 to vector<16xi32>
        %add3A_205 = arith.addi %add3A_187, %add3A_204 : vector<16xi32>
        %gather3A_206 = tpu.vector_load_idx %arg4[%add3A_205] : memref<32768xf32, #tpu.memory_space<vmem>>[vector<16xi32>], vector<16xf32>,
        %add3A_207 = arith.constant 5 : i32
        %add3A_208 = vector.broadcast %add3A_207 : i32 to vector<16xi32>
        %add3A_209 = arith.addi %add3A_187, %add3A_208 : vector<16xi32>
        %gather3A_210 = tpu.vector_load_idx %arg4[%add3A_209] : memref<32768xf32, #tpu.memory_space<vmem>>[vector<16xi32>], vector<16xf32>,
        %add3A_211 = arith.constant 6 : i32
        %add3A_212 = vector.broadcast %add3A_211 : i32 to vector<16xi32>
        %add3A_213 = arith.addi %add3A_187, %add3A_212 : vector<16xi32>
        %gather3A_214 = tpu.vector_load_idx %arg4[%add3A_213] : memref<32768xf32, #tpu.memory_space<vmem>>[vector<16xi32>], vector<16xf32>,
        %add3A_215 = arith.constant 7 : i32
        %add3A_216 = vector.broadcast %add3A_215 : i32 to vector<16xi32>
        %add3A_217 = arith.addi %add3A_187, %add3A_216 : vector<16xi32>
        %gather3A_218 = tpu.vector_load_idx %arg4[%add3A_217] : memref<32768xf32, #tpu.memory_space<vmem>>[vector<16xi32>], vector<16xf32>,
        %add3A_219 = arith.constant 8 : i32
        %add3A_220 = vector.broadcast %add3A_219 : i32 to vector<16xi32>
        %add3A_221 = arith.addi %add3A_187, %add3A_220 : vector<16xi32>
        %gather3A_222 = tpu.vector_load_idx %arg4[%add3A_221] : memref<32768xf32, #tpu.memory_space<vmem>>[vector<16xi32>], vector<16xf32>,
        %add3A_223 = arith.constant 9 : i32
        %add3A_224 = vector.broadcast %add3A_223 : i32 to vector<16xi32>
        %add3A_225 = arith.addi %add3A_187, %add3A_224 : vector<16xi32>
        %gather3A_226 = tpu.vector_load_idx %arg4[%add3A_225] : memref<32768xf32, #tpu.memory_space<vmem>>[vector<16xi32>], vector<16xf32>,
        %add3A_227 = arith.constant 10 : i32
        %add3A_228 = vector.broadcast %add3A_227 : i32 to vector<16xi32>
        %add3A_229 = arith.addi %add3A_187, %add3A_228 : vector<16xi32>
        %gather3A_230 = tpu.vector_load_idx %arg4[%add3A_229] : memref<32768xf32, #tpu.memory_space<vmem>>[vector<16xi32>], vector<16xf32>,
        %add3A_231 = arith.constant 11 : i32
        %add3A_232 = vector.broadcast %add3A_231 : i32 to vector<16xi32>
        %add3A_233 = arith.addi %add3A_187, %add3A_232 : vector<16xi32>
        %gather3A_234 = tpu.vector_load_idx %arg4[%add3A_233] : memref<32768xf32, #tpu.memory_space<vmem>>[vector<16xi32>], vector<16xf32>,
        %add3A_235 = arith.constant 12 : i32
        %add3A_236 = vector.broadcast %add3A_235 : i32 to vector<16xi32>
        %add3A_237 = arith.addi %add3A_187, %add3A_236 : vector<16xi32>
        %gather3A_238 = tpu.vector_load_idx %arg4[%add3A_237] : memref<32768xf32, #tpu.memory_space<vmem>>[vector<16xi32>], vector<16xf32>,
        %add3A_239 = arith.constant 13 : i32
        %add3A_240 = vector.broadcast %add3A_239 : i32 to vector<16xi32>
        %add3A_241 = arith.addi %add3A_187, %add3A_240 : vector<16xi32>
        %gather3A_242 = tpu.vector_load_idx %arg4[%add3A_241] : memref<32768xf32, #tpu.memory_space<vmem>>[vector<16xi32>], vector<16xf32>,
        %add3A_243 = arith.constant 14 : i32
        %add3A_244 = vector.broadcast %add3A_243 : i32 to vector<16xi32>
        %add3A_245 = arith.addi %add3A_187, %add3A_244 : vector<16xi32>
        %gather3A_246 = tpu.vector_load_idx %arg4[%add3A_245] : memref<32768xf32, #tpu.memory_space<vmem>>[vector<16xi32>], vector<16xf32>,
        %add3A_247 = arith.constant 15 : i32
        %add3A_248 = vector.broadcast %add3A_247 : i32 to vector<16xi32>
        %add3A_249 = arith.addi %add3A_187, %add3A_248 : vector<16xi32>
        %gather3A_250 = tpu.vector_load_idx %arg4[%add3A_249] : memref<32768xf32, #tpu.memory_space<vmem>>[vector<16xi32>], vector<16xf32>,
        %add3A_251 = arith.addf %scan3A_183, %gather3A : vector<16xf32>
        %add3A_252 = arith.constant 0 : i32
        %add3A_253 = vector.broadcast %add3A_252 : i32 to vector<16xi32>
        %add3A_254 = arith.addi %add3A_187, %add3A_253 : vector<16xi32>
        tpu.vector_store_idx %arg5[%add3A_254], %add3A_251 : memref<32768xf32, #tpu.memory_space<vmem>>[vector<16xi32>], vector<16xf32>,
        %add3A_255 = arith.addf %add3A_251, %gather3A_194 : vector<16xf32>
        %add3A_256 = arith.constant 1 : i32
        %add3A_257 = vector.broadcast %add3A_256 : i32 to vector<16xi32>
        %add3A_258 = arith.addi %add3A_187, %add3A_257 : vector<16xi32>
        tpu.vector_store_idx %arg5[%add3A_258], %add3A_255 : memref<32768xf32, #tpu.memory_space<vmem>>[vector<16xi32>], vector<16xf32>,
        %add3A_259 = arith.addf %add3A_255, %gather3A_198 : vector<16xf32>
        %add3A_260 = arith.constant 2 : i32
        %add3A_261 = vector.broadcast %add3A_260 : i32 to vector<16xi32>
        %add3A_262 = arith.addi %add3A_187, %add3A_261 : vector<16xi32>
        tpu.vector_store_idx %arg5[%add3A_262], %add3A_259 : memref<32768xf32, #tpu.memory_space<vmem>>[vector<16xi32>], vector<16xf32>,
        %add3A_263 = arith.addf %add3A_259, %gather3A_202 : vector<16xf32>
        %add3A_264 = arith.constant 3 : i32
        %add3A_265 = vector.broadcast %add3A_264 : i32 to vector<16xi32>
        %add3A_266 = arith.addi %add3A_187, %add3A_265 : vector<16xi32>
        tpu.vector_store_idx %arg5[%add3A_266], %add3A_263 : memref<32768xf32, #tpu.memory_space<vmem>>[vector<16xi32>], vector<16xf32>,
        %add3A_267 = arith.addf %add3A_263, %gather3A_206 : vector<16xf32>
        %add3A_268 = arith.constant 4 : i32
        %add3A_269 = vector.broadcast %add3A_268 : i32 to vector<16xi32>
        %add3A_270 = arith.addi %add3A_187, %add3A_269 : vector<16xi32>
        tpu.vector_store_idx %arg5[%add3A_270], %add3A_267 : memref<32768xf32, #tpu.memory_space<vmem>>[vector<16xi32>], vector<16xf32>,
        %add3A_271 = arith.addf %add3A_267, %gather3A_210 : vector<16xf32>
        %add3A_272 = arith.constant 5 : i32
        %add3A_273 = vector.broadcast %add3A_272 : i32 to vector<16xi32>
        %add3A_274 = arith.addi %add3A_187, %add3A_273 : vector<16xi32>
        tpu.vector_store_idx %arg5[%add3A_274], %add3A_271 : memref<32768xf32, #tpu.memory_space<vmem>>[vector<16xi32>], vector<16xf32>,
        %add3A_275 = arith.addf %add3A_271, %gather3A_214 : vector<16xf32>
        %add3A_276 = arith.constant 6 : i32
        %add3A_277 = vector.broadcast %add3A_276 : i32 to vector<16xi32>
        %add3A_278 = arith.addi %add3A_187, %add3A_277 : vector<16xi32>
        tpu.vector_store_idx %arg5[%add3A_278], %add3A_275 : memref<32768xf32, #tpu.memory_space<vmem>>[vector<16xi32>], vector<16xf32>,
        %add3A_279 = arith.addf %add3A_275, %gather3A_218 : vector<16xf32>
        %add3A_280 = arith.constant 7 : i32
        %add3A_281 = vector.broadcast %add3A_280 : i32 to vector<16xi32>
        %add3A_282 = arith.addi %add3A_187, %add3A_281 : vector<16xi32>
        tpu.vector_store_idx %arg5[%add3A_282], %add3A_279 : memref<32768xf32, #tpu.memory_space<vmem>>[vector<16xi32>], vector<16xf32>,
        %add3A_283 = arith.addf %add3A_279, %gather3A_222 : vector<16xf32>
        %add3A_284 = arith.constant 8 : i32
        %add3A_285 = vector.broadcast %add3A_284 : i32 to vector<16xi32>
        %add3A_286 = arith.addi %add3A_187, %add3A_285 : vector<16xi32>
        tpu.vector_store_idx %arg5[%add3A_286], %add3A_283 : memref<32768xf32, #tpu.memory_space<vmem>>[vector<16xi32>], vector<16xf32>,
        %add3A_287 = arith.addf %add3A_283, %gather3A_226 : vector<16xf32>
        %add3A_288 = arith.constant 9 : i32
        %add3A_289 = vector.broadcast %add3A_288 : i32 to vector<16xi32>
        %add3A_290 = arith.addi %add3A_187, %add3A_289 : vector<16xi32>
        tpu.vector_store_idx %arg5[%add3A_290], %add3A_287 : memref<32768xf32, #tpu.memory_space<vmem>>[vector<16xi32>], vector<16xf32>,
        %add3A_291 = arith.addf %add3A_287, %gather3A_230 : vector<16xf32>
        %add3A_292 = arith.constant 10 : i32
        %add3A_293 = vector.broadcast %add3A_292 : i32 to vector<16xi32>
        %add3A_294 = arith.addi %add3A_187, %add3A_293 : vector<16xi32>
        tpu.vector_store_idx %arg5[%add3A_294], %add3A_291 : memref<32768xf32, #tpu.memory_space<vmem>>[vector<16xi32>], vector<16xf32>,
        %add3A_295 = arith.addf %add3A_291, %gather3A_234 : vector<16xf32>
        %add3A_296 = arith.constant 11 : i32
        %add3A_297 = vector.broadcast %add3A_296 : i32 to vector<16xi32>
        %add3A_298 = arith.addi %add3A_187, %add3A_297 : vector<16xi32>
        tpu.vector_store_idx %arg5[%add3A_298], %add3A_295 : memref<32768xf32, #tpu.memory_space<vmem>>[vector<16xi32>], vector<16xf32>,
        %add3A_299 = arith.addf %add3A_295, %gather3A_238 : vector<16xf32>
        %add3A_300 = arith.constant 12 : i32
        %add3A_301 = vector.broadcast %add3A_300 : i32 to vector<16xi32>
        %add3A_302 = arith.addi %add3A_187, %add3A_301 : vector<16xi32>
        tpu.vector_store_idx %arg5[%add3A_302], %add3A_299 : memref<32768xf32, #tpu.memory_space<vmem>>[vector<16xi32>], vector<16xf32>,
        %add3A_303 = arith.addf %add3A_299, %gather3A_242 : vector<16xf32>
        %add3A_304 = arith.constant 13 : i32
        %add3A_305 = vector.broadcast %add3A_304 : i32 to vector<16xi32>
        %add3A_306 = arith.addi %add3A_187, %add3A_305 : vector<16xi32>
        tpu.vector_store_idx %arg5[%add3A_306], %add3A_303 : memref<32768xf32, #tpu.memory_space<vmem>>[vector<16xi32>], vector<16xf32>,
        %add3A_307 = arith.addf %add3A_303, %gather3A_246 : vector<16xf32>
        %add3A_308 = arith.constant 14 : i32
        %add3A_309 = vector.broadcast %add3A_308 : i32 to vector<16xi32>
        %add3A_310 = arith.addi %add3A_187, %add3A_309 : vector<16xi32>
        tpu.vector_store_idx %arg5[%add3A_310], %add3A_307 : memref<32768xf32, #tpu.memory_space<vmem>>[vector<16xi32>], vector<16xf32>,
        %add3A_311 = arith.addf %add3A_307, %gather3A_250 : vector<16xf32>
        %add3A_312 = arith.constant 15 : i32
        %add3A_313 = vector.broadcast %add3A_312 : i32 to vector<16xi32>
        %add3A_314 = arith.addi %add3A_187, %add3A_313 : vector<16xi32>
        tpu.vector_store_idx %arg5[%add3A_314], %add3A_311 : memref<32768xf32, #tpu.memory_space<vmem>>[vector<16xi32>], vector<16xf32>,
        scf.yield %add3A_311 : vector<16xf32>
      }
      %scan3A_97 = arith.constant 16 : i32
      %add3A_98 = arith.constant 16384 : i32
      %add3A_99 = vector.broadcast %add3A_98 : i32 to vector<16xi32>
      %add3A_100 = arith.addi %mul3A_7, %add3A_99 : vector<16xi32>
      %broadcast_in_dim3A_101 = arith.constant 0.000000e+00 : f32
      %broadcast_in_dim3A_102 = vector.broadcast %broadcast_in_dim3A_101 : f32 to vector<16xf32>
      %scan3A_103 = arith.constant 0 : i32
      %scan3A_104 = arith.constant 16 : i32
      %scan3A_105 = arith.addi %scan3A_103, %scan3A_104 : i32
      %scan3A_106 = arith.constant 1 : i32
      %scan3A_107 = scf.for %scan3A_182 = %scan3A_103 to %scan3A_105 step %scan3A_106 iter_args(%scan3A_183 = %broadcast_in_dim3A_102) -> (vector<16xf32>)  : i32 {
        %mul3A_184 = arith.constant 16 : i32
        %mul3A_185 = arith.muli %scan3A_182, %mul3A_184 : i32
        %add3A_186 = vector.broadcast %mul3A_185 : i32 to vector<16xi32>
        %add3A_187 = arith.addi %add3A_100, %add3A_186 : vector<16xi32>
        %add3A_188 = arith.constant 0 : i32
        %add3A_189 = vector.broadcast %add3A_188 : i32 to vector<16xi32>
        %add3A_190 = arith.addi %add3A_187, %add3A_189 : vector<16xi32>
        %gather3A = tpu.vector_load_idx %arg4[%add3A_190] : memref<32768xf32, #tpu.memory_space<vmem>>[vector<16xi32>], vector<16xf32>,
        %add3A_191 = arith.constant 1 : i32
        %add3A_192 = vector.broadcast %add3A_191 : i32 to vector<16xi32>
        %add3A_193 = arith.addi %add3A_187, %add3A_192 : vector<16xi32>
        %gather3A_194 = tpu.vector_load_idx %arg4[%add3A_193] : memref<32768xf32, #tpu.memory_space<vmem>>[vector<16xi32>], vector<16xf32>,
        %add3A_195 = arith.constant 2 : i32
        %add3A_196 = vector.broadcast %add3A_195 : i32 to vector<16xi32>
        %add3A_197 = arith.addi %add3A_187, %add3A_196 : vector<16xi32>
        %gather3A_198 = tpu.vector_load_idx %arg4[%add3A_197] : memref<32768xf32, #tpu.memory_space<vmem>>[vector<16xi32>], vector<16xf32>,
        %add3A_199 = arith.constant 3 : i32
        %add3A_200 = vector.broadcast %add3A_199 : i32 to vector<16xi32>
        %add3A_201 = arith.addi %add3A_187, %add3A_200 : vector<16xi32>
        %gather3A_202 = tpu.vector_load_idx %arg4[%add3A_201] : memref<32768xf32, #tpu.memory_space<vmem>>[vector<16xi32>], vector<16xf32>,
        %add3A_203 = arith.constant 4 : i32
        %add3A_204 = vector.broadcast %add3A_203 : i32 to vector<16xi32>
        %add3A_205 = arith.addi %add3A_187, %add3A_204 : vector<16xi32>
        %gather3A_206 = tpu.vector_load_idx %arg4[%add3A_205] : memref<32768xf32, #tpu.memory_space<vmem>>[vector<16xi32>], vector<16xf32>,
        %add3A_207 = arith.constant 5 : i32
        %add3A_208 = vector.broadcast %add3A_207 : i32 to vector<16xi32>
        %add3A_209 = arith.addi %add3A_187, %add3A_208 : vector<16xi32>
        %gather3A_210 = tpu.vector_load_idx %arg4[%add3A_209] : memref<32768xf32, #tpu.memory_space<vmem>>[vector<16xi32>], vector<16xf32>,
        %add3A_211 = arith.constant 6 : i32
        %add3A_212 = vector.broadcast %add3A_211 : i32 to vector<16xi32>
        %add3A_213 = arith.addi %add3A_187, %add3A_212 : vector<16xi32>
        %gather3A_214 = tpu.vector_load_idx %arg4[%add3A_213] : memref<32768xf32, #tpu.memory_space<vmem>>[vector<16xi32>], vector<16xf32>,
        %add3A_215 = arith.constant 7 : i32
        %add3A_216 = vector.broadcast %add3A_215 : i32 to vector<16xi32>
        %add3A_217 = arith.addi %add3A_187, %add3A_216 : vector<16xi32>
        %gather3A_218 = tpu.vector_load_idx %arg4[%add3A_217] : memref<32768xf32, #tpu.memory_space<vmem>>[vector<16xi32>], vector<16xf32>,
        %add3A_219 = arith.constant 8 : i32
        %add3A_220 = vector.broadcast %add3A_219 : i32 to vector<16xi32>
        %add3A_221 = arith.addi %add3A_187, %add3A_220 : vector<16xi32>
        %gather3A_222 = tpu.vector_load_idx %arg4[%add3A_221] : memref<32768xf32, #tpu.memory_space<vmem>>[vector<16xi32>], vector<16xf32>,
        %add3A_223 = arith.constant 9 : i32
        %add3A_224 = vector.broadcast %add3A_223 : i32 to vector<16xi32>
        %add3A_225 = arith.addi %add3A_187, %add3A_224 : vector<16xi32>
        %gather3A_226 = tpu.vector_load_idx %arg4[%add3A_225] : memref<32768xf32, #tpu.memory_space<vmem>>[vector<16xi32>], vector<16xf32>,
        %add3A_227 = arith.constant 10 : i32
        %add3A_228 = vector.broadcast %add3A_227 : i32 to vector<16xi32>
        %add3A_229 = arith.addi %add3A_187, %add3A_228 : vector<16xi32>
        %gather3A_230 = tpu.vector_load_idx %arg4[%add3A_229] : memref<32768xf32, #tpu.memory_space<vmem>>[vector<16xi32>], vector<16xf32>,
        %add3A_231 = arith.constant 11 : i32
        %add3A_232 = vector.broadcast %add3A_231 : i32 to vector<16xi32>
        %add3A_233 = arith.addi %add3A_187, %add3A_232 : vector<16xi32>
        %gather3A_234 = tpu.vector_load_idx %arg4[%add3A_233] : memref<32768xf32, #tpu.memory_space<vmem>>[vector<16xi32>], vector<16xf32>,
        %add3A_235 = arith.constant 12 : i32
        %add3A_236 = vector.broadcast %add3A_235 : i32 to vector<16xi32>
        %add3A_237 = arith.addi %add3A_187, %add3A_236 : vector<16xi32>
        %gather3A_238 = tpu.vector_load_idx %arg4[%add3A_237] : memref<32768xf32, #tpu.memory_space<vmem>>[vector<16xi32>], vector<16xf32>,
        %add3A_239 = arith.constant 13 : i32
        %add3A_240 = vector.broadcast %add3A_239 : i32 to vector<16xi32>
        %add3A_241 = arith.addi %add3A_187, %add3A_240 : vector<16xi32>
        %gather3A_242 = tpu.vector_load_idx %arg4[%add3A_241] : memref<32768xf32, #tpu.memory_space<vmem>>[vector<16xi32>], vector<16xf32>,
        %add3A_243 = arith.constant 14 : i32
        %add3A_244 = vector.broadcast %add3A_243 : i32 to vector<16xi32>
        %add3A_245 = arith.addi %add3A_187, %add3A_244 : vector<16xi32>
        %gather3A_246 = tpu.vector_load_idx %arg4[%add3A_245] : memref<32768xf32, #tpu.memory_space<vmem>>[vector<16xi32>], vector<16xf32>,
        %add3A_247 = arith.constant 15 : i32
        %add3A_248 = vector.broadcast %add3A_247 : i32 to vector<16xi32>
        %add3A_249 = arith.addi %add3A_187, %add3A_248 : vector<16xi32>
        %gather3A_250 = tpu.vector_load_idx %arg4[%add3A_249] : memref<32768xf32, #tpu.memory_space<vmem>>[vector<16xi32>], vector<16xf32>,
        %add3A_251 = arith.addf %gather3A, %gather3A_194 : vector<16xf32>
        %add3A_252 = arith.addf %gather3A_198, %gather3A_202 : vector<16xf32>
        %add3A_253 = arith.addf %gather3A_206, %gather3A_210 : vector<16xf32>
        %add3A_254 = arith.addf %gather3A_214, %gather3A_218 : vector<16xf32>
        %add3A_255 = arith.addf %gather3A_222, %gather3A_226 : vector<16xf32>
        %add3A_256 = arith.addf %gather3A_230, %gather3A_234 : vector<16xf32>
        %add3A_257 = arith.addf %gather3A_238, %gather3A_242 : vector<16xf32>
        %add3A_258 = arith.addf %gather3A_246, %gather3A_250 : vector<16xf32>
        %add3A_259 = arith.addf %add3A_251, %add3A_252 : vector<16xf32>
        %add3A_260 = arith.addf %add3A_253, %add3A_254 : vector<16xf32>
        %add3A_261 = arith.addf %add3A_255, %add3A_256 : vector<16xf32>
        %add3A_262 = arith.addf %add3A_257, %add3A_258 : vector<16xf32>
        %add3A_263 = arith.addf %add3A_259, %add3A_260 : vector<16xf32>
        %add3A_264 = arith.addf %add3A_261, %add3A_262 : vector<16xf32>
        %add3A_265 = arith.addf %add3A_263, %add3A_264 : vector<16xf32>
        %add3A_266 = arith.addf %scan3A_183, %add3A_265 : vector<16xf32>
        scf.yield %add3A_266 : vector<16xf32>
      }
      %scan3A_108 = arith.constant 16 : i32
      %broadcast_in_dim3A_109 = arith.constant true
      %broadcast_in_dim3A_110 = vector.broadcast %broadcast_in_dim3A_109 : i1 to vector<16xi1>
      %masked_cumsum3A_111 = tpu.scan <sum>, %scan3A_107 masked %broadcast_in_dim3A_110 : vector<16xf32>, vector<16xi1> -> vector<16xf32>
      %sub3A_112 = arith.subf %masked_cumsum3A_111, %scan3A_107 : vector<16xf32>
      %scan3A_113 = arith.constant 0 : i32
      %scan3A_114 = arith.constant 16 : i32
      %scan3A_115 = arith.addi %scan3A_113, %scan3A_114 : i32
      %scan3A_116 = arith.constant 1 : i32
      %scan3A_117 = scf.for %scan3A_182 = %scan3A_113 to %scan3A_115 step %scan3A_116 iter_args(%scan3A_183 = %sub3A_112) -> (vector<16xf32>)  : i32 {
        %mul3A_184 = arith.constant 16 : i32
        %mul3A_185 = arith.muli %scan3A_182, %mul3A_184 : i32
        %add3A_186 = vector.broadcast %mul3A_185 : i32 to vector<16xi32>
        %add3A_187 = arith.addi %add3A_100, %add3A_186 : vector<16xi32>
        %add3A_188 = arith.constant 0 : i32
        %add3A_189 = vector.broadcast %add3A_188 : i32 to vector<16xi32>
        %add3A_190 = arith.addi %add3A_187, %add3A_189 : vector<16xi32>
        %gather3A = tpu.vector_load_idx %arg4[%add3A_190] : memref<32768xf32, #tpu.memory_space<vmem>>[vector<16xi32>], vector<16xf32>,
        %add3A_191 = arith.constant 1 : i32
        %add3A_192 = vector.broadcast %add3A_191 : i32 to vector<16xi32>
        %add3A_193 = arith.addi %add3A_187, %add3A_192 : vector<16xi32>
        %gather3A_194 = tpu.vector_load_idx %arg4[%add3A_193] : memref<32768xf32, #tpu.memory_space<vmem>>[vector<16xi32>], vector<16xf32>,
        %add3A_195 = arith.constant 2 : i32
        %add3A_196 = vector.broadcast %add3A_195 : i32 to vector<16xi32>
        %add3A_197 = arith.addi %add3A_187, %add3A_196 : vector<16xi32>
        %gather3A_198 = tpu.vector_load_idx %arg4[%add3A_197] : memref<32768xf32, #tpu.memory_space<vmem>>[vector<16xi32>], vector<16xf32>,
        %add3A_199 = arith.constant 3 : i32
        %add3A_200 = vector.broadcast %add3A_199 : i32 to vector<16xi32>
        %add3A_201 = arith.addi %add3A_187, %add3A_200 : vector<16xi32>
        %gather3A_202 = tpu.vector_load_idx %arg4[%add3A_201] : memref<32768xf32, #tpu.memory_space<vmem>>[vector<16xi32>], vector<16xf32>,
        %add3A_203 = arith.constant 4 : i32
        %add3A_204 = vector.broadcast %add3A_203 : i32 to vector<16xi32>
        %add3A_205 = arith.addi %add3A_187, %add3A_204 : vector<16xi32>
        %gather3A_206 = tpu.vector_load_idx %arg4[%add3A_205] : memref<32768xf32, #tpu.memory_space<vmem>>[vector<16xi32>], vector<16xf32>,
        %add3A_207 = arith.constant 5 : i32
        %add3A_208 = vector.broadcast %add3A_207 : i32 to vector<16xi32>
        %add3A_209 = arith.addi %add3A_187, %add3A_208 : vector<16xi32>
        %gather3A_210 = tpu.vector_load_idx %arg4[%add3A_209] : memref<32768xf32, #tpu.memory_space<vmem>>[vector<16xi32>], vector<16xf32>,
        %add3A_211 = arith.constant 6 : i32
        %add3A_212 = vector.broadcast %add3A_211 : i32 to vector<16xi32>
        %add3A_213 = arith.addi %add3A_187, %add3A_212 : vector<16xi32>
        %gather3A_214 = tpu.vector_load_idx %arg4[%add3A_213] : memref<32768xf32, #tpu.memory_space<vmem>>[vector<16xi32>], vector<16xf32>,
        %add3A_215 = arith.constant 7 : i32
        %add3A_216 = vector.broadcast %add3A_215 : i32 to vector<16xi32>
        %add3A_217 = arith.addi %add3A_187, %add3A_216 : vector<16xi32>
        %gather3A_218 = tpu.vector_load_idx %arg4[%add3A_217] : memref<32768xf32, #tpu.memory_space<vmem>>[vector<16xi32>], vector<16xf32>,
        %add3A_219 = arith.constant 8 : i32
        %add3A_220 = vector.broadcast %add3A_219 : i32 to vector<16xi32>
        %add3A_221 = arith.addi %add3A_187, %add3A_220 : vector<16xi32>
        %gather3A_222 = tpu.vector_load_idx %arg4[%add3A_221] : memref<32768xf32, #tpu.memory_space<vmem>>[vector<16xi32>], vector<16xf32>,
        %add3A_223 = arith.constant 9 : i32
        %add3A_224 = vector.broadcast %add3A_223 : i32 to vector<16xi32>
        %add3A_225 = arith.addi %add3A_187, %add3A_224 : vector<16xi32>
        %gather3A_226 = tpu.vector_load_idx %arg4[%add3A_225] : memref<32768xf32, #tpu.memory_space<vmem>>[vector<16xi32>], vector<16xf32>,
        %add3A_227 = arith.constant 10 : i32
        %add3A_228 = vector.broadcast %add3A_227 : i32 to vector<16xi32>
        %add3A_229 = arith.addi %add3A_187, %add3A_228 : vector<16xi32>
        %gather3A_230 = tpu.vector_load_idx %arg4[%add3A_229] : memref<32768xf32, #tpu.memory_space<vmem>>[vector<16xi32>], vector<16xf32>,
        %add3A_231 = arith.constant 11 : i32
        %add3A_232 = vector.broadcast %add3A_231 : i32 to vector<16xi32>
        %add3A_233 = arith.addi %add3A_187, %add3A_232 : vector<16xi32>
        %gather3A_234 = tpu.vector_load_idx %arg4[%add3A_233] : memref<32768xf32, #tpu.memory_space<vmem>>[vector<16xi32>], vector<16xf32>,
        %add3A_235 = arith.constant 12 : i32
        %add3A_236 = vector.broadcast %add3A_235 : i32 to vector<16xi32>
        %add3A_237 = arith.addi %add3A_187, %add3A_236 : vector<16xi32>
        %gather3A_238 = tpu.vector_load_idx %arg4[%add3A_237] : memref<32768xf32, #tpu.memory_space<vmem>>[vector<16xi32>], vector<16xf32>,
        %add3A_239 = arith.constant 13 : i32
        %add3A_240 = vector.broadcast %add3A_239 : i32 to vector<16xi32>
        %add3A_241 = arith.addi %add3A_187, %add3A_240 : vector<16xi32>
        %gather3A_242 = tpu.vector_load_idx %arg4[%add3A_241] : memref<32768xf32, #tpu.memory_space<vmem>>[vector<16xi32>], vector<16xf32>,
        %add3A_243 = arith.constant 14 : i32
        %add3A_244 = vector.broadcast %add3A_243 : i32 to vector<16xi32>
        %add3A_245 = arith.addi %add3A_187, %add3A_244 : vector<16xi32>
        %gather3A_246 = tpu.vector_load_idx %arg4[%add3A_245] : memref<32768xf32, #tpu.memory_space<vmem>>[vector<16xi32>], vector<16xf32>,
        %add3A_247 = arith.constant 15 : i32
        %add3A_248 = vector.broadcast %add3A_247 : i32 to vector<16xi32>
        %add3A_249 = arith.addi %add3A_187, %add3A_248 : vector<16xi32>
        %gather3A_250 = tpu.vector_load_idx %arg4[%add3A_249] : memref<32768xf32, #tpu.memory_space<vmem>>[vector<16xi32>], vector<16xf32>,
        %add3A_251 = arith.addf %scan3A_183, %gather3A : vector<16xf32>
        %add3A_252 = arith.constant 0 : i32
        %add3A_253 = vector.broadcast %add3A_252 : i32 to vector<16xi32>
        %add3A_254 = arith.addi %add3A_187, %add3A_253 : vector<16xi32>
        tpu.vector_store_idx %arg5[%add3A_254], %add3A_251 : memref<32768xf32, #tpu.memory_space<vmem>>[vector<16xi32>], vector<16xf32>,
        %add3A_255 = arith.addf %add3A_251, %gather3A_194 : vector<16xf32>
        %add3A_256 = arith.constant 1 : i32
        %add3A_257 = vector.broadcast %add3A_256 : i32 to vector<16xi32>
        %add3A_258 = arith.addi %add3A_187, %add3A_257 : vector<16xi32>
        tpu.vector_store_idx %arg5[%add3A_258], %add3A_255 : memref<32768xf32, #tpu.memory_space<vmem>>[vector<16xi32>], vector<16xf32>,
        %add3A_259 = arith.addf %add3A_255, %gather3A_198 : vector<16xf32>
        %add3A_260 = arith.constant 2 : i32
        %add3A_261 = vector.broadcast %add3A_260 : i32 to vector<16xi32>
        %add3A_262 = arith.addi %add3A_187, %add3A_261 : vector<16xi32>
        tpu.vector_store_idx %arg5[%add3A_262], %add3A_259 : memref<32768xf32, #tpu.memory_space<vmem>>[vector<16xi32>], vector<16xf32>,
        %add3A_263 = arith.addf %add3A_259, %gather3A_202 : vector<16xf32>
        %add3A_264 = arith.constant 3 : i32
        %add3A_265 = vector.broadcast %add3A_264 : i32 to vector<16xi32>
        %add3A_266 = arith.addi %add3A_187, %add3A_265 : vector<16xi32>
        tpu.vector_store_idx %arg5[%add3A_266], %add3A_263 : memref<32768xf32, #tpu.memory_space<vmem>>[vector<16xi32>], vector<16xf32>,
        %add3A_267 = arith.addf %add3A_263, %gather3A_206 : vector<16xf32>
        %add3A_268 = arith.constant 4 : i32
        %add3A_269 = vector.broadcast %add3A_268 : i32 to vector<16xi32>
        %add3A_270 = arith.addi %add3A_187, %add3A_269 : vector<16xi32>
        tpu.vector_store_idx %arg5[%add3A_270], %add3A_267 : memref<32768xf32, #tpu.memory_space<vmem>>[vector<16xi32>], vector<16xf32>,
        %add3A_271 = arith.addf %add3A_267, %gather3A_210 : vector<16xf32>
        %add3A_272 = arith.constant 5 : i32
        %add3A_273 = vector.broadcast %add3A_272 : i32 to vector<16xi32>
        %add3A_274 = arith.addi %add3A_187, %add3A_273 : vector<16xi32>
        tpu.vector_store_idx %arg5[%add3A_274], %add3A_271 : memref<32768xf32, #tpu.memory_space<vmem>>[vector<16xi32>], vector<16xf32>,
        %add3A_275 = arith.addf %add3A_271, %gather3A_214 : vector<16xf32>
        %add3A_276 = arith.constant 6 : i32
        %add3A_277 = vector.broadcast %add3A_276 : i32 to vector<16xi32>
        %add3A_278 = arith.addi %add3A_187, %add3A_277 : vector<16xi32>
        tpu.vector_store_idx %arg5[%add3A_278], %add3A_275 : memref<32768xf32, #tpu.memory_space<vmem>>[vector<16xi32>], vector<16xf32>,
        %add3A_279 = arith.addf %add3A_275, %gather3A_218 : vector<16xf32>
        %add3A_280 = arith.constant 7 : i32
        %add3A_281 = vector.broadcast %add3A_280 : i32 to vector<16xi32>
        %add3A_282 = arith.addi %add3A_187, %add3A_281 : vector<16xi32>
        tpu.vector_store_idx %arg5[%add3A_282], %add3A_279 : memref<32768xf32, #tpu.memory_space<vmem>>[vector<16xi32>], vector<16xf32>,
        %add3A_283 = arith.addf %add3A_279, %gather3A_222 : vector<16xf32>
        %add3A_284 = arith.constant 8 : i32
        %add3A_285 = vector.broadcast %add3A_284 : i32 to vector<16xi32>
        %add3A_286 = arith.addi %add3A_187, %add3A_285 : vector<16xi32>
        tpu.vector_store_idx %arg5[%add3A_286], %add3A_283 : memref<32768xf32, #tpu.memory_space<vmem>>[vector<16xi32>], vector<16xf32>,
        %add3A_287 = arith.addf %add3A_283, %gather3A_226 : vector<16xf32>
        %add3A_288 = arith.constant 9 : i32
        %add3A_289 = vector.broadcast %add3A_288 : i32 to vector<16xi32>
        %add3A_290 = arith.addi %add3A_187, %add3A_289 : vector<16xi32>
        tpu.vector_store_idx %arg5[%add3A_290], %add3A_287 : memref<32768xf32, #tpu.memory_space<vmem>>[vector<16xi32>], vector<16xf32>,
        %add3A_291 = arith.addf %add3A_287, %gather3A_230 : vector<16xf32>
        %add3A_292 = arith.constant 10 : i32
        %add3A_293 = vector.broadcast %add3A_292 : i32 to vector<16xi32>
        %add3A_294 = arith.addi %add3A_187, %add3A_293 : vector<16xi32>
        tpu.vector_store_idx %arg5[%add3A_294], %add3A_291 : memref<32768xf32, #tpu.memory_space<vmem>>[vector<16xi32>], vector<16xf32>,
        %add3A_295 = arith.addf %add3A_291, %gather3A_234 : vector<16xf32>
        %add3A_296 = arith.constant 11 : i32
        %add3A_297 = vector.broadcast %add3A_296 : i32 to vector<16xi32>
        %add3A_298 = arith.addi %add3A_187, %add3A_297 : vector<16xi32>
        tpu.vector_store_idx %arg5[%add3A_298], %add3A_295 : memref<32768xf32, #tpu.memory_space<vmem>>[vector<16xi32>], vector<16xf32>,
        %add3A_299 = arith.addf %add3A_295, %gather3A_238 : vector<16xf32>
        %add3A_300 = arith.constant 12 : i32
        %add3A_301 = vector.broadcast %add3A_300 : i32 to vector<16xi32>
        %add3A_302 = arith.addi %add3A_187, %add3A_301 : vector<16xi32>
        tpu.vector_store_idx %arg5[%add3A_302], %add3A_299 : memref<32768xf32, #tpu.memory_space<vmem>>[vector<16xi32>], vector<16xf32>,
        %add3A_303 = arith.addf %add3A_299, %gather3A_242 : vector<16xf32>
        %add3A_304 = arith.constant 13 : i32
        %add3A_305 = vector.broadcast %add3A_304 : i32 to vector<16xi32>
        %add3A_306 = arith.addi %add3A_187, %add3A_305 : vector<16xi32>
        tpu.vector_store_idx %arg5[%add3A_306], %add3A_303 : memref<32768xf32, #tpu.memory_space<vmem>>[vector<16xi32>], vector<16xf32>,
        %add3A_307 = arith.addf %add3A_303, %gather3A_246 : vector<16xf32>
        %add3A_308 = arith.constant 14 : i32
        %add3A_309 = vector.broadcast %add3A_308 : i32 to vector<16xi32>
        %add3A_310 = arith.addi %add3A_187, %add3A_309 : vector<16xi32>
        tpu.vector_store_idx %arg5[%add3A_310], %add3A_307 : memref<32768xf32, #tpu.memory_space<vmem>>[vector<16xi32>], vector<16xf32>,
        %add3A_311 = arith.addf %add3A_307, %gather3A_250 : vector<16xf32>
        %add3A_312 = arith.constant 15 : i32
        %add3A_313 = vector.broadcast %add3A_312 : i32 to vector<16xi32>
        %add3A_314 = arith.addi %add3A_187, %add3A_313 : vector<16xi32>
        tpu.vector_store_idx %arg5[%add3A_314], %add3A_311 : memref<32768xf32, #tpu.memory_space<vmem>>[vector<16xi32>], vector<16xf32>,
        scf.yield %add3A_311 : vector<16xf32>
      }
      %scan3A_118 = arith.constant 16 : i32
      %add3A_119 = arith.constant 20480 : i32
      %add3A_120 = vector.broadcast %add3A_119 : i32 to vector<16xi32>
      %add3A_121 = arith.addi %mul3A_7, %add3A_120 : vector<16xi32>
      %broadcast_in_dim3A_122 = arith.constant 0.000000e+00 : f32
      %broadcast_in_dim3A_123 = vector.broadcast %broadcast_in_dim3A_122 : f32 to vector<16xf32>
      %scan3A_124 = arith.constant 0 : i32
      %scan3A_125 = arith.constant 16 : i32
      %scan3A_126 = arith.addi %scan3A_124, %scan3A_125 : i32
      %scan3A_127 = arith.constant 1 : i32
      %scan3A_128 = scf.for %scan3A_182 = %scan3A_124 to %scan3A_126 step %scan3A_127 iter_args(%scan3A_183 = %broadcast_in_dim3A_123) -> (vector<16xf32>)  : i32 {
        %mul3A_184 = arith.constant 16 : i32
        %mul3A_185 = arith.muli %scan3A_182, %mul3A_184 : i32
        %add3A_186 = vector.broadcast %mul3A_185 : i32 to vector<16xi32>
        %add3A_187 = arith.addi %add3A_121, %add3A_186 : vector<16xi32>
        %add3A_188 = arith.constant 0 : i32
        %add3A_189 = vector.broadcast %add3A_188 : i32 to vector<16xi32>
        %add3A_190 = arith.addi %add3A_187, %add3A_189 : vector<16xi32>
        %gather3A = tpu.vector_load_idx %arg4[%add3A_190] : memref<32768xf32, #tpu.memory_space<vmem>>[vector<16xi32>], vector<16xf32>,
        %add3A_191 = arith.constant 1 : i32
        %add3A_192 = vector.broadcast %add3A_191 : i32 to vector<16xi32>
        %add3A_193 = arith.addi %add3A_187, %add3A_192 : vector<16xi32>
        %gather3A_194 = tpu.vector_load_idx %arg4[%add3A_193] : memref<32768xf32, #tpu.memory_space<vmem>>[vector<16xi32>], vector<16xf32>,
        %add3A_195 = arith.constant 2 : i32
        %add3A_196 = vector.broadcast %add3A_195 : i32 to vector<16xi32>
        %add3A_197 = arith.addi %add3A_187, %add3A_196 : vector<16xi32>
        %gather3A_198 = tpu.vector_load_idx %arg4[%add3A_197] : memref<32768xf32, #tpu.memory_space<vmem>>[vector<16xi32>], vector<16xf32>,
        %add3A_199 = arith.constant 3 : i32
        %add3A_200 = vector.broadcast %add3A_199 : i32 to vector<16xi32>
        %add3A_201 = arith.addi %add3A_187, %add3A_200 : vector<16xi32>
        %gather3A_202 = tpu.vector_load_idx %arg4[%add3A_201] : memref<32768xf32, #tpu.memory_space<vmem>>[vector<16xi32>], vector<16xf32>,
        %add3A_203 = arith.constant 4 : i32
        %add3A_204 = vector.broadcast %add3A_203 : i32 to vector<16xi32>
        %add3A_205 = arith.addi %add3A_187, %add3A_204 : vector<16xi32>
        %gather3A_206 = tpu.vector_load_idx %arg4[%add3A_205] : memref<32768xf32, #tpu.memory_space<vmem>>[vector<16xi32>], vector<16xf32>,
        %add3A_207 = arith.constant 5 : i32
        %add3A_208 = vector.broadcast %add3A_207 : i32 to vector<16xi32>
        %add3A_209 = arith.addi %add3A_187, %add3A_208 : vector<16xi32>
        %gather3A_210 = tpu.vector_load_idx %arg4[%add3A_209] : memref<32768xf32, #tpu.memory_space<vmem>>[vector<16xi32>], vector<16xf32>,
        %add3A_211 = arith.constant 6 : i32
        %add3A_212 = vector.broadcast %add3A_211 : i32 to vector<16xi32>
        %add3A_213 = arith.addi %add3A_187, %add3A_212 : vector<16xi32>
        %gather3A_214 = tpu.vector_load_idx %arg4[%add3A_213] : memref<32768xf32, #tpu.memory_space<vmem>>[vector<16xi32>], vector<16xf32>,
        %add3A_215 = arith.constant 7 : i32
        %add3A_216 = vector.broadcast %add3A_215 : i32 to vector<16xi32>
        %add3A_217 = arith.addi %add3A_187, %add3A_216 : vector<16xi32>
        %gather3A_218 = tpu.vector_load_idx %arg4[%add3A_217] : memref<32768xf32, #tpu.memory_space<vmem>>[vector<16xi32>], vector<16xf32>,
        %add3A_219 = arith.constant 8 : i32
        %add3A_220 = vector.broadcast %add3A_219 : i32 to vector<16xi32>
        %add3A_221 = arith.addi %add3A_187, %add3A_220 : vector<16xi32>
        %gather3A_222 = tpu.vector_load_idx %arg4[%add3A_221] : memref<32768xf32, #tpu.memory_space<vmem>>[vector<16xi32>], vector<16xf32>,
        %add3A_223 = arith.constant 9 : i32
        %add3A_224 = vector.broadcast %add3A_223 : i32 to vector<16xi32>
        %add3A_225 = arith.addi %add3A_187, %add3A_224 : vector<16xi32>
        %gather3A_226 = tpu.vector_load_idx %arg4[%add3A_225] : memref<32768xf32, #tpu.memory_space<vmem>>[vector<16xi32>], vector<16xf32>,
        %add3A_227 = arith.constant 10 : i32
        %add3A_228 = vector.broadcast %add3A_227 : i32 to vector<16xi32>
        %add3A_229 = arith.addi %add3A_187, %add3A_228 : vector<16xi32>
        %gather3A_230 = tpu.vector_load_idx %arg4[%add3A_229] : memref<32768xf32, #tpu.memory_space<vmem>>[vector<16xi32>], vector<16xf32>,
        %add3A_231 = arith.constant 11 : i32
        %add3A_232 = vector.broadcast %add3A_231 : i32 to vector<16xi32>
        %add3A_233 = arith.addi %add3A_187, %add3A_232 : vector<16xi32>
        %gather3A_234 = tpu.vector_load_idx %arg4[%add3A_233] : memref<32768xf32, #tpu.memory_space<vmem>>[vector<16xi32>], vector<16xf32>,
        %add3A_235 = arith.constant 12 : i32
        %add3A_236 = vector.broadcast %add3A_235 : i32 to vector<16xi32>
        %add3A_237 = arith.addi %add3A_187, %add3A_236 : vector<16xi32>
        %gather3A_238 = tpu.vector_load_idx %arg4[%add3A_237] : memref<32768xf32, #tpu.memory_space<vmem>>[vector<16xi32>], vector<16xf32>,
        %add3A_239 = arith.constant 13 : i32
        %add3A_240 = vector.broadcast %add3A_239 : i32 to vector<16xi32>
        %add3A_241 = arith.addi %add3A_187, %add3A_240 : vector<16xi32>
        %gather3A_242 = tpu.vector_load_idx %arg4[%add3A_241] : memref<32768xf32, #tpu.memory_space<vmem>>[vector<16xi32>], vector<16xf32>,
        %add3A_243 = arith.constant 14 : i32
        %add3A_244 = vector.broadcast %add3A_243 : i32 to vector<16xi32>
        %add3A_245 = arith.addi %add3A_187, %add3A_244 : vector<16xi32>
        %gather3A_246 = tpu.vector_load_idx %arg4[%add3A_245] : memref<32768xf32, #tpu.memory_space<vmem>>[vector<16xi32>], vector<16xf32>,
        %add3A_247 = arith.constant 15 : i32
        %add3A_248 = vector.broadcast %add3A_247 : i32 to vector<16xi32>
        %add3A_249 = arith.addi %add3A_187, %add3A_248 : vector<16xi32>
        %gather3A_250 = tpu.vector_load_idx %arg4[%add3A_249] : memref<32768xf32, #tpu.memory_space<vmem>>[vector<16xi32>], vector<16xf32>,
        %add3A_251 = arith.addf %gather3A, %gather3A_194 : vector<16xf32>
        %add3A_252 = arith.addf %gather3A_198, %gather3A_202 : vector<16xf32>
        %add3A_253 = arith.addf %gather3A_206, %gather3A_210 : vector<16xf32>
        %add3A_254 = arith.addf %gather3A_214, %gather3A_218 : vector<16xf32>
        %add3A_255 = arith.addf %gather3A_222, %gather3A_226 : vector<16xf32>
        %add3A_256 = arith.addf %gather3A_230, %gather3A_234 : vector<16xf32>
        %add3A_257 = arith.addf %gather3A_238, %gather3A_242 : vector<16xf32>
        %add3A_258 = arith.addf %gather3A_246, %gather3A_250 : vector<16xf32>
        %add3A_259 = arith.addf %add3A_251, %add3A_252 : vector<16xf32>
        %add3A_260 = arith.addf %add3A_253, %add3A_254 : vector<16xf32>
        %add3A_261 = arith.addf %add3A_255, %add3A_256 : vector<16xf32>
        %add3A_262 = arith.addf %add3A_257, %add3A_258 : vector<16xf32>
        %add3A_263 = arith.addf %add3A_259, %add3A_260 : vector<16xf32>
        %add3A_264 = arith.addf %add3A_261, %add3A_262 : vector<16xf32>
        %add3A_265 = arith.addf %add3A_263, %add3A_264 : vector<16xf32>
        %add3A_266 = arith.addf %scan3A_183, %add3A_265 : vector<16xf32>
        scf.yield %add3A_266 : vector<16xf32>
      }
      %scan3A_129 = arith.constant 16 : i32
      %broadcast_in_dim3A_130 = arith.constant true
      %broadcast_in_dim3A_131 = vector.broadcast %broadcast_in_dim3A_130 : i1 to vector<16xi1>
      %masked_cumsum3A_132 = tpu.scan <sum>, %scan3A_128 masked %broadcast_in_dim3A_131 : vector<16xf32>, vector<16xi1> -> vector<16xf32>
      %sub3A_133 = arith.subf %masked_cumsum3A_132, %scan3A_128 : vector<16xf32>
      %scan3A_134 = arith.constant 0 : i32
      %scan3A_135 = arith.constant 16 : i32
      %scan3A_136 = arith.addi %scan3A_134, %scan3A_135 : i32
      %scan3A_137 = arith.constant 1 : i32
      %scan3A_138 = scf.for %scan3A_182 = %scan3A_134 to %scan3A_136 step %scan3A_137 iter_args(%scan3A_183 = %sub3A_133) -> (vector<16xf32>)  : i32 {
        %mul3A_184 = arith.constant 16 : i32
        %mul3A_185 = arith.muli %scan3A_182, %mul3A_184 : i32
        %add3A_186 = vector.broadcast %mul3A_185 : i32 to vector<16xi32>
        %add3A_187 = arith.addi %add3A_121, %add3A_186 : vector<16xi32>
        %add3A_188 = arith.constant 0 : i32
        %add3A_189 = vector.broadcast %add3A_188 : i32 to vector<16xi32>
        %add3A_190 = arith.addi %add3A_187, %add3A_189 : vector<16xi32>
        %gather3A = tpu.vector_load_idx %arg4[%add3A_190] : memref<32768xf32, #tpu.memory_space<vmem>>[vector<16xi32>], vector<16xf32>,
        %add3A_191 = arith.constant 1 : i32
        %add3A_192 = vector.broadcast %add3A_191 : i32 to vector<16xi32>
        %add3A_193 = arith.addi %add3A_187, %add3A_192 : vector<16xi32>
        %gather3A_194 = tpu.vector_load_idx %arg4[%add3A_193] : memref<32768xf32, #tpu.memory_space<vmem>>[vector<16xi32>], vector<16xf32>,
        %add3A_195 = arith.constant 2 : i32
        %add3A_196 = vector.broadcast %add3A_195 : i32 to vector<16xi32>
        %add3A_197 = arith.addi %add3A_187, %add3A_196 : vector<16xi32>
        %gather3A_198 = tpu.vector_load_idx %arg4[%add3A_197] : memref<32768xf32, #tpu.memory_space<vmem>>[vector<16xi32>], vector<16xf32>,
        %add3A_199 = arith.constant 3 : i32
        %add3A_200 = vector.broadcast %add3A_199 : i32 to vector<16xi32>
        %add3A_201 = arith.addi %add3A_187, %add3A_200 : vector<16xi32>
        %gather3A_202 = tpu.vector_load_idx %arg4[%add3A_201] : memref<32768xf32, #tpu.memory_space<vmem>>[vector<16xi32>], vector<16xf32>,
        %add3A_203 = arith.constant 4 : i32
        %add3A_204 = vector.broadcast %add3A_203 : i32 to vector<16xi32>
        %add3A_205 = arith.addi %add3A_187, %add3A_204 : vector<16xi32>
        %gather3A_206 = tpu.vector_load_idx %arg4[%add3A_205] : memref<32768xf32, #tpu.memory_space<vmem>>[vector<16xi32>], vector<16xf32>,
        %add3A_207 = arith.constant 5 : i32
        %add3A_208 = vector.broadcast %add3A_207 : i32 to vector<16xi32>
        %add3A_209 = arith.addi %add3A_187, %add3A_208 : vector<16xi32>
        %gather3A_210 = tpu.vector_load_idx %arg4[%add3A_209] : memref<32768xf32, #tpu.memory_space<vmem>>[vector<16xi32>], vector<16xf32>,
        %add3A_211 = arith.constant 6 : i32
        %add3A_212 = vector.broadcast %add3A_211 : i32 to vector<16xi32>
        %add3A_213 = arith.addi %add3A_187, %add3A_212 : vector<16xi32>
        %gather3A_214 = tpu.vector_load_idx %arg4[%add3A_213] : memref<32768xf32, #tpu.memory_space<vmem>>[vector<16xi32>], vector<16xf32>,
        %add3A_215 = arith.constant 7 : i32
        %add3A_216 = vector.broadcast %add3A_215 : i32 to vector<16xi32>
        %add3A_217 = arith.addi %add3A_187, %add3A_216 : vector<16xi32>
        %gather3A_218 = tpu.vector_load_idx %arg4[%add3A_217] : memref<32768xf32, #tpu.memory_space<vmem>>[vector<16xi32>], vector<16xf32>,
        %add3A_219 = arith.constant 8 : i32
        %add3A_220 = vector.broadcast %add3A_219 : i32 to vector<16xi32>
        %add3A_221 = arith.addi %add3A_187, %add3A_220 : vector<16xi32>
        %gather3A_222 = tpu.vector_load_idx %arg4[%add3A_221] : memref<32768xf32, #tpu.memory_space<vmem>>[vector<16xi32>], vector<16xf32>,
        %add3A_223 = arith.constant 9 : i32
        %add3A_224 = vector.broadcast %add3A_223 : i32 to vector<16xi32>
        %add3A_225 = arith.addi %add3A_187, %add3A_224 : vector<16xi32>
        %gather3A_226 = tpu.vector_load_idx %arg4[%add3A_225] : memref<32768xf32, #tpu.memory_space<vmem>>[vector<16xi32>], vector<16xf32>,
        %add3A_227 = arith.constant 10 : i32
        %add3A_228 = vector.broadcast %add3A_227 : i32 to vector<16xi32>
        %add3A_229 = arith.addi %add3A_187, %add3A_228 : vector<16xi32>
        %gather3A_230 = tpu.vector_load_idx %arg4[%add3A_229] : memref<32768xf32, #tpu.memory_space<vmem>>[vector<16xi32>], vector<16xf32>,
        %add3A_231 = arith.constant 11 : i32
        %add3A_232 = vector.broadcast %add3A_231 : i32 to vector<16xi32>
        %add3A_233 = arith.addi %add3A_187, %add3A_232 : vector<16xi32>
        %gather3A_234 = tpu.vector_load_idx %arg4[%add3A_233] : memref<32768xf32, #tpu.memory_space<vmem>>[vector<16xi32>], vector<16xf32>,
        %add3A_235 = arith.constant 12 : i32
        %add3A_236 = vector.broadcast %add3A_235 : i32 to vector<16xi32>
        %add3A_237 = arith.addi %add3A_187, %add3A_236 : vector<16xi32>
        %gather3A_238 = tpu.vector_load_idx %arg4[%add3A_237] : memref<32768xf32, #tpu.memory_space<vmem>>[vector<16xi32>], vector<16xf32>,
        %add3A_239 = arith.constant 13 : i32
        %add3A_240 = vector.broadcast %add3A_239 : i32 to vector<16xi32>
        %add3A_241 = arith.addi %add3A_187, %add3A_240 : vector<16xi32>
        %gather3A_242 = tpu.vector_load_idx %arg4[%add3A_241] : memref<32768xf32, #tpu.memory_space<vmem>>[vector<16xi32>], vector<16xf32>,
        %add3A_243 = arith.constant 14 : i32
        %add3A_244 = vector.broadcast %add3A_243 : i32 to vector<16xi32>
        %add3A_245 = arith.addi %add3A_187, %add3A_244 : vector<16xi32>
        %gather3A_246 = tpu.vector_load_idx %arg4[%add3A_245] : memref<32768xf32, #tpu.memory_space<vmem>>[vector<16xi32>], vector<16xf32>,
        %add3A_247 = arith.constant 15 : i32
        %add3A_248 = vector.broadcast %add3A_247 : i32 to vector<16xi32>
        %add3A_249 = arith.addi %add3A_187, %add3A_248 : vector<16xi32>
        %gather3A_250 = tpu.vector_load_idx %arg4[%add3A_249] : memref<32768xf32, #tpu.memory_space<vmem>>[vector<16xi32>], vector<16xf32>,
        %add3A_251 = arith.addf %scan3A_183, %gather3A : vector<16xf32>
        %add3A_252 = arith.constant 0 : i32
        %add3A_253 = vector.broadcast %add3A_252 : i32 to vector<16xi32>
        %add3A_254 = arith.addi %add3A_187, %add3A_253 : vector<16xi32>
        tpu.vector_store_idx %arg5[%add3A_254], %add3A_251 : memref<32768xf32, #tpu.memory_space<vmem>>[vector<16xi32>], vector<16xf32>,
        %add3A_255 = arith.addf %add3A_251, %gather3A_194 : vector<16xf32>
        %add3A_256 = arith.constant 1 : i32
        %add3A_257 = vector.broadcast %add3A_256 : i32 to vector<16xi32>
        %add3A_258 = arith.addi %add3A_187, %add3A_257 : vector<16xi32>
        tpu.vector_store_idx %arg5[%add3A_258], %add3A_255 : memref<32768xf32, #tpu.memory_space<vmem>>[vector<16xi32>], vector<16xf32>,
        %add3A_259 = arith.addf %add3A_255, %gather3A_198 : vector<16xf32>
        %add3A_260 = arith.constant 2 : i32
        %add3A_261 = vector.broadcast %add3A_260 : i32 to vector<16xi32>
        %add3A_262 = arith.addi %add3A_187, %add3A_261 : vector<16xi32>
        tpu.vector_store_idx %arg5[%add3A_262], %add3A_259 : memref<32768xf32, #tpu.memory_space<vmem>>[vector<16xi32>], vector<16xf32>,
        %add3A_263 = arith.addf %add3A_259, %gather3A_202 : vector<16xf32>
        %add3A_264 = arith.constant 3 : i32
        %add3A_265 = vector.broadcast %add3A_264 : i32 to vector<16xi32>
        %add3A_266 = arith.addi %add3A_187, %add3A_265 : vector<16xi32>
        tpu.vector_store_idx %arg5[%add3A_266], %add3A_263 : memref<32768xf32, #tpu.memory_space<vmem>>[vector<16xi32>], vector<16xf32>,
        %add3A_267 = arith.addf %add3A_263, %gather3A_206 : vector<16xf32>
        %add3A_268 = arith.constant 4 : i32
        %add3A_269 = vector.broadcast %add3A_268 : i32 to vector<16xi32>
        %add3A_270 = arith.addi %add3A_187, %add3A_269 : vector<16xi32>
        tpu.vector_store_idx %arg5[%add3A_270], %add3A_267 : memref<32768xf32, #tpu.memory_space<vmem>>[vector<16xi32>], vector<16xf32>,
        %add3A_271 = arith.addf %add3A_267, %gather3A_210 : vector<16xf32>
        %add3A_272 = arith.constant 5 : i32
        %add3A_273 = vector.broadcast %add3A_272 : i32 to vector<16xi32>
        %add3A_274 = arith.addi %add3A_187, %add3A_273 : vector<16xi32>
        tpu.vector_store_idx %arg5[%add3A_274], %add3A_271 : memref<32768xf32, #tpu.memory_space<vmem>>[vector<16xi32>], vector<16xf32>,
        %add3A_275 = arith.addf %add3A_271, %gather3A_214 : vector<16xf32>
        %add3A_276 = arith.constant 6 : i32
        %add3A_277 = vector.broadcast %add3A_276 : i32 to vector<16xi32>
        %add3A_278 = arith.addi %add3A_187, %add3A_277 : vector<16xi32>
        tpu.vector_store_idx %arg5[%add3A_278], %add3A_275 : memref<32768xf32, #tpu.memory_space<vmem>>[vector<16xi32>], vector<16xf32>,
        %add3A_279 = arith.addf %add3A_275, %gather3A_218 : vector<16xf32>
        %add3A_280 = arith.constant 7 : i32
        %add3A_281 = vector.broadcast %add3A_280 : i32 to vector<16xi32>
        %add3A_282 = arith.addi %add3A_187, %add3A_281 : vector<16xi32>
        tpu.vector_store_idx %arg5[%add3A_282], %add3A_279 : memref<32768xf32, #tpu.memory_space<vmem>>[vector<16xi32>], vector<16xf32>,
        %add3A_283 = arith.addf %add3A_279, %gather3A_222 : vector<16xf32>
        %add3A_284 = arith.constant 8 : i32
        %add3A_285 = vector.broadcast %add3A_284 : i32 to vector<16xi32>
        %add3A_286 = arith.addi %add3A_187, %add3A_285 : vector<16xi32>
        tpu.vector_store_idx %arg5[%add3A_286], %add3A_283 : memref<32768xf32, #tpu.memory_space<vmem>>[vector<16xi32>], vector<16xf32>,
        %add3A_287 = arith.addf %add3A_283, %gather3A_226 : vector<16xf32>
        %add3A_288 = arith.constant 9 : i32
        %add3A_289 = vector.broadcast %add3A_288 : i32 to vector<16xi32>
        %add3A_290 = arith.addi %add3A_187, %add3A_289 : vector<16xi32>
        tpu.vector_store_idx %arg5[%add3A_290], %add3A_287 : memref<32768xf32, #tpu.memory_space<vmem>>[vector<16xi32>], vector<16xf32>,
        %add3A_291 = arith.addf %add3A_287, %gather3A_230 : vector<16xf32>
        %add3A_292 = arith.constant 10 : i32
        %add3A_293 = vector.broadcast %add3A_292 : i32 to vector<16xi32>
        %add3A_294 = arith.addi %add3A_187, %add3A_293 : vector<16xi32>
        tpu.vector_store_idx %arg5[%add3A_294], %add3A_291 : memref<32768xf32, #tpu.memory_space<vmem>>[vector<16xi32>], vector<16xf32>,
        %add3A_295 = arith.addf %add3A_291, %gather3A_234 : vector<16xf32>
        %add3A_296 = arith.constant 11 : i32
        %add3A_297 = vector.broadcast %add3A_296 : i32 to vector<16xi32>
        %add3A_298 = arith.addi %add3A_187, %add3A_297 : vector<16xi32>
        tpu.vector_store_idx %arg5[%add3A_298], %add3A_295 : memref<32768xf32, #tpu.memory_space<vmem>>[vector<16xi32>], vector<16xf32>,
        %add3A_299 = arith.addf %add3A_295, %gather3A_238 : vector<16xf32>
        %add3A_300 = arith.constant 12 : i32
        %add3A_301 = vector.broadcast %add3A_300 : i32 to vector<16xi32>
        %add3A_302 = arith.addi %add3A_187, %add3A_301 : vector<16xi32>
        tpu.vector_store_idx %arg5[%add3A_302], %add3A_299 : memref<32768xf32, #tpu.memory_space<vmem>>[vector<16xi32>], vector<16xf32>,
        %add3A_303 = arith.addf %add3A_299, %gather3A_242 : vector<16xf32>
        %add3A_304 = arith.constant 13 : i32
        %add3A_305 = vector.broadcast %add3A_304 : i32 to vector<16xi32>
        %add3A_306 = arith.addi %add3A_187, %add3A_305 : vector<16xi32>
        tpu.vector_store_idx %arg5[%add3A_306], %add3A_303 : memref<32768xf32, #tpu.memory_space<vmem>>[vector<16xi32>], vector<16xf32>,
        %add3A_307 = arith.addf %add3A_303, %gather3A_246 : vector<16xf32>
        %add3A_308 = arith.constant 14 : i32
        %add3A_309 = vector.broadcast %add3A_308 : i32 to vector<16xi32>
        %add3A_310 = arith.addi %add3A_187, %add3A_309 : vector<16xi32>
        tpu.vector_store_idx %arg5[%add3A_310], %add3A_307 : memref<32768xf32, #tpu.memory_space<vmem>>[vector<16xi32>], vector<16xf32>,
        %add3A_311 = arith.addf %add3A_307, %gather3A_250 : vector<16xf32>
        %add3A_312 = arith.constant 15 : i32
        %add3A_313 = vector.broadcast %add3A_312 : i32 to vector<16xi32>
        %add3A_314 = arith.addi %add3A_187, %add3A_313 : vector<16xi32>
        tpu.vector_store_idx %arg5[%add3A_314], %add3A_311 : memref<32768xf32, #tpu.memory_space<vmem>>[vector<16xi32>], vector<16xf32>,
        scf.yield %add3A_311 : vector<16xf32>
      }
      %scan3A_139 = arith.constant 16 : i32
      %add3A_140 = arith.constant 24576 : i32
      %add3A_141 = vector.broadcast %add3A_140 : i32 to vector<16xi32>
      %add3A_142 = arith.addi %mul3A_7, %add3A_141 : vector<16xi32>
      %broadcast_in_dim3A_143 = arith.constant 0.000000e+00 : f32
      %broadcast_in_dim3A_144 = vector.broadcast %broadcast_in_dim3A_143 : f32 to vector<16xf32>
      %scan3A_145 = arith.constant 0 : i32
      %scan3A_146 = arith.constant 16 : i32
      %scan3A_147 = arith.addi %scan3A_145, %scan3A_146 : i32
      %scan3A_148 = arith.constant 1 : i32
      %scan3A_149 = scf.for %scan3A_182 = %scan3A_145 to %scan3A_147 step %scan3A_148 iter_args(%scan3A_183 = %broadcast_in_dim3A_144) -> (vector<16xf32>)  : i32 {
        %mul3A_184 = arith.constant 16 : i32
        %mul3A_185 = arith.muli %scan3A_182, %mul3A_184 : i32
        %add3A_186 = vector.broadcast %mul3A_185 : i32 to vector<16xi32>
        %add3A_187 = arith.addi %add3A_142, %add3A_186 : vector<16xi32>
        %add3A_188 = arith.constant 0 : i32
        %add3A_189 = vector.broadcast %add3A_188 : i32 to vector<16xi32>
        %add3A_190 = arith.addi %add3A_187, %add3A_189 : vector<16xi32>
        %gather3A = tpu.vector_load_idx %arg4[%add3A_190] : memref<32768xf32, #tpu.memory_space<vmem>>[vector<16xi32>], vector<16xf32>,
        %add3A_191 = arith.constant 1 : i32
        %add3A_192 = vector.broadcast %add3A_191 : i32 to vector<16xi32>
        %add3A_193 = arith.addi %add3A_187, %add3A_192 : vector<16xi32>
        %gather3A_194 = tpu.vector_load_idx %arg4[%add3A_193] : memref<32768xf32, #tpu.memory_space<vmem>>[vector<16xi32>], vector<16xf32>,
        %add3A_195 = arith.constant 2 : i32
        %add3A_196 = vector.broadcast %add3A_195 : i32 to vector<16xi32>
        %add3A_197 = arith.addi %add3A_187, %add3A_196 : vector<16xi32>
        %gather3A_198 = tpu.vector_load_idx %arg4[%add3A_197] : memref<32768xf32, #tpu.memory_space<vmem>>[vector<16xi32>], vector<16xf32>,
        %add3A_199 = arith.constant 3 : i32
        %add3A_200 = vector.broadcast %add3A_199 : i32 to vector<16xi32>
        %add3A_201 = arith.addi %add3A_187, %add3A_200 : vector<16xi32>
        %gather3A_202 = tpu.vector_load_idx %arg4[%add3A_201] : memref<32768xf32, #tpu.memory_space<vmem>>[vector<16xi32>], vector<16xf32>,
        %add3A_203 = arith.constant 4 : i32
        %add3A_204 = vector.broadcast %add3A_203 : i32 to vector<16xi32>
        %add3A_205 = arith.addi %add3A_187, %add3A_204 : vector<16xi32>
        %gather3A_206 = tpu.vector_load_idx %arg4[%add3A_205] : memref<32768xf32, #tpu.memory_space<vmem>>[vector<16xi32>], vector<16xf32>,
        %add3A_207 = arith.constant 5 : i32
        %add3A_208 = vector.broadcast %add3A_207 : i32 to vector<16xi32>
        %add3A_209 = arith.addi %add3A_187, %add3A_208 : vector<16xi32>
        %gather3A_210 = tpu.vector_load_idx %arg4[%add3A_209] : memref<32768xf32, #tpu.memory_space<vmem>>[vector<16xi32>], vector<16xf32>,
        %add3A_211 = arith.constant 6 : i32
        %add3A_212 = vector.broadcast %add3A_211 : i32 to vector<16xi32>
        %add3A_213 = arith.addi %add3A_187, %add3A_212 : vector<16xi32>
        %gather3A_214 = tpu.vector_load_idx %arg4[%add3A_213] : memref<32768xf32, #tpu.memory_space<vmem>>[vector<16xi32>], vector<16xf32>,
        %add3A_215 = arith.constant 7 : i32
        %add3A_216 = vector.broadcast %add3A_215 : i32 to vector<16xi32>
        %add3A_217 = arith.addi %add3A_187, %add3A_216 : vector<16xi32>
        %gather3A_218 = tpu.vector_load_idx %arg4[%add3A_217] : memref<32768xf32, #tpu.memory_space<vmem>>[vector<16xi32>], vector<16xf32>,
        %add3A_219 = arith.constant 8 : i32
        %add3A_220 = vector.broadcast %add3A_219 : i32 to vector<16xi32>
        %add3A_221 = arith.addi %add3A_187, %add3A_220 : vector<16xi32>
        %gather3A_222 = tpu.vector_load_idx %arg4[%add3A_221] : memref<32768xf32, #tpu.memory_space<vmem>>[vector<16xi32>], vector<16xf32>,
        %add3A_223 = arith.constant 9 : i32
        %add3A_224 = vector.broadcast %add3A_223 : i32 to vector<16xi32>
        %add3A_225 = arith.addi %add3A_187, %add3A_224 : vector<16xi32>
        %gather3A_226 = tpu.vector_load_idx %arg4[%add3A_225] : memref<32768xf32, #tpu.memory_space<vmem>>[vector<16xi32>], vector<16xf32>,
        %add3A_227 = arith.constant 10 : i32
        %add3A_228 = vector.broadcast %add3A_227 : i32 to vector<16xi32>
        %add3A_229 = arith.addi %add3A_187, %add3A_228 : vector<16xi32>
        %gather3A_230 = tpu.vector_load_idx %arg4[%add3A_229] : memref<32768xf32, #tpu.memory_space<vmem>>[vector<16xi32>], vector<16xf32>,
        %add3A_231 = arith.constant 11 : i32
        %add3A_232 = vector.broadcast %add3A_231 : i32 to vector<16xi32>
        %add3A_233 = arith.addi %add3A_187, %add3A_232 : vector<16xi32>
        %gather3A_234 = tpu.vector_load_idx %arg4[%add3A_233] : memref<32768xf32, #tpu.memory_space<vmem>>[vector<16xi32>], vector<16xf32>,
        %add3A_235 = arith.constant 12 : i32
        %add3A_236 = vector.broadcast %add3A_235 : i32 to vector<16xi32>
        %add3A_237 = arith.addi %add3A_187, %add3A_236 : vector<16xi32>
        %gather3A_238 = tpu.vector_load_idx %arg4[%add3A_237] : memref<32768xf32, #tpu.memory_space<vmem>>[vector<16xi32>], vector<16xf32>,
        %add3A_239 = arith.constant 13 : i32
        %add3A_240 = vector.broadcast %add3A_239 : i32 to vector<16xi32>
        %add3A_241 = arith.addi %add3A_187, %add3A_240 : vector<16xi32>
        %gather3A_242 = tpu.vector_load_idx %arg4[%add3A_241] : memref<32768xf32, #tpu.memory_space<vmem>>[vector<16xi32>], vector<16xf32>,
        %add3A_243 = arith.constant 14 : i32
        %add3A_244 = vector.broadcast %add3A_243 : i32 to vector<16xi32>
        %add3A_245 = arith.addi %add3A_187, %add3A_244 : vector<16xi32>
        %gather3A_246 = tpu.vector_load_idx %arg4[%add3A_245] : memref<32768xf32, #tpu.memory_space<vmem>>[vector<16xi32>], vector<16xf32>,
        %add3A_247 = arith.constant 15 : i32
        %add3A_248 = vector.broadcast %add3A_247 : i32 to vector<16xi32>
        %add3A_249 = arith.addi %add3A_187, %add3A_248 : vector<16xi32>
        %gather3A_250 = tpu.vector_load_idx %arg4[%add3A_249] : memref<32768xf32, #tpu.memory_space<vmem>>[vector<16xi32>], vector<16xf32>,
        %add3A_251 = arith.addf %gather3A, %gather3A_194 : vector<16xf32>
        %add3A_252 = arith.addf %gather3A_198, %gather3A_202 : vector<16xf32>
        %add3A_253 = arith.addf %gather3A_206, %gather3A_210 : vector<16xf32>
        %add3A_254 = arith.addf %gather3A_214, %gather3A_218 : vector<16xf32>
        %add3A_255 = arith.addf %gather3A_222, %gather3A_226 : vector<16xf32>
        %add3A_256 = arith.addf %gather3A_230, %gather3A_234 : vector<16xf32>
        %add3A_257 = arith.addf %gather3A_238, %gather3A_242 : vector<16xf32>
        %add3A_258 = arith.addf %gather3A_246, %gather3A_250 : vector<16xf32>
        %add3A_259 = arith.addf %add3A_251, %add3A_252 : vector<16xf32>
        %add3A_260 = arith.addf %add3A_253, %add3A_254 : vector<16xf32>
        %add3A_261 = arith.addf %add3A_255, %add3A_256 : vector<16xf32>
        %add3A_262 = arith.addf %add3A_257, %add3A_258 : vector<16xf32>
        %add3A_263 = arith.addf %add3A_259, %add3A_260 : vector<16xf32>
        %add3A_264 = arith.addf %add3A_261, %add3A_262 : vector<16xf32>
        %add3A_265 = arith.addf %add3A_263, %add3A_264 : vector<16xf32>
        %add3A_266 = arith.addf %scan3A_183, %add3A_265 : vector<16xf32>
        scf.yield %add3A_266 : vector<16xf32>
      }
      %scan3A_150 = arith.constant 16 : i32
      %broadcast_in_dim3A_151 = arith.constant true
      %broadcast_in_dim3A_152 = vector.broadcast %broadcast_in_dim3A_151 : i1 to vector<16xi1>
      %masked_cumsum3A_153 = tpu.scan <sum>, %scan3A_149 masked %broadcast_in_dim3A_152 : vector<16xf32>, vector<16xi1> -> vector<16xf32>
      %sub3A_154 = arith.subf %masked_cumsum3A_153, %scan3A_149 : vector<16xf32>
      %scan3A_155 = arith.constant 0 : i32
      %scan3A_156 = arith.constant 16 : i32
      %scan3A_157 = arith.addi %scan3A_155, %scan3A_156 : i32
      %scan3A_158 = arith.constant 1 : i32
      %scan3A_159 = scf.for %scan3A_182 = %scan3A_155 to %scan3A_157 step %scan3A_158 iter_args(%scan3A_183 = %sub3A_154) -> (vector<16xf32>)  : i32 {
        %mul3A_184 = arith.constant 16 : i32
        %mul3A_185 = arith.muli %scan3A_182, %mul3A_184 : i32
        %add3A_186 = vector.broadcast %mul3A_185 : i32 to vector<16xi32>
        %add3A_187 = arith.addi %add3A_142, %add3A_186 : vector<16xi32>
        %add3A_188 = arith.constant 0 : i32
        %add3A_189 = vector.broadcast %add3A_188 : i32 to vector<16xi32>
        %add3A_190 = arith.addi %add3A_187, %add3A_189 : vector<16xi32>
        %gather3A = tpu.vector_load_idx %arg4[%add3A_190] : memref<32768xf32, #tpu.memory_space<vmem>>[vector<16xi32>], vector<16xf32>,
        %add3A_191 = arith.constant 1 : i32
        %add3A_192 = vector.broadcast %add3A_191 : i32 to vector<16xi32>
        %add3A_193 = arith.addi %add3A_187, %add3A_192 : vector<16xi32>
        %gather3A_194 = tpu.vector_load_idx %arg4[%add3A_193] : memref<32768xf32, #tpu.memory_space<vmem>>[vector<16xi32>], vector<16xf32>,
        %add3A_195 = arith.constant 2 : i32
        %add3A_196 = vector.broadcast %add3A_195 : i32 to vector<16xi32>
        %add3A_197 = arith.addi %add3A_187, %add3A_196 : vector<16xi32>
        %gather3A_198 = tpu.vector_load_idx %arg4[%add3A_197] : memref<32768xf32, #tpu.memory_space<vmem>>[vector<16xi32>], vector<16xf32>,
        %add3A_199 = arith.constant 3 : i32
        %add3A_200 = vector.broadcast %add3A_199 : i32 to vector<16xi32>
        %add3A_201 = arith.addi %add3A_187, %add3A_200 : vector<16xi32>
        %gather3A_202 = tpu.vector_load_idx %arg4[%add3A_201] : memref<32768xf32, #tpu.memory_space<vmem>>[vector<16xi32>], vector<16xf32>,
        %add3A_203 = arith.constant 4 : i32
        %add3A_204 = vector.broadcast %add3A_203 : i32 to vector<16xi32>
        %add3A_205 = arith.addi %add3A_187, %add3A_204 : vector<16xi32>
        %gather3A_206 = tpu.vector_load_idx %arg4[%add3A_205] : memref<32768xf32, #tpu.memory_space<vmem>>[vector<16xi32>], vector<16xf32>,
        %add3A_207 = arith.constant 5 : i32
        %add3A_208 = vector.broadcast %add3A_207 : i32 to vector<16xi32>
        %add3A_209 = arith.addi %add3A_187, %add3A_208 : vector<16xi32>
        %gather3A_210 = tpu.vector_load_idx %arg4[%add3A_209] : memref<32768xf32, #tpu.memory_space<vmem>>[vector<16xi32>], vector<16xf32>,
        %add3A_211 = arith.constant 6 : i32
        %add3A_212 = vector.broadcast %add3A_211 : i32 to vector<16xi32>
        %add3A_213 = arith.addi %add3A_187, %add3A_212 : vector<16xi32>
        %gather3A_214 = tpu.vector_load_idx %arg4[%add3A_213] : memref<32768xf32, #tpu.memory_space<vmem>>[vector<16xi32>], vector<16xf32>,
        %add3A_215 = arith.constant 7 : i32
        %add3A_216 = vector.broadcast %add3A_215 : i32 to vector<16xi32>
        %add3A_217 = arith.addi %add3A_187, %add3A_216 : vector<16xi32>
        %gather3A_218 = tpu.vector_load_idx %arg4[%add3A_217] : memref<32768xf32, #tpu.memory_space<vmem>>[vector<16xi32>], vector<16xf32>,
        %add3A_219 = arith.constant 8 : i32
        %add3A_220 = vector.broadcast %add3A_219 : i32 to vector<16xi32>
        %add3A_221 = arith.addi %add3A_187, %add3A_220 : vector<16xi32>
        %gather3A_222 = tpu.vector_load_idx %arg4[%add3A_221] : memref<32768xf32, #tpu.memory_space<vmem>>[vector<16xi32>], vector<16xf32>,
        %add3A_223 = arith.constant 9 : i32
        %add3A_224 = vector.broadcast %add3A_223 : i32 to vector<16xi32>
        %add3A_225 = arith.addi %add3A_187, %add3A_224 : vector<16xi32>
        %gather3A_226 = tpu.vector_load_idx %arg4[%add3A_225] : memref<32768xf32, #tpu.memory_space<vmem>>[vector<16xi32>], vector<16xf32>,
        %add3A_227 = arith.constant 10 : i32
        %add3A_228 = vector.broadcast %add3A_227 : i32 to vector<16xi32>
        %add3A_229 = arith.addi %add3A_187, %add3A_228 : vector<16xi32>
        %gather3A_230 = tpu.vector_load_idx %arg4[%add3A_229] : memref<32768xf32, #tpu.memory_space<vmem>>[vector<16xi32>], vector<16xf32>,
        %add3A_231 = arith.constant 11 : i32
        %add3A_232 = vector.broadcast %add3A_231 : i32 to vector<16xi32>
        %add3A_233 = arith.addi %add3A_187, %add3A_232 : vector<16xi32>
        %gather3A_234 = tpu.vector_load_idx %arg4[%add3A_233] : memref<32768xf32, #tpu.memory_space<vmem>>[vector<16xi32>], vector<16xf32>,
        %add3A_235 = arith.constant 12 : i32
        %add3A_236 = vector.broadcast %add3A_235 : i32 to vector<16xi32>
        %add3A_237 = arith.addi %add3A_187, %add3A_236 : vector<16xi32>
        %gather3A_238 = tpu.vector_load_idx %arg4[%add3A_237] : memref<32768xf32, #tpu.memory_space<vmem>>[vector<16xi32>], vector<16xf32>,
        %add3A_239 = arith.constant 13 : i32
        %add3A_240 = vector.broadcast %add3A_239 : i32 to vector<16xi32>
        %add3A_241 = arith.addi %add3A_187, %add3A_240 : vector<16xi32>
        %gather3A_242 = tpu.vector_load_idx %arg4[%add3A_241] : memref<32768xf32, #tpu.memory_space<vmem>>[vector<16xi32>], vector<16xf32>,
        %add3A_243 = arith.constant 14 : i32
        %add3A_244 = vector.broadcast %add3A_243 : i32 to vector<16xi32>
        %add3A_245 = arith.addi %add3A_187, %add3A_244 : vector<16xi32>
        %gather3A_246 = tpu.vector_load_idx %arg4[%add3A_245] : memref<32768xf32, #tpu.memory_space<vmem>>[vector<16xi32>], vector<16xf32>,
        %add3A_247 = arith.constant 15 : i32
        %add3A_248 = vector.broadcast %add3A_247 : i32 to vector<16xi32>
        %add3A_249 = arith.addi %add3A_187, %add3A_248 : vector<16xi32>
        %gather3A_250 = tpu.vector_load_idx %arg4[%add3A_249] : memref<32768xf32, #tpu.memory_space<vmem>>[vector<16xi32>], vector<16xf32>,
        %add3A_251 = arith.addf %scan3A_183, %gather3A : vector<16xf32>
        %add3A_252 = arith.constant 0 : i32
        %add3A_253 = vector.broadcast %add3A_252 : i32 to vector<16xi32>
        %add3A_254 = arith.addi %add3A_187, %add3A_253 : vector<16xi32>
        tpu.vector_store_idx %arg5[%add3A_254], %add3A_251 : memref<32768xf32, #tpu.memory_space<vmem>>[vector<16xi32>], vector<16xf32>,
        %add3A_255 = arith.addf %add3A_251, %gather3A_194 : vector<16xf32>
        %add3A_256 = arith.constant 1 : i32
        %add3A_257 = vector.broadcast %add3A_256 : i32 to vector<16xi32>
        %add3A_258 = arith.addi %add3A_187, %add3A_257 : vector<16xi32>
        tpu.vector_store_idx %arg5[%add3A_258], %add3A_255 : memref<32768xf32, #tpu.memory_space<vmem>>[vector<16xi32>], vector<16xf32>,
        %add3A_259 = arith.addf %add3A_255, %gather3A_198 : vector<16xf32>
        %add3A_260 = arith.constant 2 : i32
        %add3A_261 = vector.broadcast %add3A_260 : i32 to vector<16xi32>
        %add3A_262 = arith.addi %add3A_187, %add3A_261 : vector<16xi32>
        tpu.vector_store_idx %arg5[%add3A_262], %add3A_259 : memref<32768xf32, #tpu.memory_space<vmem>>[vector<16xi32>], vector<16xf32>,
        %add3A_263 = arith.addf %add3A_259, %gather3A_202 : vector<16xf32>
        %add3A_264 = arith.constant 3 : i32
        %add3A_265 = vector.broadcast %add3A_264 : i32 to vector<16xi32>
        %add3A_266 = arith.addi %add3A_187, %add3A_265 : vector<16xi32>
        tpu.vector_store_idx %arg5[%add3A_266], %add3A_263 : memref<32768xf32, #tpu.memory_space<vmem>>[vector<16xi32>], vector<16xf32>,
        %add3A_267 = arith.addf %add3A_263, %gather3A_206 : vector<16xf32>
        %add3A_268 = arith.constant 4 : i32
        %add3A_269 = vector.broadcast %add3A_268 : i32 to vector<16xi32>
        %add3A_270 = arith.addi %add3A_187, %add3A_269 : vector<16xi32>
        tpu.vector_store_idx %arg5[%add3A_270], %add3A_267 : memref<32768xf32, #tpu.memory_space<vmem>>[vector<16xi32>], vector<16xf32>,
        %add3A_271 = arith.addf %add3A_267, %gather3A_210 : vector<16xf32>
        %add3A_272 = arith.constant 5 : i32
        %add3A_273 = vector.broadcast %add3A_272 : i32 to vector<16xi32>
        %add3A_274 = arith.addi %add3A_187, %add3A_273 : vector<16xi32>
        tpu.vector_store_idx %arg5[%add3A_274], %add3A_271 : memref<32768xf32, #tpu.memory_space<vmem>>[vector<16xi32>], vector<16xf32>,
        %add3A_275 = arith.addf %add3A_271, %gather3A_214 : vector<16xf32>
        %add3A_276 = arith.constant 6 : i32
        %add3A_277 = vector.broadcast %add3A_276 : i32 to vector<16xi32>
        %add3A_278 = arith.addi %add3A_187, %add3A_277 : vector<16xi32>
        tpu.vector_store_idx %arg5[%add3A_278], %add3A_275 : memref<32768xf32, #tpu.memory_space<vmem>>[vector<16xi32>], vector<16xf32>,
        %add3A_279 = arith.addf %add3A_275, %gather3A_218 : vector<16xf32>
        %add3A_280 = arith.constant 7 : i32
        %add3A_281 = vector.broadcast %add3A_280 : i32 to vector<16xi32>
        %add3A_282 = arith.addi %add3A_187, %add3A_281 : vector<16xi32>
        tpu.vector_store_idx %arg5[%add3A_282], %add3A_279 : memref<32768xf32, #tpu.memory_space<vmem>>[vector<16xi32>], vector<16xf32>,
        %add3A_283 = arith.addf %add3A_279, %gather3A_222 : vector<16xf32>
        %add3A_284 = arith.constant 8 : i32
        %add3A_285 = vector.broadcast %add3A_284 : i32 to vector<16xi32>
        %add3A_286 = arith.addi %add3A_187, %add3A_285 : vector<16xi32>
        tpu.vector_store_idx %arg5[%add3A_286], %add3A_283 : memref<32768xf32, #tpu.memory_space<vmem>>[vector<16xi32>], vector<16xf32>,
        %add3A_287 = arith.addf %add3A_283, %gather3A_226 : vector<16xf32>
        %add3A_288 = arith.constant 9 : i32
        %add3A_289 = vector.broadcast %add3A_288 : i32 to vector<16xi32>
        %add3A_290 = arith.addi %add3A_187, %add3A_289 : vector<16xi32>
        tpu.vector_store_idx %arg5[%add3A_290], %add3A_287 : memref<32768xf32, #tpu.memory_space<vmem>>[vector<16xi32>], vector<16xf32>,
        %add3A_291 = arith.addf %add3A_287, %gather3A_230 : vector<16xf32>
        %add3A_292 = arith.constant 10 : i32
        %add3A_293 = vector.broadcast %add3A_292 : i32 to vector<16xi32>
        %add3A_294 = arith.addi %add3A_187, %add3A_293 : vector<16xi32>
        tpu.vector_store_idx %arg5[%add3A_294], %add3A_291 : memref<32768xf32, #tpu.memory_space<vmem>>[vector<16xi32>], vector<16xf32>,
        %add3A_295 = arith.addf %add3A_291, %gather3A_234 : vector<16xf32>
        %add3A_296 = arith.constant 11 : i32
        %add3A_297 = vector.broadcast %add3A_296 : i32 to vector<16xi32>
        %add3A_298 = arith.addi %add3A_187, %add3A_297 : vector<16xi32>
        tpu.vector_store_idx %arg5[%add3A_298], %add3A_295 : memref<32768xf32, #tpu.memory_space<vmem>>[vector<16xi32>], vector<16xf32>,
        %add3A_299 = arith.addf %add3A_295, %gather3A_238 : vector<16xf32>
        %add3A_300 = arith.constant 12 : i32
        %add3A_301 = vector.broadcast %add3A_300 : i32 to vector<16xi32>
        %add3A_302 = arith.addi %add3A_187, %add3A_301 : vector<16xi32>
        tpu.vector_store_idx %arg5[%add3A_302], %add3A_299 : memref<32768xf32, #tpu.memory_space<vmem>>[vector<16xi32>], vector<16xf32>,
        %add3A_303 = arith.addf %add3A_299, %gather3A_242 : vector<16xf32>
        %add3A_304 = arith.constant 13 : i32
        %add3A_305 = vector.broadcast %add3A_304 : i32 to vector<16xi32>
        %add3A_306 = arith.addi %add3A_187, %add3A_305 : vector<16xi32>
        tpu.vector_store_idx %arg5[%add3A_306], %add3A_303 : memref<32768xf32, #tpu.memory_space<vmem>>[vector<16xi32>], vector<16xf32>,
        %add3A_307 = arith.addf %add3A_303, %gather3A_246 : vector<16xf32>
        %add3A_308 = arith.constant 14 : i32
        %add3A_309 = vector.broadcast %add3A_308 : i32 to vector<16xi32>
        %add3A_310 = arith.addi %add3A_187, %add3A_309 : vector<16xi32>
        tpu.vector_store_idx %arg5[%add3A_310], %add3A_307 : memref<32768xf32, #tpu.memory_space<vmem>>[vector<16xi32>], vector<16xf32>,
        %add3A_311 = arith.addf %add3A_307, %gather3A_250 : vector<16xf32>
        %add3A_312 = arith.constant 15 : i32
        %add3A_313 = vector.broadcast %add3A_312 : i32 to vector<16xi32>
        %add3A_314 = arith.addi %add3A_187, %add3A_313 : vector<16xi32>
        tpu.vector_store_idx %arg5[%add3A_314], %add3A_311 : memref<32768xf32, #tpu.memory_space<vmem>>[vector<16xi32>], vector<16xf32>,
        scf.yield %add3A_311 : vector<16xf32>
      }
      %scan3A_160 = arith.constant 16 : i32
      %add3A_161 = arith.constant 28672 : i32
      %add3A_162 = vector.broadcast %add3A_161 : i32 to vector<16xi32>
      %add3A_163 = arith.addi %mul3A_7, %add3A_162 : vector<16xi32>
      %broadcast_in_dim3A_164 = arith.constant 0.000000e+00 : f32
      %broadcast_in_dim3A_165 = vector.broadcast %broadcast_in_dim3A_164 : f32 to vector<16xf32>
      %scan3A_166 = arith.constant 0 : i32
      %scan3A_167 = arith.constant 16 : i32
      %scan3A_168 = arith.addi %scan3A_166, %scan3A_167 : i32
      %scan3A_169 = arith.constant 1 : i32
      %scan3A_170 = scf.for %scan3A_182 = %scan3A_166 to %scan3A_168 step %scan3A_169 iter_args(%scan3A_183 = %broadcast_in_dim3A_165) -> (vector<16xf32>)  : i32 {
        %mul3A_184 = arith.constant 16 : i32
        %mul3A_185 = arith.muli %scan3A_182, %mul3A_184 : i32
        %add3A_186 = vector.broadcast %mul3A_185 : i32 to vector<16xi32>
        %add3A_187 = arith.addi %add3A_163, %add3A_186 : vector<16xi32>
        %add3A_188 = arith.constant 0 : i32
        %add3A_189 = vector.broadcast %add3A_188 : i32 to vector<16xi32>
        %add3A_190 = arith.addi %add3A_187, %add3A_189 : vector<16xi32>
        %gather3A = tpu.vector_load_idx %arg4[%add3A_190] : memref<32768xf32, #tpu.memory_space<vmem>>[vector<16xi32>], vector<16xf32>,
        %add3A_191 = arith.constant 1 : i32
        %add3A_192 = vector.broadcast %add3A_191 : i32 to vector<16xi32>
        %add3A_193 = arith.addi %add3A_187, %add3A_192 : vector<16xi32>
        %gather3A_194 = tpu.vector_load_idx %arg4[%add3A_193] : memref<32768xf32, #tpu.memory_space<vmem>>[vector<16xi32>], vector<16xf32>,
        %add3A_195 = arith.constant 2 : i32
        %add3A_196 = vector.broadcast %add3A_195 : i32 to vector<16xi32>
        %add3A_197 = arith.addi %add3A_187, %add3A_196 : vector<16xi32>
        %gather3A_198 = tpu.vector_load_idx %arg4[%add3A_197] : memref<32768xf32, #tpu.memory_space<vmem>>[vector<16xi32>], vector<16xf32>,
        %add3A_199 = arith.constant 3 : i32
        %add3A_200 = vector.broadcast %add3A_199 : i32 to vector<16xi32>
        %add3A_201 = arith.addi %add3A_187, %add3A_200 : vector<16xi32>
        %gather3A_202 = tpu.vector_load_idx %arg4[%add3A_201] : memref<32768xf32, #tpu.memory_space<vmem>>[vector<16xi32>], vector<16xf32>,
        %add3A_203 = arith.constant 4 : i32
        %add3A_204 = vector.broadcast %add3A_203 : i32 to vector<16xi32>
        %add3A_205 = arith.addi %add3A_187, %add3A_204 : vector<16xi32>
        %gather3A_206 = tpu.vector_load_idx %arg4[%add3A_205] : memref<32768xf32, #tpu.memory_space<vmem>>[vector<16xi32>], vector<16xf32>,
        %add3A_207 = arith.constant 5 : i32
        %add3A_208 = vector.broadcast %add3A_207 : i32 to vector<16xi32>
        %add3A_209 = arith.addi %add3A_187, %add3A_208 : vector<16xi32>
        %gather3A_210 = tpu.vector_load_idx %arg4[%add3A_209] : memref<32768xf32, #tpu.memory_space<vmem>>[vector<16xi32>], vector<16xf32>,
        %add3A_211 = arith.constant 6 : i32
        %add3A_212 = vector.broadcast %add3A_211 : i32 to vector<16xi32>
        %add3A_213 = arith.addi %add3A_187, %add3A_212 : vector<16xi32>
        %gather3A_214 = tpu.vector_load_idx %arg4[%add3A_213] : memref<32768xf32, #tpu.memory_space<vmem>>[vector<16xi32>], vector<16xf32>,
        %add3A_215 = arith.constant 7 : i32
        %add3A_216 = vector.broadcast %add3A_215 : i32 to vector<16xi32>
        %add3A_217 = arith.addi %add3A_187, %add3A_216 : vector<16xi32>
        %gather3A_218 = tpu.vector_load_idx %arg4[%add3A_217] : memref<32768xf32, #tpu.memory_space<vmem>>[vector<16xi32>], vector<16xf32>,
        %add3A_219 = arith.constant 8 : i32
        %add3A_220 = vector.broadcast %add3A_219 : i32 to vector<16xi32>
        %add3A_221 = arith.addi %add3A_187, %add3A_220 : vector<16xi32>
        %gather3A_222 = tpu.vector_load_idx %arg4[%add3A_221] : memref<32768xf32, #tpu.memory_space<vmem>>[vector<16xi32>], vector<16xf32>,
        %add3A_223 = arith.constant 9 : i32
        %add3A_224 = vector.broadcast %add3A_223 : i32 to vector<16xi32>
        %add3A_225 = arith.addi %add3A_187, %add3A_224 : vector<16xi32>
        %gather3A_226 = tpu.vector_load_idx %arg4[%add3A_225] : memref<32768xf32, #tpu.memory_space<vmem>>[vector<16xi32>], vector<16xf32>,
        %add3A_227 = arith.constant 10 : i32
        %add3A_228 = vector.broadcast %add3A_227 : i32 to vector<16xi32>
        %add3A_229 = arith.addi %add3A_187, %add3A_228 : vector<16xi32>
        %gather3A_230 = tpu.vector_load_idx %arg4[%add3A_229] : memref<32768xf32, #tpu.memory_space<vmem>>[vector<16xi32>], vector<16xf32>,
        %add3A_231 = arith.constant 11 : i32
        %add3A_232 = vector.broadcast %add3A_231 : i32 to vector<16xi32>
        %add3A_233 = arith.addi %add3A_187, %add3A_232 : vector<16xi32>
        %gather3A_234 = tpu.vector_load_idx %arg4[%add3A_233] : memref<32768xf32, #tpu.memory_space<vmem>>[vector<16xi32>], vector<16xf32>,
        %add3A_235 = arith.constant 12 : i32
        %add3A_236 = vector.broadcast %add3A_235 : i32 to vector<16xi32>
        %add3A_237 = arith.addi %add3A_187, %add3A_236 : vector<16xi32>
        %gather3A_238 = tpu.vector_load_idx %arg4[%add3A_237] : memref<32768xf32, #tpu.memory_space<vmem>>[vector<16xi32>], vector<16xf32>,
        %add3A_239 = arith.constant 13 : i32
        %add3A_240 = vector.broadcast %add3A_239 : i32 to vector<16xi32>
        %add3A_241 = arith.addi %add3A_187, %add3A_240 : vector<16xi32>
        %gather3A_242 = tpu.vector_load_idx %arg4[%add3A_241] : memref<32768xf32, #tpu.memory_space<vmem>>[vector<16xi32>], vector<16xf32>,
        %add3A_243 = arith.constant 14 : i32
        %add3A_244 = vector.broadcast %add3A_243 : i32 to vector<16xi32>
        %add3A_245 = arith.addi %add3A_187, %add3A_244 : vector<16xi32>
        %gather3A_246 = tpu.vector_load_idx %arg4[%add3A_245] : memref<32768xf32, #tpu.memory_space<vmem>>[vector<16xi32>], vector<16xf32>,
        %add3A_247 = arith.constant 15 : i32
        %add3A_248 = vector.broadcast %add3A_247 : i32 to vector<16xi32>
        %add3A_249 = arith.addi %add3A_187, %add3A_248 : vector<16xi32>
        %gather3A_250 = tpu.vector_load_idx %arg4[%add3A_249] : memref<32768xf32, #tpu.memory_space<vmem>>[vector<16xi32>], vector<16xf32>,
        %add3A_251 = arith.addf %gather3A, %gather3A_194 : vector<16xf32>
        %add3A_252 = arith.addf %gather3A_198, %gather3A_202 : vector<16xf32>
        %add3A_253 = arith.addf %gather3A_206, %gather3A_210 : vector<16xf32>
        %add3A_254 = arith.addf %gather3A_214, %gather3A_218 : vector<16xf32>
        %add3A_255 = arith.addf %gather3A_222, %gather3A_226 : vector<16xf32>
        %add3A_256 = arith.addf %gather3A_230, %gather3A_234 : vector<16xf32>
        %add3A_257 = arith.addf %gather3A_238, %gather3A_242 : vector<16xf32>
        %add3A_258 = arith.addf %gather3A_246, %gather3A_250 : vector<16xf32>
        %add3A_259 = arith.addf %add3A_251, %add3A_252 : vector<16xf32>
        %add3A_260 = arith.addf %add3A_253, %add3A_254 : vector<16xf32>
        %add3A_261 = arith.addf %add3A_255, %add3A_256 : vector<16xf32>
        %add3A_262 = arith.addf %add3A_257, %add3A_258 : vector<16xf32>
        %add3A_263 = arith.addf %add3A_259, %add3A_260 : vector<16xf32>
        %add3A_264 = arith.addf %add3A_261, %add3A_262 : vector<16xf32>
        %add3A_265 = arith.addf %add3A_263, %add3A_264 : vector<16xf32>
        %add3A_266 = arith.addf %scan3A_183, %add3A_265 : vector<16xf32>
        scf.yield %add3A_266 : vector<16xf32>
      }
      %scan3A_171 = arith.constant 16 : i32
      %broadcast_in_dim3A_172 = arith.constant true
      %broadcast_in_dim3A_173 = vector.broadcast %broadcast_in_dim3A_172 : i1 to vector<16xi1>
      %masked_cumsum3A_174 = tpu.scan <sum>, %scan3A_170 masked %broadcast_in_dim3A_173 : vector<16xf32>, vector<16xi1> -> vector<16xf32>
      %sub3A_175 = arith.subf %masked_cumsum3A_174, %scan3A_170 : vector<16xf32>
      %scan3A_176 = arith.constant 0 : i32
      %scan3A_177 = arith.constant 16 : i32
      %scan3A_178 = arith.addi %scan3A_176, %scan3A_177 : i32
      %scan3A_179 = arith.constant 1 : i32
      %scan3A_180 = scf.for %scan3A_182 = %scan3A_176 to %scan3A_178 step %scan3A_179 iter_args(%scan3A_183 = %sub3A_175) -> (vector<16xf32>)  : i32 {
        %mul3A_184 = arith.constant 16 : i32
        %mul3A_185 = arith.muli %scan3A_182, %mul3A_184 : i32
        %add3A_186 = vector.broadcast %mul3A_185 : i32 to vector<16xi32>
        %add3A_187 = arith.addi %add3A_163, %add3A_186 : vector<16xi32>
        %add3A_188 = arith.constant 0 : i32
        %add3A_189 = vector.broadcast %add3A_188 : i32 to vector<16xi32>
        %add3A_190 = arith.addi %add3A_187, %add3A_189 : vector<16xi32>
        %gather3A = tpu.vector_load_idx %arg4[%add3A_190] : memref<32768xf32, #tpu.memory_space<vmem>>[vector<16xi32>], vector<16xf32>,
        %add3A_191 = arith.constant 1 : i32
        %add3A_192 = vector.broadcast %add3A_191 : i32 to vector<16xi32>
        %add3A_193 = arith.addi %add3A_187, %add3A_192 : vector<16xi32>
        %gather3A_194 = tpu.vector_load_idx %arg4[%add3A_193] : memref<32768xf32, #tpu.memory_space<vmem>>[vector<16xi32>], vector<16xf32>,
        %add3A_195 = arith.constant 2 : i32
        %add3A_196 = vector.broadcast %add3A_195 : i32 to vector<16xi32>
        %add3A_197 = arith.addi %add3A_187, %add3A_196 : vector<16xi32>
        %gather3A_198 = tpu.vector_load_idx %arg4[%add3A_197] : memref<32768xf32, #tpu.memory_space<vmem>>[vector<16xi32>], vector<16xf32>,
        %add3A_199 = arith.constant 3 : i32
        %add3A_200 = vector.broadcast %add3A_199 : i32 to vector<16xi32>
        %add3A_201 = arith.addi %add3A_187, %add3A_200 : vector<16xi32>
        %gather3A_202 = tpu.vector_load_idx %arg4[%add3A_201] : memref<32768xf32, #tpu.memory_space<vmem>>[vector<16xi32>], vector<16xf32>,
        %add3A_203 = arith.constant 4 : i32
        %add3A_204 = vector.broadcast %add3A_203 : i32 to vector<16xi32>
        %add3A_205 = arith.addi %add3A_187, %add3A_204 : vector<16xi32>
        %gather3A_206 = tpu.vector_load_idx %arg4[%add3A_205] : memref<32768xf32, #tpu.memory_space<vmem>>[vector<16xi32>], vector<16xf32>,
        %add3A_207 = arith.constant 5 : i32
        %add3A_208 = vector.broadcast %add3A_207 : i32 to vector<16xi32>
        %add3A_209 = arith.addi %add3A_187, %add3A_208 : vector<16xi32>
        %gather3A_210 = tpu.vector_load_idx %arg4[%add3A_209] : memref<32768xf32, #tpu.memory_space<vmem>>[vector<16xi32>], vector<16xf32>,
        %add3A_211 = arith.constant 6 : i32
        %add3A_212 = vector.broadcast %add3A_211 : i32 to vector<16xi32>
        %add3A_213 = arith.addi %add3A_187, %add3A_212 : vector<16xi32>
        %gather3A_214 = tpu.vector_load_idx %arg4[%add3A_213] : memref<32768xf32, #tpu.memory_space<vmem>>[vector<16xi32>], vector<16xf32>,
        %add3A_215 = arith.constant 7 : i32
        %add3A_216 = vector.broadcast %add3A_215 : i32 to vector<16xi32>
        %add3A_217 = arith.addi %add3A_187, %add3A_216 : vector<16xi32>
        %gather3A_218 = tpu.vector_load_idx %arg4[%add3A_217] : memref<32768xf32, #tpu.memory_space<vmem>>[vector<16xi32>], vector<16xf32>,
        %add3A_219 = arith.constant 8 : i32
        %add3A_220 = vector.broadcast %add3A_219 : i32 to vector<16xi32>
        %add3A_221 = arith.addi %add3A_187, %add3A_220 : vector<16xi32>
        %gather3A_222 = tpu.vector_load_idx %arg4[%add3A_221] : memref<32768xf32, #tpu.memory_space<vmem>>[vector<16xi32>], vector<16xf32>,
        %add3A_223 = arith.constant 9 : i32
        %add3A_224 = vector.broadcast %add3A_223 : i32 to vector<16xi32>
        %add3A_225 = arith.addi %add3A_187, %add3A_224 : vector<16xi32>
        %gather3A_226 = tpu.vector_load_idx %arg4[%add3A_225] : memref<32768xf32, #tpu.memory_space<vmem>>[vector<16xi32>], vector<16xf32>,
        %add3A_227 = arith.constant 10 : i32
        %add3A_228 = vector.broadcast %add3A_227 : i32 to vector<16xi32>
        %add3A_229 = arith.addi %add3A_187, %add3A_228 : vector<16xi32>
        %gather3A_230 = tpu.vector_load_idx %arg4[%add3A_229] : memref<32768xf32, #tpu.memory_space<vmem>>[vector<16xi32>], vector<16xf32>,
        %add3A_231 = arith.constant 11 : i32
        %add3A_232 = vector.broadcast %add3A_231 : i32 to vector<16xi32>
        %add3A_233 = arith.addi %add3A_187, %add3A_232 : vector<16xi32>
        %gather3A_234 = tpu.vector_load_idx %arg4[%add3A_233] : memref<32768xf32, #tpu.memory_space<vmem>>[vector<16xi32>], vector<16xf32>,
        %add3A_235 = arith.constant 12 : i32
        %add3A_236 = vector.broadcast %add3A_235 : i32 to vector<16xi32>
        %add3A_237 = arith.addi %add3A_187, %add3A_236 : vector<16xi32>
        %gather3A_238 = tpu.vector_load_idx %arg4[%add3A_237] : memref<32768xf32, #tpu.memory_space<vmem>>[vector<16xi32>], vector<16xf32>,
        %add3A_239 = arith.constant 13 : i32
        %add3A_240 = vector.broadcast %add3A_239 : i32 to vector<16xi32>
        %add3A_241 = arith.addi %add3A_187, %add3A_240 : vector<16xi32>
        %gather3A_242 = tpu.vector_load_idx %arg4[%add3A_241] : memref<32768xf32, #tpu.memory_space<vmem>>[vector<16xi32>], vector<16xf32>,
        %add3A_243 = arith.constant 14 : i32
        %add3A_244 = vector.broadcast %add3A_243 : i32 to vector<16xi32>
        %add3A_245 = arith.addi %add3A_187, %add3A_244 : vector<16xi32>
        %gather3A_246 = tpu.vector_load_idx %arg4[%add3A_245] : memref<32768xf32, #tpu.memory_space<vmem>>[vector<16xi32>], vector<16xf32>,
        %add3A_247 = arith.constant 15 : i32
        %add3A_248 = vector.broadcast %add3A_247 : i32 to vector<16xi32>
        %add3A_249 = arith.addi %add3A_187, %add3A_248 : vector<16xi32>
        %gather3A_250 = tpu.vector_load_idx %arg4[%add3A_249] : memref<32768xf32, #tpu.memory_space<vmem>>[vector<16xi32>], vector<16xf32>,
        %add3A_251 = arith.addf %scan3A_183, %gather3A : vector<16xf32>
        %add3A_252 = arith.constant 0 : i32
        %add3A_253 = vector.broadcast %add3A_252 : i32 to vector<16xi32>
        %add3A_254 = arith.addi %add3A_187, %add3A_253 : vector<16xi32>
        tpu.vector_store_idx %arg5[%add3A_254], %add3A_251 : memref<32768xf32, #tpu.memory_space<vmem>>[vector<16xi32>], vector<16xf32>,
        %add3A_255 = arith.addf %add3A_251, %gather3A_194 : vector<16xf32>
        %add3A_256 = arith.constant 1 : i32
        %add3A_257 = vector.broadcast %add3A_256 : i32 to vector<16xi32>
        %add3A_258 = arith.addi %add3A_187, %add3A_257 : vector<16xi32>
        tpu.vector_store_idx %arg5[%add3A_258], %add3A_255 : memref<32768xf32, #tpu.memory_space<vmem>>[vector<16xi32>], vector<16xf32>,
        %add3A_259 = arith.addf %add3A_255, %gather3A_198 : vector<16xf32>
        %add3A_260 = arith.constant 2 : i32
        %add3A_261 = vector.broadcast %add3A_260 : i32 to vector<16xi32>
        %add3A_262 = arith.addi %add3A_187, %add3A_261 : vector<16xi32>
        tpu.vector_store_idx %arg5[%add3A_262], %add3A_259 : memref<32768xf32, #tpu.memory_space<vmem>>[vector<16xi32>], vector<16xf32>,
        %add3A_263 = arith.addf %add3A_259, %gather3A_202 : vector<16xf32>
        %add3A_264 = arith.constant 3 : i32
        %add3A_265 = vector.broadcast %add3A_264 : i32 to vector<16xi32>
        %add3A_266 = arith.addi %add3A_187, %add3A_265 : vector<16xi32>
        tpu.vector_store_idx %arg5[%add3A_266], %add3A_263 : memref<32768xf32, #tpu.memory_space<vmem>>[vector<16xi32>], vector<16xf32>,
        %add3A_267 = arith.addf %add3A_263, %gather3A_206 : vector<16xf32>
        %add3A_268 = arith.constant 4 : i32
        %add3A_269 = vector.broadcast %add3A_268 : i32 to vector<16xi32>
        %add3A_270 = arith.addi %add3A_187, %add3A_269 : vector<16xi32>
        tpu.vector_store_idx %arg5[%add3A_270], %add3A_267 : memref<32768xf32, #tpu.memory_space<vmem>>[vector<16xi32>], vector<16xf32>,
        %add3A_271 = arith.addf %add3A_267, %gather3A_210 : vector<16xf32>
        %add3A_272 = arith.constant 5 : i32
        %add3A_273 = vector.broadcast %add3A_272 : i32 to vector<16xi32>
        %add3A_274 = arith.addi %add3A_187, %add3A_273 : vector<16xi32>
        tpu.vector_store_idx %arg5[%add3A_274], %add3A_271 : memref<32768xf32, #tpu.memory_space<vmem>>[vector<16xi32>], vector<16xf32>,
        %add3A_275 = arith.addf %add3A_271, %gather3A_214 : vector<16xf32>
        %add3A_276 = arith.constant 6 : i32
        %add3A_277 = vector.broadcast %add3A_276 : i32 to vector<16xi32>
        %add3A_278 = arith.addi %add3A_187, %add3A_277 : vector<16xi32>
        tpu.vector_store_idx %arg5[%add3A_278], %add3A_275 : memref<32768xf32, #tpu.memory_space<vmem>>[vector<16xi32>], vector<16xf32>,
        %add3A_279 = arith.addf %add3A_275, %gather3A_218 : vector<16xf32>
        %add3A_280 = arith.constant 7 : i32
        %add3A_281 = vector.broadcast %add3A_280 : i32 to vector<16xi32>
        %add3A_282 = arith.addi %add3A_187, %add3A_281 : vector<16xi32>
        tpu.vector_store_idx %arg5[%add3A_282], %add3A_279 : memref<32768xf32, #tpu.memory_space<vmem>>[vector<16xi32>], vector<16xf32>,
        %add3A_283 = arith.addf %add3A_279, %gather3A_222 : vector<16xf32>
        %add3A_284 = arith.constant 8 : i32
        %add3A_285 = vector.broadcast %add3A_284 : i32 to vector<16xi32>
        %add3A_286 = arith.addi %add3A_187, %add3A_285 : vector<16xi32>
        tpu.vector_store_idx %arg5[%add3A_286], %add3A_283 : memref<32768xf32, #tpu.memory_space<vmem>>[vector<16xi32>], vector<16xf32>,
        %add3A_287 = arith.addf %add3A_283, %gather3A_226 : vector<16xf32>
        %add3A_288 = arith.constant 9 : i32
        %add3A_289 = vector.broadcast %add3A_288 : i32 to vector<16xi32>
        %add3A_290 = arith.addi %add3A_187, %add3A_289 : vector<16xi32>
        tpu.vector_store_idx %arg5[%add3A_290], %add3A_287 : memref<32768xf32, #tpu.memory_space<vmem>>[vector<16xi32>], vector<16xf32>,
        %add3A_291 = arith.addf %add3A_287, %gather3A_230 : vector<16xf32>
        %add3A_292 = arith.constant 10 : i32
        %add3A_293 = vector.broadcast %add3A_292 : i32 to vector<16xi32>
        %add3A_294 = arith.addi %add3A_187, %add3A_293 : vector<16xi32>
        tpu.vector_store_idx %arg5[%add3A_294], %add3A_291 : memref<32768xf32, #tpu.memory_space<vmem>>[vector<16xi32>], vector<16xf32>,
        %add3A_295 = arith.addf %add3A_291, %gather3A_234 : vector<16xf32>
        %add3A_296 = arith.constant 11 : i32
        %add3A_297 = vector.broadcast %add3A_296 : i32 to vector<16xi32>
        %add3A_298 = arith.addi %add3A_187, %add3A_297 : vector<16xi32>
        tpu.vector_store_idx %arg5[%add3A_298], %add3A_295 : memref<32768xf32, #tpu.memory_space<vmem>>[vector<16xi32>], vector<16xf32>,
        %add3A_299 = arith.addf %add3A_295, %gather3A_238 : vector<16xf32>
        %add3A_300 = arith.constant 12 : i32
        %add3A_301 = vector.broadcast %add3A_300 : i32 to vector<16xi32>
        %add3A_302 = arith.addi %add3A_187, %add3A_301 : vector<16xi32>
        tpu.vector_store_idx %arg5[%add3A_302], %add3A_299 : memref<32768xf32, #tpu.memory_space<vmem>>[vector<16xi32>], vector<16xf32>,
        %add3A_303 = arith.addf %add3A_299, %gather3A_242 : vector<16xf32>
        %add3A_304 = arith.constant 13 : i32
        %add3A_305 = vector.broadcast %add3A_304 : i32 to vector<16xi32>
        %add3A_306 = arith.addi %add3A_187, %add3A_305 : vector<16xi32>
        tpu.vector_store_idx %arg5[%add3A_306], %add3A_303 : memref<32768xf32, #tpu.memory_space<vmem>>[vector<16xi32>], vector<16xf32>,
        %add3A_307 = arith.addf %add3A_303, %gather3A_246 : vector<16xf32>
        %add3A_308 = arith.constant 14 : i32
        %add3A_309 = vector.broadcast %add3A_308 : i32 to vector<16xi32>
        %add3A_310 = arith.addi %add3A_187, %add3A_309 : vector<16xi32>
        tpu.vector_store_idx %arg5[%add3A_310], %add3A_307 : memref<32768xf32, #tpu.memory_space<vmem>>[vector<16xi32>], vector<16xf32>,
        %add3A_311 = arith.addf %add3A_307, %gather3A_250 : vector<16xf32>
        %add3A_312 = arith.constant 15 : i32
        %add3A_313 = vector.broadcast %add3A_312 : i32 to vector<16xi32>
        %add3A_314 = arith.addi %add3A_187, %add3A_313 : vector<16xi32>
        tpu.vector_store_idx %arg5[%add3A_314], %add3A_311 : memref<32768xf32, #tpu.memory_space<vmem>>[vector<16xi32>], vector<16xf32>,
        scf.yield %add3A_311 : vector<16xf32>
      }
      %scan3A_181 = arith.constant 16 : i32
      "tpu.region"() ({
        %run_scoped3A = tpu.sem_alloc : memref<!tpu.dma_semaphore, #tpu.memory_space<semaphore_mem>>
        %dma_start3A = tpu.memref_slice %arg3[%add3A_16] : memref<67108864xf32, #tpu.memory_space<hbm>> -> memref<32768xf32, #tpu.memory_space<hbm>>
        %dma_start3A_182 = tpu.memref_slice %arg3[%add3A_16] : memref<67108864xf32, #tpu.memory_space<hbm>> -> memref<32768xf32, #tpu.memory_space<hbm>>
        tpu.enqueue_dma source(%arg5 : memref<32768xf32, #tpu.memory_space<vmem>>) target(%dma_start3A_182 : memref<32768xf32, #tpu.memory_space<hbm>>) target_semaphore(%run_scoped3A : memref<!tpu.dma_semaphore, #tpu.memory_space<semaphore_mem>>)
        %dma_wait3A = tpu.memref_slice %arg3[%add3A_16] : memref<67108864xf32, #tpu.memory_space<hbm>> -> memref<32768xf32, #tpu.memory_space<hbm>>
        %dma_wait3A_183 = tpu.memref_slice %arg3[%add3A_16] : memref<67108864xf32, #tpu.memory_space<hbm>> -> memref<32768xf32, #tpu.memory_space<hbm>>
        tpu.wait_dma2 semaphore(%run_scoped3A : memref<!tpu.dma_semaphore, #tpu.memory_space<semaphore_mem>>) src(%arg5 : memref<32768xf32, #tpu.memory_space<vmem>>) dst(%dma_wait3A_183 : memref<32768xf32, #tpu.memory_space<hbm>>)
        tpu.yield
      }) : () -> ()
    }
    %scan3A_12 = arith.constant 64 : i32
    return
  }
}

</mosaic_0001>

<sc_bundles>
// kernel: kernel.3.cloned.1.call-start
scs
__scs_entry_jumppad:
0x0: {  	(pc) =	sbr.rel $0x88, $3  }
0x1: {  	(tag) =	ssettag $0x0;
	lr =	simm.s32 $0x1  }
0x2: {  	[smem:$0x3FA0] =	sst lr;
	_ =	strace $0xD0000000  }
0x3: {  	_ = 	snop  }
0x4: {  	_ = 	snop  }
0x5: {  	_ = 	snop  }
0x6: {  	_ = 	snop  }
0x7: {  	_ = 	snop  }
__scs_overlays_trampoline_lowered:
0x8: {  	[smem:$0x3FAF] =	sst s0  }
0x9: {  	[smem:$0x3FB0] =	sst s1  }
0xa: {  	[smem:$0x3FB1] =	sst s2  }
0xb: {  	[smem:$0x3FB2] =	sst s3  }
0xc: {  	[smem:$0x3FB3] =	sst s4  }
0xd: {  	[smem:$0x3FB4] =	sst s5  }
0xe: {  	[smem:$0x3FB5] =	sst s6  }
0xf: {  	[smem:$0x3FB6] =	sst s7  }
0x10: {  	[smem:$0x3FB7] =	sst s8  }
0x11: {  	[smem:$0x3FB8] =	sst s9;
	s0 =	simm.s32 @!p0 $0x0  }
0x12: {  	s1 =	sld [smem:$0x3F9E];
	s0 =	simm.s32 @p0 $0x1  }
0x13: {  	[smem:$0x3FB9] =	sst s0;
	s0 =	simm.s32 @!p1 $0x0  }
0x14: {  	s2 =	sld [smem:$0x3F9D];
	s0 =	simm.s32 @p1 $0x1  }
0x15: {  	[smem:$0x3FBA] =	sst s0;
	s0 =	simm.s32 @!p2 $0x0  }
0x16: {  	s3 =	sld [smem:$0x3FDB];
	s0 =	simm.s32 @p2 $0x1  }
0x17: {  	s4 =	simm.s32 $0x1BF5;
	[smem:$0x3FBC] =	sst s0  }
0x18: {  	s0 =	sld [smem:$0x3F9F];
	_ =	swait.ge [sflag:s4], $0x0  }
0x19: {  	s7 =	sld [smem:$0x3FA0]  }
0x1a: {  	s8 =	sadd.s32 $0xFFFFE003, lr  }
0x1b: {  	s9 =	sadd.s32 $0xFFFFFEF7, lr;
	s5 =	simm.s32 $0xFFFFFFFF;
	p2 =	slt.u32 s8, $0xFFFFF086  }
0x1c: {  	p1 =	slt.u32 s9, $0xF7A;
	s5 =	simm.s32 @!p2 $0x0  }
0x1d: {  	s5 =	simm.s32 @p1 $0x1;
	p0 =	seq.s32 s7, s2  }
0x1e: {  	s7 =	smul.u32 @!p0 $0xF7A, s2;
	p2 =	seq.s32 @!p0 s5, $0x0  }
0x1f: {  	s9 =	smul.u32 $0xF7A, s1;
	s8 =	simm.s32 @!p0 $0x1BF5;
	p2 =	por !p2, p0  }
0x20: {  	[sflag:s8] =	ssyncset.s32 @!p0 $0xFFFFF086;
	s6 =	sadd.s32 @!p0 s3, s7;
	s7 =	simm.s32 @!p0 $0x108  }
0x21: {  	s3 =	sadd.s32 s3, s9;
	s6 =	sadd.s32 @!p0 $0x88, s6;
	s7 =	simm.s32 @p2 $0x1082  }
0x22: {  	[simem:s7], [sflag:s8] =	dma.local @!p0 [hbm:s6], $0xF7A  }
0x23: {  	s9 =	sor.u32 $0xD0000000, s2;
	s6 =	simm.s32 $0x108;
	_ =	swait.ge @!p0 [sflag:s8], $0x0  }
0x24: {  	s3 =	sadd.s32 $0x88, s3;
	s6 =	simm.s32 @!p1 $0x1082;
	[sflag:s4] =	ssyncset.s32 $0xFFFFF086  }
0x25: {  	[simem:s6], [sflag:s4] =	dma.local [hbm:s3], $0xF7A  }
0x26: {  	[smem:$0x3FA0] =	sst s1;
	(tag) =	ssettag s2;
	_ =	strace s9  }
0x27: {  	s1 =	sld [smem:$0x3FB0]  }
0x28: {  	s2 =	sld [smem:$0x3FB1]  }
0x29: {  	s4 =	sld [smem:$0x3FB3]  }
0x2a: {  	p0 =	seq.s32 s5, $0x0;
	s5 =	sld [smem:$0x3FB4]  }
0x2b: {  	s6 =	sld [smem:$0x3FB5]  }
0x2c: {  	s7 =	sld [smem:$0x3FB6]  }
0x2d: {  	s3 =	simm.s32 $0x108;
	s8 =	sld [smem:$0x3FB7]  }
0x2e: {  	s3 =	simm.s32 @!p0 $0x1082;
	s9 =	sld [smem:$0x3FB8]  }
0x2f: {  	lr =	sadd.s32 s0, s3;
	s0 =	sld [smem:$0x3FAF]  }
0x30: {  	s3 =	sld [smem:$0x3FB2]  }
0x31: {  	[smem:$0x3FBB] =	sst s10  }
0x32: {  	s10 =	sld [smem:$0x3FB9];
	_ =	sdelay $0x3  }
0x33: {  	p0 =	seq.s32 s10, $0x1;
	s10 =	sld [smem:$0x3FBB];
	_ =	sdelay $0x3  }
0x34: {  	[smem:$0x3FBB] =	sst s10  }
0x35: {  	s10 =	sld [smem:$0x3FBA];
	_ =	sdelay $0x3  }
0x36: {  	p1 =	seq.s32 s10, $0x1;
	s10 =	sld [smem:$0x3FBB];
	_ =	sdelay $0x3  }
0x37: {  	[smem:$0x3FBB] =	sst s10  }
0x38: {  	s10 =	sld [smem:$0x3FBC]  }
0x39: {  	_ = 	snop;
	(pc) =	sbr.ind lr, $3  }
0x3a: {  	_ = 	snop  }
0x3b: {  	_ = 	snop  }
0x3c: {  	p2 =	seq.s32 s10, $0x1;
	s10 =	sld [smem:$0x3FBB]  }
0x3d: {  	_ =	shalt  }
0x3e: {  	_ =	shalt  }
0x3f: {  	_ =	shalt  }
0x40: {  	_ =	shalt  }
0x41: {  	_ =	shalt  }
0x42: {  	_ =	shalt  }
0x43: {  	_ =	shalt  }
0x44: {  	_ =	shalt  }
0x45: {  	_ =	shalt  }
0x46: {  	_ =	shalt  }
0x47: {  	_ =	shalt  }
0x48: {  	_ =	shalt  }
0x49: {  	_ =	shalt  }
0x4a: {  	_ =	shalt  }
0x4b: {  	_ =	shalt  }
0x4c: {  	_ =	shalt  }
0x4d: {  	_ =	shalt  }
0x4e: {  	_ =	shalt  }
0x4f: {  	_ =	shalt  }
0x50: {  	_ =	shalt  }
0x51: {  	_ =	shalt  }
0x52: {  	_ =	shalt  }
0x53: {  	_ =	shalt  }
0x54: {  	_ =	shalt  }
0x55: {  	_ =	shalt  }
0x56: {  	_ =	shalt  }
0x57: {  	_ =	shalt  }
0x58: {  	_ =	shalt  }
0x59: {  	_ =	shalt  }
0x5a: {  	_ =	shalt  }
0x5b: {  	_ =	shalt  }
0x5c: {  	_ =	shalt  }
0x5d: {  	_ =	shalt  }
0x5e: {  	_ =	shalt  }
0x5f: {  	_ =	shalt  }
0x60: {  	_ =	shalt  }
0x61: {  	_ =	shalt  }
0x62: {  	_ =	shalt  }
0x63: {  	_ =	shalt  }
0x64: {  	_ =	shalt  }
0x65: {  	_ =	shalt  }
0x66: {  	_ =	shalt  }
0x67: {  	_ =	shalt  }
0x68: {  	_ =	shalt  }
0x69: {  	_ =	shalt  }
0x6a: {  	_ =	shalt  }
0x6b: {  	_ =	shalt  }
0x6c: {  	_ =	shalt  }
0x6d: {  	_ =	shalt  }
0x6e: {  	_ =	shalt  }
0x6f: {  	_ =	shalt  }
0x70: {  	_ =	shalt  }
0x71: {  	_ =	shalt  }
0x72: {  	_ =	shalt  }
0x73: {  	_ =	shalt  }
0x74: {  	_ =	shalt  }
0x75: {  	_ =	shalt  }
0x76: {  	_ =	shalt  }
0x77: {  	_ =	shalt  }
0x78: {  	_ =	shalt  }
0x79: {  	_ =	shalt  }
0x7a: {  	_ =	shalt  }
0x7b: {  	_ =	shalt  }
0x7c: {  	_ =	shalt  }
0x7d: {  	_ =	shalt  }
0x7e: {  	_ =	shalt  }
0x7f: {  	_ =	shalt  }
0x80: {  	_ =	shalt  }
0x81: {  	_ =	shalt  }
0x82: {  	_ =	shalt  }
0x83: {  	_ =	shalt  }
0x84: {  	_ =	shalt  }
0x85: {  	_ =	shalt  }
0x86: {  	_ =	shalt  }
0x87: {  	_ =	shalt  }
.Lfunc_end0:
.L_simem_size_0:
called_computation.1_lowered:
.L_overlay_start_0:
0x88: {  	s2 =	sld [smem:$0x3FD9]  }
0x89: {  	s3 =	sld [smem:$0x3FFE];
	_ =	sdelay $0x1  }
0x8a: {  	s1 =	srdreg.scid  }
0x8b: {  	s0 =	sand.u32 $0x1, s1  }
0x8c: {  	s17 =	sshll.u32 s0, $0xA;
	s2 =	sadd.s32 s3, s2  }
0x8d: {  	s2 =	sadd.s32 s2, s17  }
0x8e: {  	[smem:$0x3FC7] =	sst s2  }
0x8f: {  	_ = 	snop  }
0x90: {  	s2 =	sld [smem:$0x3FD0];
	(tm) =	ssettm $0x1  }
0x91: {  	s18 =	sld [smem:$0x3FFB];
	_ =	sdelay $0x3  }
0x92: {  	_ =	strace s18  }
0x93: {  	s3 =	sld [smem:$0x3FFC];
	_ =	sdelay $0x3  }
0x94: {  	_ =	strace s3  }
0x95: {  	s3 =	sld [smem:$0x3FFD];
	_ =	sdelay $0x3  }
0x96: {  	_ =	strace s3  }
0x97: {  	_ =	strace $0x8FFFFFFF  }
0x98: {  	s19 =	sld [smem:$0x3FDB];
	_ =	sdelay $0x1  }
0x99: {  	s4 =	simm.s32 $_scs_section_size  }
0x9a: {  	s5 =	simm.s32 $_size__tile_overlayer_lowered;
	s6 =	simm.s32 $_tile_overlayer_lowered  }
0x9b: {  	s22 =	simm.s32 $0x1BFF;
	s21 =	sshll.u32 s6, $0x1;
	s3 =	sadd.s32 s4, s19  }
0x9c: {  	s7 =	simm.s32 $0x0;
	s20 =	sshll.u32 s5, $0x1;
	s5 =	sadd.s32 s21, s3  }
0x9d: {  	[timem:s7], [sflag:s22] =	dma.local [hbm:s5], s20  }
0x9e: {  	_ =	swait.ge [sflag:s22], s20  }
0x9f: {  	s4 =	ssub.s32 $0x0, s20;
	[sflag:s22] =	ssyncset.done $0x0  }
0xa0: {  	[sflag:s22] =	ssyncadd.s32 s4;
	_ =	sdelay $0x1  }
0xa1: {  	s23 =	simm.s32 $0x1B8B  }
0xa2: {  	_ =	swait.ge [sflag:s23], $0x1  }
0xa3: {  	[sflag:s23] =	ssyncset.done $0x0  }
0xa4: {  	s25 =	simm.s32 $0x1B8E;
	s24 =	sld [smem:$0x3FFE];
	[sflag:s23] =	ssyncadd.s32 $0xFFFFFFFF  }
0xa5: {  	s26 =	simm.s32 $execute0_lowered;
	[smem:$0x3FD2] =	sst s25  }
0xa6: {  	s5 =	sshll.u32 s26, $0x1;
	_ =	strace $0x80000049;
	[dreg:$0x1] =	wrdreg $0xFFFFFFFF  }
0xa7: {  	s28 =	simm.s32 $_size_execute0_lowered;
	s3 =	sadd.s32 s3, s5;
	[dreg:$0x0] =	wrdreg $0x0  }
0xa8: {  	s5 =	sshll.u32 s28, $0x1;
	[dreg:$0x2] =	wrdreg s3  }
0xa9: {  	[dreg:$0x3] =	wrdreg s5  }
0xaa: {  	[dreg:$0x4] =	wrdreg $0xC0  }
0xab: {  	_ =	task [dreg:s7], $0x5FFFF  }
0xac: {  	[dreg:$0x1] =	wrdreg $0xFFFFFFFF  }
0xad: {  	[dreg:$0x0] =	wrdreg $0x60  }
0xae: {  	[dreg:$0x2] =	wrdreg s2  }
0xaf: {  	[dreg:$0x3] =	wrdreg s24  }
0xb0: {  	[dreg:$0x4] =	wrdreg $0x9  }
0xb1: {  	_ =	task.clear_ibuf [dreg:s7], $0x5FFFF;
	_ =	strace $0x90000049  }
0xb2: {  	s29 =	simm.s32 $0x9;
	_ =	strace $0x8000004B  }
0xb3: {  	_ =	swait.ge [sflag:s29], $0x1  }
0xb4: {  	[sflag:s29] =	ssyncadd.s32 $0xFFFFFFFF  }
0xb5: {  	_ =	strace $0x9000004B  }
0xb6: {  	_ =	sfence  }
0xb7: {  	s30 =	sld [smem:$0x0];
	_ =	sdelay $0x2  }
0xb8: {  	s31 =	sshll.u32 s1, $0xD;
	s1 =	sshrl.u32 s1, $0x2  }
0xb9: {  	s3 =	sand.u32 $0x4000, s31;
	s1 =	sadd.s32 s1, s30  }
0xba: {  	s0 =	sor.u32 s3, s0;
	s1 =	sshll.u32 s1, $0x11  }
0xbb: {  	s0 =	sor.u32 s1, s0  }
0xbc: {  	s0 =	sadd.s32 $0x8F2B, s0  }
0xbd: {  	[sflag:s0] =	ssyncadd.remote.s32 $0x1  }
0xbe: {  	_ =	sfence.sel $0xFFFF  }
0xbf: {  	[dreg:$0x0] =	wrdreg $0xFFFFFFFF;
	(pc) =	sbr.abs _section_cstart, $3  }
0xc0: {  	[dreg:$0x1] =	wrdreg $0xFFFFFFFF  }
0xc1: {  	_ =	task.clear_ibuf [dreg:s7], $0x2FFFF;
	_ =	strace $0x9FFFFFFF  }
0xc2: {  	(tm) =	ssettm $0x7FFFFFFF  }
0xc3: {  	_ =	shalt  }
tec
execute0_lowered:
.L_overlay_start_1:
0x0: {  	(tag) =	ssettag $0x1  }
0x1: {  	v0 =	vlaneseq.u32  }
0x2: {  	v0 =	vmul.u32 $0x100, v0  }
0x3: {  	s0 =	rddreg [dreg:$0x0]  }
0x4: {  	s4 =	rddreg [dreg:$0x1];
	s2 =	simm.s32 $0x0;
	v1 =	vor.u32 $0x1001, v0  }
0x5: {  	[smem:$0x7FF] =	sst s2;
	v3 =	vor.u32 $0x1, v0;
	[tilespmem:$0x1FEF0] =	vst v1  }
0x6: {  	s1 =	rddreg [dreg:$0x2];
	v4 =	vor.u32 $0x2, v0;
	_ =	strace $0x8000004A;
	[tilespmem:$0x1FF00] =	vst v3  }
0x7: {  	v5 =	vor.u32 $0x3, v0;
	[tilespmem:$0x1FF10] =	vst v4  }
0x8: {  	v6 =	vor.u32 $0x4, v0;
	[tilespmem:$0x1FF20] =	vst v5  }
0x9: {  	v7 =	vor.u32 $0x5, v0;
	[tilespmem:$0x1FF30] =	vst v6  }
0xa: {  	v8 =	vor.u32 $0x6, v0;
	[tilespmem:$0x1FF40] =	vst v7  }
0xb: {  	v9 =	vor.u32 $0x7, v0;
	[tilespmem:$0x1FF50] =	vst v8  }
0xc: {  	v10 =	vor.u32 $0x8, v0;
	[tilespmem:$0x1FF60] =	vst v9  }
0xd: {  	v11 =	vor.u32 $0x9, v0;
	[tilespmem:$0x1FF70] =	vst v10  }
0xe: {  	v12 =	vor.u32 $0xA, v0;
	[tilespmem:$0x1FF80] =	vst v11  }
0xf: {  	v13 =	vor.u32 $0xB, v0;
	v14 =	vor.u32 $0xC, v0;
	[tilespmem:$0x1FF90] =	vst v12  }
0x10: {  	s3 =	srdreg.scid;
	v15 =	vor.u32 $0xD, v0;
	v16 =	vor.u32 $0xE, v0;
	v17 =	vor.u32 $0xF, v0;
	[tilespmem:$0x1FFA0] =	vst v13  }
0x11: {  	s5 =	sand.u32 $0x1, s3;
	v63 =	vor.u32 $0x1000, v0;
	v18 =	vor.u32 $0x1002, v0;
	v19 =	vor.u32 $0x1003, v0;
	[tilespmem:$0x1FFB0] =	vst v14  }
0x12: {  	s8 =	simm.s32 $0x8000;
	s9 =	simm.s32 $0x0;
	s6 =	ssub.s32 $0x2, s5;
	v20 =	vor.u32 $0x1004, v0;
	v21 =	vor.u32 $0x1005, v0;
	v22 =	vor.u32 $0x1006, v0;
	[tilespmem:$0x1FFC0] =	vst v15  }
0x13: {  	s3 =	stileid.u32;
	s4 =	sadd.s32 $0x800, s4;
	s7 =	sshrl.u32 s6, $0x1;
	v23 =	vor.u32 $0x1007, v0;
	v24 =	vor.u32 $0x1008, v0;
	v25 =	vor.u32 $0x1009, v0;
	[tilespmem:$0x1FFD0] =	vst v16  }
0x14: {  	s31 =	sshll.u32 s3, $0x13;
	s5 =	sshll.u32 s5, $0x12;
	v26 =	vor.u32 $0x100A, v0;
	v27 =	vor.u32 $0x100B, v0;
	v28 =	vor.u32 $0x100C, v0;
	s6 =	ssub.s32 s6, s7;
	[tilespmem:$0x1FFE0] =	vst v17  }
0x15: {  	s5 =	sor.u32 s5, s31;
	v29 =	vor.u32 $0x100D, v0;
	v30 =	vor.u32 $0x100E, v0;
	v31 =	vor.u32 $0x100F, v0;
	s7 =	simm.s32 $0x1;
	s6 =	smax.u32 s6, $0x1;
	[tilespmem:$0x1FFF0] =	vst v63  }
.LBB2_1:
0x16: {  	s10 =	simm.s32 $0x0  }
.LBB2_2:
0x17: {  	s11 =	sshll.u32 s10, $0xC  }
0x18: {  	s12 =	simm.s32 $0x0;
	s11 =	sadd.s32 s5, s11  }
0x19: {  	v1 =	vor.u32 s12, v0;
	s13 =	sadd.s32 s0, s11  }
0x1a: {  	v2 =	vor.u32 s12, v3;
	[tilespmem:s12], [sflag:$0x1] =	stream.linear.gather [hbm4b:s13+s12], $0x8000, $0x38;
	[tilespmem:$0x10000] =	vst v63  }
0x1b: {  	v32 =	vor.u32 s12, v4;
	_ =	swait.ge [sflag:s7], $0x8000  }
0x1c: {  	v33 =	vor.u32 s12, v5;
	[sflag:s7] =	ssyncset.done $0x0  }
0x1d: {  	v34 =	vor.u32 s12, v6;
	[sflag:s7] =	ssyncadd.s32 $0xFFFF8000  }
0x1e: {  	v35 =	vor.u32 s12, v7;
	v1 =	vld.idx.msk [tilespmem:v1+s2+$0x0], $0xffff  }
0x1f: {  	v36 =	vor.u32 s12, v8;
	v2 =	vld.idx.msk [tilespmem:v2+s2+$0x0], $0xffff  }
0x20: {  	v57 =	vor.u32 s12, v9;
	v38 =	vld.idx.msk [tilespmem:v32+s2+$0x0], $0xffff  }
0x21: {  	v37 =	vor.u32 s12, v10;
	v33 =	vld.idx.msk [tilespmem:v33+s2+$0x0], $0xffff  }
0x22: {  	v58 =	vor.u32 s12, v11;
	v40 =	vld.idx.msk [tilespmem:v34+s2+$0x0], $0xffff  }
0x23: {  	v39 =	vor.u32 s12, v12;
	v35 =	vld.idx.msk [tilespmem:v35+s2+$0x0], $0xffff  }
0x24: {  	v41 =	vor.u32 s12, v13;
	v36 =	vld.idx.msk [tilespmem:v36+s2+$0x0], $0xffff  }
0x25: {  	v59 =	vor.u32 s12, v14;
	v42 =	vld.idx.msk [tilespmem:v57+s2+$0x0], $0xffff  }
0x26: {  	v60 =	vor.u32 s12, v15;
	v43 =	vld.idx.msk [tilespmem:v37+s2+$0x0], $0xffff  }
0x27: {  	v61 =	vor.u32 s12, v16;
	v44 =	vld.idx.msk [tilespmem:v58+s2+$0x0], $0xffff  }
0x28: {  	s31 =	simm.s32 $0x10;
	v62 =	vor.u32 s12, v17;
	v45 =	vld.idx.msk [tilespmem:v39+s2+$0x0], $0xffff  }
0x29: {  	v46 =	vor.u32 s31, v0;
	v41 =	vld.idx.msk [tilespmem:v41+s2+$0x0], $0xffff  }
0x2a: {  	v47 =	vor.u32 s31, v3;
	v48 =	vld.idx.msk [tilespmem:v59+s2+$0x0], $0xffff  }
0x2b: {  	v56 =	vor.u32 s31, v4;
	v49 =	vld.idx.msk [tilespmem:v60+s2+$0x0], $0xffff  }
0x2c: {  	v50 =	vor.u32 s31, v5;
	v51 =	vld.idx.msk [tilespmem:v61+s2+$0x0], $0xffff  }
0x2d: {  	v52 =	vor.u32 s31, v6;
	v53 =	vld.idx.msk [tilespmem:v62+s2+$0x0], $0xffff  }
0x2e: {  	v37 =	vld.idx.msk [tilespmem:v46+s2+$0x0], $0xffff;
	v57 =	vor.u32 s31, v7  }
0x2f: {  	v39 =	vld.idx.msk [tilespmem:v47+s2+$0x0], $0xffff;
	v58 =	vor.u32 s31, v8  }
0x30: {  	v54 =	vor.u32 s31, v9;
	v32 =	vld.idx.msk [tilespmem:v56+s2+$0x0], $0xffff;
	v1 =	vadd.f32 v2, v1;
	v2 =	vadd.f32 v33, v38  }
0x31: {  	v34 =	vld.idx.msk [tilespmem:v50+s2+$0x0], $0xffff;
	v59 =	vor.u32 s31, v10;
	v40 =	vadd.f32 v35, v40;
	v42 =	vadd.f32 v42, v36  }
0x32: {  	v60 =	vor.u32 s31, v11;
	v35 =	vld.idx.msk [tilespmem:v52+s2+$0x0], $0xffff;
	v43 =	vadd.f32 v44, v43;
	v41 =	vadd.f32 v41, v45  }
0x33: {  	v55 =	vor.u32 s31, v12;
	v36 =	vld.idx.msk [tilespmem:v57+s2+$0x0], $0xffff;
	v61 =	vadd.f32 v49, v48;
	v62 =	vadd.f32 v53, v51  }
0x34: {  	v38 =	vld.idx.msk [tilespmem:v58+s2+$0x0], $0xffff;
	v44 =	vor.u32 s31, v13;
	v1 =	vadd.f32 v2, v1;
	v2 =	vadd.f32 v42, v40  }
0x35: {  	v45 =	vor.u32 s31, v14;
	v40 =	vld.idx.msk [tilespmem:v54+s2+$0x0], $0xffff;
	v43 =	vadd.f32 v41, v43;
	v49 =	vadd.f32 v62, v61  }
0x36: {  	v47 =	vor.u32 s31, v15;
	v41 =	vld.idx.msk [tilespmem:v59+s2+$0x0], $0xffff  }
0x37: {  	v48 =	vor.u32 s31, v16;
	v42 =	vld.idx.msk [tilespmem:v60+s2+$0x0], $0xffff;
	v46 =	vadd.f32 v2, v1;
	v1 =	vadd.f32 v49, v43  }
0x38: {  	s12 =	simm.s32 $0x20;
	v33 =	vimm.f32 $0.0e+00;
	v43 =	vld.idx.msk [tilespmem:v55+s2+$0x0], $0xffff;
	v2 =	vor.u32 s31, v17  }
.LBB2_3:
0x39: {  	v49 =	vor.u32 s12, v0;
	p0 =	sne.s32 s12, $0xF0;
	v44 =	vld.idx.msk [tilespmem:v44+s2+$0x0], $0xffff;
	v1 =	vadd.f32 v1, v46  }
0x3a: {  	v46 =	vor.u32 s12, v3;
	v45 =	vld.idx.msk [tilespmem:v45+s2+$0x0], $0xffff  }
0x3b: {  	v50 =	vor.u32 s12, v4;
	v47 =	vld.idx.msk [tilespmem:v47+s2+$0x0], $0xffff;
	v33 =	vadd.f32 v1, v33  }
0x3c: {  	v1 =	vor.u32 s12, v5;
	v48 =	vld.idx.msk [tilespmem:v48+s2+$0x0], $0xffff  }
0x3d: {  	v51 =	vor.u32 s12, v6;
	v2 =	vld.idx.msk [tilespmem:v2+s2+$0x0], $0xffff  }
0x3e: {  	v52 =	vor.u32 s12, v7;
	v49 =	vld.idx.msk [tilespmem:v49+s2+$0x0], $0xffff  }
0x3f: {  	v53 =	vor.u32 s12, v8;
	v46 =	vld.idx.msk [tilespmem:v46+s2+$0x0], $0xffff  }
0x40: {  	v54 =	vor.u32 s12, v9;
	v37 =	vadd.f32 v39, v37;
	v39 =	vadd.f32 v34, v32;
	v32 =	vld.idx.msk [tilespmem:v50+s2+$0x0], $0xffff  }
0x41: {  	v40 =	vadd.f32 v40, v38;
	v50 =	vadd.f32 v36, v35;
	v34 =	vld.idx.msk [tilespmem:v1+s2+$0x0], $0xffff;
	v1 =	vor.u32 s12, v10  }
0x42: {  	v41 =	vadd.f32 v42, v41;
	v42 =	vadd.f32 v44, v43;
	v35 =	vld.idx.msk [tilespmem:v51+s2+$0x0], $0xffff;
	v51 =	vor.u32 s12, v11  }
0x43: {  	v43 =	vor.u32 s12, v12;
	v47 =	vadd.f32 v47, v45;
	v2 =	vadd.f32 v2, v48;
	v36 =	vld.idx.msk [tilespmem:v52+s2+$0x0], $0xffff  }
.Ltmp0:
0x44: {  	v44 =	vor.u32 s12, v13;
	v50 =	vadd.f32 v40, v50;
	v52 =	vadd.f32 v39, v37;
	v37 =	vmovc v49;
	v38 =	vld.idx.msk [tilespmem:v53+s2+$0x0], $0xffff;
	(pc) =	sbr.rel @p0 .LBB2_3-.Ltmp0, $4  }
0x45: {  	v45 =	vor.u32 s12, v14;
	v49 =	vadd.f32 v42, v41;
	v2 =	vadd.f32 v2, v47;
	v39 =	vmovc v46;
	v40 =	vld.idx.msk [tilespmem:v54+s2+$0x0], $0xffff  }
0x46: {  	v47 =	vor.u32 s12, v15;
	v41 =	vld.idx.msk [tilespmem:v1+s2+$0x0], $0xffff  }
0x47: {  	v48 =	vor.u32 s12, v16;
	v46 =	vadd.f32 v50, v52;
	v1 =	vadd.f32 v2, v49;
	v42 =	vld.idx.msk [tilespmem:v51+s2+$0x0], $0xffff  }
0x48: {  	v2 =	vor.u32 s12, v17;
	s12 =	sadd.s32 $0x10, s12;
	v43 =	vld.idx.msk [tilespmem:v43+s2+$0x0], $0xffff  }
0x49: {  	_ =	sdelay $0x3  }
0x4a: {  	v44 =	vld.idx.msk [tilespmem:v44+s2+$0x0], $0xffff  }
0x4b: {  	v45 =	vld.idx.msk [tilespmem:v45+s2+$0x0], $0xffff  }
0x4c: {  	v47 =	vld.idx.msk [tilespmem:v47+s2+$0x0], $0xffff  }
0x4d: {  	v48 =	vld.idx.msk [tilespmem:v48+s2+$0x0], $0xffff  }
0x4e: {  	v2 =	vld.idx.msk [tilespmem:v2+s2+$0x0], $0xffff;
	_ =	sdelay $0x1  }
0x4f: {  	v37 =	vadd.f32 v39, v37;
	v32 =	vadd.f32 v34, v32  }
0x50: {  	v49 =	vadd.f32 v36, v35;
	v50 =	vadd.f32 v40, v38  }
0x51: {  	v51 =	vadd.f32 v42, v41;
	v52 =	vadd.f32 v44, v43  }
0x52: {  	v53 =	vadd.f32 v47, v45;
	v2 =	vadd.f32 v2, v48  }
0x53: {  	v32 =	vadd.f32 v32, v37;
	v34 =	vadd.f32 v50, v49  }
0x54: {  	v54 =	vadd.f32 v52, v51;
	v2 =	vadd.f32 v2, v53  }
0x55: {  	v1 =	vadd.f32 v1, v46  }
0x56: {  	v32 =	vadd.f32 v34, v32;
	v2 =	vadd.f32 v2, v54;
	_ =	sdelay $0x1  }
0x57: {  	v1 =	vadd.f32 v1, v33;
	v2 =	vadd.f32 v2, v32;
	_ =	sdelay $0x1  }
0x58: {  	v1 =	vadd.f32 v2, v1;
	_ =	sdelay $0x1  }
0x59: {  	(xrf2) =	vadd.scan.msk.f32 $0xffff, v1;
	_ =	sdelay $0x1  }
0x5a: {  	s12 =	simm.s32 $0x0  }
0x5b: {  	v2 =	vor.u32 s12, v0;
	_ =	sdelay $0x1  }
0x5c: {  	v32 =	vor.u32 s12, v3;
	_ =	sdelay $0x1  }
0x5d: {  	v34 =	vor.u32 s12, v4  }
0x5e: {  	v55 =	vld.idx.msk [tilespmem:v2+s12+$0x0], $0xffff  }
0x5f: {  	v35 =	vor.u32 s12, v5  }
0x60: {  	v57 =	vld.idx.msk [tilespmem:v32+s12+$0x0], $0xffff;
	v56, _, _ =	vpop (xrf2)  }
0x61: {  	v36 =	vor.u32 s12, v6;
	v1 =	vsub.f32 v56, v1  }
0x62: {  	v58 =	vld.idx.msk [tilespmem:v34+s12+$0x0], $0xffff  }
0x63: {  	v39 =	vor.u32 s12, v7;
	v1 =	vadd.f32 v55, v1  }
0x64: {  	v59 =	vld.idx.msk [tilespmem:v35+s12+$0x0], $0xffff  }
0x65: {  	v41 =	vor.u32 s12, v8;
	v37 =	vadd.f32 v57, v1  }
0x66: {  	v33 =	vor.u32 s12, v17;
	v60 =	vld.idx.msk [tilespmem:v36+s12+$0x0], $0xffff  }
0x67: {  	v43 =	vor.u32 s12, v9;
	v38 =	vadd.f32 v58, v37  }
0x68: {  	v44 =	vor.u32 s12, v16;
	v61 =	vld.idx.msk [tilespmem:v39+s12+$0x0], $0xffff  }
0x69: {  	v46 =	vor.u32 s12, v10;
	v40 =	vadd.f32 v59, v38  }
0x6a: {  	v48 =	vor.u32 s12, v15;
	v62 =	vld.idx.msk [tilespmem:v41+s12+$0x0], $0xffff  }
0x6b: {  	v49 =	vor.u32 s12, v11;
	v50 =	vld.idx.msk [tilespmem:v33+s12+$0x0], $0xffff;
	v42 =	vadd.f32 v60, v40  }
0x6c: {  	v52 =	vor.u32 s12, v14;
	v51 =	vld.idx.msk [tilespmem:v43+s12+$0x0], $0xffff  }
0x6d: {  	v53 =	vor.u32 s12, v12;
	v54 =	vld.idx.msk [tilespmem:v44+s12+$0x0], $0xffff;
	v45 =	vadd.f32 v61, v42  }
0x6e: {  	v56 =	vor.u32 s12, v13;
	v55 =	vld.idx.msk [tilespmem:v46+s12+$0x0], $0xffff  }
0x6f: {  	v57 =	vld.idx.msk [tilespmem:v48+s12+$0x0], $0xffff;
	v47 =	vadd.f32 v62, v45  }
0x70: {  	v58 =	vld.idx.msk [tilespmem:v49+s12+$0x0], $0xffff  }
0x71: {  	v59 =	vld.idx.msk [tilespmem:v52+s12+$0x0], $0xffff;
	v51 =	vadd.f32 v51, v47  }
0x72: {  	v60 =	vld.idx.msk [tilespmem:v53+s12+$0x0], $0xffff  }
0x73: {  	v61 =	vld.idx.msk [tilespmem:v56+s12+$0x0], $0xffff;
	[tilespmem:v2+s8+$0x0] =	vst.idx.msk $0xffff, v1;
	v1 =	vadd.f32 v55, v51  }
0x74: {  	[tilespmem:v32+s8+$0x0] =	vst.idx.msk $0xffff, v37  }
0x75: {  	[tilespmem:v34+s8+$0x0] =	vst.idx.msk $0xffff, v38;
	v2 =	vadd.f32 v58, v1  }
0x76: {  	[tilespmem:v35+s8+$0x0] =	vst.idx.msk $0xffff, v40  }
0x77: {  	[tilespmem:v36+s8+$0x0] =	vst.idx.msk $0xffff, v42;
	v60 =	vadd.f32 v60, v2  }
0x78: {  	[tilespmem:v39+s8+$0x0] =	vst.idx.msk $0xffff, v45  }
0x79: {  	[tilespmem:v41+s8+$0x0] =	vst.idx.msk $0xffff, v47;
	v62 =	vadd.f32 v61, v60  }
0x7a: {  	[tilespmem:v43+s8+$0x0] =	vst.idx.msk $0xffff, v51  }
0x7b: {  	[tilespmem:v46+s8+$0x0] =	vst.idx.msk $0xffff, v1;
	v1 =	vadd.f32 v59, v62  }
0x7c: {  	[tilespmem:v49+s8+$0x0] =	vst.idx.msk $0xffff, v2  }
0x7d: {  	[tilespmem:v53+s8+$0x0] =	vst.idx.msk $0xffff, v60;
	v2 =	vadd.f32 v57, v1  }
0x7e: {  	s13 =	simm.s32 $0x10;
	[tilespmem:v56+s8+$0x0] =	vst.idx.msk $0xffff, v62  }
0x7f: {  	v34 =	vor.u32 s13, v0;
	[tilespmem:v52+s8+$0x0] =	vst.idx.msk $0xffff, v1;
	v1 =	vadd.f32 v54, v2  }
0x80: {  	[tilespmem:v48+s8+$0x0] =	vst.idx.msk $0xffff, v2  }
0x81: {  	s15 =	simm.s32 $0x20;
	s14 =	simm.s32 $0x10;
	v32 =	vor.u32 s13, v4;
	v35 =	vor.u32 s13, v3;
	[tilespmem:v44+s8+$0x0] =	vst.idx.msk $0xffff, v1;
	v1 =	vadd.f32 v50, v1  }
.LBB2_5:
0x82: {  	_ = 	snop  }
0x83: {  	v2 =	vor.u32 s15, v4;
	p0 =	sne.s32 s15, $0xF0;
	s16 =	smov.u32 s15;
	s15 =	sadd.s32 $0x10, s15;
	[tilespmem:v33+s8+$0x0] =	vst.idx.msk $0xffff, v1  }
0x84: {  	v33 =	vld.idx.msk [tilespmem:v34+s12+$0x0], $0xffff  }
0x85: {  	v36 =	vor.u32 s14, v5  }
0x86: {  	v37 =	vld.idx.msk [tilespmem:v35+s12+$0x0], $0xffff  }
0x87: {  	v38 =	vor.u32 s14, v6  }
0x88: {  	v39 =	vld.idx.msk [tilespmem:v32+s12+$0x0], $0xffff  }
0x89: {  	v40 =	vor.u32 s14, v7  }
0x8a: {  	v1 =	vadd.f32 v33, v1;
	v41 =	vld.idx.msk [tilespmem:v36+s12+$0x0], $0xffff  }
0x8b: {  	v42 =	vor.u32 s14, v8  }
0x8c: {  	v33 =	vor.u32 s14, v17;
	v37 =	vadd.f32 v37, v1;
	v43 =	vld.idx.msk [tilespmem:v38+s12+$0x0], $0xffff  }
0x8d: {  	v44 =	vor.u32 s14, v9  }
0x8e: {  	v46 =	vor.u32 s14, v16;
	v39 =	vadd.f32 v39, v37;
	v45 =	vld.idx.msk [tilespmem:v40+s12+$0x0], $0xffff  }
0x8f: {  	v47 =	vor.u32 s14, v10  }
0x90: {  	v49 =	vor.u32 s14, v15;
	v41 =	vadd.f32 v41, v39;
	v48 =	vld.idx.msk [tilespmem:v42+s12+$0x0], $0xffff  }
0x91: {  	v50 =	vor.u32 s14, v11;
	v51 =	vld.idx.msk [tilespmem:v33+s12+$0x0], $0xffff  }
0x92: {  	v53 =	vor.u32 s14, v14;
	v43 =	vadd.f32 v43, v41;
	v52 =	vld.idx.msk [tilespmem:v44+s12+$0x0], $0xffff  }
0x93: {  	v54 =	vor.u32 s14, v12;
	v55 =	vld.idx.msk [tilespmem:v46+s12+$0x0], $0xffff  }
0x94: {  	v57 =	vor.u32 s14, v13;
	s14 =	smov.u32 s16;
	v45 =	vadd.f32 v45, v43;
	v56 =	vld.idx.msk [tilespmem:v47+s12+$0x0], $0xffff  }
0x95: {  	v58 =	vld.idx.msk [tilespmem:v49+s12+$0x0], $0xffff  }
0x96: {  	v48 =	vadd.f32 v48, v45;
	v59 =	vld.idx.msk [tilespmem:v50+s12+$0x0], $0xffff  }
0x97: {  	v60 =	vld.idx.msk [tilespmem:v53+s12+$0x0], $0xffff  }
0x98: {  	v52 =	vadd.f32 v52, v48;
	v61 =	vld.idx.msk [tilespmem:v54+s12+$0x0], $0xffff  }
0x99: {  	v62 =	vld.idx.msk [tilespmem:v57+s12+$0x0], $0xffff  }
0x9a: {  	[tilespmem:v34+s8+$0x0] =	vst.idx.msk $0xffff, v1;
	v1 =	vadd.f32 v56, v52  }
0x9b: {  	[tilespmem:v35+s8+$0x0] =	vst.idx.msk $0xffff, v37  }
0x9c: {  	[tilespmem:v32+s8+$0x0] =	vst.idx.msk $0xffff, v39;
	v34 =	vadd.f32 v59, v1;
	v32 =	vmov v2  }
0x9d: {  	[tilespmem:v36+s8+$0x0] =	vst.idx.msk $0xffff, v41  }
0x9e: {  	[tilespmem:v38+s8+$0x0] =	vst.idx.msk $0xffff, v43;
	v2 =	vadd.f32 v61, v34  }
0x9f: {  	[tilespmem:v40+s8+$0x0] =	vst.idx.msk $0xffff, v45  }
0xa0: {  	[tilespmem:v42+s8+$0x0] =	vst.idx.msk $0xffff, v48;
	v35 =	vadd.f32 v62, v2  }
0xa1: {  	[tilespmem:v44+s8+$0x0] =	vst.idx.msk $0xffff, v52  }
0xa2: {  	[tilespmem:v47+s8+$0x0] =	vst.idx.msk $0xffff, v1;
	v1 =	vadd.f32 v60, v35  }
0xa3: {  	[tilespmem:v50+s8+$0x0] =	vst.idx.msk $0xffff, v34  }
.Ltmp1:
0xa4: {  	[tilespmem:v54+s8+$0x0] =	vst.idx.msk $0xffff, v2;
	v2 =	vadd.f32 v58, v1;
	(pc) =	sbr.rel @p0 .LBB2_5-.Ltmp1, $4  }
0xa5: {  	[tilespmem:v57+s8+$0x0] =	vst.idx.msk $0xffff, v35  }
0xa6: {  	v34 =	vor.u32 s14, v0;
	[tilespmem:v53+s8+$0x0] =	vst.idx.msk $0xffff, v1;
	v1 =	vadd.f32 v55, v2  }
0xa7: {  	[tilespmem:v49+s8+$0x0] =	vst.idx.msk $0xffff, v2  }
0xa8: {  	v35 =	vor.u32 s14, v3;
	[tilespmem:v46+s8+$0x0] =	vst.idx.msk $0xffff, v1;
	v1 =	vadd.f32 v51, v1  }
0xa9: {  	_ =	sdelay $0x3  }
0xaa: {  	[tilespmem:v33+s8+$0x0] =	vst.idx.msk $0xffff, v1  }
0xab: {  	v2 =	vld.idx.msk [tilespmem:v34+s12+$0x0], $0xffff  }
0xac: {  	v5 =	vor.u32 s14, v5  }
0xad: {  	v36 =	vld.idx.msk [tilespmem:v35+s12+$0x0], $0xffff  }
0xae: {  	v37 =	vor.u32 s14, v6  }
0xaf: {  	v38 =	vld.idx.msk [tilespmem:v32+s12+$0x0], $0xffff  }
0xb0: {  	v39 =	vor.u32 s14, v7;
	v1 =	vadd.f32 v2, v1  }
0xb1: {  	v2 =	vld.idx.msk [tilespmem:v5+s12+$0x0], $0xffff  }
0xb2: {  	v40 =	vor.u32 s14, v8;
	v36 =	vadd.f32 v36, v1  }
0xb3: {  	v41 =	vld.idx.msk [tilespmem:v37+s12+$0x0], $0xffff  }
0xb4: {  	v43 =	vor.u32 s14, v9;
	v38 =	vadd.f32 v38, v36  }
0xb5: {  	v42 =	vor.u32 s14, v17;
	v44 =	vld.idx.msk [tilespmem:v39+s12+$0x0], $0xffff  }
0xb6: {  	v46 =	vor.u32 s14, v10;
	v2 =	vadd.f32 v2, v38  }
0xb7: {  	v45 =	vor.u32 s14, v16;
	v47 =	vld.idx.msk [tilespmem:v40+s12+$0x0], $0xffff  }
0xb8: {  	v49 =	vor.u32 s14, v11;
	v41 =	vadd.f32 v41, v2  }
0xb9: {  	v48 =	vor.u32 s14, v15;
	v51 =	vld.idx.msk [tilespmem:v43+s12+$0x0], $0xffff  }
0xba: {  	v53 =	vor.u32 s14, v12;
	v50 =	vld.idx.msk [tilespmem:v42+s12+$0x0], $0xffff;
	v44 =	vadd.f32 v44, v41  }
0xbb: {  	v52 =	vor.u32 s14, v14;
	v55 =	vld.idx.msk [tilespmem:v46+s12+$0x0], $0xffff  }
0xbc: {  	v56 =	vor.u32 s14, v13;
	v54 =	vld.idx.msk [tilespmem:v45+s12+$0x0], $0xffff;
	v47 =	vadd.f32 v47, v44  }
0xbd: {  	v58 =	vld.idx.msk [tilespmem:v49+s12+$0x0], $0xffff  }
0xbe: {  	v57 =	vld.idx.msk [tilespmem:v48+s12+$0x0], $0xffff;
	v51 =	vadd.f32 v51, v47  }
0xbf: {  	v60 =	vld.idx.msk [tilespmem:v53+s12+$0x0], $0xffff  }
0xc0: {  	v59 =	vld.idx.msk [tilespmem:v52+s12+$0x0], $0xffff;
	v55 =	vadd.f32 v55, v51  }
0xc1: {  	v61 =	vld.idx.msk [tilespmem:v56+s12+$0x0], $0xffff;
	[tilespmem:v34+s8+$0x0] =	vst.idx.msk $0xffff, v1  }
0xc2: {  	[tilespmem:v35+s8+$0x0] =	vst.idx.msk $0xffff, v36;
	v1 =	vadd.f32 v58, v55  }
0xc3: {  	[tilespmem:v32+s8+$0x0] =	vst.idx.msk $0xffff, v38  }
0xc4: {  	[tilespmem:v5+s8+$0x0] =	vst.idx.msk $0xffff, v2;
	v2 =	vadd.f32 v60, v1  }
0xc5: {  	[tilespmem:v37+s8+$0x0] =	vst.idx.msk $0xffff, v41  }
0xc6: {  	[tilespmem:v39+s8+$0x0] =	vst.idx.msk $0xffff, v44;
	v41 =	vadd.f32 v61, v2  }
0xc7: {  	[tilespmem:v40+s8+$0x0] =	vst.idx.msk $0xffff, v47  }
0xc8: {  	v62 =	vld [tilespmem:$0x1FEF0];
	[tilespmem:v43+s8+$0x0] =	vst.idx.msk $0xffff, v51;
	v44 =	vadd.f32 v59, v41  }
0xc9: {  	[tilespmem:v46+s8+$0x0] =	vst.idx.msk $0xffff, v55  }
0xca: {  	[tilespmem:v49+s8+$0x0] =	vst.idx.msk $0xffff, v1;
	v1 =	vadd.f32 v57, v44  }
0xcb: {  	[tilespmem:v53+s8+$0x0] =	vst.idx.msk $0xffff, v2  }
0xcc: {  	v47 =	vor.u32 s12, v63;
	[tilespmem:v56+s8+$0x0] =	vst.idx.msk $0xffff, v41;
	v2 =	vadd.f32 v54, v1  }
0xcd: {  	v49 =	vor.u32 s12, v62;
	[tilespmem:v52+s8+$0x0] =	vst.idx.msk $0xffff, v44  }
0xce: {  	v51 =	vor.u32 s12, v18;
	[tilespmem:v48+s8+$0x0] =	vst.idx.msk $0xffff, v1;
	v1 =	vadd.f32 v50, v2  }
0xcf: {  	v52 =	vor.u32 s12, v21;
	[tilespmem:v45+s8+$0x0] =	vst.idx.msk $0xffff, v2  }
0xd0: {  	v53 =	vor.u32 s12, v22;
	[tilespmem:v42+s8+$0x0] =	vst.idx.msk $0xffff, v1  }
0xd1: {  	v54 =	vor.u32 s12, v23;
	v35 =	vld.idx.msk [tilespmem:v47+s2+$0x0], $0xffff  }
0xd2: {  	v55 =	vor.u32 s12, v24;
	v33 =	vld.idx.msk [tilespmem:v49+s2+$0x0], $0xffff  }
0xd3: {  	v56 =	vor.u32 s12, v25;
	v34 =	vld.idx.msk [tilespmem:v51+s2+$0x0], $0xffff  }
0xd4: {  	v57 =	vor.u32 s12, v26;
	v40 =	vld.idx.msk [tilespmem:v52+s2+$0x0], $0xffff  }
0xd5: {  	v58 =	vor.u32 s12, v27;
	v36 =	vld.idx.msk [tilespmem:v53+s2+$0x0], $0xffff  }
0xd6: {  	v59 =	vor.u32 s12, v28;
	v42 =	vld.idx.msk [tilespmem:v54+s2+$0x0], $0xffff  }
0xd7: {  	v60 =	vor.u32 s12, v29;
	v38 =	vld.idx.msk [tilespmem:v55+s2+$0x0], $0xffff  }
0xd8: {  	v61 =	vor.u32 s12, v30;
	v44 =	vld.idx.msk [tilespmem:v56+s2+$0x0], $0xffff  }
0xd9: {  	v4 =	vor.u32 s12, v31;
	v45 =	vld.idx.msk [tilespmem:v57+s2+$0x0], $0xffff  }
0xda: {  	v5 =	vor.u32 s13, v63;
	v41 =	vld.idx.msk [tilespmem:v58+s2+$0x0], $0xffff  }
0xdb: {  	v2 =	vor.u32 s12, v19;
	v48 =	vld.idx.msk [tilespmem:v59+s2+$0x0], $0xffff  }
0xdc: {  	v1 =	vor.u32 s12, v20;
	v43 =	vld.idx.msk [tilespmem:v60+s2+$0x0], $0xffff  }
0xdd: {  	v6 =	vor.u32 s13, v62;
	v51 =	vld.idx.msk [tilespmem:v61+s2+$0x0], $0xffff  }
0xde: {  	v7 =	vor.u32 s13, v18;
	v53 =	vld.idx.msk [tilespmem:v4+s2+$0x0], $0xffff  }
0xdf: {  	v9 =	vor.u32 s13, v20;
	v37 =	vld.idx.msk [tilespmem:v5+s2+$0x0], $0xffff  }
0xe0: {  	v10 =	vor.u32 s13, v21;
	v2 =	vld.idx.msk [tilespmem:v2+s2+$0x0], $0xffff  }
0xe1: {  	v11 =	vor.u32 s13, v22;
	v1 =	vld.idx.msk [tilespmem:v1+s2+$0x0], $0xffff  }
0xe2: {  	v39 =	vld.idx.msk [tilespmem:v6+s2+$0x0], $0xffff;
	v57 =	vor.u32 s13, v25  }
0xe3: {  	v8 =	vor.u32 s13, v19;
	v32 =	vld.idx.msk [tilespmem:v7+s2+$0x0], $0xffff;
	v13 =	vadd.f32 v33, v35;
	v15 =	vadd.f32 v42, v36  }
0xe4: {  	v14 =	vor.u32 s13, v24;
	v35 =	vld.idx.msk [tilespmem:v9+s2+$0x0], $0xffff;
	v58 =	vadd.f32 v44, v38;
	v41 =	vadd.f32 v41, v45  }
0xe5: {  	v12 =	vor.u32 s13, v23;
	v36 =	vld.idx.msk [tilespmem:v10+s2+$0x0], $0xffff;
	v43 =	vadd.f32 v43, v48;
	v60 =	vadd.f32 v53, v51  }
0xe6: {  	v59 =	vor.u32 s13, v26;
	v38 =	vld.idx.msk [tilespmem:v11+s2+$0x0], $0xffff;
	v2 =	vadd.f32 v2, v34;
	v1 =	vadd.f32 v40, v1  }
0xe7: {  	v44 =	vor.u32 s13, v27;
	v42 =	vld.idx.msk [tilespmem:v57+s2+$0x0], $0xffff;
	v61 =	vadd.f32 v41, v58;
	v43 =	vadd.f32 v60, v43  }
0xe8: {  	v45 =	vor.u32 s13, v28;
	v34 =	vld.idx.msk [tilespmem:v8+s2+$0x0], $0xffff;
	v2 =	vadd.f32 v2, v13;
	v1 =	vadd.f32 v15, v1  }
0xe9: {  	v47 =	vor.u32 s13, v29;
	v41 =	vld.idx.msk [tilespmem:v14+s2+$0x0], $0xffff  }
0xea: {  	v48 =	vor.u32 s13, v30;
	v40 =	vld.idx.msk [tilespmem:v12+s2+$0x0], $0xffff;
	v46 =	vadd.f32 v1, v2;
	v1 =	vadd.f32 v43, v61  }
0xeb: {  	s12 =	simm.s32 $0x20;
	v33 =	vimm.f32 $0.0e+00;
	v43 =	vld.idx.msk [tilespmem:v59+s2+$0x0], $0xffff;
	v2 =	vor.u32 s13, v31  }
.LBB2_7:
0xec: {  	v49 =	vor.u32 s12, v63;
	p0 =	sne.s32 s12, $0xF0;
	v44 =	vld.idx.msk [tilespmem:v44+s2+$0x0], $0xffff;
	v1 =	vadd.f32 v1, v46  }
0xed: {  	v46 =	vor.u32 s12, v62;
	v45 =	vld.idx.msk [tilespmem:v45+s2+$0x0], $0xffff  }
0xee: {  	v50 =	vor.u32 s12, v18;
	v47 =	vld.idx.msk [tilespmem:v47+s2+$0x0], $0xffff;
	v33 =	vadd.f32 v1, v33  }
0xef: {  	v1 =	vor.u32 s12, v19;
	v48 =	vld.idx.msk [tilespmem:v48+s2+$0x0], $0xffff  }
0xf0: {  	v51 =	vor.u32 s12, v20;
	v2 =	vld.idx.msk [tilespmem:v2+s2+$0x0], $0xffff  }
0xf1: {  	v52 =	vor.u32 s12, v21;
	v49 =	vld.idx.msk [tilespmem:v49+s2+$0x0], $0xffff  }
0xf2: {  	v53 =	vor.u32 s12, v22;
	v46 =	vld.idx.msk [tilespmem:v46+s2+$0x0], $0xffff  }
0xf3: {  	v54 =	vor.u32 s12, v23;
	v37 =	vadd.f32 v39, v37;
	v39 =	vadd.f32 v34, v32;
	v32 =	vld.idx.msk [tilespmem:v50+s2+$0x0], $0xffff  }
0xf4: {  	v40 =	vadd.f32 v40, v38;
	v50 =	vadd.f32 v36, v35;
	v34 =	vld.idx.msk [tilespmem:v1+s2+$0x0], $0xffff;
	v1 =	vor.u32 s12, v24  }
0xf5: {  	v41 =	vadd.f32 v42, v41;
	v42 =	vadd.f32 v44, v43;
	v35 =	vld.idx.msk [tilespmem:v51+s2+$0x0], $0xffff;
	v51 =	vor.u32 s12, v25  }
0xf6: {  	v43 =	vor.u32 s12, v26;
	v47 =	vadd.f32 v47, v45;
	v2 =	vadd.f32 v2, v48;
	v36 =	vld.idx.msk [tilespmem:v52+s2+$0x0], $0xffff  }
.Ltmp2:
0xf7: {  	v44 =	vor.u32 s12, v27;
	v50 =	vadd.f32 v40, v50;
	v52 =	vadd.f32 v39, v37;
	v37 =	vmovc v49;
	v38 =	vld.idx.msk [tilespmem:v53+s2+$0x0], $0xffff;
	(pc) =	sbr.rel @p0 .LBB2_7-.Ltmp2, $4  }
0xf8: {  	v45 =	vor.u32 s12, v28;
	v49 =	vadd.f32 v42, v41;
	v2 =	vadd.f32 v2, v47;
	v39 =	vmovc v46;
	v40 =	vld.idx.msk [tilespmem:v54+s2+$0x0], $0xffff  }
0xf9: {  	v47 =	vor.u32 s12, v29;
	v41 =	vld.idx.msk [tilespmem:v1+s2+$0x0], $0xffff  }
0xfa: {  	v48 =	vor.u32 s12, v30;
	v46 =	vadd.f32 v50, v52;
	v1 =	vadd.f32 v2, v49;
	v42 =	vld.idx.msk [tilespmem:v51+s2+$0x0], $0xffff  }
0xfb: {  	v2 =	vor.u32 s12, v31;
	s12 =	sadd.s32 $0x10, s12;
	v43 =	vld.idx.msk [tilespmem:v43+s2+$0x0], $0xffff  }
0xfc: {  	_ =	sdelay $0x3  }
0xfd: {  	v44 =	vld.idx.msk [tilespmem:v44+s2+$0x0], $0xffff  }
0xfe: {  	v45 =	vld.idx.msk [tilespmem:v45+s2+$0x0], $0xffff  }
0xff: {  	v47 =	vld.idx.msk [tilespmem:v47+s2+$0x0], $0xffff  }
0x100: {  	v48 =	vld.idx.msk [tilespmem:v48+s2+$0x0], $0xffff  }
0x101: {  	v2 =	vld.idx.msk [tilespmem:v2+s2+$0x0], $0xffff;
	_ =	sdelay $0x1  }
0x102: {  	v37 =	vadd.f32 v39, v37;
	v32 =	vadd.f32 v34, v32  }
0x103: {  	v52 =	vadd.f32 v36, v35;
	v53 =	vadd.f32 v40, v38  }
0x104: {  	v54 =	vadd.f32 v42, v41;
	v55 =	vadd.f32 v44, v43  }
0x105: {  	v56 =	vadd.f32 v47, v45;
	v2 =	vadd.f32 v2, v48  }
0x106: {  	v32 =	vadd.f32 v32, v37;
	v34 =	vadd.f32 v53, v52  }
0x107: {  	v57 =	vadd.f32 v55, v54;
	v2 =	vadd.f32 v2, v56  }
0x108: {  	v1 =	vadd.f32 v1, v46  }
0x109: {  	v32 =	vadd.f32 v34, v32;
	v2 =	vadd.f32 v2, v57;
	_ =	sdelay $0x1  }
0x10a: {  	v1 =	vadd.f32 v1, v33;
	v2 =	vadd.f32 v2, v32;
	_ =	sdelay $0x1  }
0x10b: {  	v1 =	vadd.f32 v2, v1;
	_ =	sdelay $0x1  }
0x10c: {  	(xrf2) =	vadd.scan.msk.f32 $0xffff, v1;
	_ =	sdelay $0x1  }
0x10d: {  	s13 =	simm.s32 $0x0  }
0x10e: {  	v2 =	vor.u32 s13, v63;
	_ =	sdelay $0x1  }
0x10f: {  	v32 =	vor.u32 s13, v62;
	_ =	sdelay $0x1  }
0x110: {  	v34 =	vor.u32 s13, v18  }
0x111: {  	v58 =	vld.idx.msk [tilespmem:v2+s13+$0x0], $0xffff  }
0x112: {  	v35 =	vor.u32 s13, v19  }
0x113: {  	v60 =	vld.idx.msk [tilespmem:v32+s13+$0x0], $0xffff;
	v59, _, _ =	vpop (xrf2)  }
0x114: {  	v36 =	vor.u32 s13, v20;
	v1 =	vsub.f32 v59, v1  }
0x115: {  	v61 =	vld.idx.msk [tilespmem:v34+s13+$0x0], $0xffff  }
0x116: {  	v6 =	vor.u32 s13, v21;
	v1 =	vadd.f32 v58, v1  }
0x117: {  	v7 =	vld.idx.msk [tilespmem:v35+s13+$0x0], $0xffff  }
0x118: {  	v8 =	vor.u32 s13, v22;
	v37 =	vadd.f32 v60, v1  }
0x119: {  	v10 =	vor.u32 s13, v23;
	v9 =	vld.idx.msk [tilespmem:v36+s13+$0x0], $0xffff  }
0x11a: {  	v33 =	vor.u32 s13, v31;
	v38 =	vadd.f32 v61, v37  }
0x11b: {  	v11 =	vor.u32 s13, v30;
	v12 =	vld.idx.msk [tilespmem:v6+s13+$0x0], $0xffff  }
0x11c: {  	v13 =	vor.u32 s13, v24;
	v40 =	vadd.f32 v7, v38  }
0x11d: {  	v15 =	vor.u32 s13, v29;
	v14 =	vld.idx.msk [tilespmem:v8+s13+$0x0], $0xffff  }
0x11e: {  	v49 =	vor.u32 s13, v25;
	v51 =	vld.idx.msk [tilespmem:v10+s13+$0x0], $0xffff;
	v42 =	vadd.f32 v9, v40  }
0x11f: {  	v52 =	vor.u32 s13, v28;
	v50 =	vld.idx.msk [tilespmem:v33+s13+$0x0], $0xffff  }
0x120: {  	v53 =	vor.u32 s13, v26;
	v54 =	vld.idx.msk [tilespmem:v11+s13+$0x0], $0xffff;
	v45 =	vadd.f32 v12, v42  }
0x121: {  	v55 =	vld.idx.msk [tilespmem:v13+s13+$0x0], $0xffff;
	v56 =	vor.u32 s13, v27  }
0x122: {  	v57 =	vld.idx.msk [tilespmem:v15+s13+$0x0], $0xffff;
	v47 =	vadd.f32 v14, v45  }
0x123: {  	v58 =	vld.idx.msk [tilespmem:v49+s13+$0x0], $0xffff  }
0x124: {  	v59 =	vld.idx.msk [tilespmem:v52+s13+$0x0], $0xffff;
	v51 =	vadd.f32 v51, v47  }
0x125: {  	v60 =	vld.idx.msk [tilespmem:v53+s13+$0x0], $0xffff  }
0x126: {  	v61 =	vld.idx.msk [tilespmem:v56+s13+$0x0], $0xffff;
	[tilespmem:v2+s8+$0x0] =	vst.idx.msk $0xffff, v1;
	v1 =	vadd.f32 v55, v51  }
0x127: {  	[tilespmem:v32+s8+$0x0] =	vst.idx.msk $0xffff, v37  }
0x128: {  	[tilespmem:v34+s8+$0x0] =	vst.idx.msk $0xffff, v38;
	v2 =	vadd.f32 v58, v1  }
0x129: {  	[tilespmem:v35+s8+$0x0] =	vst.idx.msk $0xffff, v40  }
0x12a: {  	[tilespmem:v36+s8+$0x0] =	vst.idx.msk $0xffff, v42;
	v60 =	vadd.f32 v60, v2  }
0x12b: {  	[tilespmem:v6+s8+$0x0] =	vst.idx.msk $0xffff, v45  }
0x12c: {  	[tilespmem:v8+s8+$0x0] =	vst.idx.msk $0xffff, v47;
	v61 =	vadd.f32 v61, v60  }
0x12d: {  	[tilespmem:v10+s8+$0x0] =	vst.idx.msk $0xffff, v51  }
0x12e: {  	[tilespmem:v13+s8+$0x0] =	vst.idx.msk $0xffff, v1;
	v1 =	vadd.f32 v59, v61  }
0x12f: {  	[tilespmem:v49+s8+$0x0] =	vst.idx.msk $0xffff, v2  }
0x130: {  	[tilespmem:v53+s8+$0x0] =	vst.idx.msk $0xffff, v60;
	v2 =	vadd.f32 v57, v1  }
0x131: {  	s12 =	simm.s32 $0x10;
	[tilespmem:v56+s8+$0x0] =	vst.idx.msk $0xffff, v61  }
0x132: {  	v34 =	vor.u32 s12, v63;
	[tilespmem:v52+s8+$0x0] =	vst.idx.msk $0xffff, v1;
	v1 =	vadd.f32 v54, v2  }
0x133: {  	[tilespmem:v15+s8+$0x0] =	vst.idx.msk $0xffff, v2  }
0x134: {  	s15 =	simm.s32 $0x20;
	s14 =	simm.s32 $0x10;
	v3 =	vmovc v62;
	v32 =	vor.u32 s12, v18;
	v35 =	vor.u32 s12, v62;
	[tilespmem:v11+s8+$0x0] =	vst.idx.msk $0xffff, v1;
	v1 =	vadd.f32 v50, v1  }
.LBB2_9:
0x135: {  	_ = 	snop  }
0x136: {  	v2 =	vor.u32 s15, v18;
	p0 =	sne.s32 s15, $0xF0;
	s16 =	smov.u32 s15;
	s15 =	sadd.s32 $0x10, s15;
	[tilespmem:v33+s8+$0x0] =	vst.idx.msk $0xffff, v1  }
0x137: {  	v33 =	vld.idx.msk [tilespmem:v34+s13+$0x0], $0xffff  }
0x138: {  	v36 =	vor.u32 s14, v19  }
0x139: {  	v37 =	vld.idx.msk [tilespmem:v35+s13+$0x0], $0xffff  }
0x13a: {  	v38 =	vor.u32 s14, v20  }
0x13b: {  	v39 =	vld.idx.msk [tilespmem:v32+s13+$0x0], $0xffff  }
0x13c: {  	v40 =	vor.u32 s14, v21  }
0x13d: {  	v1 =	vadd.f32 v33, v1;
	v41 =	vld.idx.msk [tilespmem:v36+s13+$0x0], $0xffff  }
0x13e: {  	v42 =	vor.u32 s14, v22  }
0x13f: {  	v33 =	vor.u32 s14, v31;
	v37 =	vadd.f32 v37, v1;
	v43 =	vld.idx.msk [tilespmem:v38+s13+$0x0], $0xffff  }
0x140: {  	v44 =	vor.u32 s14, v23  }
0x141: {  	v46 =	vor.u32 s14, v30;
	v39 =	vadd.f32 v39, v37;
	v45 =	vld.idx.msk [tilespmem:v40+s13+$0x0], $0xffff  }
0x142: {  	v47 =	vor.u32 s14, v24  }
0x143: {  	v49 =	vor.u32 s14, v29;
	v41 =	vadd.f32 v41, v39;
	v48 =	vld.idx.msk [tilespmem:v42+s13+$0x0], $0xffff  }
0x144: {  	v50 =	vor.u32 s14, v25;
	v51 =	vld.idx.msk [tilespmem:v33+s13+$0x0], $0xffff  }
0x145: {  	v53 =	vor.u32 s14, v28;
	v43 =	vadd.f32 v43, v41;
	v52 =	vld.idx.msk [tilespmem:v44+s13+$0x0], $0xffff  }
0x146: {  	v54 =	vor.u32 s14, v26;
	v55 =	vld.idx.msk [tilespmem:v46+s13+$0x0], $0xffff  }
0x147: {  	v57 =	vor.u32 s14, v27;
	s14 =	smov.u32 s16;
	v45 =	vadd.f32 v45, v43;
	v56 =	vld.idx.msk [tilespmem:v47+s13+$0x0], $0xffff  }
0x148: {  	v58 =	vld.idx.msk [tilespmem:v49+s13+$0x0], $0xffff  }
0x149: {  	v48 =	vadd.f32 v48, v45;
	v59 =	vld.idx.msk [tilespmem:v50+s13+$0x0], $0xffff  }
0x14a: {  	v60 =	vld.idx.msk [tilespmem:v53+s13+$0x0], $0xffff  }
0x14b: {  	v52 =	vadd.f32 v52, v48;
	v61 =	vld.idx.msk [tilespmem:v54+s13+$0x0], $0xffff  }
0x14c: {  	v62 =	vld.idx.msk [tilespmem:v57+s13+$0x0], $0xffff  }
0x14d: {  	[tilespmem:v34+s8+$0x0] =	vst.idx.msk $0xffff, v1;
	v1 =	vadd.f32 v56, v52  }
0x14e: {  	[tilespmem:v35+s8+$0x0] =	vst.idx.msk $0xffff, v37  }
0x14f: {  	[tilespmem:v32+s8+$0x0] =	vst.idx.msk $0xffff, v39;
	v34 =	vadd.f32 v59, v1;
	v32 =	vmov v2  }
0x150: {  	[tilespmem:v36+s8+$0x0] =	vst.idx.msk $0xffff, v41  }
0x151: {  	[tilespmem:v38+s8+$0x0] =	vst.idx.msk $0xffff, v43;
	v2 =	vadd.f32 v61, v34  }
0x152: {  	[tilespmem:v40+s8+$0x0] =	vst.idx.msk $0xffff, v45  }
0x153: {  	[tilespmem:v42+s8+$0x0] =	vst.idx.msk $0xffff, v48;
	v35 =	vadd.f32 v62, v2  }
0x154: {  	[tilespmem:v44+s8+$0x0] =	vst.idx.msk $0xffff, v52  }
0x155: {  	[tilespmem:v47+s8+$0x0] =	vst.idx.msk $0xffff, v1;
	v1 =	vadd.f32 v60, v35  }
0x156: {  	[tilespmem:v50+s8+$0x0] =	vst.idx.msk $0xffff, v34  }
.Ltmp3:
0x157: {  	[tilespmem:v54+s8+$0x0] =	vst.idx.msk $0xffff, v2;
	v2 =	vadd.f32 v58, v1;
	(pc) =	sbr.rel @p0 .LBB2_9-.Ltmp3, $4  }
0x158: {  	[tilespmem:v57+s8+$0x0] =	vst.idx.msk $0xffff, v35  }
0x159: {  	v34 =	vor.u32 s14, v63;
	[tilespmem:v53+s8+$0x0] =	vst.idx.msk $0xffff, v1;
	v1 =	vadd.f32 v55, v2  }
0x15a: {  	[tilespmem:v49+s8+$0x0] =	vst.idx.msk $0xffff, v2  }
0x15b: {  	v35 =	vor.u32 s14, v3;
	[tilespmem:v46+s8+$0x0] =	vst.idx.msk $0xffff, v1;
	v1 =	vadd.f32 v51, v1  }
0x15c: {  	_ =	sdelay $0x3  }
0x15d: {  	[tilespmem:v33+s8+$0x0] =	vst.idx.msk $0xffff, v1  }
0x15e: {  	v2 =	vld.idx.msk [tilespmem:v34+s13+$0x0], $0xffff  }
0x15f: {  	v15 =	vor.u32 s14, v19  }
0x160: {  	v36 =	vld.idx.msk [tilespmem:v35+s13+$0x0], $0xffff  }
0x161: {  	v37 =	vor.u32 s14, v20  }
0x162: {  	v38 =	vld.idx.msk [tilespmem:v32+s13+$0x0], $0xffff  }
0x163: {  	v39 =	vor.u32 s14, v21;
	v1 =	vadd.f32 v2, v1  }
0x164: {  	v2 =	vld.idx.msk [tilespmem:v15+s13+$0x0], $0xffff  }
0x165: {  	v40 =	vor.u32 s14, v22;
	v36 =	vadd.f32 v36, v1  }
0x166: {  	v41 =	vld.idx.msk [tilespmem:v37+s13+$0x0], $0xffff  }
0x167: {  	v43 =	vor.u32 s14, v23;
	v38 =	vadd.f32 v38, v36  }
0x168: {  	v42 =	vor.u32 s14, v31;
	v44 =	vld.idx.msk [tilespmem:v39+s13+$0x0], $0xffff  }
0x169: {  	v46 =	vor.u32 s14, v24;
	v2 =	vadd.f32 v2, v38  }
0x16a: {  	v45 =	vor.u32 s14, v30;
	v47 =	vld.idx.msk [tilespmem:v40+s13+$0x0], $0xffff  }
0x16b: {  	v49 =	vor.u32 s14, v25;
	v41 =	vadd.f32 v41, v2  }
0x16c: {  	v48 =	vor.u32 s14, v29;
	v51 =	vld.idx.msk [tilespmem:v43+s13+$0x0], $0xffff  }
0x16d: {  	v53 =	vor.u32 s14, v26;
	v50 =	vld.idx.msk [tilespmem:v42+s13+$0x0], $0xffff;
	v44 =	vadd.f32 v44, v41  }
0x16e: {  	v52 =	vor.u32 s14, v28;
	v55 =	vld.idx.msk [tilespmem:v46+s13+$0x0], $0xffff  }
0x16f: {  	v56 =	vor.u32 s14, v27;
	v54 =	vld.idx.msk [tilespmem:v45+s13+$0x0], $0xffff;
	v47 =	vadd.f32 v47, v44  }
0x170: {  	v58 =	vld.idx.msk [tilespmem:v49+s13+$0x0], $0xffff  }
0x171: {  	v57 =	vld.idx.msk [tilespmem:v48+s13+$0x0], $0xffff;
	v51 =	vadd.f32 v51, v47  }
0x172: {  	v60 =	vld.idx.msk [tilespmem:v53+s13+$0x0], $0xffff  }
0x173: {  	v59 =	vld.idx.msk [tilespmem:v52+s13+$0x0], $0xffff;
	v55 =	vadd.f32 v55, v51  }
0x174: {  	v61 =	vld.idx.msk [tilespmem:v56+s13+$0x0], $0xffff;
	[tilespmem:v34+s8+$0x0] =	vst.idx.msk $0xffff, v1  }
0x175: {  	[tilespmem:v35+s8+$0x0] =	vst.idx.msk $0xffff, v36;
	v1 =	vadd.f32 v58, v55  }
0x176: {  	[tilespmem:v32+s8+$0x0] =	vst.idx.msk $0xffff, v38  }
0x177: {  	[tilespmem:v15+s8+$0x0] =	vst.idx.msk $0xffff, v2;
	v2 =	vadd.f32 v60, v1  }
0x178: {  	[tilespmem:v37+s8+$0x0] =	vst.idx.msk $0xffff, v41  }
0x179: {  	[tilespmem:v39+s8+$0x0] =	vst.idx.msk $0xffff, v44;
	v44 =	vadd.f32 v61, v2  }
0x17a: {  	[tilespmem:v40+s8+$0x0] =	vst.idx.msk $0xffff, v47  }
0x17b: {  	[tilespmem:v43+s8+$0x0] =	vst.idx.msk $0xffff, v51;
	v51 =	vadd.f32 v59, v44  }
0x17c: {  	[tilespmem:v46+s8+$0x0] =	vst.idx.msk $0xffff, v55  }
0x17d: {  	[tilespmem:v49+s8+$0x0] =	vst.idx.msk $0xffff, v1;
	v1 =	vadd.f32 v57, v51  }
0x17e: {  	v32 =	vor.u32 $0x2000, v0;
	[tilespmem:v53+s8+$0x0] =	vst.idx.msk $0xffff, v2  }
0x17f: {  	v35 =	vor.u32 $0x2001, v0;
	[tilespmem:v56+s8+$0x0] =	vst.idx.msk $0xffff, v44;
	v57 =	vor.u32 s13, v32;
	v2 =	vadd.f32 v54, v1  }
0x180: {  	v38 =	vor.u32 $0x2002, v0;
	v58 =	vor.u32 s13, v35;
	[tilespmem:v52+s8+$0x0] =	vst.idx.msk $0xffff, v51  }
0x181: {  	v43 =	vor.u32 $0x2005, v0;
	v59 =	vor.u32 s13, v38;
	[tilespmem:v48+s8+$0x0] =	vst.idx.msk $0xffff, v1;
	v1 =	vadd.f32 v50, v2  }
0x182: {  	v40 =	vor.u32 $0x2007, v0;
	v60 =	vor.u32 s13, v43;
	[tilespmem:v45+s8+$0x0] =	vst.idx.msk $0xffff, v2  }
0x183: {  	v37 =	vor.u32 $0x2008, v0;
	v62 =	vor.u32 s13, v40;
	[tilespmem:v42+s8+$0x0] =	vst.idx.msk $0xffff, v1  }
0x184: {  	v36 =	vor.u32 $0x2009, v0;
	v63 =	vor.u32 s13, v37;
	v3 =	vld.idx.msk [tilespmem:v57+s2+$0x0], $0xffff  }
0x185: {  	v34 =	vor.u32 $0x200A, v0;
	v12 =	vor.u32 s13, v36;
	v4 =	vld.idx.msk [tilespmem:v58+s2+$0x0], $0xffff  }
0x186: {  	v33 =	vor.u32 $0x200B, v0;
	v13 =	vor.u32 s13, v34;
	v5 =	vld.idx.msk [tilespmem:v59+s2+$0x0], $0xffff  }
0x187: {  	v14 =	vor.u32 s13, v33;
	v44 =	vor.u32 $0x200C, v0;
	v7 =	vld.idx.msk [tilespmem:v60+s2+$0x0], $0xffff  }
0x188: {  	v46 =	vor.u32 $0x200E, v0;
	v15 =	vor.u32 s13, v44;
	v51 =	vld.idx.msk [tilespmem:v62+s2+$0x0], $0xffff  }
0x189: {  	v39 =	vor.u32 $0x2003, v0;
	v49 =	vor.u32 s13, v46;
	v9 =	vld.idx.msk [tilespmem:v63+s2+$0x0], $0xffff  }
0x18a: {  	v41 =	vor.u32 $0x2004, v0;
	v2 =	vor.u32 s13, v39;
	v10 =	vld.idx.msk [tilespmem:v12+s2+$0x0], $0xffff  }
0x18b: {  	v1 =	vor.u32 s13, v41;
	v42 =	vor.u32 $0x2006, v0;
	v11 =	vld.idx.msk [tilespmem:v13+s2+$0x0], $0xffff  }
0x18c: {  	v45 =	vor.u32 $0x200D, v0;
	v61 =	vor.u32 s13, v42;
	v52 =	vld.idx.msk [tilespmem:v14+s2+$0x0], $0xffff  }
0x18d: {  	v47 =	vor.u32 $0x200F, v0;
	v59 =	vor.u32 s13, v45;
	v12 =	vld.idx.msk [tilespmem:v15+s2+$0x0], $0xffff  }
0x18e: {  	v53 =	vor.u32 s13, v47;
	v14 =	vld.idx.msk [tilespmem:v49+s2+$0x0], $0xffff  }
0x18f: {  	v62 =	vor.u32 s12, v32;
	v50 =	vld.idx.msk [tilespmem:v2+s2+$0x0], $0xffff  }
0x190: {  	v58 =	vor.u32 s12, v35;
	v6 =	vld.idx.msk [tilespmem:v1+s2+$0x0], $0xffff  }
0x191: {  	v2 =	vor.u32 s12, v39;
	v8 =	vld.idx.msk [tilespmem:v61+s2+$0x0], $0xffff  }
0x192: {  	v1 =	vor.u32 s12, v38;
	v13 =	vld.idx.msk [tilespmem:v59+s2+$0x0], $0xffff  }
0x193: {  	v54 =	vor.u32 s12, v42;
	v61 =	vld.idx.msk [tilespmem:v53+s2+$0x0], $0xffff  }
0x194: {  	v60 =	vor.u32 s12, v40;
	v53 =	vld.idx.msk [tilespmem:v62+s2+$0x0], $0xffff  }
0x195: {  	v63 =	vor.u32 s12, v37;
	v55 =	vld.idx.msk [tilespmem:v58+s2+$0x0], $0xffff;
	v59 =	vadd.f32 v4, v3  }
0x196: {  	v48 =	vor.u32 s12, v41;
	v58 =	vadd.f32 v50, v5;
	v50 =	vld.idx.msk [tilespmem:v2+s2+$0x0], $0xffff;
	v2 =	vadd.f32 v10, v9  }
0x197: {  	v62 =	vor.u32 s12, v43;
	v49 =	vld.idx.msk [tilespmem:v1+s2+$0x0], $0xffff;
	v15 =	vadd.f32 v7, v6;
	v1 =	vadd.f32 v52, v11  }
0x198: {  	v3 =	vor.u32 s12, v36;
	v54 =	vld.idx.msk [tilespmem:v54+s2+$0x0], $0xffff;
	v4 =	vadd.f32 v58, v59;
	v8 =	vadd.f32 v51, v8  }
0x199: {  	v56 =	vld.idx.msk [tilespmem:v60+s2+$0x0], $0xffff;
	v59 =	vor.u32 s12, v34;
	v13 =	vadd.f32 v13, v12;
	v61 =	vadd.f32 v61, v14  }
0x19a: {  	v60 =	vor.u32 s12, v33;
	v57 =	vld.idx.msk [tilespmem:v63+s2+$0x0], $0xffff;
	v14 =	vadd.f32 v8, v15  }
0x19b: {  	v51 =	vld.idx.msk [tilespmem:v48+s2+$0x0], $0xffff;
	v15 =	vadd.f32 v1, v2;
	v2 =	vadd.f32 v61, v13;
	v61 =	vor.u32 s12, v44  }
0x19c: {  	v63 =	vor.u32 s12, v45;
	v52 =	vld.idx.msk [tilespmem:v62+s2+$0x0], $0xffff;
	v48 =	vimm.f32 $0.0e+00  }
0x19d: {  	s13 =	simm.s32 $0x20;
	v58 =	vld.idx.msk [tilespmem:v3+s2+$0x0], $0xffff;
	v1 =	vor.u32 s12, v46;
	v62 =	vadd.f32 v14, v4;
	v2 =	vadd.f32 v2, v15  }
.LBB2_11:
0x19e: {  	p0 =	sne.s32 s13, $0xF0;
	v59 =	vld.idx.msk [tilespmem:v59+s2+$0x0], $0xffff;
	v3 =	vor.u32 s12, v47;
	s12 =	smov.u32 s13  }
0x19f: {  	v4 =	vor.u32 s13, v32;
	v60 =	vld.idx.msk [tilespmem:v60+s2+$0x0], $0xffff;
	v2 =	vadd.f32 v2, v62  }
0x1a0: {  	v62 =	vor.u32 s13, v35;
	v61 =	vld.idx.msk [tilespmem:v61+s2+$0x0], $0xffff  }
0x1a1: {  	v5 =	vor.u32 s13, v38;
	v63 =	vld.idx.msk [tilespmem:v63+s2+$0x0], $0xffff;
	v48 =	vadd.f32 v2, v48  }
0x1a2: {  	v2 =	vor.u32 s13, v39;
	v1 =	vld.idx.msk [tilespmem:v1+s2+$0x0], $0xffff  }
0x1a3: {  	v6 =	vor.u32 s13, v41;
	v3 =	vld.idx.msk [tilespmem:v3+s2+$0x0], $0xffff  }
0x1a4: {  	v7 =	vor.u32 s13, v43;
	v4 =	vld.idx.msk [tilespmem:v4+s2+$0x0], $0xffff  }
0x1a5: {  	v8 =	vor.u32 s13, v42;
	v62 =	vld.idx.msk [tilespmem:v62+s2+$0x0], $0xffff  }
0x1a6: {  	v9 =	vor.u32 s13, v40;
	v53 =	vadd.f32 v55, v53;
	v55 =	vadd.f32 v50, v49;
	v49 =	vld.idx.msk [tilespmem:v5+s2+$0x0], $0xffff  }
0x1a7: {  	v56 =	vadd.f32 v56, v54;
	v5 =	vadd.f32 v52, v51;
	v50 =	vld.idx.msk [tilespmem:v2+s2+$0x0], $0xffff;
	v2 =	vor.u32 s13, v37  }
0x1a8: {  	v57 =	vadd.f32 v58, v57;
	v58 =	vadd.f32 v60, v59;
	v51 =	vld.idx.msk [tilespmem:v6+s2+$0x0], $0xffff;
	v6 =	vor.u32 s13, v36  }
.Ltmp4:
0x1a9: {  	v59 =	vor.u32 s13, v34;
	v1 =	vadd.f32 v3, v1;
	v52 =	vld.idx.msk [tilespmem:v7+s2+$0x0], $0xffff;
	v7 =	vadd.f32 v63, v61;
	(pc) =	sbr.rel @p0 .LBB2_11-.Ltmp4, $4  }
0x1aa: {  	v60 =	vor.u32 s13, v33;
	v3 =	vadd.f32 v55, v53;
	v5 =	vadd.f32 v56, v5;
	v53 =	vmovc v4;
	v54 =	vld.idx.msk [tilespmem:v8+s2+$0x0], $0xffff  }
0x1ab: {  	v61 =	vor.u32 s13, v44;
	v4 =	vadd.f32 v58, v57;
	v55 =	vmovc v62;
	v56 =	vld.idx.msk [tilespmem:v9+s2+$0x0], $0xffff;
	v7 =	vadd.f32 v1, v7  }
0x1ac: {  	v63 =	vor.u32 s13, v45;
	v57 =	vld.idx.msk [tilespmem:v2+s2+$0x0], $0xffff  }
0x1ad: {  	s13 =	sadd.s32 $0x10, s13;
	v62 =	vadd.f32 v5, v3;
	v1 =	vor.u32 s12, v46;
	v58 =	vld.idx.msk [tilespmem:v6+s2+$0x0], $0xffff;
	v2 =	vadd.f32 v7, v4  }
0x1ae: {  	_ =	sdelay $0x3  }
0x1af: {  	v3 =	vld.idx.msk [tilespmem:v59+s2+$0x0], $0xffff;
	v4 =	vor.u32 s12, v47  }
0x1b0: {  	v5 =	vld.idx.msk [tilespmem:v60+s2+$0x0], $0xffff  }
0x1b1: {  	v6 =	vld.idx.msk [tilespmem:v61+s2+$0x0], $0xffff  }
0x1b2: {  	v7 =	vld.idx.msk [tilespmem:v63+s2+$0x0], $0xffff  }
0x1b3: {  	v1 =	vld.idx.msk [tilespmem:v1+s2+$0x0], $0xffff  }
0x1b4: {  	v4 =	vld.idx.msk [tilespmem:v4+s2+$0x0], $0xffff;
	_ =	sdelay $0x1  }
0x1b5: {  	v8 =	vadd.f32 v55, v53;
	v9 =	vadd.f32 v50, v49  }
0x1b6: {  	v15 =	vadd.f32 v52, v51;
	v55 =	vadd.f32 v56, v54  }
0x1b7: {  	v56 =	vadd.f32 v58, v57;
	v3 =	vadd.f32 v5, v3  }
0x1b8: {  	v57 =	vadd.f32 v7, v6;
	v1 =	vadd.f32 v4, v1  }
0x1b9: {  	v58 =	vadd.f32 v9, v8;
	v59 =	vadd.f32 v55, v15  }
0x1ba: {  	v3 =	vadd.f32 v3, v56;
	v1 =	vadd.f32 v1, v57  }
0x1bb: {  	v2 =	vadd.f32 v2, v62  }
0x1bc: {  	v4 =	vadd.f32 v59, v58;
	v1 =	vadd.f32 v1, v3;
	_ =	sdelay $0x1  }
0x1bd: {  	v2 =	vadd.f32 v2, v48;
	v1 =	vadd.f32 v1, v4;
	_ =	sdelay $0x1  }
0x1be: {  	v1 =	vadd.f32 v1, v2;
	_ =	sdelay $0x1  }
0x1bf: {  	(xrf2) =	vadd.scan.msk.f32 $0xffff, v1;
	_ =	sdelay $0x1  }
0x1c0: {  	s13 =	simm.s32 $0x0  }
0x1c1: {  	v63 =	vor.u32 s13, v32;
	_ =	sdelay $0x1  }
0x1c2: {  	v12 =	vor.u32 s13, v35;
	_ =	sdelay $0x1  }
0x1c3: {  	v11 =	vor.u32 s13, v38  }
0x1c4: {  	v60 =	vld.idx.msk [tilespmem:v63+s13+$0x0], $0xffff  }
0x1c5: {  	v13 =	vor.u32 s13, v39  }
0x1c6: {  	v62 =	vld.idx.msk [tilespmem:v12+s13+$0x0], $0xffff;
	v61, _, _ =	vpop (xrf2)  }
0x1c7: {  	v53 =	vor.u32 s13, v41;
	v1 =	vsub.f32 v61, v1  }
0x1c8: {  	v14 =	vld.idx.msk [tilespmem:v11+s13+$0x0], $0xffff  }
0x1c9: {  	v57 =	vor.u32 s13, v43;
	v7 =	vadd.f32 v60, v1  }
0x1ca: {  	v15 =	vld.idx.msk [tilespmem:v13+s13+$0x0], $0xffff  }
0x1cb: {  	v50 =	vor.u32 s13, v42;
	v8 =	vadd.f32 v62, v7  }
0x1cc: {  	v51 =	vld.idx.msk [tilespmem:v53+s13+$0x0], $0xffff;
	v59 =	vor.u32 s13, v45  }
0x1cd: {  	v52 =	vor.u32 s13, v40;
	v9 =	vadd.f32 v14, v8  }
0x1ce: {  	v55 =	vor.u32 s13, v37;
	v54 =	vld.idx.msk [tilespmem:v57+s13+$0x0], $0xffff  }
0x1cf: {  	v58 =	vor.u32 s13, v36;
	v5 =	vadd.f32 v15, v9  }
0x1d0: {  	v56 =	vld.idx.msk [tilespmem:v50+s13+$0x0], $0xffff;
	v61 =	vor.u32 s13, v44  }
0x1d1: {  	v49 =	vor.u32 s13, v47;
	v16 =	vld.idx.msk [tilespmem:v59+s13+$0x0], $0xffff;
	v51 =	vadd.f32 v51, v5  }
0x1d2: {  	v60 =	vld.idx.msk [tilespmem:v52+s13+$0x0], $0xffff;
	v1 =	vor.u32 s13, v33  }
0x1d3: {  	v4 =	vld.idx.msk [tilespmem:v55+s13+$0x0], $0xffff;
	v62 =	vor.u32 s13, v34;
	v54 =	vadd.f32 v54, v51  }
0x1d4: {  	v10 =	vor.u32 s13, v46;
	v2 =	vld.idx.msk [tilespmem:v58+s13+$0x0], $0xffff  }
0x1d5: {  	v48 =	vld.idx.msk [tilespmem:v61+s13+$0x0], $0xffff;
	v56 =	vadd.f32 v56, v54  }
0x1d6: {  	v14 =	vld.idx.msk [tilespmem:v49+s13+$0x0], $0xffff  }
0x1d7: {  	v6 =	vld.idx.msk [tilespmem:v1+s13+$0x0], $0xffff;
	v60 =	vadd.f32 v60, v56  }
0x1d8: {  	v3 =	vld.idx.msk [tilespmem:v62+s13+$0x0], $0xffff  }
0x1d9: {  	v15 =	vld.idx.msk [tilespmem:v10+s13+$0x0], $0xffff;
	[tilespmem:v63+s8+$0x0] =	vst.idx.msk $0xffff, v7;
	v4 =	vadd.f32 v4, v60  }
0x1da: {  	[tilespmem:v12+s8+$0x0] =	vst.idx.msk $0xffff, v8  }
0x1db: {  	[tilespmem:v11+s8+$0x0] =	vst.idx.msk $0xffff, v9;
	v2 =	vadd.f32 v2, v4  }
0x1dc: {  	[tilespmem:v13+s8+$0x0] =	vst.idx.msk $0xffff, v5  }
0x1dd: {  	[tilespmem:v53+s8+$0x0] =	vst.idx.msk $0xffff, v51;
	v3 =	vadd.f32 v3, v2  }
0x1de: {  	[tilespmem:v57+s8+$0x0] =	vst.idx.msk $0xffff, v54  }
0x1df: {  	[tilespmem:v50+s8+$0x0] =	vst.idx.msk $0xffff, v56;
	v57 =	vadd.f32 v6, v3  }
0x1e0: {  	[tilespmem:v52+s8+$0x0] =	vst.idx.msk $0xffff, v60  }
0x1e1: {  	[tilespmem:v55+s8+$0x0] =	vst.idx.msk $0xffff, v4;
	v63 =	vadd.f32 v48, v57  }
0x1e2: {  	[tilespmem:v58+s8+$0x0] =	vst.idx.msk $0xffff, v2  }
0x1e3: {  	[tilespmem:v62+s8+$0x0] =	vst.idx.msk $0xffff, v3;
	v2 =	vadd.f32 v16, v63  }
0x1e4: {  	s12 =	simm.s32 $0x10;
	[tilespmem:v1+s8+$0x0] =	vst.idx.msk $0xffff, v57  }
0x1e5: {  	v50 =	vor.u32 s12, v32;
	[tilespmem:v61+s8+$0x0] =	vst.idx.msk $0xffff, v63;
	v1 =	vadd.f32 v15, v2  }
0x1e6: {  	[tilespmem:v59+s8+$0x0] =	vst.idx.msk $0xffff, v2  }
0x1e7: {  	s15 =	simm.s32 $0x20;
	s14 =	simm.s32 $0x10;
	v51 =	vor.u32 s12, v35;
	v48 =	vor.u32 s12, v38;
	[tilespmem:v10+s8+$0x0] =	vst.idx.msk $0xffff, v1;
	v1 =	vadd.f32 v14, v1  }
.LBB2_13:
0x1e8: {  	_ = 	snop  }
0x1e9: {  	v2 =	vor.u32 s15, v38;
	p0 =	sne.s32 s15, $0xF0;
	s16 =	smov.u32 s15;
	s15 =	sadd.s32 $0x10, s15;
	[tilespmem:v49+s8+$0x0] =	vst.idx.msk $0xffff, v1  }
0x1ea: {  	v3 =	vld.idx.msk [tilespmem:v50+s13+$0x0], $0xffff  }
0x1eb: {  	v4 =	vor.u32 s14, v39  }
0x1ec: {  	v5 =	vld.idx.msk [tilespmem:v51+s13+$0x0], $0xffff  }
0x1ed: {  	v6 =	vor.u32 s14, v41  }
0x1ee: {  	v7 =	vld.idx.msk [tilespmem:v48+s13+$0x0], $0xffff  }
0x1ef: {  	v8 =	vor.u32 s14, v43  }
0x1f0: {  	v1 =	vadd.f32 v3, v1;
	v9 =	vld.idx.msk [tilespmem:v4+s13+$0x0], $0xffff  }
0x1f1: {  	v3 =	vor.u32 s14, v42  }
0x1f2: {  	v49 =	vor.u32 s14, v47;
	v5 =	vadd.f32 v5, v1;
	v52 =	vld.idx.msk [tilespmem:v6+s13+$0x0], $0xffff  }
0x1f3: {  	v53 =	vor.u32 s14, v40  }
0x1f4: {  	v55 =	vor.u32 s14, v46;
	v7 =	vadd.f32 v7, v5;
	v54 =	vld.idx.msk [tilespmem:v8+s13+$0x0], $0xffff  }
0x1f5: {  	v56 =	vor.u32 s14, v37  }
0x1f6: {  	v58 =	vor.u32 s14, v45;
	v9 =	vadd.f32 v9, v7;
	v57 =	vld.idx.msk [tilespmem:v3+s13+$0x0], $0xffff  }
0x1f7: {  	v59 =	vor.u32 s14, v36;
	v60 =	vld.idx.msk [tilespmem:v49+s13+$0x0], $0xffff  }
0x1f8: {  	v62 =	vor.u32 s14, v44;
	v52 =	vadd.f32 v52, v9;
	v61 =	vld.idx.msk [tilespmem:v53+s13+$0x0], $0xffff  }
0x1f9: {  	v63 =	vor.u32 s14, v34;
	v10 =	vld.idx.msk [tilespmem:v55+s13+$0x0], $0xffff  }
0x1fa: {  	v12 =	vor.u32 s14, v33;
	s14 =	smov.u32 s16;
	v54 =	vadd.f32 v54, v52;
	v11 =	vld.idx.msk [tilespmem:v56+s13+$0x0], $0xffff  }
0x1fb: {  	v13 =	vld.idx.msk [tilespmem:v58+s13+$0x0], $0xffff  }
0x1fc: {  	v57 =	vadd.f32 v57, v54;
	v14 =	vld.idx.msk [tilespmem:v59+s13+$0x0], $0xffff  }
0x1fd: {  	v15 =	vld.idx.msk [tilespmem:v62+s13+$0x0], $0xffff  }
0x1fe: {  	v61 =	vadd.f32 v61, v57;
	v16 =	vld.idx.msk [tilespmem:v63+s13+$0x0], $0xffff  }
0x1ff: {  	v17 =	vld.idx.msk [tilespmem:v12+s13+$0x0], $0xffff  }
0x200: {  	[tilespmem:v50+s8+$0x0] =	vst.idx.msk $0xffff, v1;
	v1 =	vadd.f32 v11, v61  }
0x201: {  	[tilespmem:v51+s8+$0x0] =	vst.idx.msk $0xffff, v5  }
0x202: {  	[tilespmem:v48+s8+$0x0] =	vst.idx.msk $0xffff, v7;
	v5 =	vadd.f32 v14, v1;
	v48 =	vmov v2  }
0x203: {  	[tilespmem:v4+s8+$0x0] =	vst.idx.msk $0xffff, v9  }
0x204: {  	[tilespmem:v6+s8+$0x0] =	vst.idx.msk $0xffff, v52;
	v2 =	vadd.f32 v16, v5  }
0x205: {  	[tilespmem:v8+s8+$0x0] =	vst.idx.msk $0xffff, v54  }
0x206: {  	[tilespmem:v3+s8+$0x0] =	vst.idx.msk $0xffff, v57;
	v3 =	vadd.f32 v17, v2  }
0x207: {  	[tilespmem:v53+s8+$0x0] =	vst.idx.msk $0xffff, v61  }
0x208: {  	[tilespmem:v56+s8+$0x0] =	vst.idx.msk $0xffff, v1;
	v1 =	vadd.f32 v15, v3  }
0x209: {  	[tilespmem:v59+s8+$0x0] =	vst.idx.msk $0xffff, v5  }
.Ltmp5:
0x20a: {  	[tilespmem:v63+s8+$0x0] =	vst.idx.msk $0xffff, v2;
	v2 =	vadd.f32 v13, v1;
	(pc) =	sbr.rel @p0 .LBB2_13-.Ltmp5, $4  }
0x20b: {  	[tilespmem:v12+s8+$0x0] =	vst.idx.msk $0xffff, v3  }
0x20c: {  	v50 =	vor.u32 s14, v32;
	[tilespmem:v62+s8+$0x0] =	vst.idx.msk $0xffff, v1;
	v1 =	vadd.f32 v10, v2  }
0x20d: {  	[tilespmem:v58+s8+$0x0] =	vst.idx.msk $0xffff, v2  }
0x20e: {  	v51 =	vor.u32 s14, v35;
	[tilespmem:v55+s8+$0x0] =	vst.idx.msk $0xffff, v1;
	v1 =	vadd.f32 v60, v1  }
0x20f: {  	_ =	sdelay $0x3  }
0x210: {  	[tilespmem:v49+s8+$0x0] =	vst.idx.msk $0xffff, v1  }
0x211: {  	v2 =	vld.idx.msk [tilespmem:v50+s13+$0x0], $0xffff  }
0x212: {  	v3 =	vor.u32 s14, v39  }
0x213: {  	v4 =	vld.idx.msk [tilespmem:v51+s13+$0x0], $0xffff  }
0x214: {  	v5 =	vor.u32 s14, v41  }
0x215: {  	v6 =	vld.idx.msk [tilespmem:v48+s13+$0x0], $0xffff  }
0x216: {  	v7 =	vor.u32 s14, v43;
	v1 =	vadd.f32 v2, v1  }
0x217: {  	v2 =	vld.idx.msk [tilespmem:v3+s13+$0x0], $0xffff  }
0x218: {  	v8 =	vor.u32 s14, v42;
	v4 =	vadd.f32 v4, v1  }
0x219: {  	v9 =	vld.idx.msk [tilespmem:v5+s13+$0x0], $0xffff  }
0x21a: {  	v11 =	vor.u32 s14, v40;
	v6 =	vadd.f32 v6, v4  }
0x21b: {  	v10 =	vor.u32 s14, v47;
	v12 =	vld.idx.msk [tilespmem:v7+s13+$0x0], $0xffff  }
0x21c: {  	v14 =	vor.u32 s14, v37;
	v2 =	vadd.f32 v2, v6  }
0x21d: {  	v13 =	vor.u32 s14, v46;
	v15 =	vld.idx.msk [tilespmem:v8+s13+$0x0], $0xffff  }
0x21e: {  	v17 =	vor.u32 s14, v36;
	v9 =	vadd.f32 v9, v2  }
0x21f: {  	v16 =	vor.u32 s14, v45;
	v32 =	vld.idx.msk [tilespmem:v11+s13+$0x0], $0xffff  }
0x220: {  	v34 =	vor.u32 s14, v34;
	v57 =	vld.idx.msk [tilespmem:v10+s13+$0x0], $0xffff;
	v12 =	vadd.f32 v12, v9  }
0x221: {  	v58 =	vor.u32 s14, v44;
	v38 =	vld.idx.msk [tilespmem:v14+s13+$0x0], $0xffff  }
0x222: {  	v33 =	vor.u32 s14, v33;
	v35 =	vld.idx.msk [tilespmem:v13+s13+$0x0], $0xffff;
	v15 =	vadd.f32 v15, v12  }
0x223: {  	v60 =	vld.idx.msk [tilespmem:v17+s13+$0x0], $0xffff  }
0x224: {  	v59 =	vld.idx.msk [tilespmem:v16+s13+$0x0], $0xffff;
	v32 =	vadd.f32 v32, v15  }
0x225: {  	v62 =	vld.idx.msk [tilespmem:v34+s13+$0x0], $0xffff  }
0x226: {  	v61 =	vld.idx.msk [tilespmem:v58+s13+$0x0], $0xffff;
	v38 =	vadd.f32 v38, v32  }
0x227: {  	v63 =	vld.idx.msk [tilespmem:v33+s13+$0x0], $0xffff;
	[tilespmem:v50+s8+$0x0] =	vst.idx.msk $0xffff, v1  }
0x228: {  	[tilespmem:v51+s8+$0x0] =	vst.idx.msk $0xffff, v4;
	v1 =	vadd.f32 v60, v38  }
0x229: {  	[tilespmem:v48+s8+$0x0] =	vst.idx.msk $0xffff, v6  }
0x22a: {  	[tilespmem:v3+s8+$0x0] =	vst.idx.msk $0xffff, v2;
	v2 =	vadd.f32 v62, v1  }
0x22b: {  	[tilespmem:v5+s8+$0x0] =	vst.idx.msk $0xffff, v9  }
0x22c: {  	[tilespmem:v7+s8+$0x0] =	vst.idx.msk $0xffff, v12;
	v3 =	vadd.f32 v63, v2  }
0x22d: {  	[tilespmem:v8+s8+$0x0] =	vst.idx.msk $0xffff, v15  }
0x22e: {  	[tilespmem:v11+s8+$0x0] =	vst.idx.msk $0xffff, v32;
	v45 =	vadd.f32 v61, v3  }
0x22f: {  	[tilespmem:v14+s8+$0x0] =	vst.idx.msk $0xffff, v38  }
0x230: {  	[tilespmem:v17+s8+$0x0] =	vst.idx.msk $0xffff, v1;
	v1 =	vadd.f32 v59, v45  }
0x231: {  	v32 =	vor.u32 $0x3000, v0;
	[tilespmem:v34+s8+$0x0] =	vst.idx.msk $0xffff, v2  }
0x232: {  	v38 =	vor.u32 $0x3002, v0;
	[tilespmem:v33+s8+$0x0] =	vst.idx.msk $0xffff, v3;
	v3 =	vor.u32 s13, v32;
	v2 =	vadd.f32 v35, v1  }
0x233: {  	v43 =	vor.u32 $0x3005, v0;
	v47 =	vor.u32 s13, v38;
	[tilespmem:v58+s8+$0x0] =	vst.idx.msk $0xffff, v45  }
0x234: {  	v42 =	vor.u32 $0x3006, v0;
	v48 =	vor.u32 s13, v43;
	[tilespmem:v16+s8+$0x0] =	vst.idx.msk $0xffff, v1;
	v1 =	vadd.f32 v57, v2  }
0x235: {  	v40 =	vor.u32 $0x3007, v0;
	v49 =	vor.u32 s13, v42;
	[tilespmem:v13+s8+$0x0] =	vst.idx.msk $0xffff, v2  }
0x236: {  	v37 =	vor.u32 $0x3008, v0;
	v50 =	vor.u32 s13, v40;
	[tilespmem:v10+s8+$0x0] =	vst.idx.msk $0xffff, v1  }
0x237: {  	v36 =	vor.u32 $0x3009, v0;
	v51 =	vor.u32 s13, v37;
	v3 =	vld.idx.msk [tilespmem:v3+s2+$0x0], $0xffff  }
0x238: {  	v52 =	vor.u32 s13, v36;
	v34 =	vor.u32 $0x300A, v0;
	v5 =	vld.idx.msk [tilespmem:v47+s2+$0x0], $0xffff  }
0x239: {  	v53 =	vor.u32 s13, v34;
	v33 =	vor.u32 $0x300B, v0;
	v6 =	vld.idx.msk [tilespmem:v48+s2+$0x0], $0xffff  }
0x23a: {  	v44 =	vor.u32 $0x300C, v0;
	v54 =	vor.u32 s13, v33;
	v7 =	vld.idx.msk [tilespmem:v49+s2+$0x0], $0xffff  }
0x23b: {  	v55 =	vor.u32 s13, v44;
	v35 =	vor.u32 $0x3001, v0;
	v8 =	vld.idx.msk [tilespmem:v50+s2+$0x0], $0xffff  }
0x23c: {  	v45 =	vor.u32 $0x300D, v0;
	v46 =	vor.u32 s13, v35;
	v9 =	vld.idx.msk [tilespmem:v51+s2+$0x0], $0xffff  }
0x23d: {  	v56 =	vor.u32 s13, v45;
	v10 =	vld.idx.msk [tilespmem:v52+s2+$0x0], $0xffff  }
0x23e: {  	v39 =	vor.u32 $0x3003, v0;
	v17 =	vor.u32 s12, v32;
	v11 =	vld.idx.msk [tilespmem:v53+s2+$0x0], $0xffff  }
0x23f: {  	v41 =	vor.u32 $0x3004, v0;
	v2 =	vor.u32 s13, v39;
	v12 =	vld.idx.msk [tilespmem:v54+s2+$0x0], $0xffff  }
0x240: {  	v1 =	vor.u32 s13, v41;
	v47 =	vor.u32 $0x300F, v0;
	v13 =	vld.idx.msk [tilespmem:v55+s2+$0x0], $0xffff  }
0x241: {  	v4 =	vld.idx.msk [tilespmem:v46+s2+$0x0], $0xffff;
	v46 =	vor.u32 $0x300E, v0;
	v16 =	vor.u32 s13, v47  }
0x242: {  	v14 =	vld.idx.msk [tilespmem:v56+s2+$0x0], $0xffff;
	v57 =	vor.u32 s13, v46  }
0x243: {  	v59 =	vor.u32 s12, v38;
	v53 =	vld.idx.msk [tilespmem:v17+s2+$0x0], $0xffff  }
0x244: {  	v60 =	vor.u32 s12, v39;
	v2 =	vld.idx.msk [tilespmem:v2+s2+$0x0], $0xffff  }
0x245: {  	v61 =	vor.u32 s12, v41;
	v1 =	vld.idx.msk [tilespmem:v1+s2+$0x0], $0xffff  }
0x246: {  	v58 =	vor.u32 s12, v35;
	v16 =	vld.idx.msk [tilespmem:v16+s2+$0x0], $0xffff  }
0x247: {  	v17 =	vor.u32 s12, v43;
	v15 =	vld.idx.msk [tilespmem:v57+s2+$0x0], $0xffff  }
0x248: {  	v54 =	vor.u32 s12, v42;
	v49 =	vld.idx.msk [tilespmem:v59+s2+$0x0], $0xffff  }
0x249: {  	v56 =	vor.u32 s12, v40;
	v50 =	vld.idx.msk [tilespmem:v60+s2+$0x0], $0xffff;
	v62 =	vadd.f32 v8, v7;
	v63 =	vadd.f32 v10, v9  }
0x24a: {  	v51 =	vld.idx.msk [tilespmem:v61+s2+$0x0], $0xffff;
	v12 =	vadd.f32 v12, v11;
	v3 =	vadd.f32 v4, v3;
	v4 =	vor.u32 s12, v37  }
0x24b: {  	v55 =	vld.idx.msk [tilespmem:v58+s2+$0x0], $0xffff;
	v2 =	vadd.f32 v2, v5;
	v1 =	vadd.f32 v6, v1;
	v6 =	vor.u32 s12, v36  }
0x24c: {  	v59 =	vor.u32 s12, v34;
	v52 =	vld.idx.msk [tilespmem:v17+s2+$0x0], $0xffff;
	v13 =	vadd.f32 v14, v13;
	v14 =	vadd.f32 v16, v15  }
0x24d: {  	v60 =	vor.u32 s12, v33;
	v54 =	vld.idx.msk [tilespmem:v54+s2+$0x0], $0xffff;
	v2 =	vadd.f32 v2, v3;
	v3 =	vadd.f32 v12, v63  }
0x24e: {  	v61 =	vor.u32 s12, v44;
	v56 =	vld.idx.msk [tilespmem:v56+s2+$0x0], $0xffff;
	v1 =	vadd.f32 v62, v1;
	v15 =	vadd.f32 v14, v13  }
0x24f: {  	v48 =	vimm.f32 $0.0e+00;
	v57 =	vld.idx.msk [tilespmem:v4+s2+$0x0], $0xffff;
	v62 =	vor.u32 s12, v45  }
0x250: {  	s13 =	simm.s32 $0x20;
	v63 =	vor.u32 s12, v46;
	v1 =	vadd.f32 v1, v2;
	v58 =	vld.idx.msk [tilespmem:v6+s2+$0x0], $0xffff;
	v2 =	vadd.f32 v15, v3  }
.LBB2_15:
0x251: {  	p0 =	sne.s32 s13, $0xF0;
	v3 =	vld.idx.msk [tilespmem:v59+s2+$0x0], $0xffff;
	v4 =	vor.u32 s12, v47;
	s12 =	smov.u32 s13  }
0x252: {  	v5 =	vor.u32 s13, v32;
	v6 =	vld.idx.msk [tilespmem:v60+s2+$0x0], $0xffff;
	v1 =	vadd.f32 v2, v1  }
0x253: {  	v2 =	vor.u32 s13, v35;
	v7 =	vld.idx.msk [tilespmem:v61+s2+$0x0], $0xffff  }
0x254: {  	v8 =	vor.u32 s13, v38;
	v9 =	vld.idx.msk [tilespmem:v62+s2+$0x0], $0xffff;
	v48 =	vadd.f32 v1, v48  }
0x255: {  	v1 =	vor.u32 s13, v39;
	v10 =	vld.idx.msk [tilespmem:v63+s2+$0x0], $0xffff  }
0x256: {  	v11 =	vor.u32 s13, v41;
	v4 =	vld.idx.msk [tilespmem:v4+s2+$0x0], $0xffff  }
0x257: {  	v12 =	vor.u32 s13, v43;
	v5 =	vld.idx.msk [tilespmem:v5+s2+$0x0], $0xffff  }
0x258: {  	v13 =	vor.u32 s13, v42;
	v2 =	vld.idx.msk [tilespmem:v2+s2+$0x0], $0xffff  }
0x259: {  	v14 =	vor.u32 s13, v40;
	v15 =	vadd.f32 v55, v53;
	v16 =	vadd.f32 v50, v49;
	v49 =	vld.idx.msk [tilespmem:v8+s2+$0x0], $0xffff  }
0x25a: {  	v17 =	vadd.f32 v56, v54;
	v8 =	vadd.f32 v52, v51;
	v50 =	vld.idx.msk [tilespmem:v1+s2+$0x0], $0xffff;
	v1 =	vor.u32 s13, v37  }
0x25b: {  	v57 =	vadd.f32 v58, v57;
	v3 =	vadd.f32 v6, v3;
	v51 =	vld.idx.msk [tilespmem:v11+s2+$0x0], $0xffff;
	v11 =	vor.u32 s13, v36  }
.Ltmp6:
0x25c: {  	v59 =	vor.u32 s13, v34;
	v6 =	vadd.f32 v9, v7;
	v4 =	vadd.f32 v4, v10;
	v52 =	vld.idx.msk [tilespmem:v12+s2+$0x0], $0xffff;
	(pc) =	sbr.rel @p0 .LBB2_15-.Ltmp6, $4  }
0x25d: {  	v60 =	vor.u32 s13, v33;
	v7 =	vadd.f32 v16, v15;
	v8 =	vadd.f32 v17, v8;
	v53 =	vmovc v5;
	v54 =	vld.idx.msk [tilespmem:v13+s2+$0x0], $0xffff  }
0x25e: {  	v61 =	vor.u32 s13, v44;
	v3 =	vadd.f32 v3, v57;
	v4 =	vadd.f32 v4, v6;
	v55 =	vmovc v2;
	v56 =	vld.idx.msk [tilespmem:v14+s2+$0x0], $0xffff  }
0x25f: {  	v62 =	vor.u32 s13, v45;
	v57 =	vld.idx.msk [tilespmem:v1+s2+$0x0], $0xffff  }
0x260: {  	v63 =	vor.u32 s12, v46;
	s13 =	sadd.s32 $0x10, s13;
	v1 =	vadd.f32 v8, v7;
	v2 =	vadd.f32 v4, v3;
	v58 =	vld.idx.msk [tilespmem:v11+s2+$0x0], $0xffff  }
0x261: {  	_ =	sdelay $0x3  }
0x262: {  	v3 =	vld.idx.msk [tilespmem:v59+s2+$0x0], $0xffff;
	v4 =	vor.u32 s12, v47  }
0x263: {  	v5 =	vld.idx.msk [tilespmem:v60+s2+$0x0], $0xffff  }
0x264: {  	v6 =	vld.idx.msk [tilespmem:v61+s2+$0x0], $0xffff  }
0x265: {  	v7 =	vld.idx.msk [tilespmem:v62+s2+$0x0], $0xffff  }
0x266: {  	v8 =	vld.idx.msk [tilespmem:v63+s2+$0x0], $0xffff  }
0x267: {  	v4 =	vld.idx.msk [tilespmem:v4+s2+$0x0], $0xffff;
	_ =	sdelay $0x1  }
0x268: {  	v9 =	vadd.f32 v55, v53;
	v10 =	vadd.f32 v50, v49  }
0x269: {  	v11 =	vadd.f32 v52, v51;
	v12 =	vadd.f32 v56, v54  }
0x26a: {  	v13 =	vadd.f32 v58, v57;
	v3 =	vadd.f32 v5, v3  }
0x26b: {  	v54 =	vadd.f32 v7, v6;
	v4 =	vadd.f32 v4, v8  }
0x26c: {  	v55 =	vadd.f32 v10, v9;
	v56 =	vadd.f32 v12, v11  }
0x26d: {  	v3 =	vadd.f32 v3, v13;
	v4 =	vadd.f32 v4, v54  }
0x26e: {  	v1 =	vadd.f32 v2, v1  }
0x26f: {  	v2 =	vadd.f32 v56, v55;
	v3 =	vadd.f32 v4, v3;
	_ =	sdelay $0x1  }
0x270: {  	v1 =	vadd.f32 v1, v48;
	v2 =	vadd.f32 v3, v2;
	_ =	sdelay $0x1  }
0x271: {  	v1 =	vadd.f32 v2, v1;
	_ =	sdelay $0x1  }
0x272: {  	(xrf2) =	vadd.scan.msk.f32 $0xffff, v1;
	_ =	sdelay $0x1  }
0x273: {  	s13 =	simm.s32 $0x0  }
0x274: {  	v2 =	vor.u32 s13, v32;
	_ =	sdelay $0x1  }
0x275: {  	v3 =	vor.u32 s13, v35;
	_ =	sdelay $0x1  }
0x276: {  	v4 =	vor.u32 s13, v38  }
0x277: {  	v57 =	vld.idx.msk [tilespmem:v2+s13+$0x0], $0xffff  }
0x278: {  	v6 =	vor.u32 s13, v39  }
0x279: {  	v59 =	vld.idx.msk [tilespmem:v3+s13+$0x0], $0xffff;
	v58, _, _ =	vpop (xrf2)  }
0x27a: {  	v7 =	vor.u32 s13, v41;
	v1 =	vsub.f32 v58, v1  }
0x27b: {  	v60 =	vld.idx.msk [tilespmem:v4+s13+$0x0], $0xffff  }
0x27c: {  	v10 =	vor.u32 s13, v43;
	v1 =	vadd.f32 v57, v1  }
0x27d: {  	v49 =	vor.u32 s13, v47;
	v61 =	vld.idx.msk [tilespmem:v6+s13+$0x0], $0xffff  }
0x27e: {  	v11 =	vor.u32 s13, v42;
	v8 =	vadd.f32 v59, v1  }
0x27f: {  	v14 =	vor.u32 s13, v46;
	v62 =	vld.idx.msk [tilespmem:v7+s13+$0x0], $0xffff  }
0x280: {  	v13 =	vor.u32 s13, v40;
	v9 =	vadd.f32 v60, v8  }
0x281: {  	v16 =	vor.u32 s13, v37;
	v15 =	vld.idx.msk [tilespmem:v10+s13+$0x0], $0xffff  }
0x282: {  	v50 =	vor.u32 s13, v45;
	v52 =	vld.idx.msk [tilespmem:v49+s13+$0x0], $0xffff;
	v5 =	vadd.f32 v61, v9  }
0x283: {  	v48 =	vor.u32 s13, v36;
	v17 =	vld.idx.msk [tilespmem:v11+s13+$0x0], $0xffff  }
0x284: {  	v53 =	vor.u32 s13, v44;
	v55 =	vld.idx.msk [tilespmem:v14+s13+$0x0], $0xffff;
	v12 =	vadd.f32 v62, v5  }
0x285: {  	v51 =	vld.idx.msk [tilespmem:v13+s13+$0x0], $0xffff;
	v54 =	vor.u32 s13, v34  }
0x286: {  	v56 =	vld.idx.msk [tilespmem:v16+s13+$0x0], $0xffff;
	v57 =	vor.u32 s13, v33;
	v15 =	vadd.f32 v15, v12  }
0x287: {  	v58 =	vld.idx.msk [tilespmem:v50+s13+$0x0], $0xffff  }
0x288: {  	v59 =	vld.idx.msk [tilespmem:v48+s13+$0x0], $0xffff;
	v17 =	vadd.f32 v17, v15  }
0x289: {  	v60 =	vld.idx.msk [tilespmem:v53+s13+$0x0], $0xffff  }
0x28a: {  	v61 =	vld.idx.msk [tilespmem:v54+s13+$0x0], $0xffff;
	v51 =	vadd.f32 v51, v17  }
0x28b: {  	v62 =	vld.idx.msk [tilespmem:v57+s13+$0x0], $0xffff;
	[tilespmem:v2+s8+$0x0] =	vst.idx.msk $0xffff, v1  }
0x28c: {  	[tilespmem:v3+s8+$0x0] =	vst.idx.msk $0xffff, v8;
	v1 =	vadd.f32 v56, v51  }
0x28d: {  	[tilespmem:v4+s8+$0x0] =	vst.idx.msk $0xffff, v9  }
0x28e: {  	[tilespmem:v6+s8+$0x0] =	vst.idx.msk $0xffff, v5;
	v2 =	vadd.f32 v59, v1  }
0x28f: {  	[tilespmem:v7+s8+$0x0] =	vst.idx.msk $0xffff, v12  }
0x290: {  	[tilespmem:v10+s8+$0x0] =	vst.idx.msk $0xffff, v15;
	v3 =	vadd.f32 v61, v2  }
0x291: {  	[tilespmem:v11+s8+$0x0] =	vst.idx.msk $0xffff, v17  }
0x292: {  	[tilespmem:v13+s8+$0x0] =	vst.idx.msk $0xffff, v51;
	v63 =	vadd.f32 v62, v3  }
0x293: {  	[tilespmem:v16+s8+$0x0] =	vst.idx.msk $0xffff, v1  }
0x294: {  	[tilespmem:v48+s8+$0x0] =	vst.idx.msk $0xffff, v2;
	v1 =	vadd.f32 v60, v63  }
0x295: {  	[tilespmem:v54+s8+$0x0] =	vst.idx.msk $0xffff, v3  }
0x296: {  	[tilespmem:v57+s8+$0x0] =	vst.idx.msk $0xffff, v63;
	v2 =	vadd.f32 v58, v1  }
0x297: {  	s12 =	simm.s32 $0x10;
	[tilespmem:v53+s8+$0x0] =	vst.idx.msk $0xffff, v1  }
0x298: {  	v1 =	vadd.f32 v55, v2;
	[tilespmem:v50+s8+$0x0] =	vst.idx.msk $0xffff, v2;
	v50 =	vor.u32 s12, v32;
	_ =	sdelay $0x1  }
0x299: {  	s15 =	simm.s32 $0x20;
	s14 =	simm.s32 $0x10;
	v51 =	vor.u32 s12, v35;
	v48 =	vor.u32 s12, v38;
	[tilespmem:v14+s8+$0x0] =	vst.idx.msk $0xffff, v1;
	v1 =	vadd.f32 v52, v1  }
.LBB2_17:
0x29a: {  	_ = 	snop  }
0x29b: {  	v2 =	vor.u32 s15, v38;
	p0 =	sne.s32 s15, $0xF0;
	s16 =	smov.u32 s15;
	s15 =	sadd.s32 $0x10, s15;
	[tilespmem:v49+s8+$0x0] =	vst.idx.msk $0xffff, v1  }
0x29c: {  	v3 =	vld.idx.msk [tilespmem:v50+s13+$0x0], $0xffff  }
0x29d: {  	v4 =	vor.u32 s14, v39  }
0x29e: {  	v5 =	vld.idx.msk [tilespmem:v51+s13+$0x0], $0xffff  }
0x29f: {  	v6 =	vor.u32 s14, v41  }
0x2a0: {  	v7 =	vld.idx.msk [tilespmem:v48+s13+$0x0], $0xffff  }
0x2a1: {  	v8 =	vor.u32 s14, v43  }
0x2a2: {  	v1 =	vadd.f32 v3, v1;
	v9 =	vld.idx.msk [tilespmem:v4+s13+$0x0], $0xffff  }
0x2a3: {  	v3 =	vor.u32 s14, v42  }
0x2a4: {  	v49 =	vor.u32 s14, v47;
	v5 =	vadd.f32 v5, v1;
	v10 =	vld.idx.msk [tilespmem:v6+s13+$0x0], $0xffff  }
0x2a5: {  	v11 =	vor.u32 s14, v40  }
0x2a6: {  	v13 =	vor.u32 s14, v46;
	v7 =	vadd.f32 v7, v5;
	v12 =	vld.idx.msk [tilespmem:v8+s13+$0x0], $0xffff  }
0x2a7: {  	v14 =	vor.u32 s14, v37  }
0x2a8: {  	v16 =	vor.u32 s14, v45;
	v9 =	vadd.f32 v9, v7;
	v15 =	vld.idx.msk [tilespmem:v3+s13+$0x0], $0xffff  }
0x2a9: {  	v17 =	vor.u32 s14, v36;
	v52 =	vld.idx.msk [tilespmem:v49+s13+$0x0], $0xffff  }
0x2aa: {  	v54 =	vor.u32 s14, v44;
	v10 =	vadd.f32 v10, v9;
	v53 =	vld.idx.msk [tilespmem:v11+s13+$0x0], $0xffff  }
0x2ab: {  	v55 =	vor.u32 s14, v34;
	v56 =	vld.idx.msk [tilespmem:v13+s13+$0x0], $0xffff  }
0x2ac: {  	v58 =	vor.u32 s14, v33;
	s14 =	smov.u32 s16;
	v12 =	vadd.f32 v12, v10;
	v57 =	vld.idx.msk [tilespmem:v14+s13+$0x0], $0xffff  }
0x2ad: {  	v59 =	vld.idx.msk [tilespmem:v16+s13+$0x0], $0xffff  }
0x2ae: {  	v15 =	vadd.f32 v15, v12;
	v60 =	vld.idx.msk [tilespmem:v17+s13+$0x0], $0xffff  }
0x2af: {  	v61 =	vld.idx.msk [tilespmem:v54+s13+$0x0], $0xffff  }
0x2b0: {  	v53 =	vadd.f32 v53, v15;
	v62 =	vld.idx.msk [tilespmem:v55+s13+$0x0], $0xffff  }
0x2b1: {  	v63 =	vld.idx.msk [tilespmem:v58+s13+$0x0], $0xffff  }
0x2b2: {  	[tilespmem:v50+s8+$0x0] =	vst.idx.msk $0xffff, v1;
	v1 =	vadd.f32 v57, v53  }
0x2b3: {  	[tilespmem:v51+s8+$0x0] =	vst.idx.msk $0xffff, v5  }
0x2b4: {  	[tilespmem:v48+s8+$0x0] =	vst.idx.msk $0xffff, v7;
	v5 =	vadd.f32 v60, v1;
	v48 =	vmov v2  }
0x2b5: {  	[tilespmem:v4+s8+$0x0] =	vst.idx.msk $0xffff, v9  }
0x2b6: {  	[tilespmem:v6+s8+$0x0] =	vst.idx.msk $0xffff, v10;
	v2 =	vadd.f32 v62, v5  }
0x2b7: {  	[tilespmem:v8+s8+$0x0] =	vst.idx.msk $0xffff, v12  }
0x2b8: {  	[tilespmem:v3+s8+$0x0] =	vst.idx.msk $0xffff, v15;
	v3 =	vadd.f32 v63, v2  }
0x2b9: {  	[tilespmem:v11+s8+$0x0] =	vst.idx.msk $0xffff, v53  }
0x2ba: {  	[tilespmem:v14+s8+$0x0] =	vst.idx.msk $0xffff, v1;
	v1 =	vadd.f32 v61, v3  }
0x2bb: {  	[tilespmem:v17+s8+$0x0] =	vst.idx.msk $0xffff, v5  }
.Ltmp7:
0x2bc: {  	[tilespmem:v55+s8+$0x0] =	vst.idx.msk $0xffff, v2;
	v2 =	vadd.f32 v59, v1;
	(pc) =	sbr.rel @p0 .LBB2_17-.Ltmp7, $4  }
0x2bd: {  	[tilespmem:v58+s8+$0x0] =	vst.idx.msk $0xffff, v3  }
0x2be: {  	v50 =	vor.u32 s14, v32;
	[tilespmem:v54+s8+$0x0] =	vst.idx.msk $0xffff, v1;
	v1 =	vadd.f32 v56, v2  }
0x2bf: {  	[tilespmem:v16+s8+$0x0] =	vst.idx.msk $0xffff, v2  }
0x2c0: {  	v51 =	vor.u32 s14, v35;
	[tilespmem:v13+s8+$0x0] =	vst.idx.msk $0xffff, v1;
	v1 =	vadd.f32 v52, v1  }
0x2c1: {  	_ =	sdelay $0x3  }
0x2c2: {  	[tilespmem:v49+s8+$0x0] =	vst.idx.msk $0xffff, v1  }
0x2c3: {  	v2 =	vld.idx.msk [tilespmem:v50+s13+$0x0], $0xffff  }
0x2c4: {  	v3 =	vor.u32 s14, v39  }
0x2c5: {  	v4 =	vld.idx.msk [tilespmem:v51+s13+$0x0], $0xffff  }
0x2c6: {  	v5 =	vor.u32 s14, v41  }
0x2c7: {  	v6 =	vld.idx.msk [tilespmem:v48+s13+$0x0], $0xffff  }
0x2c8: {  	v7 =	vor.u32 s14, v43;
	v1 =	vadd.f32 v2, v1  }
0x2c9: {  	v2 =	vld.idx.msk [tilespmem:v3+s13+$0x0], $0xffff  }
0x2ca: {  	v8 =	vor.u32 s14, v42;
	v4 =	vadd.f32 v4, v1  }
0x2cb: {  	v9 =	vld.idx.msk [tilespmem:v5+s13+$0x0], $0xffff  }
0x2cc: {  	v11 =	vor.u32 s14, v40;
	v6 =	vadd.f32 v6, v4  }
0x2cd: {  	v10 =	vor.u32 s14, v47;
	v12 =	vld.idx.msk [tilespmem:v7+s13+$0x0], $0xffff  }
0x2ce: {  	v14 =	vor.u32 s14, v37;
	v2 =	vadd.f32 v2, v6  }
0x2cf: {  	v13 =	vor.u32 s14, v46;
	v15 =	vld.idx.msk [tilespmem:v8+s13+$0x0], $0xffff  }
0x2d0: {  	v17 =	vor.u32 s14, v36;
	v9 =	vadd.f32 v9, v2  }
0x2d1: {  	v16 =	vor.u32 s14, v45;
	v32 =	vld.idx.msk [tilespmem:v11+s13+$0x0], $0xffff  }
0x2d2: {  	v34 =	vor.u32 s14, v34;
	v57 =	vld.idx.msk [tilespmem:v10+s13+$0x0], $0xffff;
	v12 =	vadd.f32 v12, v9  }
0x2d3: {  	v58 =	vor.u32 s14, v44;
	v38 =	vld.idx.msk [tilespmem:v14+s13+$0x0], $0xffff  }
0x2d4: {  	v33 =	vor.u32 s14, v33;
	v35 =	vld.idx.msk [tilespmem:v13+s13+$0x0], $0xffff;
	v15 =	vadd.f32 v15, v12  }
0x2d5: {  	v60 =	vld.idx.msk [tilespmem:v17+s13+$0x0], $0xffff  }
0x2d6: {  	v59 =	vld.idx.msk [tilespmem:v16+s13+$0x0], $0xffff;
	v32 =	vadd.f32 v32, v15  }
0x2d7: {  	v62 =	vld.idx.msk [tilespmem:v34+s13+$0x0], $0xffff  }
0x2d8: {  	v61 =	vld.idx.msk [tilespmem:v58+s13+$0x0], $0xffff;
	v38 =	vadd.f32 v38, v32  }
0x2d9: {  	v63 =	vld.idx.msk [tilespmem:v33+s13+$0x0], $0xffff;
	[tilespmem:v50+s8+$0x0] =	vst.idx.msk $0xffff, v1  }
0x2da: {  	[tilespmem:v51+s8+$0x0] =	vst.idx.msk $0xffff, v4;
	v1 =	vadd.f32 v60, v38  }
0x2db: {  	[tilespmem:v48+s8+$0x0] =	vst.idx.msk $0xffff, v6  }
0x2dc: {  	[tilespmem:v3+s8+$0x0] =	vst.idx.msk $0xffff, v2;
	v2 =	vadd.f32 v62, v1  }
0x2dd: {  	[tilespmem:v5+s8+$0x0] =	vst.idx.msk $0xffff, v9  }
0x2de: {  	[tilespmem:v7+s8+$0x0] =	vst.idx.msk $0xffff, v12;
	v3 =	vadd.f32 v63, v2  }
0x2df: {  	[tilespmem:v8+s8+$0x0] =	vst.idx.msk $0xffff, v15  }
0x2e0: {  	[tilespmem:v11+s8+$0x0] =	vst.idx.msk $0xffff, v32;
	v45 =	vadd.f32 v61, v3  }
0x2e1: {  	[tilespmem:v14+s8+$0x0] =	vst.idx.msk $0xffff, v38  }
0x2e2: {  	[tilespmem:v17+s8+$0x0] =	vst.idx.msk $0xffff, v1;
	v1 =	vadd.f32 v59, v45  }
0x2e3: {  	v32 =	vor.u32 $0x4000, v0;
	[tilespmem:v34+s8+$0x0] =	vst.idx.msk $0xffff, v2  }
0x2e4: {  	v38 =	vor.u32 $0x4002, v0;
	[tilespmem:v33+s8+$0x0] =	vst.idx.msk $0xffff, v3;
	v3 =	vor.u32 s13, v32;
	v2 =	vadd.f32 v35, v1  }
0x2e5: {  	v43 =	vor.u32 $0x4005, v0;
	v47 =	vor.u32 s13, v38;
	[tilespmem:v58+s8+$0x0] =	vst.idx.msk $0xffff, v45  }
0x2e6: {  	v42 =	vor.u32 $0x4006, v0;
	v48 =	vor.u32 s13, v43;
	[tilespmem:v16+s8+$0x0] =	vst.idx.msk $0xffff, v1;
	v1 =	vadd.f32 v57, v2  }
0x2e7: {  	v40 =	vor.u32 $0x4007, v0;
	v49 =	vor.u32 s13, v42;
	[tilespmem:v13+s8+$0x0] =	vst.idx.msk $0xffff, v2  }
0x2e8: {  	v37 =	vor.u32 $0x4008, v0;
	v50 =	vor.u32 s13, v40;
	[tilespmem:v10+s8+$0x0] =	vst.idx.msk $0xffff, v1  }
0x2e9: {  	v36 =	vor.u32 $0x4009, v0;
	v51 =	vor.u32 s13, v37;
	v3 =	vld.idx.msk [tilespmem:v3+s2+$0x0], $0xffff  }
0x2ea: {  	v52 =	vor.u32 s13, v36;
	v34 =	vor.u32 $0x400A, v0;
	v5 =	vld.idx.msk [tilespmem:v47+s2+$0x0], $0xffff  }
0x2eb: {  	v53 =	vor.u32 s13, v34;
	v33 =	vor.u32 $0x400B, v0;
	v6 =	vld.idx.msk [tilespmem:v48+s2+$0x0], $0xffff  }
0x2ec: {  	v44 =	vor.u32 $0x400C, v0;
	v54 =	vor.u32 s13, v33;
	v7 =	vld.idx.msk [tilespmem:v49+s2+$0x0], $0xffff  }
0x2ed: {  	v55 =	vor.u32 s13, v44;
	v35 =	vor.u32 $0x4001, v0;
	v8 =	vld.idx.msk [tilespmem:v50+s2+$0x0], $0xffff  }
0x2ee: {  	v45 =	vor.u32 $0x400D, v0;
	v46 =	vor.u32 s13, v35;
	v9 =	vld.idx.msk [tilespmem:v51+s2+$0x0], $0xffff  }
0x2ef: {  	v56 =	vor.u32 s13, v45;
	v10 =	vld.idx.msk [tilespmem:v52+s2+$0x0], $0xffff  }
0x2f0: {  	v39 =	vor.u32 $0x4003, v0;
	v17 =	vor.u32 s12, v32;
	v11 =	vld.idx.msk [tilespmem:v53+s2+$0x0], $0xffff  }
0x2f1: {  	v41 =	vor.u32 $0x4004, v0;
	v2 =	vor.u32 s13, v39;
	v12 =	vld.idx.msk [tilespmem:v54+s2+$0x0], $0xffff  }
0x2f2: {  	v1 =	vor.u32 s13, v41;
	v47 =	vor.u32 $0x400F, v0;
	v13 =	vld.idx.msk [tilespmem:v55+s2+$0x0], $0xffff  }
0x2f3: {  	v4 =	vld.idx.msk [tilespmem:v46+s2+$0x0], $0xffff;
	v46 =	vor.u32 $0x400E, v0;
	v16 =	vor.u32 s13, v47  }
0x2f4: {  	v14 =	vld.idx.msk [tilespmem:v56+s2+$0x0], $0xffff;
	v57 =	vor.u32 s13, v46  }
0x2f5: {  	v59 =	vor.u32 s12, v38;
	v53 =	vld.idx.msk [tilespmem:v17+s2+$0x0], $0xffff  }
0x2f6: {  	v60 =	vor.u32 s12, v39;
	v2 =	vld.idx.msk [tilespmem:v2+s2+$0x0], $0xffff  }
0x2f7: {  	v61 =	vor.u32 s12, v41;
	v1 =	vld.idx.msk [tilespmem:v1+s2+$0x0], $0xffff  }
0x2f8: {  	v58 =	vor.u32 s12, v35;
	v16 =	vld.idx.msk [tilespmem:v16+s2+$0x0], $0xffff  }
0x2f9: {  	v17 =	vor.u32 s12, v43;
	v15 =	vld.idx.msk [tilespmem:v57+s2+$0x0], $0xffff  }
0x2fa: {  	v54 =	vor.u32 s12, v42;
	v49 =	vld.idx.msk [tilespmem:v59+s2+$0x0], $0xffff  }
0x2fb: {  	v56 =	vor.u32 s12, v40;
	v50 =	vld.idx.msk [tilespmem:v60+s2+$0x0], $0xffff;
	v62 =	vadd.f32 v8, v7;
	v63 =	vadd.f32 v10, v9  }
0x2fc: {  	v51 =	vld.idx.msk [tilespmem:v61+s2+$0x0], $0xffff;
	v12 =	vadd.f32 v12, v11;
	v3 =	vadd.f32 v4, v3;
	v4 =	vor.u32 s12, v37  }
0x2fd: {  	v55 =	vld.idx.msk [tilespmem:v58+s2+$0x0], $0xffff;
	v2 =	vadd.f32 v2, v5;
	v1 =	vadd.f32 v6, v1;
	v6 =	vor.u32 s12, v36  }
0x2fe: {  	v59 =	vor.u32 s12, v34;
	v52 =	vld.idx.msk [tilespmem:v17+s2+$0x0], $0xffff;
	v13 =	vadd.f32 v14, v13;
	v14 =	vadd.f32 v16, v15  }
0x2ff: {  	v60 =	vor.u32 s12, v33;
	v54 =	vld.idx.msk [tilespmem:v54+s2+$0x0], $0xffff;
	v2 =	vadd.f32 v2, v3;
	v3 =	vadd.f32 v12, v63  }
0x300: {  	v61 =	vor.u32 s12, v44;
	v56 =	vld.idx.msk [tilespmem:v56+s2+$0x0], $0xffff;
	v1 =	vadd.f32 v62, v1;
	v15 =	vadd.f32 v14, v13  }
0x301: {  	v48 =	vimm.f32 $0.0e+00;
	v57 =	vld.idx.msk [tilespmem:v4+s2+$0x0], $0xffff;
	v62 =	vor.u32 s12, v45  }
0x302: {  	s13 =	simm.s32 $0x20;
	v63 =	vor.u32 s12, v46;
	v1 =	vadd.f32 v1, v2;
	v58 =	vld.idx.msk [tilespmem:v6+s2+$0x0], $0xffff;
	v2 =	vadd.f32 v15, v3  }
.LBB2_19:
0x303: {  	p0 =	sne.s32 s13, $0xF0;
	v3 =	vld.idx.msk [tilespmem:v59+s2+$0x0], $0xffff;
	v4 =	vor.u32 s12, v47;
	s12 =	smov.u32 s13  }
0x304: {  	v5 =	vor.u32 s13, v32;
	v6 =	vld.idx.msk [tilespmem:v60+s2+$0x0], $0xffff;
	v1 =	vadd.f32 v2, v1  }
0x305: {  	v2 =	vor.u32 s13, v35;
	v7 =	vld.idx.msk [tilespmem:v61+s2+$0x0], $0xffff  }
0x306: {  	v8 =	vor.u32 s13, v38;
	v9 =	vld.idx.msk [tilespmem:v62+s2+$0x0], $0xffff;
	v48 =	vadd.f32 v1, v48  }
0x307: {  	v1 =	vor.u32 s13, v39;
	v10 =	vld.idx.msk [tilespmem:v63+s2+$0x0], $0xffff  }
0x308: {  	v11 =	vor.u32 s13, v41;
	v4 =	vld.idx.msk [tilespmem:v4+s2+$0x0], $0xffff  }
0x309: {  	v12 =	vor.u32 s13, v43;
	v5 =	vld.idx.msk [tilespmem:v5+s2+$0x0], $0xffff  }
0x30a: {  	v13 =	vor.u32 s13, v42;
	v2 =	vld.idx.msk [tilespmem:v2+s2+$0x0], $0xffff  }
0x30b: {  	v14 =	vor.u32 s13, v40;
	v15 =	vadd.f32 v55, v53;
	v16 =	vadd.f32 v50, v49;
	v49 =	vld.idx.msk [tilespmem:v8+s2+$0x0], $0xffff  }
0x30c: {  	v17 =	vadd.f32 v56, v54;
	v8 =	vadd.f32 v52, v51;
	v50 =	vld.idx.msk [tilespmem:v1+s2+$0x0], $0xffff;
	v1 =	vor.u32 s13, v37  }
0x30d: {  	v57 =	vadd.f32 v58, v57;
	v3 =	vadd.f32 v6, v3;
	v51 =	vld.idx.msk [tilespmem:v11+s2+$0x0], $0xffff;
	v11 =	vor.u32 s13, v36  }
.Ltmp8:
0x30e: {  	v59 =	vor.u32 s13, v34;
	v6 =	vadd.f32 v9, v7;
	v4 =	vadd.f32 v4, v10;
	v52 =	vld.idx.msk [tilespmem:v12+s2+$0x0], $0xffff;
	(pc) =	sbr.rel @p0 .LBB2_19-.Ltmp8, $4  }
0x30f: {  	v60 =	vor.u32 s13, v33;
	v7 =	vadd.f32 v16, v15;
	v8 =	vadd.f32 v17, v8;
	v53 =	vmovc v5;
	v54 =	vld.idx.msk [tilespmem:v13+s2+$0x0], $0xffff  }
0x310: {  	v61 =	vor.u32 s13, v44;
	v3 =	vadd.f32 v3, v57;
	v4 =	vadd.f32 v4, v6;
	v55 =	vmovc v2;
	v56 =	vld.idx.msk [tilespmem:v14+s2+$0x0], $0xffff  }
0x311: {  	v62 =	vor.u32 s13, v45;
	v57 =	vld.idx.msk [tilespmem:v1+s2+$0x0], $0xffff  }
0x312: {  	v63 =	vor.u32 s12, v46;
	s13 =	sadd.s32 $0x10, s13;
	v1 =	vadd.f32 v8, v7;
	v2 =	vadd.f32 v4, v3;
	v58 =	vld.idx.msk [tilespmem:v11+s2+$0x0], $0xffff  }
0x313: {  	_ =	sdelay $0x3  }
0x314: {  	v3 =	vld.idx.msk [tilespmem:v59+s2+$0x0], $0xffff;
	v4 =	vor.u32 s12, v47  }
0x315: {  	v5 =	vld.idx.msk [tilespmem:v60+s2+$0x0], $0xffff  }
0x316: {  	v6 =	vld.idx.msk [tilespmem:v61+s2+$0x0], $0xffff  }
0x317: {  	v7 =	vld.idx.msk [tilespmem:v62+s2+$0x0], $0xffff  }
0x318: {  	v8 =	vld.idx.msk [tilespmem:v63+s2+$0x0], $0xffff  }
0x319: {  	v4 =	vld.idx.msk [tilespmem:v4+s2+$0x0], $0xffff;
	_ =	sdelay $0x1  }
0x31a: {  	v9 =	vadd.f32 v55, v53;
	v10 =	vadd.f32 v50, v49  }
0x31b: {  	v11 =	vadd.f32 v52, v51;
	v12 =	vadd.f32 v56, v54  }
0x31c: {  	v13 =	vadd.f32 v58, v57;
	v3 =	vadd.f32 v5, v3  }
0x31d: {  	v54 =	vadd.f32 v7, v6;
	v4 =	vadd.f32 v4, v8  }
0x31e: {  	v55 =	vadd.f32 v10, v9;
	v56 =	vadd.f32 v12, v11  }
0x31f: {  	v3 =	vadd.f32 v3, v13;
	v4 =	vadd.f32 v4, v54  }
0x320: {  	v1 =	vadd.f32 v2, v1  }
0x321: {  	v2 =	vadd.f32 v56, v55;
	v3 =	vadd.f32 v4, v3;
	_ =	sdelay $0x1  }
0x322: {  	v1 =	vadd.f32 v1, v48;
	v2 =	vadd.f32 v3, v2;
	_ =	sdelay $0x1  }
0x323: {  	v1 =	vadd.f32 v2, v1;
	_ =	sdelay $0x1  }
0x324: {  	(xrf2) =	vadd.scan.msk.f32 $0xffff, v1;
	_ =	sdelay $0x1  }
0x325: {  	s13 =	simm.s32 $0x0  }
0x326: {  	v2 =	vor.u32 s13, v32;
	_ =	sdelay $0x1  }
0x327: {  	v3 =	vor.u32 s13, v35;
	_ =	sdelay $0x1  }
0x328: {  	v4 =	vor.u32 s13, v38  }
0x329: {  	v57 =	vld.idx.msk [tilespmem:v2+s13+$0x0], $0xffff  }
0x32a: {  	v6 =	vor.u32 s13, v39  }
0x32b: {  	v59 =	vld.idx.msk [tilespmem:v3+s13+$0x0], $0xffff;
	v58, _, _ =	vpop (xrf2)  }
0x32c: {  	v7 =	vor.u32 s13, v41;
	v1 =	vsub.f32 v58, v1  }
0x32d: {  	v60 =	vld.idx.msk [tilespmem:v4+s13+$0x0], $0xffff  }
0x32e: {  	v10 =	vor.u32 s13, v43;
	v1 =	vadd.f32 v57, v1  }
0x32f: {  	v49 =	vor.u32 s13, v47;
	v61 =	vld.idx.msk [tilespmem:v6+s13+$0x0], $0xffff  }
0x330: {  	v11 =	vor.u32 s13, v42;
	v8 =	vadd.f32 v59, v1  }
0x331: {  	v14 =	vor.u32 s13, v46;
	v62 =	vld.idx.msk [tilespmem:v7+s13+$0x0], $0xffff  }
0x332: {  	v13 =	vor.u32 s13, v40;
	v9 =	vadd.f32 v60, v8  }
0x333: {  	v16 =	vor.u32 s13, v37;
	v15 =	vld.idx.msk [tilespmem:v10+s13+$0x0], $0xffff  }
0x334: {  	v50 =	vor.u32 s13, v45;
	v52 =	vld.idx.msk [tilespmem:v49+s13+$0x0], $0xffff;
	v5 =	vadd.f32 v61, v9  }
0x335: {  	v48 =	vor.u32 s13, v36;
	v17 =	vld.idx.msk [tilespmem:v11+s13+$0x0], $0xffff  }
0x336: {  	v53 =	vor.u32 s13, v44;
	v55 =	vld.idx.msk [tilespmem:v14+s13+$0x0], $0xffff;
	v12 =	vadd.f32 v62, v5  }
0x337: {  	v51 =	vld.idx.msk [tilespmem:v13+s13+$0x0], $0xffff;
	v54 =	vor.u32 s13, v34  }
0x338: {  	v56 =	vld.idx.msk [tilespmem:v16+s13+$0x0], $0xffff;
	v57 =	vor.u32 s13, v33;
	v15 =	vadd.f32 v15, v12  }
0x339: {  	v58 =	vld.idx.msk [tilespmem:v50+s13+$0x0], $0xffff  }
0x33a: {  	v59 =	vld.idx.msk [tilespmem:v48+s13+$0x0], $0xffff;
	v17 =	vadd.f32 v17, v15  }
0x33b: {  	v60 =	vld.idx.msk [tilespmem:v53+s13+$0x0], $0xffff  }
0x33c: {  	v61 =	vld.idx.msk [tilespmem:v54+s13+$0x0], $0xffff;
	v51 =	vadd.f32 v51, v17  }
0x33d: {  	v62 =	vld.idx.msk [tilespmem:v57+s13+$0x0], $0xffff;
	[tilespmem:v2+s8+$0x0] =	vst.idx.msk $0xffff, v1  }
0x33e: {  	[tilespmem:v3+s8+$0x0] =	vst.idx.msk $0xffff, v8;
	v1 =	vadd.f32 v56, v51  }
0x33f: {  	[tilespmem:v4+s8+$0x0] =	vst.idx.msk $0xffff, v9  }
0x340: {  	[tilespmem:v6+s8+$0x0] =	vst.idx.msk $0xffff, v5;
	v2 =	vadd.f32 v59, v1  }
0x341: {  	[tilespmem:v7+s8+$0x0] =	vst.idx.msk $0xffff, v12  }
0x342: {  	[tilespmem:v10+s8+$0x0] =	vst.idx.msk $0xffff, v15;
	v3 =	vadd.f32 v61, v2  }
0x343: {  	[tilespmem:v11+s8+$0x0] =	vst.idx.msk $0xffff, v17  }
0x344: {  	[tilespmem:v13+s8+$0x0] =	vst.idx.msk $0xffff, v51;
	v63 =	vadd.f32 v62, v3  }
0x345: {  	[tilespmem:v16+s8+$0x0] =	vst.idx.msk $0xffff, v1  }
0x346: {  	[tilespmem:v48+s8+$0x0] =	vst.idx.msk $0xffff, v2;
	v1 =	vadd.f32 v60, v63  }
0x347: {  	[tilespmem:v54+s8+$0x0] =	vst.idx.msk $0xffff, v3  }
0x348: {  	[tilespmem:v57+s8+$0x0] =	vst.idx.msk $0xffff, v63;
	v2 =	vadd.f32 v58, v1  }
0x349: {  	s12 =	simm.s32 $0x10;
	[tilespmem:v53+s8+$0x0] =	vst.idx.msk $0xffff, v1  }
0x34a: {  	v1 =	vadd.f32 v55, v2;
	[tilespmem:v50+s8+$0x0] =	vst.idx.msk $0xffff, v2;
	v50 =	vor.u32 s12, v32;
	_ =	sdelay $0x1  }
0x34b: {  	s15 =	simm.s32 $0x20;
	s14 =	simm.s32 $0x10;
	v51 =	vor.u32 s12, v35;
	v48 =	vor.u32 s12, v38;
	[tilespmem:v14+s8+$0x0] =	vst.idx.msk $0xffff, v1;
	v1 =	vadd.f32 v52, v1  }
.LBB2_21:
0x34c: {  	_ = 	snop  }
0x34d: {  	v2 =	vor.u32 s15, v38;
	p0 =	sne.s32 s15, $0xF0;
	s16 =	smov.u32 s15;
	s15 =	sadd.s32 $0x10, s15;
	[tilespmem:v49+s8+$0x0] =	vst.idx.msk $0xffff, v1  }
0x34e: {  	v3 =	vld.idx.msk [tilespmem:v50+s13+$0x0], $0xffff  }
0x34f: {  	v4 =	vor.u32 s14, v39  }
0x350: {  	v5 =	vld.idx.msk [tilespmem:v51+s13+$0x0], $0xffff  }
0x351: {  	v6 =	vor.u32 s14, v41  }
0x352: {  	v7 =	vld.idx.msk [tilespmem:v48+s13+$0x0], $0xffff  }
0x353: {  	v8 =	vor.u32 s14, v43  }
0x354: {  	v1 =	vadd.f32 v3, v1;
	v9 =	vld.idx.msk [tilespmem:v4+s13+$0x0], $0xffff  }
0x355: {  	v3 =	vor.u32 s14, v42  }
0x356: {  	v49 =	vor.u32 s14, v47;
	v5 =	vadd.f32 v5, v1;
	v10 =	vld.idx.msk [tilespmem:v6+s13+$0x0], $0xffff  }
0x357: {  	v11 =	vor.u32 s14, v40  }
0x358: {  	v13 =	vor.u32 s14, v46;
	v7 =	vadd.f32 v7, v5;
	v12 =	vld.idx.msk [tilespmem:v8+s13+$0x0], $0xffff  }
0x359: {  	v14 =	vor.u32 s14, v37  }
0x35a: {  	v16 =	vor.u32 s14, v45;
	v9 =	vadd.f32 v9, v7;
	v15 =	vld.idx.msk [tilespmem:v3+s13+$0x0], $0xffff  }
0x35b: {  	v17 =	vor.u32 s14, v36;
	v52 =	vld.idx.msk [tilespmem:v49+s13+$0x0], $0xffff  }
0x35c: {  	v54 =	vor.u32 s14, v44;
	v10 =	vadd.f32 v10, v9;
	v53 =	vld.idx.msk [tilespmem:v11+s13+$0x0], $0xffff  }
0x35d: {  	v55 =	vor.u32 s14, v34;
	v56 =	vld.idx.msk [tilespmem:v13+s13+$0x0], $0xffff  }
0x35e: {  	v58 =	vor.u32 s14, v33;
	s14 =	smov.u32 s16;
	v12 =	vadd.f32 v12, v10;
	v57 =	vld.idx.msk [tilespmem:v14+s13+$0x0], $0xffff  }
0x35f: {  	v59 =	vld.idx.msk [tilespmem:v16+s13+$0x0], $0xffff  }
0x360: {  	v15 =	vadd.f32 v15, v12;
	v60 =	vld.idx.msk [tilespmem:v17+s13+$0x0], $0xffff  }
0x361: {  	v61 =	vld.idx.msk [tilespmem:v54+s13+$0x0], $0xffff  }
0x362: {  	v53 =	vadd.f32 v53, v15;
	v62 =	vld.idx.msk [tilespmem:v55+s13+$0x0], $0xffff  }
0x363: {  	v63 =	vld.idx.msk [tilespmem:v58+s13+$0x0], $0xffff  }
0x364: {  	[tilespmem:v50+s8+$0x0] =	vst.idx.msk $0xffff, v1;
	v1 =	vadd.f32 v57, v53  }
0x365: {  	[tilespmem:v51+s8+$0x0] =	vst.idx.msk $0xffff, v5  }
0x366: {  	[tilespmem:v48+s8+$0x0] =	vst.idx.msk $0xffff, v7;
	v5 =	vadd.f32 v60, v1;
	v48 =	vmov v2  }
0x367: {  	[tilespmem:v4+s8+$0x0] =	vst.idx.msk $0xffff, v9  }
0x368: {  	[tilespmem:v6+s8+$0x0] =	vst.idx.msk $0xffff, v10;
	v2 =	vadd.f32 v62, v5  }
0x369: {  	[tilespmem:v8+s8+$0x0] =	vst.idx.msk $0xffff, v12  }
0x36a: {  	[tilespmem:v3+s8+$0x0] =	vst.idx.msk $0xffff, v15;
	v3 =	vadd.f32 v63, v2  }
0x36b: {  	[tilespmem:v11+s8+$0x0] =	vst.idx.msk $0xffff, v53  }
0x36c: {  	[tilespmem:v14+s8+$0x0] =	vst.idx.msk $0xffff, v1;
	v1 =	vadd.f32 v61, v3  }
0x36d: {  	[tilespmem:v17+s8+$0x0] =	vst.idx.msk $0xffff, v5  }
.Ltmp9:
0x36e: {  	[tilespmem:v55+s8+$0x0] =	vst.idx.msk $0xffff, v2;
	v2 =	vadd.f32 v59, v1;
	(pc) =	sbr.rel @p0 .LBB2_21-.Ltmp9, $4  }
0x36f: {  	[tilespmem:v58+s8+$0x0] =	vst.idx.msk $0xffff, v3  }
0x370: {  	v50 =	vor.u32 s14, v32;
	[tilespmem:v54+s8+$0x0] =	vst.idx.msk $0xffff, v1;
	v1 =	vadd.f32 v56, v2  }
0x371: {  	[tilespmem:v16+s8+$0x0] =	vst.idx.msk $0xffff, v2  }
0x372: {  	v51 =	vor.u32 s14, v35;
	[tilespmem:v13+s8+$0x0] =	vst.idx.msk $0xffff, v1;
	v1 =	vadd.f32 v52, v1  }
0x373: {  	_ =	sdelay $0x3  }
0x374: {  	[tilespmem:v49+s8+$0x0] =	vst.idx.msk $0xffff, v1  }
0x375: {  	v2 =	vld.idx.msk [tilespmem:v50+s13+$0x0], $0xffff  }
0x376: {  	v3 =	vor.u32 s14, v39  }
0x377: {  	v4 =	vld.idx.msk [tilespmem:v51+s13+$0x0], $0xffff  }
0x378: {  	v5 =	vor.u32 s14, v41  }
0x379: {  	v6 =	vld.idx.msk [tilespmem:v48+s13+$0x0], $0xffff  }
0x37a: {  	v7 =	vor.u32 s14, v43;
	v1 =	vadd.f32 v2, v1  }
0x37b: {  	v2 =	vld.idx.msk [tilespmem:v3+s13+$0x0], $0xffff  }
0x37c: {  	v8 =	vor.u32 s14, v42;
	v4 =	vadd.f32 v4, v1  }
0x37d: {  	v9 =	vld.idx.msk [tilespmem:v5+s13+$0x0], $0xffff  }
0x37e: {  	v11 =	vor.u32 s14, v40;
	v6 =	vadd.f32 v6, v4  }
0x37f: {  	v10 =	vor.u32 s14, v47;
	v12 =	vld.idx.msk [tilespmem:v7+s13+$0x0], $0xffff  }
0x380: {  	v14 =	vor.u32 s14, v37;
	v2 =	vadd.f32 v2, v6  }
0x381: {  	v13 =	vor.u32 s14, v46;
	v15 =	vld.idx.msk [tilespmem:v8+s13+$0x0], $0xffff  }
0x382: {  	v17 =	vor.u32 s14, v36;
	v9 =	vadd.f32 v9, v2  }
0x383: {  	v16 =	vor.u32 s14, v45;
	v32 =	vld.idx.msk [tilespmem:v11+s13+$0x0], $0xffff  }
0x384: {  	v34 =	vor.u32 s14, v34;
	v57 =	vld.idx.msk [tilespmem:v10+s13+$0x0], $0xffff;
	v12 =	vadd.f32 v12, v9  }
0x385: {  	v58 =	vor.u32 s14, v44;
	v38 =	vld.idx.msk [tilespmem:v14+s13+$0x0], $0xffff  }
0x386: {  	v33 =	vor.u32 s14, v33;
	v35 =	vld.idx.msk [tilespmem:v13+s13+$0x0], $0xffff;
	v15 =	vadd.f32 v15, v12  }
0x387: {  	v60 =	vld.idx.msk [tilespmem:v17+s13+$0x0], $0xffff  }
0x388: {  	v59 =	vld.idx.msk [tilespmem:v16+s13+$0x0], $0xffff;
	v32 =	vadd.f32 v32, v15  }
0x389: {  	v62 =	vld.idx.msk [tilespmem:v34+s13+$0x0], $0xffff  }
0x38a: {  	v61 =	vld.idx.msk [tilespmem:v58+s13+$0x0], $0xffff;
	v38 =	vadd.f32 v38, v32  }
0x38b: {  	v63 =	vld.idx.msk [tilespmem:v33+s13+$0x0], $0xffff;
	[tilespmem:v50+s8+$0x0] =	vst.idx.msk $0xffff, v1  }
0x38c: {  	[tilespmem:v51+s8+$0x0] =	vst.idx.msk $0xffff, v4;
	v1 =	vadd.f32 v60, v38  }
0x38d: {  	[tilespmem:v48+s8+$0x0] =	vst.idx.msk $0xffff, v6  }
0x38e: {  	[tilespmem:v3+s8+$0x0] =	vst.idx.msk $0xffff, v2;
	v2 =	vadd.f32 v62, v1  }
0x38f: {  	[tilespmem:v5+s8+$0x0] =	vst.idx.msk $0xffff, v9  }
0x390: {  	[tilespmem:v7+s8+$0x0] =	vst.idx.msk $0xffff, v12;
	v3 =	vadd.f32 v63, v2  }
0x391: {  	[tilespmem:v8+s8+$0x0] =	vst.idx.msk $0xffff, v15  }
0x392: {  	[tilespmem:v11+s8+$0x0] =	vst.idx.msk $0xffff, v32;
	v45 =	vadd.f32 v61, v3  }
0x393: {  	[tilespmem:v14+s8+$0x0] =	vst.idx.msk $0xffff, v38  }
0x394: {  	[tilespmem:v17+s8+$0x0] =	vst.idx.msk $0xffff, v1;
	v1 =	vadd.f32 v59, v45  }
0x395: {  	v32 =	vor.u32 $0x5000, v0;
	[tilespmem:v34+s8+$0x0] =	vst.idx.msk $0xffff, v2  }
0x396: {  	v38 =	vor.u32 $0x5002, v0;
	[tilespmem:v33+s8+$0x0] =	vst.idx.msk $0xffff, v3;
	v3 =	vor.u32 s13, v32;
	v2 =	vadd.f32 v35, v1  }
0x397: {  	v43 =	vor.u32 $0x5005, v0;
	v47 =	vor.u32 s13, v38;
	[tilespmem:v58+s8+$0x0] =	vst.idx.msk $0xffff, v45  }
0x398: {  	v42 =	vor.u32 $0x5006, v0;
	v48 =	vor.u32 s13, v43;
	[tilespmem:v16+s8+$0x0] =	vst.idx.msk $0xffff, v1;
	v1 =	vadd.f32 v57, v2  }
0x399: {  	v40 =	vor.u32 $0x5007, v0;
	v49 =	vor.u32 s13, v42;
	[tilespmem:v13+s8+$0x0] =	vst.idx.msk $0xffff, v2  }
0x39a: {  	v37 =	vor.u32 $0x5008, v0;
	v50 =	vor.u32 s13, v40;
	[tilespmem:v10+s8+$0x0] =	vst.idx.msk $0xffff, v1  }
0x39b: {  	v36 =	vor.u32 $0x5009, v0;
	v51 =	vor.u32 s13, v37;
	v3 =	vld.idx.msk [tilespmem:v3+s2+$0x0], $0xffff  }
0x39c: {  	v52 =	vor.u32 s13, v36;
	v34 =	vor.u32 $0x500A, v0;
	v5 =	vld.idx.msk [tilespmem:v47+s2+$0x0], $0xffff  }
0x39d: {  	v53 =	vor.u32 s13, v34;
	v33 =	vor.u32 $0x500B, v0;
	v6 =	vld.idx.msk [tilespmem:v48+s2+$0x0], $0xffff  }
0x39e: {  	v44 =	vor.u32 $0x500C, v0;
	v54 =	vor.u32 s13, v33;
	v7 =	vld.idx.msk [tilespmem:v49+s2+$0x0], $0xffff  }
0x39f: {  	v55 =	vor.u32 s13, v44;
	v35 =	vor.u32 $0x5001, v0;
	v8 =	vld.idx.msk [tilespmem:v50+s2+$0x0], $0xffff  }
0x3a0: {  	v45 =	vor.u32 $0x500D, v0;
	v46 =	vor.u32 s13, v35;
	v9 =	vld.idx.msk [tilespmem:v51+s2+$0x0], $0xffff  }
0x3a1: {  	v56 =	vor.u32 s13, v45;
	v10 =	vld.idx.msk [tilespmem:v52+s2+$0x0], $0xffff  }
0x3a2: {  	v39 =	vor.u32 $0x5003, v0;
	v17 =	vor.u32 s12, v32;
	v11 =	vld.idx.msk [tilespmem:v53+s2+$0x0], $0xffff  }
0x3a3: {  	v41 =	vor.u32 $0x5004, v0;
	v2 =	vor.u32 s13, v39;
	v12 =	vld.idx.msk [tilespmem:v54+s2+$0x0], $0xffff  }
0x3a4: {  	v1 =	vor.u32 s13, v41;
	v47 =	vor.u32 $0x500F, v0;
	v13 =	vld.idx.msk [tilespmem:v55+s2+$0x0], $0xffff  }
0x3a5: {  	v4 =	vld.idx.msk [tilespmem:v46+s2+$0x0], $0xffff;
	v46 =	vor.u32 $0x500E, v0;
	v16 =	vor.u32 s13, v47  }
0x3a6: {  	v14 =	vld.idx.msk [tilespmem:v56+s2+$0x0], $0xffff;
	v57 =	vor.u32 s13, v46  }
0x3a7: {  	v59 =	vor.u32 s12, v38;
	v53 =	vld.idx.msk [tilespmem:v17+s2+$0x0], $0xffff  }
0x3a8: {  	v60 =	vor.u32 s12, v39;
	v2 =	vld.idx.msk [tilespmem:v2+s2+$0x0], $0xffff  }
0x3a9: {  	v61 =	vor.u32 s12, v41;
	v1 =	vld.idx.msk [tilespmem:v1+s2+$0x0], $0xffff  }
0x3aa: {  	v58 =	vor.u32 s12, v35;
	v16 =	vld.idx.msk [tilespmem:v16+s2+$0x0], $0xffff  }
0x3ab: {  	v17 =	vor.u32 s12, v43;
	v15 =	vld.idx.msk [tilespmem:v57+s2+$0x0], $0xffff  }
0x3ac: {  	v54 =	vor.u32 s12, v42;
	v49 =	vld.idx.msk [tilespmem:v59+s2+$0x0], $0xffff  }
0x3ad: {  	v56 =	vor.u32 s12, v40;
	v50 =	vld.idx.msk [tilespmem:v60+s2+$0x0], $0xffff;
	v62 =	vadd.f32 v8, v7;
	v63 =	vadd.f32 v10, v9  }
0x3ae: {  	v51 =	vld.idx.msk [tilespmem:v61+s2+$0x0], $0xffff;
	v12 =	vadd.f32 v12, v11;
	v3 =	vadd.f32 v4, v3;
	v4 =	vor.u32 s12, v37  }
0x3af: {  	v55 =	vld.idx.msk [tilespmem:v58+s2+$0x0], $0xffff;
	v2 =	vadd.f32 v2, v5;
	v1 =	vadd.f32 v6, v1;
	v6 =	vor.u32 s12, v36  }
0x3b0: {  	v59 =	vor.u32 s12, v34;
	v52 =	vld.idx.msk [tilespmem:v17+s2+$0x0], $0xffff;
	v13 =	vadd.f32 v14, v13;
	v14 =	vadd.f32 v16, v15  }
0x3b1: {  	v60 =	vor.u32 s12, v33;
	v54 =	vld.idx.msk [tilespmem:v54+s2+$0x0], $0xffff;
	v2 =	vadd.f32 v2, v3;
	v3 =	vadd.f32 v12, v63  }
0x3b2: {  	v61 =	vor.u32 s12, v44;
	v56 =	vld.idx.msk [tilespmem:v56+s2+$0x0], $0xffff;
	v1 =	vadd.f32 v62, v1;
	v15 =	vadd.f32 v14, v13  }
0x3b3: {  	v48 =	vimm.f32 $0.0e+00;
	v57 =	vld.idx.msk [tilespmem:v4+s2+$0x0], $0xffff;
	v62 =	vor.u32 s12, v45  }
0x3b4: {  	s13 =	simm.s32 $0x20;
	v63 =	vor.u32 s12, v46;
	v1 =	vadd.f32 v1, v2;
	v58 =	vld.idx.msk [tilespmem:v6+s2+$0x0], $0xffff;
	v2 =	vadd.f32 v15, v3  }
.LBB2_23:
0x3b5: {  	p0 =	sne.s32 s13, $0xF0;
	v3 =	vld.idx.msk [tilespmem:v59+s2+$0x0], $0xffff;
	v4 =	vor.u32 s12, v47;
	s12 =	smov.u32 s13  }
0x3b6: {  	v5 =	vor.u32 s13, v32;
	v6 =	vld.idx.msk [tilespmem:v60+s2+$0x0], $0xffff;
	v1 =	vadd.f32 v2, v1  }
0x3b7: {  	v2 =	vor.u32 s13, v35;
	v7 =	vld.idx.msk [tilespmem:v61+s2+$0x0], $0xffff  }
0x3b8: {  	v8 =	vor.u32 s13, v38;
	v9 =	vld.idx.msk [tilespmem:v62+s2+$0x0], $0xffff;
	v48 =	vadd.f32 v1, v48  }
0x3b9: {  	v1 =	vor.u32 s13, v39;
	v10 =	vld.idx.msk [tilespmem:v63+s2+$0x0], $0xffff  }
0x3ba: {  	v11 =	vor.u32 s13, v41;
	v4 =	vld.idx.msk [tilespmem:v4+s2+$0x0], $0xffff  }
0x3bb: {  	v12 =	vor.u32 s13, v43;
	v5 =	vld.idx.msk [tilespmem:v5+s2+$0x0], $0xffff  }
0x3bc: {  	v13 =	vor.u32 s13, v42;
	v2 =	vld.idx.msk [tilespmem:v2+s2+$0x0], $0xffff  }
0x3bd: {  	v14 =	vor.u32 s13, v40;
	v15 =	vadd.f32 v55, v53;
	v16 =	vadd.f32 v50, v49;
	v49 =	vld.idx.msk [tilespmem:v8+s2+$0x0], $0xffff  }
0x3be: {  	v17 =	vadd.f32 v56, v54;
	v8 =	vadd.f32 v52, v51;
	v50 =	vld.idx.msk [tilespmem:v1+s2+$0x0], $0xffff;
	v1 =	vor.u32 s13, v37  }
0x3bf: {  	v57 =	vadd.f32 v58, v57;
	v3 =	vadd.f32 v6, v3;
	v51 =	vld.idx.msk [tilespmem:v11+s2+$0x0], $0xffff;
	v11 =	vor.u32 s13, v36  }
.Ltmp10:
0x3c0: {  	v59 =	vor.u32 s13, v34;
	v6 =	vadd.f32 v9, v7;
	v4 =	vadd.f32 v4, v10;
	v52 =	vld.idx.msk [tilespmem:v12+s2+$0x0], $0xffff;
	(pc) =	sbr.rel @p0 .LBB2_23-.Ltmp10, $4  }
0x3c1: {  	v60 =	vor.u32 s13, v33;
	v7 =	vadd.f32 v16, v15;
	v8 =	vadd.f32 v17, v8;
	v53 =	vmovc v5;
	v54 =	vld.idx.msk [tilespmem:v13+s2+$0x0], $0xffff  }
0x3c2: {  	v61 =	vor.u32 s13, v44;
	v3 =	vadd.f32 v3, v57;
	v4 =	vadd.f32 v4, v6;
	v55 =	vmovc v2;
	v56 =	vld.idx.msk [tilespmem:v14+s2+$0x0], $0xffff  }
0x3c3: {  	v62 =	vor.u32 s13, v45;
	v57 =	vld.idx.msk [tilespmem:v1+s2+$0x0], $0xffff  }
0x3c4: {  	v63 =	vor.u32 s12, v46;
	s13 =	sadd.s32 $0x10, s13;
	v1 =	vadd.f32 v8, v7;
	v2 =	vadd.f32 v4, v3;
	v58 =	vld.idx.msk [tilespmem:v11+s2+$0x0], $0xffff  }
0x3c5: {  	_ =	sdelay $0x3  }
0x3c6: {  	v3 =	vld.idx.msk [tilespmem:v59+s2+$0x0], $0xffff;
	v4 =	vor.u32 s12, v47  }
0x3c7: {  	v5 =	vld.idx.msk [tilespmem:v60+s2+$0x0], $0xffff  }
0x3c8: {  	v6 =	vld.idx.msk [tilespmem:v61+s2+$0x0], $0xffff  }
0x3c9: {  	v7 =	vld.idx.msk [tilespmem:v62+s2+$0x0], $0xffff  }
0x3ca: {  	v8 =	vld.idx.msk [tilespmem:v63+s2+$0x0], $0xffff  }
0x3cb: {  	v4 =	vld.idx.msk [tilespmem:v4+s2+$0x0], $0xffff;
	_ =	sdelay $0x1  }
0x3cc: {  	v9 =	vadd.f32 v55, v53;
	v10 =	vadd.f32 v50, v49  }
0x3cd: {  	v11 =	vadd.f32 v52, v51;
	v12 =	vadd.f32 v56, v54  }
0x3ce: {  	v13 =	vadd.f32 v58, v57;
	v3 =	vadd.f32 v5, v3  }
0x3cf: {  	v54 =	vadd.f32 v7, v6;
	v4 =	vadd.f32 v4, v8  }
0x3d0: {  	v55 =	vadd.f32 v10, v9;
	v56 =	vadd.f32 v12, v11  }
0x3d1: {  	v3 =	vadd.f32 v3, v13;
	v4 =	vadd.f32 v4, v54  }
0x3d2: {  	v1 =	vadd.f32 v2, v1  }
0x3d3: {  	v2 =	vadd.f32 v56, v55;
	v3 =	vadd.f32 v4, v3;
	_ =	sdelay $0x1  }
0x3d4: {  	v1 =	vadd.f32 v1, v48;
	v2 =	vadd.f32 v3, v2;
	_ =	sdelay $0x1  }
0x3d5: {  	v1 =	vadd.f32 v2, v1;
	_ =	sdelay $0x1  }
0x3d6: {  	(xrf2) =	vadd.scan.msk.f32 $0xffff, v1;
	_ =	sdelay $0x1  }
0x3d7: {  	s13 =	simm.s32 $0x0  }
0x3d8: {  	v2 =	vor.u32 s13, v32;
	_ =	sdelay $0x1  }
0x3d9: {  	v3 =	vor.u32 s13, v35;
	_ =	sdelay $0x1  }
0x3da: {  	v4 =	vor.u32 s13, v38  }
0x3db: {  	v57 =	vld.idx.msk [tilespmem:v2+s13+$0x0], $0xffff  }
0x3dc: {  	v6 =	vor.u32 s13, v39  }
0x3dd: {  	v59 =	vld.idx.msk [tilespmem:v3+s13+$0x0], $0xffff;
	v58, _, _ =	vpop (xrf2)  }
0x3de: {  	v7 =	vor.u32 s13, v41;
	v1 =	vsub.f32 v58, v1  }
0x3df: {  	v60 =	vld.idx.msk [tilespmem:v4+s13+$0x0], $0xffff  }
0x3e0: {  	v10 =	vor.u32 s13, v43;
	v1 =	vadd.f32 v57, v1  }
0x3e1: {  	v49 =	vor.u32 s13, v47;
	v61 =	vld.idx.msk [tilespmem:v6+s13+$0x0], $0xffff  }
0x3e2: {  	v11 =	vor.u32 s13, v42;
	v8 =	vadd.f32 v59, v1  }
0x3e3: {  	v14 =	vor.u32 s13, v46;
	v62 =	vld.idx.msk [tilespmem:v7+s13+$0x0], $0xffff  }
0x3e4: {  	v13 =	vor.u32 s13, v40;
	v9 =	vadd.f32 v60, v8  }
0x3e5: {  	v16 =	vor.u32 s13, v37;
	v15 =	vld.idx.msk [tilespmem:v10+s13+$0x0], $0xffff  }
0x3e6: {  	v50 =	vor.u32 s13, v45;
	v52 =	vld.idx.msk [tilespmem:v49+s13+$0x0], $0xffff;
	v5 =	vadd.f32 v61, v9  }
0x3e7: {  	v48 =	vor.u32 s13, v36;
	v17 =	vld.idx.msk [tilespmem:v11+s13+$0x0], $0xffff  }
0x3e8: {  	v53 =	vor.u32 s13, v44;
	v55 =	vld.idx.msk [tilespmem:v14+s13+$0x0], $0xffff;
	v12 =	vadd.f32 v62, v5  }
0x3e9: {  	v51 =	vld.idx.msk [tilespmem:v13+s13+$0x0], $0xffff;
	v54 =	vor.u32 s13, v34  }
0x3ea: {  	v56 =	vld.idx.msk [tilespmem:v16+s13+$0x0], $0xffff;
	v57 =	vor.u32 s13, v33;
	v15 =	vadd.f32 v15, v12  }
0x3eb: {  	v58 =	vld.idx.msk [tilespmem:v50+s13+$0x0], $0xffff  }
0x3ec: {  	v59 =	vld.idx.msk [tilespmem:v48+s13+$0x0], $0xffff;
	v17 =	vadd.f32 v17, v15  }
0x3ed: {  	v60 =	vld.idx.msk [tilespmem:v53+s13+$0x0], $0xffff  }
0x3ee: {  	v61 =	vld.idx.msk [tilespmem:v54+s13+$0x0], $0xffff;
	v51 =	vadd.f32 v51, v17  }
0x3ef: {  	v62 =	vld.idx.msk [tilespmem:v57+s13+$0x0], $0xffff;
	[tilespmem:v2+s8+$0x0] =	vst.idx.msk $0xffff, v1  }
0x3f0: {  	[tilespmem:v3+s8+$0x0] =	vst.idx.msk $0xffff, v8;
	v1 =	vadd.f32 v56, v51  }
0x3f1: {  	[tilespmem:v4+s8+$0x0] =	vst.idx.msk $0xffff, v9  }
0x3f2: {  	[tilespmem:v6+s8+$0x0] =	vst.idx.msk $0xffff, v5;
	v2 =	vadd.f32 v59, v1  }
0x3f3: {  	[tilespmem:v7+s8+$0x0] =	vst.idx.msk $0xffff, v12  }
0x3f4: {  	[tilespmem:v10+s8+$0x0] =	vst.idx.msk $0xffff, v15;
	v3 =	vadd.f32 v61, v2  }
0x3f5: {  	[tilespmem:v11+s8+$0x0] =	vst.idx.msk $0xffff, v17  }
0x3f6: {  	[tilespmem:v13+s8+$0x0] =	vst.idx.msk $0xffff, v51;
	v63 =	vadd.f32 v62, v3  }
0x3f7: {  	[tilespmem:v16+s8+$0x0] =	vst.idx.msk $0xffff, v1  }
0x3f8: {  	[tilespmem:v48+s8+$0x0] =	vst.idx.msk $0xffff, v2;
	v1 =	vadd.f32 v60, v63  }
0x3f9: {  	[tilespmem:v54+s8+$0x0] =	vst.idx.msk $0xffff, v3  }
0x3fa: {  	[tilespmem:v57+s8+$0x0] =	vst.idx.msk $0xffff, v63;
	v2 =	vadd.f32 v58, v1  }
0x3fb: {  	s12 =	simm.s32 $0x10;
	[tilespmem:v53+s8+$0x0] =	vst.idx.msk $0xffff, v1  }
0x3fc: {  	v1 =	vadd.f32 v55, v2;
	[tilespmem:v50+s8+$0x0] =	vst.idx.msk $0xffff, v2;
	v50 =	vor.u32 s12, v32;
	_ =	sdelay $0x1  }
0x3fd: {  	s15 =	simm.s32 $0x20;
	s14 =	simm.s32 $0x10;
	v51 =	vor.u32 s12, v35;
	v48 =	vor.u32 s12, v38;
	[tilespmem:v14+s8+$0x0] =	vst.idx.msk $0xffff, v1;
	v1 =	vadd.f32 v52, v1  }
.LBB2_25:
0x3fe: {  	_ = 	snop  }
0x3ff: {  	v2 =	vor.u32 s15, v38;
	p0 =	sne.s32 s15, $0xF0;
	s16 =	smov.u32 s15;
	s15 =	sadd.s32 $0x10, s15;
	[tilespmem:v49+s8+$0x0] =	vst.idx.msk $0xffff, v1  }
0x400: {  	v3 =	vld.idx.msk [tilespmem:v50+s13+$0x0], $0xffff  }
0x401: {  	v4 =	vor.u32 s14, v39  }
0x402: {  	v5 =	vld.idx.msk [tilespmem:v51+s13+$0x0], $0xffff  }
0x403: {  	v6 =	vor.u32 s14, v41  }
0x404: {  	v7 =	vld.idx.msk [tilespmem:v48+s13+$0x0], $0xffff  }
0x405: {  	v8 =	vor.u32 s14, v43  }
0x406: {  	v1 =	vadd.f32 v3, v1;
	v9 =	vld.idx.msk [tilespmem:v4+s13+$0x0], $0xffff  }
0x407: {  	v3 =	vor.u32 s14, v42  }
0x408: {  	v49 =	vor.u32 s14, v47;
	v5 =	vadd.f32 v5, v1;
	v10 =	vld.idx.msk [tilespmem:v6+s13+$0x0], $0xffff  }
0x409: {  	v11 =	vor.u32 s14, v40  }
0x40a: {  	v13 =	vor.u32 s14, v46;
	v7 =	vadd.f32 v7, v5;
	v12 =	vld.idx.msk [tilespmem:v8+s13+$0x0], $0xffff  }
0x40b: {  	v14 =	vor.u32 s14, v37  }
0x40c: {  	v16 =	vor.u32 s14, v45;
	v9 =	vadd.f32 v9, v7;
	v15 =	vld.idx.msk [tilespmem:v3+s13+$0x0], $0xffff  }
0x40d: {  	v17 =	vor.u32 s14, v36;
	v52 =	vld.idx.msk [tilespmem:v49+s13+$0x0], $0xffff  }
0x40e: {  	v54 =	vor.u32 s14, v44;
	v10 =	vadd.f32 v10, v9;
	v53 =	vld.idx.msk [tilespmem:v11+s13+$0x0], $0xffff  }
0x40f: {  	v55 =	vor.u32 s14, v34;
	v56 =	vld.idx.msk [tilespmem:v13+s13+$0x0], $0xffff  }
0x410: {  	v58 =	vor.u32 s14, v33;
	s14 =	smov.u32 s16;
	v12 =	vadd.f32 v12, v10;
	v57 =	vld.idx.msk [tilespmem:v14+s13+$0x0], $0xffff  }
0x411: {  	v59 =	vld.idx.msk [tilespmem:v16+s13+$0x0], $0xffff  }
0x412: {  	v15 =	vadd.f32 v15, v12;
	v60 =	vld.idx.msk [tilespmem:v17+s13+$0x0], $0xffff  }
0x413: {  	v61 =	vld.idx.msk [tilespmem:v54+s13+$0x0], $0xffff  }
0x414: {  	v53 =	vadd.f32 v53, v15;
	v62 =	vld.idx.msk [tilespmem:v55+s13+$0x0], $0xffff  }
0x415: {  	v63 =	vld.idx.msk [tilespmem:v58+s13+$0x0], $0xffff  }
0x416: {  	[tilespmem:v50+s8+$0x0] =	vst.idx.msk $0xffff, v1;
	v1 =	vadd.f32 v57, v53  }
0x417: {  	[tilespmem:v51+s8+$0x0] =	vst.idx.msk $0xffff, v5  }
0x418: {  	[tilespmem:v48+s8+$0x0] =	vst.idx.msk $0xffff, v7;
	v5 =	vadd.f32 v60, v1;
	v48 =	vmov v2  }
0x419: {  	[tilespmem:v4+s8+$0x0] =	vst.idx.msk $0xffff, v9  }
0x41a: {  	[tilespmem:v6+s8+$0x0] =	vst.idx.msk $0xffff, v10;
	v2 =	vadd.f32 v62, v5  }
0x41b: {  	[tilespmem:v8+s8+$0x0] =	vst.idx.msk $0xffff, v12  }
0x41c: {  	[tilespmem:v3+s8+$0x0] =	vst.idx.msk $0xffff, v15;
	v3 =	vadd.f32 v63, v2  }
0x41d: {  	[tilespmem:v11+s8+$0x0] =	vst.idx.msk $0xffff, v53  }
0x41e: {  	[tilespmem:v14+s8+$0x0] =	vst.idx.msk $0xffff, v1;
	v1 =	vadd.f32 v61, v3  }
0x41f: {  	[tilespmem:v17+s8+$0x0] =	vst.idx.msk $0xffff, v5  }
.Ltmp11:
0x420: {  	[tilespmem:v55+s8+$0x0] =	vst.idx.msk $0xffff, v2;
	v2 =	vadd.f32 v59, v1;
	(pc) =	sbr.rel @p0 .LBB2_25-.Ltmp11, $4  }
0x421: {  	[tilespmem:v58+s8+$0x0] =	vst.idx.msk $0xffff, v3  }
0x422: {  	v50 =	vor.u32 s14, v32;
	[tilespmem:v54+s8+$0x0] =	vst.idx.msk $0xffff, v1;
	v1 =	vadd.f32 v56, v2  }
0x423: {  	[tilespmem:v16+s8+$0x0] =	vst.idx.msk $0xffff, v2  }
0x424: {  	v51 =	vor.u32 s14, v35;
	[tilespmem:v13+s8+$0x0] =	vst.idx.msk $0xffff, v1;
	v1 =	vadd.f32 v52, v1  }
0x425: {  	_ =	sdelay $0x3  }
0x426: {  	[tilespmem:v49+s8+$0x0] =	vst.idx.msk $0xffff, v1  }
0x427: {  	v2 =	vld.idx.msk [tilespmem:v50+s13+$0x0], $0xffff  }
0x428: {  	v3 =	vor.u32 s14, v39  }
0x429: {  	v4 =	vld.idx.msk [tilespmem:v51+s13+$0x0], $0xffff  }
0x42a: {  	v5 =	vor.u32 s14, v41  }
0x42b: {  	v6 =	vld.idx.msk [tilespmem:v48+s13+$0x0], $0xffff  }
0x42c: {  	v7 =	vor.u32 s14, v43;
	v1 =	vadd.f32 v2, v1  }
0x42d: {  	v2 =	vld.idx.msk [tilespmem:v3+s13+$0x0], $0xffff  }
0x42e: {  	v8 =	vor.u32 s14, v42;
	v4 =	vadd.f32 v4, v1  }
0x42f: {  	v9 =	vld.idx.msk [tilespmem:v5+s13+$0x0], $0xffff  }
0x430: {  	v11 =	vor.u32 s14, v40;
	v6 =	vadd.f32 v6, v4  }
0x431: {  	v10 =	vor.u32 s14, v47;
	v12 =	vld.idx.msk [tilespmem:v7+s13+$0x0], $0xffff  }
0x432: {  	v14 =	vor.u32 s14, v37;
	v2 =	vadd.f32 v2, v6  }
0x433: {  	v13 =	vor.u32 s14, v46;
	v15 =	vld.idx.msk [tilespmem:v8+s13+$0x0], $0xffff  }
0x434: {  	v17 =	vor.u32 s14, v36;
	v9 =	vadd.f32 v9, v2  }
0x435: {  	v16 =	vor.u32 s14, v45;
	v32 =	vld.idx.msk [tilespmem:v11+s13+$0x0], $0xffff  }
0x436: {  	v34 =	vor.u32 s14, v34;
	v57 =	vld.idx.msk [tilespmem:v10+s13+$0x0], $0xffff;
	v12 =	vadd.f32 v12, v9  }
0x437: {  	v58 =	vor.u32 s14, v44;
	v38 =	vld.idx.msk [tilespmem:v14+s13+$0x0], $0xffff  }
0x438: {  	v33 =	vor.u32 s14, v33;
	v35 =	vld.idx.msk [tilespmem:v13+s13+$0x0], $0xffff;
	v15 =	vadd.f32 v15, v12  }
0x439: {  	v60 =	vld.idx.msk [tilespmem:v17+s13+$0x0], $0xffff  }
0x43a: {  	v59 =	vld.idx.msk [tilespmem:v16+s13+$0x0], $0xffff;
	v32 =	vadd.f32 v32, v15  }
0x43b: {  	v62 =	vld.idx.msk [tilespmem:v34+s13+$0x0], $0xffff  }
0x43c: {  	v61 =	vld.idx.msk [tilespmem:v58+s13+$0x0], $0xffff;
	v38 =	vadd.f32 v38, v32  }
0x43d: {  	v63 =	vld.idx.msk [tilespmem:v33+s13+$0x0], $0xffff;
	[tilespmem:v50+s8+$0x0] =	vst.idx.msk $0xffff, v1  }
0x43e: {  	[tilespmem:v51+s8+$0x0] =	vst.idx.msk $0xffff, v4;
	v1 =	vadd.f32 v60, v38  }
0x43f: {  	[tilespmem:v48+s8+$0x0] =	vst.idx.msk $0xffff, v6  }
0x440: {  	[tilespmem:v3+s8+$0x0] =	vst.idx.msk $0xffff, v2;
	v2 =	vadd.f32 v62, v1  }
0x441: {  	[tilespmem:v5+s8+$0x0] =	vst.idx.msk $0xffff, v9  }
0x442: {  	[tilespmem:v7+s8+$0x0] =	vst.idx.msk $0xffff, v12;
	v3 =	vadd.f32 v63, v2  }
0x443: {  	[tilespmem:v8+s8+$0x0] =	vst.idx.msk $0xffff, v15  }
0x444: {  	[tilespmem:v11+s8+$0x0] =	vst.idx.msk $0xffff, v32;
	v45 =	vadd.f32 v61, v3  }
0x445: {  	[tilespmem:v14+s8+$0x0] =	vst.idx.msk $0xffff, v38  }
0x446: {  	[tilespmem:v17+s8+$0x0] =	vst.idx.msk $0xffff, v1;
	v1 =	vadd.f32 v59, v45  }
0x447: {  	v32 =	vor.u32 $0x6000, v0;
	[tilespmem:v34+s8+$0x0] =	vst.idx.msk $0xffff, v2  }
0x448: {  	v38 =	vor.u32 $0x6002, v0;
	[tilespmem:v33+s8+$0x0] =	vst.idx.msk $0xffff, v3;
	v3 =	vor.u32 s13, v32;
	v2 =	vadd.f32 v35, v1  }
0x449: {  	v43 =	vor.u32 $0x6005, v0;
	v47 =	vor.u32 s13, v38;
	[tilespmem:v58+s8+$0x0] =	vst.idx.msk $0xffff, v45  }
0x44a: {  	v42 =	vor.u32 $0x6006, v0;
	v48 =	vor.u32 s13, v43;
	[tilespmem:v16+s8+$0x0] =	vst.idx.msk $0xffff, v1;
	v1 =	vadd.f32 v57, v2  }
0x44b: {  	v40 =	vor.u32 $0x6007, v0;
	v49 =	vor.u32 s13, v42;
	[tilespmem:v13+s8+$0x0] =	vst.idx.msk $0xffff, v2  }
0x44c: {  	v37 =	vor.u32 $0x6008, v0;
	v50 =	vor.u32 s13, v40;
	[tilespmem:v10+s8+$0x0] =	vst.idx.msk $0xffff, v1  }
0x44d: {  	v36 =	vor.u32 $0x6009, v0;
	v51 =	vor.u32 s13, v37;
	v3 =	vld.idx.msk [tilespmem:v3+s2+$0x0], $0xffff  }
0x44e: {  	v52 =	vor.u32 s13, v36;
	v34 =	vor.u32 $0x600A, v0;
	v5 =	vld.idx.msk [tilespmem:v47+s2+$0x0], $0xffff  }
0x44f: {  	v53 =	vor.u32 s13, v34;
	v33 =	vor.u32 $0x600B, v0;
	v6 =	vld.idx.msk [tilespmem:v48+s2+$0x0], $0xffff  }
0x450: {  	v44 =	vor.u32 $0x600C, v0;
	v54 =	vor.u32 s13, v33;
	v7 =	vld.idx.msk [tilespmem:v49+s2+$0x0], $0xffff  }
0x451: {  	v55 =	vor.u32 s13, v44;
	v35 =	vor.u32 $0x6001, v0;
	v8 =	vld.idx.msk [tilespmem:v50+s2+$0x0], $0xffff  }
0x452: {  	v45 =	vor.u32 $0x600D, v0;
	v46 =	vor.u32 s13, v35;
	v9 =	vld.idx.msk [tilespmem:v51+s2+$0x0], $0xffff  }
0x453: {  	v56 =	vor.u32 s13, v45;
	v10 =	vld.idx.msk [tilespmem:v52+s2+$0x0], $0xffff  }
0x454: {  	v39 =	vor.u32 $0x6003, v0;
	v17 =	vor.u32 s12, v32;
	v11 =	vld.idx.msk [tilespmem:v53+s2+$0x0], $0xffff  }
0x455: {  	v41 =	vor.u32 $0x6004, v0;
	v2 =	vor.u32 s13, v39;
	v12 =	vld.idx.msk [tilespmem:v54+s2+$0x0], $0xffff  }
0x456: {  	v1 =	vor.u32 s13, v41;
	v47 =	vor.u32 $0x600F, v0;
	v13 =	vld.idx.msk [tilespmem:v55+s2+$0x0], $0xffff  }
0x457: {  	v4 =	vld.idx.msk [tilespmem:v46+s2+$0x0], $0xffff;
	v46 =	vor.u32 $0x600E, v0;
	v16 =	vor.u32 s13, v47  }
0x458: {  	v14 =	vld.idx.msk [tilespmem:v56+s2+$0x0], $0xffff;
	v57 =	vor.u32 s13, v46  }
0x459: {  	v59 =	vor.u32 s12, v38;
	v53 =	vld.idx.msk [tilespmem:v17+s2+$0x0], $0xffff  }
0x45a: {  	v60 =	vor.u32 s12, v39;
	v2 =	vld.idx.msk [tilespmem:v2+s2+$0x0], $0xffff  }
0x45b: {  	v61 =	vor.u32 s12, v41;
	v1 =	vld.idx.msk [tilespmem:v1+s2+$0x0], $0xffff  }
0x45c: {  	v58 =	vor.u32 s12, v35;
	v16 =	vld.idx.msk [tilespmem:v16+s2+$0x0], $0xffff  }
0x45d: {  	v17 =	vor.u32 s12, v43;
	v15 =	vld.idx.msk [tilespmem:v57+s2+$0x0], $0xffff  }
0x45e: {  	v54 =	vor.u32 s12, v42;
	v49 =	vld.idx.msk [tilespmem:v59+s2+$0x0], $0xffff  }
0x45f: {  	v56 =	vor.u32 s12, v40;
	v50 =	vld.idx.msk [tilespmem:v60+s2+$0x0], $0xffff;
	v62 =	vadd.f32 v8, v7;
	v63 =	vadd.f32 v10, v9  }
0x460: {  	v51 =	vld.idx.msk [tilespmem:v61+s2+$0x0], $0xffff;
	v12 =	vadd.f32 v12, v11;
	v3 =	vadd.f32 v4, v3;
	v4 =	vor.u32 s12, v37  }
0x461: {  	v55 =	vld.idx.msk [tilespmem:v58+s2+$0x0], $0xffff;
	v2 =	vadd.f32 v2, v5;
	v1 =	vadd.f32 v6, v1;
	v6 =	vor.u32 s12, v36  }
0x462: {  	v59 =	vor.u32 s12, v34;
	v52 =	vld.idx.msk [tilespmem:v17+s2+$0x0], $0xffff;
	v13 =	vadd.f32 v14, v13;
	v14 =	vadd.f32 v16, v15  }
0x463: {  	v60 =	vor.u32 s12, v33;
	v54 =	vld.idx.msk [tilespmem:v54+s2+$0x0], $0xffff;
	v2 =	vadd.f32 v2, v3;
	v3 =	vadd.f32 v12, v63  }
0x464: {  	v61 =	vor.u32 s12, v44;
	v56 =	vld.idx.msk [tilespmem:v56+s2+$0x0], $0xffff;
	v1 =	vadd.f32 v62, v1;
	v15 =	vadd.f32 v14, v13  }
0x465: {  	v48 =	vimm.f32 $0.0e+00;
	v57 =	vld.idx.msk [tilespmem:v4+s2+$0x0], $0xffff;
	v62 =	vor.u32 s12, v45  }
0x466: {  	s13 =	simm.s32 $0x20;
	v63 =	vor.u32 s12, v46;
	v1 =	vadd.f32 v1, v2;
	v58 =	vld.idx.msk [tilespmem:v6+s2+$0x0], $0xffff;
	v2 =	vadd.f32 v15, v3  }
.LBB2_27:
0x467: {  	p0 =	sne.s32 s13, $0xF0;
	v3 =	vld.idx.msk [tilespmem:v59+s2+$0x0], $0xffff;
	v4 =	vor.u32 s12, v47;
	s12 =	smov.u32 s13  }
0x468: {  	v5 =	vor.u32 s13, v32;
	v6 =	vld.idx.msk [tilespmem:v60+s2+$0x0], $0xffff;
	v1 =	vadd.f32 v2, v1  }
0x469: {  	v2 =	vor.u32 s13, v35;
	v7 =	vld.idx.msk [tilespmem:v61+s2+$0x0], $0xffff  }
0x46a: {  	v8 =	vor.u32 s13, v38;
	v9 =	vld.idx.msk [tilespmem:v62+s2+$0x0], $0xffff;
	v48 =	vadd.f32 v1, v48  }
0x46b: {  	v1 =	vor.u32 s13, v39;
	v10 =	vld.idx.msk [tilespmem:v63+s2+$0x0], $0xffff  }
0x46c: {  	v11 =	vor.u32 s13, v41;
	v4 =	vld.idx.msk [tilespmem:v4+s2+$0x0], $0xffff  }
0x46d: {  	v12 =	vor.u32 s13, v43;
	v5 =	vld.idx.msk [tilespmem:v5+s2+$0x0], $0xffff  }
0x46e: {  	v13 =	vor.u32 s13, v42;
	v2 =	vld.idx.msk [tilespmem:v2+s2+$0x0], $0xffff  }
0x46f: {  	v14 =	vor.u32 s13, v40;
	v15 =	vadd.f32 v55, v53;
	v16 =	vadd.f32 v50, v49;
	v49 =	vld.idx.msk [tilespmem:v8+s2+$0x0], $0xffff  }
0x470: {  	v17 =	vadd.f32 v56, v54;
	v8 =	vadd.f32 v52, v51;
	v50 =	vld.idx.msk [tilespmem:v1+s2+$0x0], $0xffff;
	v1 =	vor.u32 s13, v37  }
0x471: {  	v57 =	vadd.f32 v58, v57;
	v3 =	vadd.f32 v6, v3;
	v51 =	vld.idx.msk [tilespmem:v11+s2+$0x0], $0xffff;
	v11 =	vor.u32 s13, v36  }
.Ltmp12:
0x472: {  	v59 =	vor.u32 s13, v34;
	v6 =	vadd.f32 v9, v7;
	v4 =	vadd.f32 v4, v10;
	v52 =	vld.idx.msk [tilespmem:v12+s2+$0x0], $0xffff;
	(pc) =	sbr.rel @p0 .LBB2_27-.Ltmp12, $4  }
0x473: {  	v60 =	vor.u32 s13, v33;
	v7 =	vadd.f32 v16, v15;
	v8 =	vadd.f32 v17, v8;
	v53 =	vmovc v5;
	v54 =	vld.idx.msk [tilespmem:v13+s2+$0x0], $0xffff  }
0x474: {  	v61 =	vor.u32 s13, v44;
	v3 =	vadd.f32 v3, v57;
	v4 =	vadd.f32 v4, v6;
	v55 =	vmovc v2;
	v56 =	vld.idx.msk [tilespmem:v14+s2+$0x0], $0xffff  }
0x475: {  	v62 =	vor.u32 s13, v45;
	v57 =	vld.idx.msk [tilespmem:v1+s2+$0x0], $0xffff  }
0x476: {  	v63 =	vor.u32 s12, v46;
	s13 =	sadd.s32 $0x10, s13;
	v1 =	vadd.f32 v8, v7;
	v2 =	vadd.f32 v4, v3;
	v58 =	vld.idx.msk [tilespmem:v11+s2+$0x0], $0xffff  }
0x477: {  	_ =	sdelay $0x3  }
0x478: {  	v3 =	vld.idx.msk [tilespmem:v59+s2+$0x0], $0xffff;
	v4 =	vor.u32 s12, v47  }
0x479: {  	v5 =	vld.idx.msk [tilespmem:v60+s2+$0x0], $0xffff  }
0x47a: {  	v6 =	vld.idx.msk [tilespmem:v61+s2+$0x0], $0xffff  }
0x47b: {  	v7 =	vld.idx.msk [tilespmem:v62+s2+$0x0], $0xffff  }
0x47c: {  	v8 =	vld.idx.msk [tilespmem:v63+s2+$0x0], $0xffff  }
0x47d: {  	v4 =	vld.idx.msk [tilespmem:v4+s2+$0x0], $0xffff;
	_ =	sdelay $0x1  }
0x47e: {  	v9 =	vadd.f32 v55, v53;
	v10 =	vadd.f32 v50, v49  }
0x47f: {  	v11 =	vadd.f32 v52, v51;
	v12 =	vadd.f32 v56, v54  }
0x480: {  	v13 =	vadd.f32 v58, v57;
	v3 =	vadd.f32 v5, v3  }
0x481: {  	v54 =	vadd.f32 v7, v6;
	v4 =	vadd.f32 v4, v8  }
0x482: {  	v55 =	vadd.f32 v10, v9;
	v56 =	vadd.f32 v12, v11  }
0x483: {  	v3 =	vadd.f32 v3, v13;
	v4 =	vadd.f32 v4, v54  }
0x484: {  	v1 =	vadd.f32 v2, v1  }
0x485: {  	v2 =	vadd.f32 v56, v55;
	v3 =	vadd.f32 v4, v3;
	_ =	sdelay $0x1  }
0x486: {  	v1 =	vadd.f32 v1, v48;
	v2 =	vadd.f32 v3, v2;
	_ =	sdelay $0x1  }
0x487: {  	v1 =	vadd.f32 v2, v1;
	_ =	sdelay $0x1  }
0x488: {  	(xrf2) =	vadd.scan.msk.f32 $0xffff, v1;
	_ =	sdelay $0x1  }
0x489: {  	s13 =	simm.s32 $0x0  }
0x48a: {  	v2 =	vor.u32 s13, v32;
	_ =	sdelay $0x1  }
0x48b: {  	v3 =	vor.u32 s13, v35;
	_ =	sdelay $0x1  }
0x48c: {  	v4 =	vor.u32 s13, v38  }
0x48d: {  	v57 =	vld.idx.msk [tilespmem:v2+s13+$0x0], $0xffff  }
0x48e: {  	v6 =	vor.u32 s13, v39  }
0x48f: {  	v59 =	vld.idx.msk [tilespmem:v3+s13+$0x0], $0xffff;
	v58, _, _ =	vpop (xrf2)  }
0x490: {  	v7 =	vor.u32 s13, v41;
	v1 =	vsub.f32 v58, v1  }
0x491: {  	v60 =	vld.idx.msk [tilespmem:v4+s13+$0x0], $0xffff  }
0x492: {  	v10 =	vor.u32 s13, v43;
	v1 =	vadd.f32 v57, v1  }
0x493: {  	v49 =	vor.u32 s13, v47;
	v61 =	vld.idx.msk [tilespmem:v6+s13+$0x0], $0xffff  }
0x494: {  	v11 =	vor.u32 s13, v42;
	v8 =	vadd.f32 v59, v1  }
0x495: {  	v14 =	vor.u32 s13, v46;
	v62 =	vld.idx.msk [tilespmem:v7+s13+$0x0], $0xffff  }
0x496: {  	v13 =	vor.u32 s13, v40;
	v9 =	vadd.f32 v60, v8  }
0x497: {  	v16 =	vor.u32 s13, v37;
	v15 =	vld.idx.msk [tilespmem:v10+s13+$0x0], $0xffff  }
0x498: {  	v50 =	vor.u32 s13, v45;
	v52 =	vld.idx.msk [tilespmem:v49+s13+$0x0], $0xffff;
	v5 =	vadd.f32 v61, v9  }
0x499: {  	v48 =	vor.u32 s13, v36;
	v17 =	vld.idx.msk [tilespmem:v11+s13+$0x0], $0xffff  }
0x49a: {  	v53 =	vor.u32 s13, v44;
	v55 =	vld.idx.msk [tilespmem:v14+s13+$0x0], $0xffff;
	v12 =	vadd.f32 v62, v5  }
0x49b: {  	v51 =	vld.idx.msk [tilespmem:v13+s13+$0x0], $0xffff;
	v54 =	vor.u32 s13, v34  }
0x49c: {  	v56 =	vld.idx.msk [tilespmem:v16+s13+$0x0], $0xffff;
	v57 =	vor.u32 s13, v33;
	v15 =	vadd.f32 v15, v12  }
0x49d: {  	v58 =	vld.idx.msk [tilespmem:v50+s13+$0x0], $0xffff  }
0x49e: {  	v59 =	vld.idx.msk [tilespmem:v48+s13+$0x0], $0xffff;
	v17 =	vadd.f32 v17, v15  }
0x49f: {  	v60 =	vld.idx.msk [tilespmem:v53+s13+$0x0], $0xffff  }
0x4a0: {  	v61 =	vld.idx.msk [tilespmem:v54+s13+$0x0], $0xffff;
	v51 =	vadd.f32 v51, v17  }
0x4a1: {  	v62 =	vld.idx.msk [tilespmem:v57+s13+$0x0], $0xffff;
	[tilespmem:v2+s8+$0x0] =	vst.idx.msk $0xffff, v1  }
0x4a2: {  	[tilespmem:v3+s8+$0x0] =	vst.idx.msk $0xffff, v8;
	v1 =	vadd.f32 v56, v51  }
0x4a3: {  	[tilespmem:v4+s8+$0x0] =	vst.idx.msk $0xffff, v9  }
0x4a4: {  	[tilespmem:v6+s8+$0x0] =	vst.idx.msk $0xffff, v5;
	v2 =	vadd.f32 v59, v1  }
0x4a5: {  	[tilespmem:v7+s8+$0x0] =	vst.idx.msk $0xffff, v12  }
0x4a6: {  	[tilespmem:v10+s8+$0x0] =	vst.idx.msk $0xffff, v15;
	v3 =	vadd.f32 v61, v2  }
0x4a7: {  	[tilespmem:v11+s8+$0x0] =	vst.idx.msk $0xffff, v17  }
0x4a8: {  	[tilespmem:v13+s8+$0x0] =	vst.idx.msk $0xffff, v51;
	v63 =	vadd.f32 v62, v3  }
0x4a9: {  	[tilespmem:v16+s8+$0x0] =	vst.idx.msk $0xffff, v1  }
0x4aa: {  	[tilespmem:v48+s8+$0x0] =	vst.idx.msk $0xffff, v2;
	v1 =	vadd.f32 v60, v63  }
0x4ab: {  	[tilespmem:v54+s8+$0x0] =	vst.idx.msk $0xffff, v3  }
0x4ac: {  	[tilespmem:v57+s8+$0x0] =	vst.idx.msk $0xffff, v63;
	v2 =	vadd.f32 v58, v1  }
0x4ad: {  	s12 =	simm.s32 $0x10;
	[tilespmem:v53+s8+$0x0] =	vst.idx.msk $0xffff, v1  }
0x4ae: {  	v1 =	vadd.f32 v55, v2;
	[tilespmem:v50+s8+$0x0] =	vst.idx.msk $0xffff, v2;
	v50 =	vor.u32 s12, v32;
	_ =	sdelay $0x1  }
0x4af: {  	s15 =	simm.s32 $0x20;
	s14 =	simm.s32 $0x10;
	v51 =	vor.u32 s12, v35;
	v48 =	vor.u32 s12, v38;
	[tilespmem:v14+s8+$0x0] =	vst.idx.msk $0xffff, v1;
	v1 =	vadd.f32 v52, v1  }
.LBB2_29:
0x4b0: {  	_ = 	snop  }
0x4b1: {  	v2 =	vor.u32 s15, v38;
	p0 =	sne.s32 s15, $0xF0;
	s16 =	smov.u32 s15;
	s15 =	sadd.s32 $0x10, s15;
	[tilespmem:v49+s8+$0x0] =	vst.idx.msk $0xffff, v1  }
0x4b2: {  	v3 =	vld.idx.msk [tilespmem:v50+s13+$0x0], $0xffff  }
0x4b3: {  	v4 =	vor.u32 s14, v39  }
0x4b4: {  	v5 =	vld.idx.msk [tilespmem:v51+s13+$0x0], $0xffff  }
0x4b5: {  	v6 =	vor.u32 s14, v41  }
0x4b6: {  	v7 =	vld.idx.msk [tilespmem:v48+s13+$0x0], $0xffff  }
0x4b7: {  	v8 =	vor.u32 s14, v43  }
0x4b8: {  	v1 =	vadd.f32 v3, v1;
	v9 =	vld.idx.msk [tilespmem:v4+s13+$0x0], $0xffff  }
0x4b9: {  	v3 =	vor.u32 s14, v42  }
0x4ba: {  	v49 =	vor.u32 s14, v47;
	v5 =	vadd.f32 v5, v1;
	v10 =	vld.idx.msk [tilespmem:v6+s13+$0x0], $0xffff  }
0x4bb: {  	v11 =	vor.u32 s14, v40  }
0x4bc: {  	v13 =	vor.u32 s14, v46;
	v7 =	vadd.f32 v7, v5;
	v12 =	vld.idx.msk [tilespmem:v8+s13+$0x0], $0xffff  }
0x4bd: {  	v14 =	vor.u32 s14, v37  }
0x4be: {  	v16 =	vor.u32 s14, v45;
	v9 =	vadd.f32 v9, v7;
	v15 =	vld.idx.msk [tilespmem:v3+s13+$0x0], $0xffff  }
0x4bf: {  	v17 =	vor.u32 s14, v36;
	v52 =	vld.idx.msk [tilespmem:v49+s13+$0x0], $0xffff  }
0x4c0: {  	v54 =	vor.u32 s14, v44;
	v10 =	vadd.f32 v10, v9;
	v53 =	vld.idx.msk [tilespmem:v11+s13+$0x0], $0xffff  }
0x4c1: {  	v55 =	vor.u32 s14, v34;
	v56 =	vld.idx.msk [tilespmem:v13+s13+$0x0], $0xffff  }
0x4c2: {  	v58 =	vor.u32 s14, v33;
	s14 =	smov.u32 s16;
	v12 =	vadd.f32 v12, v10;
	v57 =	vld.idx.msk [tilespmem:v14+s13+$0x0], $0xffff  }
0x4c3: {  	v59 =	vld.idx.msk [tilespmem:v16+s13+$0x0], $0xffff  }
0x4c4: {  	v15 =	vadd.f32 v15, v12;
	v60 =	vld.idx.msk [tilespmem:v17+s13+$0x0], $0xffff  }
0x4c5: {  	v61 =	vld.idx.msk [tilespmem:v54+s13+$0x0], $0xffff  }
0x4c6: {  	v53 =	vadd.f32 v53, v15;
	v62 =	vld.idx.msk [tilespmem:v55+s13+$0x0], $0xffff  }
0x4c7: {  	v63 =	vld.idx.msk [tilespmem:v58+s13+$0x0], $0xffff  }
0x4c8: {  	[tilespmem:v50+s8+$0x0] =	vst.idx.msk $0xffff, v1;
	v1 =	vadd.f32 v57, v53  }
0x4c9: {  	[tilespmem:v51+s8+$0x0] =	vst.idx.msk $0xffff, v5  }
0x4ca: {  	[tilespmem:v48+s8+$0x0] =	vst.idx.msk $0xffff, v7;
	v5 =	vadd.f32 v60, v1;
	v48 =	vmov v2  }
0x4cb: {  	[tilespmem:v4+s8+$0x0] =	vst.idx.msk $0xffff, v9  }
0x4cc: {  	[tilespmem:v6+s8+$0x0] =	vst.idx.msk $0xffff, v10;
	v2 =	vadd.f32 v62, v5  }
0x4cd: {  	[tilespmem:v8+s8+$0x0] =	vst.idx.msk $0xffff, v12  }
0x4ce: {  	[tilespmem:v3+s8+$0x0] =	vst.idx.msk $0xffff, v15;
	v3 =	vadd.f32 v63, v2  }
0x4cf: {  	[tilespmem:v11+s8+$0x0] =	vst.idx.msk $0xffff, v53  }
0x4d0: {  	[tilespmem:v14+s8+$0x0] =	vst.idx.msk $0xffff, v1;
	v1 =	vadd.f32 v61, v3  }
0x4d1: {  	[tilespmem:v17+s8+$0x0] =	vst.idx.msk $0xffff, v5  }
.Ltmp13:
0x4d2: {  	[tilespmem:v55+s8+$0x0] =	vst.idx.msk $0xffff, v2;
	v2 =	vadd.f32 v59, v1;
	(pc) =	sbr.rel @p0 .LBB2_29-.Ltmp13, $4  }
0x4d3: {  	[tilespmem:v58+s8+$0x0] =	vst.idx.msk $0xffff, v3  }
0x4d4: {  	v50 =	vor.u32 s14, v32;
	[tilespmem:v54+s8+$0x0] =	vst.idx.msk $0xffff, v1;
	v1 =	vadd.f32 v56, v2  }
0x4d5: {  	[tilespmem:v16+s8+$0x0] =	vst.idx.msk $0xffff, v2  }
0x4d6: {  	v51 =	vor.u32 s14, v35;
	[tilespmem:v13+s8+$0x0] =	vst.idx.msk $0xffff, v1;
	v1 =	vadd.f32 v52, v1  }
0x4d7: {  	_ =	sdelay $0x3  }
0x4d8: {  	[tilespmem:v49+s8+$0x0] =	vst.idx.msk $0xffff, v1  }
0x4d9: {  	v2 =	vld.idx.msk [tilespmem:v50+s13+$0x0], $0xffff  }
0x4da: {  	v3 =	vor.u32 s14, v39  }
0x4db: {  	v4 =	vld.idx.msk [tilespmem:v51+s13+$0x0], $0xffff  }
0x4dc: {  	v5 =	vor.u32 s14, v41  }
0x4dd: {  	v6 =	vld.idx.msk [tilespmem:v48+s13+$0x0], $0xffff  }
0x4de: {  	v7 =	vor.u32 s14, v43;
	v1 =	vadd.f32 v2, v1  }
0x4df: {  	v2 =	vld.idx.msk [tilespmem:v3+s13+$0x0], $0xffff  }
0x4e0: {  	v8 =	vor.u32 s14, v42;
	v4 =	vadd.f32 v4, v1  }
0x4e1: {  	v9 =	vld.idx.msk [tilespmem:v5+s13+$0x0], $0xffff  }
0x4e2: {  	v11 =	vor.u32 s14, v40;
	v6 =	vadd.f32 v6, v4  }
0x4e3: {  	v10 =	vor.u32 s14, v47;
	v12 =	vld.idx.msk [tilespmem:v7+s13+$0x0], $0xffff  }
0x4e4: {  	v14 =	vor.u32 s14, v37;
	v2 =	vadd.f32 v2, v6  }
0x4e5: {  	v13 =	vor.u32 s14, v46;
	v15 =	vld.idx.msk [tilespmem:v8+s13+$0x0], $0xffff  }
0x4e6: {  	v17 =	vor.u32 s14, v36;
	v9 =	vadd.f32 v9, v2  }
0x4e7: {  	v16 =	vor.u32 s14, v45;
	v32 =	vld.idx.msk [tilespmem:v11+s13+$0x0], $0xffff  }
0x4e8: {  	v34 =	vor.u32 s14, v34;
	v57 =	vld.idx.msk [tilespmem:v10+s13+$0x0], $0xffff;
	v12 =	vadd.f32 v12, v9  }
0x4e9: {  	v58 =	vor.u32 s14, v44;
	v38 =	vld.idx.msk [tilespmem:v14+s13+$0x0], $0xffff  }
0x4ea: {  	v33 =	vor.u32 s14, v33;
	v35 =	vld.idx.msk [tilespmem:v13+s13+$0x0], $0xffff;
	v15 =	vadd.f32 v15, v12  }
0x4eb: {  	v60 =	vld.idx.msk [tilespmem:v17+s13+$0x0], $0xffff  }
0x4ec: {  	v59 =	vld.idx.msk [tilespmem:v16+s13+$0x0], $0xffff;
	v32 =	vadd.f32 v32, v15  }
0x4ed: {  	v62 =	vld.idx.msk [tilespmem:v34+s13+$0x0], $0xffff  }
0x4ee: {  	v61 =	vld.idx.msk [tilespmem:v58+s13+$0x0], $0xffff;
	v38 =	vadd.f32 v38, v32  }
0x4ef: {  	v63 =	vld.idx.msk [tilespmem:v33+s13+$0x0], $0xffff;
	[tilespmem:v50+s8+$0x0] =	vst.idx.msk $0xffff, v1  }
0x4f0: {  	[tilespmem:v51+s8+$0x0] =	vst.idx.msk $0xffff, v4;
	v1 =	vadd.f32 v60, v38  }
0x4f1: {  	[tilespmem:v48+s8+$0x0] =	vst.idx.msk $0xffff, v6  }
0x4f2: {  	[tilespmem:v3+s8+$0x0] =	vst.idx.msk $0xffff, v2;
	v2 =	vadd.f32 v62, v1  }
0x4f3: {  	[tilespmem:v5+s8+$0x0] =	vst.idx.msk $0xffff, v9  }
0x4f4: {  	[tilespmem:v7+s8+$0x0] =	vst.idx.msk $0xffff, v12;
	v3 =	vadd.f32 v63, v2  }
0x4f5: {  	[tilespmem:v8+s8+$0x0] =	vst.idx.msk $0xffff, v15  }
0x4f6: {  	[tilespmem:v11+s8+$0x0] =	vst.idx.msk $0xffff, v32;
	v45 =	vadd.f32 v61, v3  }
0x4f7: {  	[tilespmem:v14+s8+$0x0] =	vst.idx.msk $0xffff, v38  }
0x4f8: {  	[tilespmem:v17+s8+$0x0] =	vst.idx.msk $0xffff, v1;
	v1 =	vadd.f32 v59, v45  }
0x4f9: {  	v32 =	vor.u32 $0x7000, v0;
	[tilespmem:v34+s8+$0x0] =	vst.idx.msk $0xffff, v2  }
0x4fa: {  	v38 =	vor.u32 $0x7002, v0;
	[tilespmem:v33+s8+$0x0] =	vst.idx.msk $0xffff, v3;
	v3 =	vor.u32 s13, v32;
	v2 =	vadd.f32 v35, v1  }
0x4fb: {  	v43 =	vor.u32 $0x7005, v0;
	v47 =	vor.u32 s13, v38;
	[tilespmem:v58+s8+$0x0] =	vst.idx.msk $0xffff, v45  }
0x4fc: {  	v42 =	vor.u32 $0x7006, v0;
	v48 =	vor.u32 s13, v43;
	[tilespmem:v16+s8+$0x0] =	vst.idx.msk $0xffff, v1;
	v1 =	vadd.f32 v57, v2  }
0x4fd: {  	v40 =	vor.u32 $0x7007, v0;
	v49 =	vor.u32 s13, v42;
	[tilespmem:v13+s8+$0x0] =	vst.idx.msk $0xffff, v2  }
0x4fe: {  	v37 =	vor.u32 $0x7008, v0;
	v50 =	vor.u32 s13, v40;
	[tilespmem:v10+s8+$0x0] =	vst.idx.msk $0xffff, v1  }
0x4ff: {  	v36 =	vor.u32 $0x7009, v0;
	v51 =	vor.u32 s13, v37;
	v3 =	vld.idx.msk [tilespmem:v3+s2+$0x0], $0xffff  }
0x500: {  	v52 =	vor.u32 s13, v36;
	v34 =	vor.u32 $0x700A, v0;
	v5 =	vld.idx.msk [tilespmem:v47+s2+$0x0], $0xffff  }
0x501: {  	v53 =	vor.u32 s13, v34;
	v33 =	vor.u32 $0x700B, v0;
	v6 =	vld.idx.msk [tilespmem:v48+s2+$0x0], $0xffff  }
0x502: {  	v44 =	vor.u32 $0x700C, v0;
	v54 =	vor.u32 s13, v33;
	v7 =	vld.idx.msk [tilespmem:v49+s2+$0x0], $0xffff  }
0x503: {  	v55 =	vor.u32 s13, v44;
	v35 =	vor.u32 $0x7001, v0;
	v8 =	vld.idx.msk [tilespmem:v50+s2+$0x0], $0xffff  }
0x504: {  	v45 =	vor.u32 $0x700D, v0;
	v46 =	vor.u32 s13, v35;
	v9 =	vld.idx.msk [tilespmem:v51+s2+$0x0], $0xffff  }
0x505: {  	v56 =	vor.u32 s13, v45;
	v10 =	vld.idx.msk [tilespmem:v52+s2+$0x0], $0xffff  }
0x506: {  	v39 =	vor.u32 $0x7003, v0;
	v17 =	vor.u32 s12, v32;
	v11 =	vld.idx.msk [tilespmem:v53+s2+$0x0], $0xffff  }
0x507: {  	v41 =	vor.u32 $0x7004, v0;
	v2 =	vor.u32 s13, v39;
	v12 =	vld.idx.msk [tilespmem:v54+s2+$0x0], $0xffff  }
0x508: {  	v1 =	vor.u32 s13, v41;
	v47 =	vor.u32 $0x700F, v0;
	v13 =	vld.idx.msk [tilespmem:v55+s2+$0x0], $0xffff  }
0x509: {  	v4 =	vld.idx.msk [tilespmem:v46+s2+$0x0], $0xffff;
	v46 =	vor.u32 $0x700E, v0;
	v16 =	vor.u32 s13, v47  }
0x50a: {  	v14 =	vld.idx.msk [tilespmem:v56+s2+$0x0], $0xffff;
	v57 =	vor.u32 s13, v46  }
0x50b: {  	v59 =	vor.u32 s12, v38;
	v53 =	vld.idx.msk [tilespmem:v17+s2+$0x0], $0xffff  }
0x50c: {  	v60 =	vor.u32 s12, v39;
	v2 =	vld.idx.msk [tilespmem:v2+s2+$0x0], $0xffff  }
0x50d: {  	v61 =	vor.u32 s12, v41;
	v1 =	vld.idx.msk [tilespmem:v1+s2+$0x0], $0xffff  }
0x50e: {  	v58 =	vor.u32 s12, v35;
	v16 =	vld.idx.msk [tilespmem:v16+s2+$0x0], $0xffff  }
0x50f: {  	v17 =	vor.u32 s12, v43;
	v15 =	vld.idx.msk [tilespmem:v57+s2+$0x0], $0xffff  }
0x510: {  	v54 =	vor.u32 s12, v42;
	v49 =	vld.idx.msk [tilespmem:v59+s2+$0x0], $0xffff  }
0x511: {  	v56 =	vor.u32 s12, v40;
	v50 =	vld.idx.msk [tilespmem:v60+s2+$0x0], $0xffff;
	v62 =	vadd.f32 v8, v7;
	v63 =	vadd.f32 v10, v9  }
0x512: {  	v51 =	vld.idx.msk [tilespmem:v61+s2+$0x0], $0xffff;
	v12 =	vadd.f32 v12, v11;
	v3 =	vadd.f32 v4, v3;
	v4 =	vor.u32 s12, v37  }
0x513: {  	v55 =	vld.idx.msk [tilespmem:v58+s2+$0x0], $0xffff;
	v2 =	vadd.f32 v2, v5;
	v1 =	vadd.f32 v6, v1;
	v6 =	vor.u32 s12, v36  }
0x514: {  	v59 =	vor.u32 s12, v34;
	v52 =	vld.idx.msk [tilespmem:v17+s2+$0x0], $0xffff;
	v13 =	vadd.f32 v14, v13;
	v14 =	vadd.f32 v16, v15  }
0x515: {  	v60 =	vor.u32 s12, v33;
	v54 =	vld.idx.msk [tilespmem:v54+s2+$0x0], $0xffff;
	v2 =	vadd.f32 v2, v3;
	v3 =	vadd.f32 v12, v63  }
0x516: {  	v61 =	vor.u32 s12, v44;
	v56 =	vld.idx.msk [tilespmem:v56+s2+$0x0], $0xffff;
	v1 =	vadd.f32 v62, v1;
	v15 =	vadd.f32 v14, v13  }
0x517: {  	v48 =	vimm.f32 $0.0e+00;
	v57 =	vld.idx.msk [tilespmem:v4+s2+$0x0], $0xffff;
	v62 =	vor.u32 s12, v45  }
0x518: {  	s13 =	simm.s32 $0x20;
	v63 =	vor.u32 s12, v46;
	v1 =	vadd.f32 v1, v2;
	v58 =	vld.idx.msk [tilespmem:v6+s2+$0x0], $0xffff;
	v2 =	vadd.f32 v15, v3  }
.LBB2_31:
0x519: {  	p0 =	sne.s32 s13, $0xF0;
	v3 =	vld.idx.msk [tilespmem:v59+s2+$0x0], $0xffff;
	v4 =	vor.u32 s12, v47;
	s12 =	smov.u32 s13  }
0x51a: {  	v5 =	vor.u32 s13, v32;
	v6 =	vld.idx.msk [tilespmem:v60+s2+$0x0], $0xffff;
	v1 =	vadd.f32 v2, v1  }
0x51b: {  	v2 =	vor.u32 s13, v35;
	v7 =	vld.idx.msk [tilespmem:v61+s2+$0x0], $0xffff  }
0x51c: {  	v8 =	vor.u32 s13, v38;
	v9 =	vld.idx.msk [tilespmem:v62+s2+$0x0], $0xffff;
	v48 =	vadd.f32 v1, v48  }
0x51d: {  	v1 =	vor.u32 s13, v39;
	v10 =	vld.idx.msk [tilespmem:v63+s2+$0x0], $0xffff  }
0x51e: {  	v11 =	vor.u32 s13, v41;
	v4 =	vld.idx.msk [tilespmem:v4+s2+$0x0], $0xffff  }
0x51f: {  	v12 =	vor.u32 s13, v43;
	v5 =	vld.idx.msk [tilespmem:v5+s2+$0x0], $0xffff  }
0x520: {  	v13 =	vor.u32 s13, v42;
	v2 =	vld.idx.msk [tilespmem:v2+s2+$0x0], $0xffff  }
0x521: {  	v14 =	vor.u32 s13, v40;
	v15 =	vadd.f32 v55, v53;
	v16 =	vadd.f32 v50, v49;
	v49 =	vld.idx.msk [tilespmem:v8+s2+$0x0], $0xffff  }
0x522: {  	v17 =	vadd.f32 v56, v54;
	v8 =	vadd.f32 v52, v51;
	v50 =	vld.idx.msk [tilespmem:v1+s2+$0x0], $0xffff;
	v1 =	vor.u32 s13, v37  }
0x523: {  	v57 =	vadd.f32 v58, v57;
	v3 =	vadd.f32 v6, v3;
	v51 =	vld.idx.msk [tilespmem:v11+s2+$0x0], $0xffff;
	v11 =	vor.u32 s13, v36  }
.Ltmp14:
0x524: {  	v59 =	vor.u32 s13, v34;
	v6 =	vadd.f32 v9, v7;
	v4 =	vadd.f32 v4, v10;
	v52 =	vld.idx.msk [tilespmem:v12+s2+$0x0], $0xffff;
	(pc) =	sbr.rel @p0 .LBB2_31-.Ltmp14, $4  }
0x525: {  	v60 =	vor.u32 s13, v33;
	v7 =	vadd.f32 v16, v15;
	v8 =	vadd.f32 v17, v8;
	v53 =	vmovc v5;
	v54 =	vld.idx.msk [tilespmem:v13+s2+$0x0], $0xffff  }
0x526: {  	v61 =	vor.u32 s13, v44;
	v3 =	vadd.f32 v3, v57;
	v4 =	vadd.f32 v4, v6;
	v55 =	vmovc v2;
	v56 =	vld.idx.msk [tilespmem:v14+s2+$0x0], $0xffff  }
0x527: {  	v62 =	vor.u32 s13, v45;
	v57 =	vld.idx.msk [tilespmem:v1+s2+$0x0], $0xffff  }
0x528: {  	v63 =	vor.u32 s12, v46;
	s13 =	sadd.s32 $0x10, s13;
	v1 =	vadd.f32 v8, v7;
	v2 =	vadd.f32 v4, v3;
	v58 =	vld.idx.msk [tilespmem:v11+s2+$0x0], $0xffff  }
0x529: {  	_ =	sdelay $0x3  }
0x52a: {  	v3 =	vld.idx.msk [tilespmem:v59+s2+$0x0], $0xffff;
	v4 =	vor.u32 s12, v47  }
0x52b: {  	v5 =	vld.idx.msk [tilespmem:v60+s2+$0x0], $0xffff  }
0x52c: {  	v6 =	vld.idx.msk [tilespmem:v61+s2+$0x0], $0xffff  }
0x52d: {  	v7 =	vld.idx.msk [tilespmem:v62+s2+$0x0], $0xffff  }
0x52e: {  	v8 =	vld.idx.msk [tilespmem:v63+s2+$0x0], $0xffff  }
0x52f: {  	v4 =	vld.idx.msk [tilespmem:v4+s2+$0x0], $0xffff;
	_ =	sdelay $0x1  }
0x530: {  	v9 =	vadd.f32 v55, v53;
	v10 =	vadd.f32 v50, v49  }
0x531: {  	v11 =	vadd.f32 v52, v51;
	v12 =	vadd.f32 v56, v54  }
0x532: {  	v13 =	vadd.f32 v58, v57;
	v3 =	vadd.f32 v5, v3  }
0x533: {  	v54 =	vadd.f32 v7, v6;
	v4 =	vadd.f32 v4, v8  }
0x534: {  	v55 =	vadd.f32 v10, v9;
	v56 =	vadd.f32 v12, v11  }
0x535: {  	v3 =	vadd.f32 v3, v13;
	v4 =	vadd.f32 v4, v54  }
0x536: {  	v1 =	vadd.f32 v2, v1  }
0x537: {  	v2 =	vadd.f32 v56, v55;
	v3 =	vadd.f32 v4, v3;
	_ =	sdelay $0x1  }
0x538: {  	v1 =	vadd.f32 v1, v48;
	v2 =	vadd.f32 v3, v2;
	_ =	sdelay $0x1  }
0x539: {  	v1 =	vadd.f32 v2, v1;
	_ =	sdelay $0x1  }
0x53a: {  	(xrf2) =	vadd.scan.msk.f32 $0xffff, v1;
	_ =	sdelay $0x1  }
0x53b: {  	s31 =	simm.s32 $0x0  }
0x53c: {  	v2 =	vor.u32 s31, v32;
	_ =	sdelay $0x1  }
0x53d: {  	v3 =	vor.u32 s31, v35;
	_ =	sdelay $0x1  }
0x53e: {  	v4 =	vor.u32 s31, v38  }
0x53f: {  	v57 =	vld.idx.msk [tilespmem:v2+s2+$0x0], $0xffff  }
0x540: {  	v6 =	vor.u32 s31, v39  }
0x541: {  	v59 =	vld.idx.msk [tilespmem:v3+s2+$0x0], $0xffff;
	v58, _, _ =	vpop (xrf2)  }
0x542: {  	v7 =	vor.u32 s31, v41;
	v1 =	vsub.f32 v58, v1  }
0x543: {  	v60 =	vld.idx.msk [tilespmem:v4+s2+$0x0], $0xffff  }
0x544: {  	v10 =	vor.u32 s31, v43;
	v1 =	vadd.f32 v57, v1  }
0x545: {  	v49 =	vor.u32 s31, v47;
	v61 =	vld.idx.msk [tilespmem:v6+s2+$0x0], $0xffff  }
0x546: {  	v11 =	vor.u32 s31, v42;
	v8 =	vadd.f32 v59, v1  }
0x547: {  	v14 =	vor.u32 s31, v46;
	v62 =	vld.idx.msk [tilespmem:v7+s2+$0x0], $0xffff  }
0x548: {  	v13 =	vor.u32 s31, v40;
	v9 =	vadd.f32 v60, v8  }
0x549: {  	v16 =	vor.u32 s31, v37;
	v15 =	vld.idx.msk [tilespmem:v10+s2+$0x0], $0xffff  }
0x54a: {  	v50 =	vor.u32 s31, v45;
	v52 =	vld.idx.msk [tilespmem:v49+s2+$0x0], $0xffff;
	v5 =	vadd.f32 v61, v9  }
0x54b: {  	v48 =	vor.u32 s31, v36;
	v17 =	vld.idx.msk [tilespmem:v11+s2+$0x0], $0xffff  }
0x54c: {  	v53 =	vor.u32 s31, v44;
	v55 =	vld.idx.msk [tilespmem:v14+s2+$0x0], $0xffff;
	v12 =	vadd.f32 v62, v5  }
0x54d: {  	v51 =	vld.idx.msk [tilespmem:v13+s2+$0x0], $0xffff;
	v54 =	vor.u32 s31, v34  }
0x54e: {  	v56 =	vld.idx.msk [tilespmem:v16+s2+$0x0], $0xffff;
	v57 =	vor.u32 s31, v33;
	v15 =	vadd.f32 v15, v12  }
0x54f: {  	v58 =	vld.idx.msk [tilespmem:v50+s2+$0x0], $0xffff  }
0x550: {  	v59 =	vld.idx.msk [tilespmem:v48+s2+$0x0], $0xffff;
	v17 =	vadd.f32 v17, v15  }
0x551: {  	v60 =	vld.idx.msk [tilespmem:v53+s2+$0x0], $0xffff  }
0x552: {  	v61 =	vld.idx.msk [tilespmem:v54+s2+$0x0], $0xffff;
	v51 =	vadd.f32 v51, v17  }
0x553: {  	v62 =	vld.idx.msk [tilespmem:v57+s2+$0x0], $0xffff;
	[tilespmem:v2+s8+$0x0] =	vst.idx.msk $0xffff, v1  }
0x554: {  	[tilespmem:v3+s8+$0x0] =	vst.idx.msk $0xffff, v8;
	v1 =	vadd.f32 v56, v51  }
0x555: {  	[tilespmem:v4+s8+$0x0] =	vst.idx.msk $0xffff, v9  }
0x556: {  	[tilespmem:v6+s8+$0x0] =	vst.idx.msk $0xffff, v5;
	v2 =	vadd.f32 v59, v1  }
0x557: {  	[tilespmem:v7+s8+$0x0] =	vst.idx.msk $0xffff, v12  }
0x558: {  	[tilespmem:v10+s8+$0x0] =	vst.idx.msk $0xffff, v15;
	v3 =	vadd.f32 v61, v2  }
0x559: {  	[tilespmem:v11+s8+$0x0] =	vst.idx.msk $0xffff, v17  }
0x55a: {  	[tilespmem:v13+s8+$0x0] =	vst.idx.msk $0xffff, v51;
	v63 =	vadd.f32 v62, v3  }
0x55b: {  	[tilespmem:v16+s8+$0x0] =	vst.idx.msk $0xffff, v1  }
0x55c: {  	[tilespmem:v48+s8+$0x0] =	vst.idx.msk $0xffff, v2;
	v1 =	vadd.f32 v60, v63  }
0x55d: {  	[tilespmem:v54+s8+$0x0] =	vst.idx.msk $0xffff, v3  }
0x55e: {  	[tilespmem:v57+s8+$0x0] =	vst.idx.msk $0xffff, v63;
	v2 =	vadd.f32 v58, v1  }
0x55f: {  	s12 =	simm.s32 $0x10;
	[tilespmem:v53+s8+$0x0] =	vst.idx.msk $0xffff, v1  }
0x560: {  	v1 =	vadd.f32 v55, v2;
	[tilespmem:v50+s8+$0x0] =	vst.idx.msk $0xffff, v2;
	v50 =	vor.u32 s12, v32;
	_ =	sdelay $0x1  }
0x561: {  	s13 =	simm.s32 $0x20;
	v51 =	vor.u32 s12, v35;
	v48 =	vor.u32 s12, v38;
	[tilespmem:v14+s8+$0x0] =	vst.idx.msk $0xffff, v1;
	v1 =	vadd.f32 v52, v1  }
.LBB2_33:
0x562: {  	_ = 	snop  }
0x563: {  	v2 =	vor.u32 s13, v38;
	p0 =	sne.s32 s13, $0xF0;
	s14 =	smov.u32 s13;
	s13 =	sadd.s32 $0x10, s13;
	[tilespmem:v49+s8+$0x0] =	vst.idx.msk $0xffff, v1  }
0x564: {  	v3 =	vld.idx.msk [tilespmem:v50+s2+$0x0], $0xffff  }
0x565: {  	v4 =	vor.u32 s12, v39  }
0x566: {  	v5 =	vld.idx.msk [tilespmem:v51+s2+$0x0], $0xffff  }
0x567: {  	v6 =	vor.u32 s12, v41  }
0x568: {  	v7 =	vld.idx.msk [tilespmem:v48+s2+$0x0], $0xffff  }
0x569: {  	v8 =	vor.u32 s12, v43  }
0x56a: {  	v1 =	vadd.f32 v3, v1;
	v9 =	vld.idx.msk [tilespmem:v4+s2+$0x0], $0xffff  }
0x56b: {  	v3 =	vor.u32 s12, v42  }
0x56c: {  	v49 =	vor.u32 s12, v47;
	v5 =	vadd.f32 v5, v1;
	v10 =	vld.idx.msk [tilespmem:v6+s2+$0x0], $0xffff  }
0x56d: {  	v11 =	vor.u32 s12, v40  }
0x56e: {  	v13 =	vor.u32 s12, v46;
	v7 =	vadd.f32 v7, v5;
	v12 =	vld.idx.msk [tilespmem:v8+s2+$0x0], $0xffff  }
0x56f: {  	v14 =	vor.u32 s12, v37  }
0x570: {  	v16 =	vor.u32 s12, v45;
	v9 =	vadd.f32 v9, v7;
	v15 =	vld.idx.msk [tilespmem:v3+s2+$0x0], $0xffff  }
0x571: {  	v17 =	vor.u32 s12, v36;
	v52 =	vld.idx.msk [tilespmem:v49+s2+$0x0], $0xffff  }
0x572: {  	v54 =	vor.u32 s12, v44;
	v10 =	vadd.f32 v10, v9;
	v53 =	vld.idx.msk [tilespmem:v11+s2+$0x0], $0xffff  }
0x573: {  	v55 =	vor.u32 s12, v34;
	v56 =	vld.idx.msk [tilespmem:v13+s2+$0x0], $0xffff  }
0x574: {  	v58 =	vor.u32 s12, v33;
	s12 =	smov.u32 s14;
	v12 =	vadd.f32 v12, v10;
	v57 =	vld.idx.msk [tilespmem:v14+s2+$0x0], $0xffff  }
0x575: {  	v59 =	vld.idx.msk [tilespmem:v16+s2+$0x0], $0xffff  }
0x576: {  	v15 =	vadd.f32 v15, v12;
	v60 =	vld.idx.msk [tilespmem:v17+s2+$0x0], $0xffff  }
0x577: {  	v61 =	vld.idx.msk [tilespmem:v54+s2+$0x0], $0xffff  }
0x578: {  	v53 =	vadd.f32 v53, v15;
	v62 =	vld.idx.msk [tilespmem:v55+s2+$0x0], $0xffff  }
0x579: {  	v63 =	vld.idx.msk [tilespmem:v58+s2+$0x0], $0xffff  }
0x57a: {  	[tilespmem:v50+s8+$0x0] =	vst.idx.msk $0xffff, v1;
	v1 =	vadd.f32 v57, v53  }
0x57b: {  	[tilespmem:v51+s8+$0x0] =	vst.idx.msk $0xffff, v5  }
0x57c: {  	[tilespmem:v48+s8+$0x0] =	vst.idx.msk $0xffff, v7;
	v5 =	vadd.f32 v60, v1;
	v48 =	vmov v2  }
0x57d: {  	[tilespmem:v4+s8+$0x0] =	vst.idx.msk $0xffff, v9  }
0x57e: {  	[tilespmem:v6+s8+$0x0] =	vst.idx.msk $0xffff, v10;
	v2 =	vadd.f32 v62, v5  }
0x57f: {  	[tilespmem:v8+s8+$0x0] =	vst.idx.msk $0xffff, v12  }
0x580: {  	[tilespmem:v3+s8+$0x0] =	vst.idx.msk $0xffff, v15;
	v3 =	vadd.f32 v63, v2  }
0x581: {  	[tilespmem:v11+s8+$0x0] =	vst.idx.msk $0xffff, v53  }
0x582: {  	[tilespmem:v14+s8+$0x0] =	vst.idx.msk $0xffff, v1;
	v1 =	vadd.f32 v61, v3  }
0x583: {  	[tilespmem:v17+s8+$0x0] =	vst.idx.msk $0xffff, v5  }
.Ltmp15:
0x584: {  	[tilespmem:v55+s8+$0x0] =	vst.idx.msk $0xffff, v2;
	v2 =	vadd.f32 v59, v1;
	(pc) =	sbr.rel @p0 .LBB2_33-.Ltmp15, $4  }
0x585: {  	[tilespmem:v58+s8+$0x0] =	vst.idx.msk $0xffff, v3  }
0x586: {  	v50 =	vor.u32 s12, v32;
	[tilespmem:v54+s8+$0x0] =	vst.idx.msk $0xffff, v1;
	v1 =	vadd.f32 v56, v2  }
0x587: {  	[tilespmem:v16+s8+$0x0] =	vst.idx.msk $0xffff, v2  }
0x588: {  	v51 =	vor.u32 s12, v35;
	[tilespmem:v13+s8+$0x0] =	vst.idx.msk $0xffff, v1;
	v1 =	vadd.f32 v52, v1  }
0x589: {  	_ =	sdelay $0x3  }
0x58a: {  	[tilespmem:v49+s8+$0x0] =	vst.idx.msk $0xffff, v1  }
0x58b: {  	v2 =	vld.idx.msk [tilespmem:v50+s2+$0x0], $0xffff  }
0x58c: {  	v3 =	vor.u32 s12, v39  }
0x58d: {  	v4 =	vld.idx.msk [tilespmem:v51+s2+$0x0], $0xffff  }
0x58e: {  	v5 =	vor.u32 s12, v41  }
0x58f: {  	v6 =	vld.idx.msk [tilespmem:v48+s2+$0x0], $0xffff  }
0x590: {  	v7 =	vor.u32 s12, v43;
	v1 =	vadd.f32 v2, v1  }
0x591: {  	v2 =	vld.idx.msk [tilespmem:v3+s2+$0x0], $0xffff  }
0x592: {  	v8 =	vor.u32 s12, v42;
	v4 =	vadd.f32 v4, v1  }
0x593: {  	v9 =	vld.idx.msk [tilespmem:v5+s2+$0x0], $0xffff  }
0x594: {  	v11 =	vor.u32 s12, v40;
	v6 =	vadd.f32 v6, v4  }
0x595: {  	v10 =	vor.u32 s12, v47;
	v12 =	vld.idx.msk [tilespmem:v7+s2+$0x0], $0xffff  }
0x596: {  	v14 =	vor.u32 s12, v37;
	v2 =	vadd.f32 v2, v6  }
0x597: {  	v13 =	vor.u32 s12, v46;
	v15 =	vld.idx.msk [tilespmem:v8+s2+$0x0], $0xffff  }
0x598: {  	v17 =	vor.u32 s12, v36;
	v9 =	vadd.f32 v9, v2  }
0x599: {  	v16 =	vor.u32 s12, v45;
	v35 =	vld.idx.msk [tilespmem:v11+s2+$0x0], $0xffff  }
0x59a: {  	v34 =	vor.u32 s12, v34;
	v32 =	vld.idx.msk [tilespmem:v10+s2+$0x0], $0xffff;
	v12 =	vadd.f32 v12, v9  }
0x59b: {  	v57 =	vor.u32 s12, v44;
	v38 =	vld.idx.msk [tilespmem:v14+s2+$0x0], $0xffff  }
0x59c: {  	v33 =	vor.u32 s12, v33;
	v58 =	vld.idx.msk [tilespmem:v13+s2+$0x0], $0xffff;
	v15 =	vadd.f32 v15, v12  }
0x59d: {  	v60 =	vld.idx.msk [tilespmem:v17+s2+$0x0], $0xffff  }
0x59e: {  	v59 =	vld.idx.msk [tilespmem:v16+s2+$0x0], $0xffff;
	v35 =	vadd.f32 v35, v15  }
0x59f: {  	v62 =	vld.idx.msk [tilespmem:v34+s2+$0x0], $0xffff  }
0x5a0: {  	v61 =	vld.idx.msk [tilespmem:v57+s2+$0x0], $0xffff;
	v38 =	vadd.f32 v38, v35  }
0x5a1: {  	v63 =	vld.idx.msk [tilespmem:v33+s2+$0x0], $0xffff;
	[tilespmem:v50+s8+$0x0] =	vst.idx.msk $0xffff, v1  }
0x5a2: {  	[tilespmem:v51+s8+$0x0] =	vst.idx.msk $0xffff, v4;
	v1 =	vadd.f32 v60, v38  }
0x5a3: {  	[tilespmem:v48+s8+$0x0] =	vst.idx.msk $0xffff, v6  }
0x5a4: {  	[tilespmem:v3+s8+$0x0] =	vst.idx.msk $0xffff, v2;
	v2 =	vadd.f32 v62, v1  }
0x5a5: {  	[tilespmem:v5+s8+$0x0] =	vst.idx.msk $0xffff, v9  }
0x5a6: {  	[tilespmem:v7+s8+$0x0] =	vst.idx.msk $0xffff, v12;
	v3 =	vadd.f32 v63, v2  }
0x5a7: {  	[tilespmem:v8+s8+$0x0] =	vst.idx.msk $0xffff, v15  }
0x5a8: {  	[tilespmem:v11+s8+$0x0] =	vst.idx.msk $0xffff, v35;
	v4 =	vadd.f32 v61, v3  }
0x5a9: {  	[tilespmem:v14+s8+$0x0] =	vst.idx.msk $0xffff, v38  }
0x5aa: {  	[tilespmem:v17+s8+$0x0] =	vst.idx.msk $0xffff, v1;
	v1 =	vadd.f32 v59, v4  }
0x5ab: {  	[tilespmem:v34+s8+$0x0] =	vst.idx.msk $0xffff, v2  }
0x5ac: {  	[tilespmem:v33+s8+$0x0] =	vst.idx.msk $0xffff, v3;
	v2 =	vadd.f32 v58, v1  }
0x5ad: {  	[tilespmem:v57+s8+$0x0] =	vst.idx.msk $0xffff, v4  }
0x5ae: {  	[tilespmem:v16+s8+$0x0] =	vst.idx.msk $0xffff, v1;
	v1 =	vadd.f32 v32, v2  }
0x5af: {  	[tilespmem:v13+s8+$0x0] =	vst.idx.msk $0xffff, v2  }
0x5b0: {  	s11 =	sadd.s32 s4, s11;
	[tilespmem:v10+s8+$0x0] =	vst.idx.msk $0xffff, v1  }
0x5b1: {  	[hbm4b:s11+s2] =	stream.linear.scatter [tilespmem:s8], [sflag:$0x1], $0x8000, $0x38;
	[tilespmem:$0x10000] =	vst v63  }
0x5b2: {  	_ =	swait.ge [sflag:s7], $0x8000  }
0x5b3: {  	v3 =	vld [tilespmem:$0x1FF00]  }
0x5b4: {  	v4 =	vld [tilespmem:$0x1FF10]  }
0x5b5: {  	v5 =	vld [tilespmem:$0x1FF20]  }
0x5b6: {  	v6 =	vld [tilespmem:$0x1FF30]  }
0x5b7: {  	v7 =	vld [tilespmem:$0x1FF40]  }
0x5b8: {  	v8 =	vld [tilespmem:$0x1FF50]  }
0x5b9: {  	v9 =	vld [tilespmem:$0x1FF60]  }
0x5ba: {  	v10 =	vld [tilespmem:$0x1FF70]  }
0x5bb: {  	v11 =	vld [tilespmem:$0x1FF80]  }
0x5bc: {  	s10 =	sadd.s32 $0x1, s10;
	v12 =	vld [tilespmem:$0x1FF90]  }
0x5bd: {  	p0 =	sne.s32 s10, $0x40;
	v13 =	vld [tilespmem:$0x1FFA0]  }
.Ltmp16:
0x5be: {  	v63 =	vld [tilespmem:$0x1FFF0];
	(pc) =	sbr.rel @p0 .LBB2_2-.Ltmp16, $4  }
0x5bf: {  	v14 =	vld [tilespmem:$0x1FFB0]  }
0x5c0: {  	v15 =	vld [tilespmem:$0x1FFC0]  }
0x5c1: {  	[sflag:s7] =	ssyncset.done $0x0;
	v16 =	vld [tilespmem:$0x1FFD0]  }
0x5c2: {  	v17 =	vld [tilespmem:$0x1FFE0];
	[sflag:s7] =	ssyncadd.s32 $0xFFFF8000  }
0x5c3: {  	s9 =	sadd.s32 $0x1, s9  }
0x5c4: {  	p0 =	sne.s32 s9, s6  }
.Ltmp17:
0x5c5: {  	_ = 	snop;
	(pc) =	sbr.rel @p0 .LBB2_1-.Ltmp17, $1  }
0x5c6: {  	_ =	sdelay $0x3  }
0x5c7: {  	_ =	sfence.sel $0x180000  }
0x5c8: {  	[bflag:$0x0] =	sbarrier.arrive $0xFFFF  }
0x5c9: {  	p0 =	sne.s32 s3, $0x0;
	_ =	strace $0x9000004A  }
0x5ca: {  	s0 =	sadd.s32 @!p0 $0x100000, s1;
	[bflag:$0x2] =	sbarrier.arrive $0xFFFF  }
0x5cb: {  	[sflag:s0] =	ssyncadd.tile.s32 @!p0 $0x1;
	_ =	shalt  }
.Lfunc_end2:
_tile_overlayer_lowered:
.L_overlay_start_2:
0x5cc: {  	(tag) =	ssettag $0x2  }
0x5cd: {  	s0 =	rddreg [dreg:$0x0];
	s2 =	stileid.u32  }
0x5ce: {  	s1 =	rddreg [dreg:$0x1];
	p0 =	sne.s32 s2, $0x0  }
0x5cf: {  	s3 =	rddreg [dreg:$0x2];
	[bflag:$0x3] =	sbarrier.arrive $0xFFFF;
	s2 =	simm.s32 @!p0 $0x1C01  }
0x5d0: {  	[timem:s3], [sflag:s2] =	dma.local @!p0 [hbm:s0], s1  }
0x5d1: {  	s0 =	simm.s32 @!p0 $0x1  }
0x5d2: {  	_ =	swait.ge @!p0 [sflag:s0], s1  }
0x5d3: {  	s1 =	ssub.s32 @!p0 $0x0, s1;
	[sflag:s0] =	ssyncset.done @!p0 $0x0  }
0x5d4: {  	[sflag:s0] =	ssyncadd.s32 @!p0 s1  }
0x5d5: {  	[bflag:$0x3] =	sbarrier.arrive $0xFFFF  }
0x5d6: {  	_ =	shalt  }

// kernel: sparse-core-data-format-call.cloned.1.call-start
scs
called_computation_lowered:
.L_overlay_start_0:
0x0: {  	s2 =	sld [smem:$0x3FD9]  }
0x1: {  	s3 =	sld [smem:$0x3FFE];
	_ =	sdelay $0x1  }
0x2: {  	s1 =	srdreg.scid  }
0x3: {  	s0 =	sand.u32 $0x1, s1  }
0x4: {  	s19 =	sshll.u32 s0, $0xA;
	s2 =	sadd.s32 s3, s2  }
0x5: {  	s2 =	sadd.s32 s2, s19  }
0x6: {  	[smem:$0x3FC7] =	sst s2  }
0x7: {  	_ = 	snop  }
0x8: {  	s2 =	sld [smem:$0x3FC9]  }
0x9: {  	s20 =	sld [smem:$0x3FD0];
	(tm) =	ssettm $0x1  }
0xa: {  	s4 =	sld [smem:$0x3FFB];
	_ =	sdelay $0x3  }
0xb: {  	_ =	strace s4  }
0xc: {  	s4 =	sld [smem:$0x3FFC];
	_ =	sdelay $0x3  }
0xd: {  	_ =	strace s4  }
0xe: {  	s4 =	sld [smem:$0x3FFD];
	_ =	sdelay $0x3  }
0xf: {  	_ =	strace s4  }
0x10: {  	_ =	strace $0x8FFFFFFF  }
0x11: {  	s21 =	sld [smem:$0x3FDB];
	_ =	sdelay $0x1  }
0x12: {  	s5 =	simm.s32 $_scs_section_size  }
0x13: {  	s6 =	simm.s32 $_size__tile_overlayer_lowered;
	s7 =	simm.s32 $_tile_overlayer_lowered  }
0x14: {  	s24 =	simm.s32 $0x1BFF;
	s23 =	sshll.u32 s7, $0x1;
	s4 =	sadd.s32 s5, s21  }
0x15: {  	s8 =	simm.s32 $0x0;
	s22 =	sshll.u32 s6, $0x1;
	s6 =	sadd.s32 s23, s4  }
0x16: {  	[timem:s8], [sflag:s24] =	dma.local [hbm:s6], s22  }
0x17: {  	_ =	swait.ge [sflag:s24], s22  }
0x18: {  	s5 =	ssub.s32 $0x0, s22;
	[sflag:s24] =	ssyncset.done $0x0  }
0x19: {  	[sflag:s24] =	ssyncadd.s32 s5;
	_ =	sdelay $0x1  }
0x1a: {  	s25 =	simm.s32 $0x1B8B  }
0x1b: {  	_ =	swait.ge [sflag:s25], $0x1  }
0x1c: {  	[sflag:s25] =	ssyncset.done $0x0  }
0x1d: {  	s26 =	simm.s32 $0x1B8E;
	[sflag:s25] =	ssyncadd.s32 $0xFFFFFFFF  }
0x1e: {  	s27 =	simm.s32 $execute0_lowered;
	[smem:$0x3FD2] =	sst s26  }
0x1f: {  	s5 =	sshll.u32 s27, $0x1;
	_ =	strace $0x80000046;
	[dreg:$0x1] =	wrdreg $0xFFFFFFFF  }
0x20: {  	s28 =	simm.s32 $_size_execute0_lowered;
	s4 =	sadd.s32 s4, s5;
	[dreg:$0x0] =	wrdreg $0x0  }
0x21: {  	s5 =	sshll.u32 s28, $0x1;
	[dreg:$0x2] =	wrdreg s4  }
0x22: {  	[dreg:$0x3] =	wrdreg s5  }
0x23: {  	[dreg:$0x4] =	wrdreg $0xC0  }
0x24: {  	_ =	task [dreg:s8], $0x5FFFF  }
0x25: {  	[dreg:$0x1] =	wrdreg $0xFFFFFFFF  }
0x26: {  	[dreg:$0x0] =	wrdreg $0x60  }
0x27: {  	[dreg:$0x2] =	wrdreg s2  }
0x28: {  	[dreg:$0x3] =	wrdreg s20  }
0x29: {  	[dreg:$0x4] =	wrdreg $0x9  }
0x2a: {  	_ =	task.clear_ibuf [dreg:s8], $0x5FFFF;
	_ =	strace $0x90000046  }
0x2b: {  	s29 =	simm.s32 $0x9;
	_ =	strace $0x80000048  }
0x2c: {  	_ =	swait.ge [sflag:s29], $0x1  }
0x2d: {  	[sflag:s29] =	ssyncadd.s32 $0xFFFFFFFF  }
0x2e: {  	_ =	strace $0x90000048  }
0x2f: {  	_ =	sfence  }
0x30: {  	s30 =	sld [smem:$0x0];
	_ =	sdelay $0x2  }
0x31: {  	s31 =	sshll.u32 s1, $0xD;
	s1 =	sshrl.u32 s1, $0x2  }
0x32: {  	s3 =	sand.u32 $0x4000, s31;
	s1 =	sadd.s32 s1, s30  }
0x33: {  	s0 =	sor.u32 s3, s0;
	s1 =	sshll.u32 s1, $0x11  }
0x34: {  	s0 =	sor.u32 s1, s0  }
0x35: {  	s0 =	sadd.s32 $0x8F2B, s0  }
0x36: {  	[sflag:s0] =	ssyncadd.remote.s32 $0x1  }
0x37: {  	_ =	sfence.sel $0xFFFF  }
0x38: {  	[dreg:$0x0] =	wrdreg $0xFFFFFFFF;
	(pc) =	sbr.abs _section_cstart, $3  }
0x39: {  	[dreg:$0x1] =	wrdreg $0xFFFFFFFF  }
0x3a: {  	_ =	task.clear_ibuf [dreg:s8], $0x2FFFF;
	_ =	strace $0x9FFFFFFF  }
0x3b: {  	(tm) =	ssettm $0x7FFFFFFF  }
tec
execute0_lowered:
.L_overlay_start_1:
0x0: {  	(tag) =	ssettag $0x1  }
0x1: {  	s2 =	rddreg [dreg:$0x0]  }
0x2: {  	s3 =	rddreg [dreg:$0x1]  }
0x3: {  	s0 =	rddreg [dreg:$0x2];
	_ =	strace $0x80000047  }
0x4: {  	s4 =	srdreg.scid;
	s1 =	stileid.u32;
	s6 =	simm.s32 $0x2  }
.Ltmp0:
0x5: {  	s11 =	simm.s32 $0x0;
	p0 =	por $0x0, $0x0;
	(pc) =	sbr.rel .LBB1_1-.Ltmp0, $4  }
0x6: {  	s7 =	simm.s32 $0x1000;
	s12 =	simm.s32 $0x0;
	s5 =	sshll.u32 s4, $0x4  }
0x7: {  	s9 =	simm.s32 $0x0;
	s4 =	simm.s32 $0x1;
	s5 =	sand.u32 $0x10, s5  }
0x8: {  	s8 =	simm.s32 $0x0;
	[sflag:s4] =	ssyncpa.u1 $0x0;
	s5 =	sor.u32 s1, s5  }
0x9: {  	[sflag:s6] =	ssyncpa.u1 $0x0;
	s6 =	simm.s32 $0x800;
	s10 =	smov.u32 s5  }
.LBB1_7:
0xa: {  	s13 =	sadd.s32 $0x10, s9  }
0xb: {  	s11 =	sadd.s32 $0x20, s10;
	s15 =	smov.u32 s10;
	p2 =	sgt.s32 s13, $0x1F  }
0xc: {  	p1 =	slt.u32 s8, $0x2;
	s15 =	smov.u32 @p2 s11  }
0xd: {  	s8 =	sadd.s32 $0x1, s8;
	s13 =	simm.s32 @p2 $0x0;
	p2 =	sgt.s32 s15, $0x7FF  }
0xe: {  	s15 =	smov.u32 @p2 s5;
	p2 =	sne.s32 s8, $0x82  }
.Ltmp1:
0xf: {  	_ = 	snop;
	(pc) =	sbr.rel @!p2 .LBB1_8-.Ltmp1, $4  }
0x10: {  	s14 =	simm.s32 @!p1 $0x2  }
0x11: {  	s12 =	smov.u32 s10;
	_ =	swait.ge @!p1 [sflag:s14], $0x4000  }
0x12: {  	p0 =	por !p0, !p0;
	s11 =	smov.u32 s9;
	[sflag:s14] =	ssyncset.done @!p1 $0x0  }
0x13: {  	s9 =	smov.u32 s13;
	[sflag:s14] =	ssyncadd.s32 @!p1 $0xFFFFC000;
	s10 =	smov.u32 s15  }
.LBB1_1:
0x14: {  	p1 =	sgt.u32 s8, $0x7F  }
0x15: {  	s13 =	sxor.u32 @!p1 $0xFFFFFFFF, s8;
	s14 =	sshll.u32 @!p1 s10, $0xC  }
0x16: {  	s15 =	sshll.u32 @!p1 s9, $0x7;
	s13 =	sshll.u32 @!p1 s13, $0xE;
	s14 =	sadd.s32 @!p1 s2, s14  }
0x17: {  	s13 =	sand.u32 @!p1 $0x4000, s13;
	s14 =	sadd.s32 @!p1 s15, s14;
	s15 =	simm.s32 @!p1 $0x0  }
0x18: {  	[tilespmem:s13], [sflag:$0x1] =	stream.linear.gather @!p1 [hbm4b:s14+s15], $0x4000, $0x38;
	[tilespmem:$0x10000] =	vst v63  }
0x19: {  	p1 =	seq.s32 s8, $0x0  }
0x1a: {  	p2 =	seq.s32 @!p1 s8, $0x81  }
0x1b: {  	p1 =	por p1, p2  }
.Ltmp2:
0x1c: {  	_ = 	snop;
	(pc) =	sbr.rel @p1 .LBB1_7-.Ltmp2, $1  }
0x1d: {  	_ =	sdelay $0x3  }
0x1e: {  	s13 =	simm.s32 $0x1;
	_ =	swait.ge [sflag:s4], $0x4000;
	s16 =	sshll.u32 s8, $0xE  }
0x1f: {  	s13 =	simm.s32 @!p0 $0x0;
	[sflag:s4] =	ssyncset.done $0x0;
	s31 =	sand.u32 $0x4000, s16  }
0x20: {  	s16 =	simm.s32 $0x0;
	s14 =	sshll.u32 s13, $0xE;
	[sflag:s4] =	ssyncadd.s32 $0xFFFFC000  }
0x21: {  	s13 =	sor.u32 $0x8040, s14;
	s15 =	sor.u32 $0x40, s14;
	s14 =	sor.u32 $0x8000, s31  }
.LBB1_3:
0x22: {  	v0 =	vmov s15;
	_ =	sdelay $0x3  }
0x23: {  	s18 =	simm.s32 $0x0  }
0x24: {  	v6 =	vld.idx.msk [tilespmem:v0+s18+$0x30 ss:$0x1], $0xffff  }
0x25: {  	v7 =	vld.idx.msk [tilespmem:v0+s18+$0xFFFFFFC0 ss:$0x1], $0xffff  }
0x26: {  	v5 =	vld.idx.msk [tilespmem:v0+s18+$0xFFFFFFD0 ss:$0x1], $0xffff  }
0x27: {  	v4 =	vld.idx.msk [tilespmem:v0+s18+$0xFFFFFFE0 ss:$0x1], $0xffff  }
0x28: {  	v3 =	vld.idx.msk [tilespmem:v0+s18+$0xFFFFFFF0 ss:$0x1], $0xffff  }
0x29: {  	v1 =	vld.idx.msk [tilespmem:v0+s18+$0x0 ss:$0x1], $0xffff  }
0x2a: {  	v2 =	vld.idx.msk [tilespmem:v0+s18+$0x10 ss:$0x1], $0xffff;
	[tilespmem:s13+$0x30] =	vst v6  }
0x2b: {  	s17 =	simm.s32 $0x80;
	s19 =	simm.s32 $0x400;
	[tilespmem:s13+$0xFFFFFFC0] =	vst v7;
	v6 =	vld.idx.msk [tilespmem:v0+s18+$0x20 ss:$0x1], $0xffff;
	s18 =	smov.u32 s13  }
.LBB1_4:
0x2c: {  	p1 =	sne.s32 s19, $0xE00;
	v7 =	vld.idx.msk [tilespmem:v0+s17+$0x30 ss:$0x1], $0xffff;
	[tilespmem:s18+$0xFFFFFFD0] =	vst v5  }
0x2d: {  	v8 =	vld.idx.msk [tilespmem:v0+s17+$0xFFFFFFC0 ss:$0x1], $0xffff;
	[tilespmem:s18+$0xFFFFFFE0] =	vst v4  }
0x2e: {  	v5 =	vld.idx.msk [tilespmem:v0+s17+$0xFFFFFFD0 ss:$0x1], $0xffff;
	[tilespmem:s18+$0xFFFFFFF0] =	vst v3  }
.Ltmp3:
0x2f: {  	v4 =	vld.idx.msk [tilespmem:v0+s17+$0xFFFFFFE0 ss:$0x1], $0xffff;
	[tilespmem:s18+$0x0] =	vst v1;
	(pc) =	sbr.rel @p1 .LBB1_4-.Ltmp3, $4  }
0x30: {  	v3 =	vld.idx.msk [tilespmem:v0+s17+$0xFFFFFFF0 ss:$0x1], $0xffff;
	[tilespmem:s18+$0x10] =	vst v2  }
0x31: {  	v1 =	vld.idx.msk [tilespmem:v0+s17+$0x0 ss:$0x1], $0xffff;
	[tilespmem:s18+$0x20] =	vst v6;
	s18 =	sadd.s32 $0x800, s18  }
0x32: {  	v2 =	vld.idx.msk [tilespmem:v0+s17+$0x10 ss:$0x1], $0xffff;
	[tilespmem:s18+$0x30] =	vst v7  }
0x33: {  	[tilespmem:s18+$0xFFFFFFC0] =	vst v8;
	v6 =	vld.idx.msk [tilespmem:v0+s17+$0x20 ss:$0x1], $0xffff;
	s17 =	sshra.s32 s19, $0x2;
	s19 =	sadd.s32 $0x200, s19  }
0x34: {  	_ =	sdelay $0x2  }
0x35: {  	[tilespmem:s18+$0xFFFFFFD0] =	vst v5  }
0x36: {  	v56 =	vld.idx.msk [tilespmem:v0+s17+$0x30 ss:$0x1], $0xffff;
	[tilespmem:s18+$0xFFFFFFE0] =	vst v4  }
0x37: {  	v57 =	vld.idx.msk [tilespmem:v0+s17+$0xFFFFFFC0 ss:$0x1], $0xffff;
	[tilespmem:s18+$0xFFFFFFF0] =	vst v3  }
0x38: {  	v58 =	vld.idx.msk [tilespmem:v0+s17+$0xFFFFFFD0 ss:$0x1], $0xffff;
	[tilespmem:s18+$0x0] =	vst v1  }
0x39: {  	v59 =	vld.idx.msk [tilespmem:v0+s17+$0xFFFFFFE0 ss:$0x1], $0xffff;
	[tilespmem:s18+$0x10] =	vst v2  }
0x3a: {  	v60 =	vld.idx.msk [tilespmem:v0+s17+$0xFFFFFFF0 ss:$0x1], $0xffff;
	s31 =	sadd.s32 $0x800, s18;
	[tilespmem:s18+$0x20] =	vst v6  }
0x3b: {  	v61 =	vld.idx.msk [tilespmem:v0+s17+$0x0 ss:$0x1], $0xffff;
	[tilespmem:s31+$0x30] =	vst v56  }
0x3c: {  	v62 =	vld.idx.msk [tilespmem:v0+s17+$0x10 ss:$0x1], $0xffff;
	s16 =	sadd.s32 $0x1, s16;
	[tilespmem:s31+$0xFFFFFFC0] =	vst v57  }
0x3d: {  	v63 =	vld.idx.msk [tilespmem:v0+s17+$0x20 ss:$0x1], $0xffff;
	p1 =	sne.s32 s16, $0x10;
	[tilespmem:s31+$0xFFFFFFD0] =	vst v58  }
.Ltmp4:
0x3e: {  	[tilespmem:s31+$0xFFFFFFE0] =	vst v59;
	(pc) =	sbr.rel @p1 .LBB1_3-.Ltmp4, $4  }
0x3f: {  	[tilespmem:s31+$0xFFFFFFF0] =	vst v60  }
0x40: {  	[tilespmem:s31+$0x0] =	vst v61  }
0x41: {  	[tilespmem:s31+$0x10] =	vst v62  }
0x42: {  	s13 =	sadd.s32 $0x80, s13;
	s15 =	sadd.s32 $0x400, s15;
	[tilespmem:s31+$0x20] =	vst v63  }
.Ltmp5:
0x43: {  	(pc) =	sbr.rel .LBB1_7-.Ltmp5, $4  }
0x44: {  	s12 =	sshll.u32 s12, $0xC;
	s11 =	sshll.u32 s11, $0x4  }
0x45: {  	s11 =	sand.u32 $0x1F0, s11;
	s12 =	sadd.s32 s3, s12  }
0x46: {  	s11 =	sadd.s32 s11, s12  }
0x47: {  	[hbm4b:s11+s6] =	stream.strided.scatter [tilespmem:s14], [sflag:$0x2], $0x4000, s7, s6, $0x38;
	[tilespmem:$0x10000] =	vst v63  }
.LBB1_8:
0x48: {  	_ =	sfence.sel $0x180000  }
0x49: {  	s2 =	simm.s32 $0x1;
	[bflag:$0x0] =	sbarrier.arrive $0xFFFF  }
0x4a: {  	s31 =	simm.s32 $0x2;
	[sflag:s2] =	ssyncpa.u1 $0x1  }
0x4b: {  	[sflag:s31] =	ssyncpa.u1 $0x1  }
0x4c: {  	p0 =	sne.s32 s1, $0x0;
	_ =	strace $0x90000047  }
0x4d: {  	s0 =	sadd.s32 @!p0 $0x100000, s0;
	[bflag:$0x2] =	sbarrier.arrive $0xFFFF  }
0x4e: {  	[sflag:s0] =	ssyncadd.tile.s32 @!p0 $0x1;
	_ =	shalt  }
.Lfunc_end1:
_tile_overlayer_lowered:
.L_overlay_start_2:
0x4f: {  	(tag) =	ssettag $0x2  }
0x50: {  	s0 =	rddreg [dreg:$0x0];
	s2 =	stileid.u32  }
0x51: {  	s1 =	rddreg [dreg:$0x1];
	p0 =	sne.s32 s2, $0x0  }
0x52: {  	s3 =	rddreg [dreg:$0x2];
	[bflag:$0x3] =	sbarrier.arrive $0xFFFF;
	s2 =	simm.s32 @!p0 $0x1C01  }
0x53: {  	[timem:s3], [sflag:s2] =	dma.local @!p0 [hbm:s0], s1  }
0x54: {  	s0 =	simm.s32 @!p0 $0x1  }
0x55: {  	_ =	swait.ge @!p0 [sflag:s0], s1  }
0x56: {  	s1 =	ssub.s32 @!p0 $0x0, s1;
	[sflag:s0] =	ssyncset.done @!p0 $0x0  }
0x57: {  	[sflag:s0] =	ssyncadd.s32 @!p0 s1  }
0x58: {  	[bflag:$0x3] =	sbarrier.arrive $0xFFFF  }
0x59: {  	_ =	shalt  }

</sc_bundles>
